<compile_context>
chip_gen: v7x
topology: tpu7x:2x2x1
jax: 0.10.2.dev20260603
libtpu: 0.0.44.dev20260713+nightly
codegen_flags: <defaults>
</compile_context>

<pallas_src>
import functools

import jax
import jax.numpy as jnp
from jax import lax
from jax.experimental import pallas as pl
from jax.experimental.pallas import tpu as pltpu
from jax.experimental.pallas import tpu_sc as plsc

_NC, _NS = 2, 16
_NW = _NC * _NS
_K = 128


def _dual_pass(X, Xd, n2, row, col):
    n, W = X.shape
    E = row.shape[0]
    K = 80
    n_chunks = E // K
    assert n_chunks * K == E and n_chunks % _NS == 0
    n_full = n_chunks // _NS
    align = _NS * 8 * 5
    n_pad = ((n + align - 1) // align) * align
    rows_per_sub = n_pad // _NS
    rows_q = rows_per_sub // 5
    mesh = plsc.VectorSubcoreMesh(core_axis_name="c", subcore_axis_name="s")

    out_type = [
        jax.ShapeDtypeStruct((_NC, n_pad, W), jnp.float32),
        jax.ShapeDtypeStruct((_NS, n), jnp.float32),
    ]
    scratch = [
        pltpu.VMEM((2, K), jnp.int32),
        pltpu.VMEM((2, K), jnp.int32),
        pltpu.VMEM((K, W), jnp.float32),
        pltpu.VMEM((K, W), jnp.float32),
        pltpu.VMEM_SHARED((n_pad, W), jnp.float32),
        pltpu.SemaphoreType.DMA,
        pltpu.SemaphoreType.DMA,
        pltpu.VMEM((n,), jnp.float32),
        pltpu.VMEM((n,), jnp.float32),
    ]

    @functools.partial(
        pl.kernel, out_type=out_type, mesh=mesh, scratch_types=scratch,
        compiler_params=pltpu.CompilerParams(needs_layout_passes=False),
    )
    def ep(x_hbm, xd_hbm, n2_hbm, row_hbm, col_hbm, out_hbm, t_out,
           gi_v, si_v, rows0, rows1, acc_sh, sem0, sem1, tab_v, t_v):
        rows = (rows0, rows1)
        sems = (sem0, sem1)
        cid = lax.axis_index("c")
        sid = lax.axis_index("s")
        zv = jnp.zeros((16,), jnp.float32)

        def zrow(i, carry):
            for j in range(W // 16):
                rows0[i, pl.ds(16 * j, 16)] = zv
            return carry

        lax.fori_loop(0, rows_q, zrow, 0)
        row0 = sid * rows_per_sub
        for t in range(5):
            pltpu.sync_copy(rows0.at[pl.ds(0, rows_q)],
                            acc_sh.at[pl.ds(row0 + t * rows_q, rows_q)])
        plsc.subcore_barrier()

        pltpu.sync_copy(n2_hbm, tab_v)

        def zt(i, carry):
            t_v[pl.ds(i * 16, 16)] = zv
            return carry

        lax.fori_loop(0, n // 16, zt, 0)
        lanes = lax.iota(jnp.int32, 16)

        def pipeline(src_hbm, gidx_hbm, sidx_hbm, with_t):
            def load_and_start(j, b):
                off = pl.multiple_of((sid + _NS * j) * K, K)
                pltpu.sync_copy(gidx_hbm.at[pl.ds(off, K)], gi_v.at[b])
                pltpu.sync_copy(sidx_hbm.at[pl.ds(off, K)], si_v.at[b])
                pltpu.async_copy(src_hbm.at[gi_v.at[b]], rows[b], sems[b])

            def finish(b):
                pltpu.make_async_copy(src_hbm.at[gi_v.at[b]], rows[b], sems[b]).wait()
                pltpu.sync_copy(rows[b], acc_sh.at[si_v.at[b]], add=True)
                if with_t:
                    def tgroup(g, carry2):
                        gi16 = gi_v[b, pl.ds(g * 16, 16)]
                        si16 = si_v[b, pl.ds(g * 16, 16)]
                        vals = plsc.load_gather(tab_v, [gi16])

                        def lbody(l, carry3):
                            plsc.addupdate_scatter(
                                t_v, [si16], vals, mask=lanes == l)
                            return carry3

                        lax.fori_loop(0, 16, lbody, 0)
                        return carry2

                    lax.fori_loop(0, K // 16, tgroup, 0)

            load_and_start(0, 0)

            def pairbody(kk, carry):
                for b in range(2):
                    j = 2 * kk + b

                    @pl.when(j + 1 < n_full)
                    def _():
                        load_and_start(j + 1, 1 - b)

                    finish(b)
                return carry

            lax.fori_loop(0, n_full // 2, pairbody, 0)
            if n_full % 2:
                finish(0)

        @pl.when(cid == 0)
        def _():
            pipeline(xd_hbm, row_hbm, col_hbm, False)

        @pl.when(cid == 1)
        def _():
            pipeline(x_hbm, col_hbm, row_hbm, True)

        plsc.subcore_barrier()

        for t in range(5):
            r = row0 + t * rows_q
            pltpu.sync_copy(acc_sh.at[pl.ds(r, rows_q)], rows0.at[pl.ds(0, rows_q)])
            pltpu.sync_copy(rows0.at[pl.ds(0, rows_q)], out_hbm.at[cid].at[pl.ds(r, rows_q)])

        @pl.when(cid == 1)
        def _():
            pltpu.sync_copy(t_v, t_out.at[sid])

    o = ep(X, Xd, n2, row, col)
    return o[0], o[1]


def _mm_bias_kernel(x_ref, x2_ref, w_ref, b_ref, s_ref, o_ref, *, act, scaled, summed):
    x = x_ref[...]
    if summed:
        x = x + x2_ref[...]
    y = jnp.dot(x, w_ref[...], preferred_element_type=jnp.float32)
    y = y + b_ref[...]
    if act == "relu":
        y = jnp.maximum(y, 0.0)
    if scaled:
        y = y * s_ref[...]
    o_ref[...] = y


def _mm_bias(x, w, b, act="none", row_scale=None, x2=None, block_m=1000):
    m, k = x.shape
    n = w.shape[1]
    scaled = row_scale is not None
    summed = x2 is not None
    if row_scale is None:
        row_scale = jnp.zeros((m, 1), jnp.float32)
    if x2 is None:
        x2 = jnp.zeros((1, k), jnp.float32)
    x2_spec = (pl.BlockSpec((block_m, k), lambda i: (i, 0)) if summed
               else pl.BlockSpec((1, k), lambda i: (0, 0)))
    return pl.pallas_call(
        functools.partial(_mm_bias_kernel, act=act, scaled=scaled, summed=summed),
        grid=(m // block_m,),
        in_specs=[
            pl.BlockSpec((block_m, k), lambda i: (i, 0)),
            x2_spec,
            pl.BlockSpec((k, n), lambda i: (0, 0)),
            pl.BlockSpec((1, n), lambda i: (0, 0)),
            pl.BlockSpec((block_m, 1), lambda i: (i, 0)),
        ],
        out_specs=pl.BlockSpec((block_m, n), lambda i: (i, 0)),
        out_shape=jax.ShapeDtypeStruct((m, n), jnp.float32),
    )(x, x2, w, b.reshape(1, n), row_scale)


def _update_kernel(x_ref, s_ref, p_ref, skip_ref,
                   t_ref, od_ref, cnt_ref, dis_ref, bc_ref, o_ref):
    X = x_ref[...]
    S = s_ref[0]
    dis = dis_ref[...]
    n2 = jnp.sum(X * X, axis=1, keepdims=True)
    s = od_ref[...] * n2 + t_ref[...] - 2.0 * jnp.sum(X * S, axis=1, keepdims=True)
    gamma = jnp.tanh(s / cnt_ref[...])
    conv = dis * p_ref[...] + bc_ref[...]
    X_agg = jnp.maximum(conv, 0.0)
    o_ref[...] = (X + gamma * (X_agg + skip_ref[...])) / (1.0 + 2.0 * gamma)


def _update(X, S3, P, skip_val, T, outdeg, cnt, dis, b_conv, block_m=1000):
    m, d = X.shape
    col1 = lambda v: v.reshape(m, 1)
    wide = lambda: pl.BlockSpec((block_m, d), lambda i: (i, 0))
    narrow = lambda: pl.BlockSpec((block_m, 1), lambda i: (i, 0))
    return pl.pallas_call(
        _update_kernel,
        grid=(m // block_m,),
        in_specs=[wide(), pl.BlockSpec((1, block_m, d), lambda i: (0, i, 0)),
                  wide(), wide(),
                  narrow(), narrow(), narrow(), narrow(),
                  pl.BlockSpec((1, d), lambda i: (0, 0))],
        out_specs=wide(),
        out_shape=jax.ShapeDtypeStruct((m, d), jnp.float32),
    )(X, S3, P, skip_val,
      col1(T), col1(outdeg), col1(cnt), col1(dis), b_conv.reshape(1, d))


def kernel(x, edge_index, W_enc, b_enc, W_conv, b_conv, W_ggs, b_ggs, W_ggq, b_ggq, W_skip, W_dec, b_dec):
    n = x.shape[0]
    row, col = edge_index[0], edge_index[1]
    ones = jnp.ones(row.shape, jnp.float32)

    indeg = jax.ops.segment_sum(ones, col, num_segments=n)
    outdeg = jax.ops.segment_sum(ones, row, num_segments=n)
    dis = (indeg + 1.0) ** -0.5
    cnt = jnp.maximum(outdeg, 1.0)

    X = _mm_bias(x, W_enc, b_enc, act="relu")
    skip_val = _mm_bias(X, W_skip, jnp.zeros((W_skip.shape[1],), jnp.float32))

    for _ in range(2):
        n2 = jnp.sum(X * X, axis=1)
        Xd = dis[:, None] * X
        MS, Tp = _dual_pass(X, Xd, n2, row, col)
        T = jnp.sum(Tp, axis=0)
        P = _mm_bias(MS[0, :n], W_conv, jnp.zeros((W_conv.shape[1],), jnp.float32),
                     x2=Xd)
        X = _update(X, MS[1:2, :n], P, skip_val, T, outdeg, cnt, dis, b_conv)

    return _mm_bias(X, W_dec, b_dec)

# --- scband reference (transcript-rebuilt; emitter-appended) ---
"""Pipeline reference for scband-dual-gating-gnn-5858335391830 (READ-ONLY COPY).

The authoritative reference and input builder live on the scoring server;
editing this copy changes nothing except your own understanding.
"""

import jax, jax.numpy as jnp
import numpy as np

N_NODES = 10000
N_EDGES = 320000
D_FEAT = 128
N_HID = 128
N_CLASS = 40
N_LAYERS = 2
P = 2.0


def _gcn_conv(x, edge_index, W, b):
    n = x.shape[0]
    xw = x @ W
    loop = jnp.arange(n, dtype=edge_index.dtype)
    ei = jnp.concatenate([edge_index, jnp.stack([loop, loop])], axis=1)
    row, col = ei[0], ei[1]
    deg = jax.ops.segment_sum(jnp.ones(ei.shape[1], dtype=x.dtype), col, num_segments=n)
    deg_inv_sqrt = jnp.where(deg > 0, jnp.where(deg > 0, deg, 1.0) ** -0.5, 0.0)
    norm = deg_inv_sqrt[row] * deg_inv_sqrt[col]
    out = jax.ops.segment_sum(norm[:, None] * xw[row], col, num_segments=n)
    return out + b


def _g2(x, edge_index, W, b, p):
    n = x.shape[0]
    # G2 computes (and discards) the gated conv aggregation, as in the torch code
    x_agg = jax.nn.relu(_gcn_conv(x, edge_index, W, b))
    row, col = edge_index[0], edge_index[1]
    diff = jnp.sum(jnp.abs(x[row] - x[col]) ** p, axis=-1)
    s = jax.ops.segment_sum(diff, row, num_segments=n)
    cnt = jax.ops.segment_sum(jnp.ones_like(diff), row, num_segments=n)
    gg = s / jnp.maximum(cnt, 1.0)  # scatter-mean (empty segments -> 0)
    return jnp.tanh(gg)


def _forward(x, edge_index, W_enc, b_enc, W_conv, b_conv, W_ggs, b_ggs, W_ggq, b_ggq, W_skip, W_dec, b_dec):
    # training=False, so dropout layers are identity
    X = jax.nn.relu(x @ W_enc + b_enc)
    X_init = X
    for _ in range(N_LAYERS):
        X_agg = jax.nn.relu(_gcn_conv(X, edge_index, W_conv, b_conv))
        gamma_smooth = _g2(X, edge_index, W_ggs, b_ggs, P)[:, None]
        gamma_squash = _g2(X, edge_index, W_ggq, b_ggq, P)[:, None]
        denom = 1.0 + gamma_smooth + gamma_squash
        A = 1.0 / denom
        B = gamma_smooth / denom
        C = gamma_squash / denom
        skip_val = X_init @ W_skip
        X = A * X + B * X_agg + C * skip_val
    return X @ W_dec + b_dec


def setup_inputs(seed: int = 0):
    key = jax.random.key(seed)
    ks = jax.random.split(key, 13)
    s = 0.05
    return {
        "x": jax.random.normal(ks[0], (N_NODES, D_FEAT), dtype=jnp.float32),
        "edge_index": jax.random.randint(ks[1], (2, N_EDGES), 0, N_NODES, dtype=jnp.int32),
        "W_enc": jax.random.normal(ks[2], (D_FEAT, N_HID), dtype=jnp.float32) * s,
        "b_enc": jax.random.normal(ks[3], (N_HID,), dtype=jnp.float32) * s,
        "W_conv": jax.random.normal(ks[4], (N_HID, N_HID), dtype=jnp.float32) * s,
        "b_conv": jax.random.normal(ks[5], (N_HID,), dtype=jnp.float32) * s,
        "W_ggs": jax.random.normal(ks[6], (N_HID, N_HID), dtype=jnp.float32) * s,
        "b_ggs": jax.random.normal(ks[7], (N_HID,), dtype=jnp.float32) * s,
        "W_ggq": jax.random.normal(ks[8], (N_HID, N_HID), dtype=jnp.float32) * s,
        "b_ggq": jax.random.normal(ks[9], (N_HID,), dtype=jnp.float32) * s,
        "W_skip": jax.random.normal(ks[10], (N_HID, N_HID), dtype=jnp.float32) * s,
        "W_dec": jax.random.normal(ks[11], (N_HID, N_CLASS), dtype=jnp.float32) * s,
        "b_dec": jax.random.normal(ks[12], (N_CLASS,), dtype=jnp.float32) * s,
    }


def reference(x, edge_index, W_enc, b_enc, W_conv, b_conv, W_ggs, b_ggs, W_ggq, b_ggq, W_skip, W_dec, b_dec):
    return _forward(x, edge_index, W_enc, b_enc, W_conv, b_conv, W_ggs, b_ggs, W_ggq, b_ggq, W_skip, W_dec, b_dec)

if __name__ == "__main__":
    import jax
    _d = setup_inputs()
    print(jax.jit(kernel)(*tuple(_d.values())))

</pallas_src>

<mosaic_0001>
#map = affine_map<(d0, d1) -> (0, 0)>
#map1 = affine_map<(d0, d1) -> (0)>
#map2 = affine_map<(d0, d1) -> (0, 0, 0)>
module attributes {stable_mosaic.version = 14 : i64} {
  func.func @ep(%arg0: i32, %arg1: i32, %arg2: memref<10000x128xf32, #tpu.memory_space<hbm>>, %arg3: memref<10000x128xf32, #tpu.memory_space<hbm>>, %arg4: memref<10000xf32, #tpu.memory_space<hbm>>, %arg5: memref<320000xi32, #tpu.memory_space<hbm>>, %arg6: memref<320000xi32, #tpu.memory_space<hbm>>, %arg7: memref<2x10240x128xf32, #tpu.memory_space<hbm>>, %arg8: memref<16x10000xf32, #tpu.memory_space<hbm>>, %arg9: memref<2x80xi32, #tpu.memory_space<vmem>>, %arg10: memref<2x80xi32, #tpu.memory_space<vmem>>, %arg11: memref<80x128xf32, #tpu.memory_space<vmem>>, %arg12: memref<80x128xf32, #tpu.memory_space<vmem>>, %arg13: memref<10240x128xf32, #tpu.memory_space<vmem_shared>>, %arg14: memref<!tpu.dma_semaphore, #tpu.memory_space<semaphore_mem>>, %arg15: memref<!tpu.dma_semaphore, #tpu.memory_space<semaphore_mem>>, %arg16: memref<10000xf32, #tpu.memory_space<vmem>>, %arg17: memref<10000xf32, #tpu.memory_space<vmem>>) attributes {dimension_semantics = [#tpu.dimension_semantics<core_parallel>, #tpu.dimension_semantics<subcore_parallel>], iteration_bounds = array<i64: 2, 16>, scalar_prefetch = 0 : i64, scratch_operands = 9 : i64, tpu.core_type = #tpu.core_type<sc_vector_subcore>, window_params = [{transform_indices = #map}, {transform_indices = #map}, {transform_indices = #map1}, {transform_indices = #map1}, {transform_indices = #map1}, {transform_indices = #map2}, {transform_indices = #map}]} {
    %broadcast_in_dim3A = arith.constant 0.000000e+00 : f32
    %broadcast_in_dim3A_0 = vector.broadcast %broadcast_in_dim3A : f32 to vector<16xf32>
    %scan3A = arith.constant 0 : i32
    %scan3A_1 = arith.constant 0 : i32
    %scan3A_2 = arith.constant 128 : i32
    %scan3A_3 = arith.addi %scan3A_1, %scan3A_2 : i32
    %scan3A_4 = arith.constant 1 : i32
    scf.for %scan3A_45 = %scan3A_1 to %scan3A_3 step %scan3A_4  : i32 {
      %swap3A = arith.index_cast %scan3A_45 : i32 to index
      %swap3A_46 = arith.constant 0 : index
      %swap3A_47 = tpu.vector_load %arg11[%swap3A, %swap3A_46] {strides = array<i32>} : memref<80x128xf32, #tpu.memory_space<vmem>>, vector<16xf32>,
      tpu.vector_store %arg11[%swap3A, %swap3A_46], %broadcast_in_dim3A_0 {strides = array<i32>} : memref<80x128xf32, #tpu.memory_space<vmem>>, vector<16xf32>,
      %swap3A_48 = arith.index_cast %scan3A_45 : i32 to index
      %swap3A_49 = arith.constant 16 : index
      %swap3A_50 = tpu.vector_load %arg11[%swap3A_48, %swap3A_49] {strides = array<i32>} : memref<80x128xf32, #tpu.memory_space<vmem>>, vector<16xf32>,
      tpu.vector_store %arg11[%swap3A_48, %swap3A_49], %broadcast_in_dim3A_0 {strides = array<i32>} : memref<80x128xf32, #tpu.memory_space<vmem>>, vector<16xf32>,
      %swap3A_51 = arith.index_cast %scan3A_45 : i32 to index
      %swap3A_52 = arith.constant 32 : index
      %swap3A_53 = tpu.vector_load %arg11[%swap3A_51, %swap3A_52] {strides = array<i32>} : memref<80x128xf32, #tpu.memory_space<vmem>>, vector<16xf32>,
      tpu.vector_store %arg11[%swap3A_51, %swap3A_52], %broadcast_in_dim3A_0 {strides = array<i32>} : memref<80x128xf32, #tpu.memory_space<vmem>>, vector<16xf32>,
      %swap3A_54 = arith.index_cast %scan3A_45 : i32 to index
      %swap3A_55 = arith.constant 48 : index
      %swap3A_56 = tpu.vector_load %arg11[%swap3A_54, %swap3A_55] {strides = array<i32>} : memref<80x128xf32, #tpu.memory_space<vmem>>, vector<16xf32>,
      tpu.vector_store %arg11[%swap3A_54, %swap3A_55], %broadcast_in_dim3A_0 {strides = array<i32>} : memref<80x128xf32, #tpu.memory_space<vmem>>, vector<16xf32>,
      %swap3A_57 = arith.index_cast %scan3A_45 : i32 to index
      %swap3A_58 = arith.constant 64 : index
      %swap3A_59 = tpu.vector_load %arg11[%swap3A_57, %swap3A_58] {strides = array<i32>} : memref<80x128xf32, #tpu.memory_space<vmem>>, vector<16xf32>,
      tpu.vector_store %arg11[%swap3A_57, %swap3A_58], %broadcast_in_dim3A_0 {strides = array<i32>} : memref<80x128xf32, #tpu.memory_space<vmem>>, vector<16xf32>,
      %swap3A_60 = arith.index_cast %scan3A_45 : i32 to index
      %swap3A_61 = arith.constant 80 : index
      %swap3A_62 = tpu.vector_load %arg11[%swap3A_60, %swap3A_61] {strides = array<i32>} : memref<80x128xf32, #tpu.memory_space<vmem>>, vector<16xf32>,
      tpu.vector_store %arg11[%swap3A_60, %swap3A_61], %broadcast_in_dim3A_0 {strides = array<i32>} : memref<80x128xf32, #tpu.memory_space<vmem>>, vector<16xf32>,
      %swap3A_63 = arith.index_cast %scan3A_45 : i32 to index
      %swap3A_64 = arith.constant 96 : index
      %swap3A_65 = tpu.vector_load %arg11[%swap3A_63, %swap3A_64] {strides = array<i32>} : memref<80x128xf32, #tpu.memory_space<vmem>>, vector<16xf32>,
      tpu.vector_store %arg11[%swap3A_63, %swap3A_64], %broadcast_in_dim3A_0 {strides = array<i32>} : memref<80x128xf32, #tpu.memory_space<vmem>>, vector<16xf32>,
      %swap3A_66 = arith.index_cast %scan3A_45 : i32 to index
      %swap3A_67 = arith.constant 112 : index
      %swap3A_68 = tpu.vector_load %arg11[%swap3A_66, %swap3A_67] {strides = array<i32>} : memref<80x128xf32, #tpu.memory_space<vmem>>, vector<16xf32>,
      tpu.vector_store %arg11[%swap3A_66, %swap3A_67], %broadcast_in_dim3A_0 {strides = array<i32>} : memref<80x128xf32, #tpu.memory_space<vmem>>, vector<16xf32>,
    }
    %scan3A_5 = arith.constant 128 : i32
    %mul3A = arith.constant 640 : i32
    %mul3A_6 = arith.muli %arg1, %mul3A : i32
    %add3A = arith.constant 0 : i32
    %add3A_7 = arith.addi %mul3A_6, %add3A : i32
    "tpu.region"() ({
      %run_scoped3A = tpu.sem_alloc : memref<!tpu.dma_semaphore, #tpu.memory_space<semaphore_mem>>
      %dma_start3A = arith.constant 0 : i32
      %dma_start3A_45 = arith.constant 0 : i32
      %dma_start3A_46 = tpu.memref_slice %arg11[%dma_start3A, %dma_start3A_45] : memref<80x128xf32, #tpu.memory_space<vmem>> -> memref<128x128xf32, #tpu.memory_space<vmem>>
      %dma_start3A_47 = arith.constant 0 : i32
      %dma_start3A_48 = tpu.memref_slice %arg13[%add3A_7, %dma_start3A_47] : memref<10240x128xf32, #tpu.memory_space<vmem_shared>> -> memref<128x128xf32, #tpu.memory_space<vmem_shared>>
      %dma_start3A_49 = arith.constant 0 : i32
      %dma_start3A_50 = tpu.memref_slice %arg13[%add3A_7, %dma_start3A_49] : memref<10240x128xf32, #tpu.memory_space<vmem_shared>> -> memref<128x128xf32, #tpu.memory_space<vmem_shared>>
      %dma_start3A_51 = arith.constant 0 : i32
      %dma_start3A_52 = arith.constant 0 : i32
      %dma_start3A_53 = tpu.memref_slice %arg11[%dma_start3A_51, %dma_start3A_52] : memref<80x128xf32, #tpu.memory_space<vmem>> -> memref<128x128xf32, #tpu.memory_space<vmem>>
      tpu.enqueue_dma source(%dma_start3A_53 : memref<128x128xf32, #tpu.memory_space<vmem>>) target(%dma_start3A_50 : memref<128x128xf32, #tpu.memory_space<vmem_shared>>) target_semaphore(%run_scoped3A : memref<!tpu.dma_semaphore, #tpu.memory_space<semaphore_mem>>)
      %dma_wait3A = arith.constant 0 : i32
      %dma_wait3A_54 = arith.constant 0 : i32
      %dma_wait3A_55 = tpu.memref_slice %arg11[%dma_wait3A, %dma_wait3A_54] : memref<80x128xf32, #tpu.memory_space<vmem>> -> memref<128x128xf32, #tpu.memory_space<vmem>>
      %dma_wait3A_56 = arith.constant 0 : i32
      %dma_wait3A_57 = tpu.memref_slice %arg13[%add3A_7, %dma_wait3A_56] : memref<10240x128xf32, #tpu.memory_space<vmem_shared>> -> memref<128x128xf32, #tpu.memory_space<vmem_shared>>
      %dma_wait3A_58 = arith.constant 0 : i32
      %dma_wait3A_59 = tpu.memref_slice %arg13[%add3A_7, %dma_wait3A_58] : memref<10240x128xf32, #tpu.memory_space<vmem_shared>> -> memref<128x128xf32, #tpu.memory_space<vmem_shared>>
      %dma_wait3A_60 = arith.constant 0 : i32
      %dma_wait3A_61 = arith.constant 0 : i32
      %dma_wait3A_62 = tpu.memref_slice %arg11[%dma_wait3A_60, %dma_wait3A_61] : memref<80x128xf32, #tpu.memory_space<vmem>> -> memref<128x128xf32, #tpu.memory_space<vmem>>
      tpu.wait_dma2 semaphore(%run_scoped3A : memref<!tpu.dma_semaphore, #tpu.memory_space<semaphore_mem>>) src(%dma_wait3A_62 : memref<128x128xf32, #tpu.memory_space<vmem>>) dst(%dma_wait3A_59 : memref<128x128xf32, #tpu.memory_space<vmem_shared>>)
      tpu.yield
    }) : () -> ()
    %add3A_8 = arith.constant 128 : i32
    %add3A_9 = arith.addi %mul3A_6, %add3A_8 : i32
    "tpu.region"() ({
      %run_scoped3A = tpu.sem_alloc : memref<!tpu.dma_semaphore, #tpu.memory_space<semaphore_mem>>
      %dma_start3A = arith.constant 0 : i32
      %dma_start3A_45 = arith.constant 0 : i32
      %dma_start3A_46 = tpu.memref_slice %arg11[%dma_start3A, %dma_start3A_45] : memref<80x128xf32, #tpu.memory_space<vmem>> -> memref<128x128xf32, #tpu.memory_space<vmem>>
      %dma_start3A_47 = arith.constant 0 : i32
      %dma_start3A_48 = tpu.memref_slice %arg13[%add3A_9, %dma_start3A_47] : memref<10240x128xf32, #tpu.memory_space<vmem_shared>> -> memref<128x128xf32, #tpu.memory_space<vmem_shared>>
      %dma_start3A_49 = arith.constant 0 : i32
      %dma_start3A_50 = tpu.memref_slice %arg13[%add3A_9, %dma_start3A_49] : memref<10240x128xf32, #tpu.memory_space<vmem_shared>> -> memref<128x128xf32, #tpu.memory_space<vmem_shared>>
      %dma_start3A_51 = arith.constant 0 : i32
      %dma_start3A_52 = arith.constant 0 : i32
      %dma_start3A_53 = tpu.memref_slice %arg11[%dma_start3A_51, %dma_start3A_52] : memref<80x128xf32, #tpu.memory_space<vmem>> -> memref<128x128xf32, #tpu.memory_space<vmem>>
      tpu.enqueue_dma source(%dma_start3A_53 : memref<128x128xf32, #tpu.memory_space<vmem>>) target(%dma_start3A_50 : memref<128x128xf32, #tpu.memory_space<vmem_shared>>) target_semaphore(%run_scoped3A : memref<!tpu.dma_semaphore, #tpu.memory_space<semaphore_mem>>)
      %dma_wait3A = arith.constant 0 : i32
      %dma_wait3A_54 = arith.constant 0 : i32
      %dma_wait3A_55 = tpu.memref_slice %arg11[%dma_wait3A, %dma_wait3A_54] : memref<80x128xf32, #tpu.memory_space<vmem>> -> memref<128x128xf32, #tpu.memory_space<vmem>>
      %dma_wait3A_56 = arith.constant 0 : i32
      %dma_wait3A_57 = tpu.memref_slice %arg13[%add3A_9, %dma_wait3A_56] : memref<10240x128xf32, #tpu.memory_space<vmem_shared>> -> memref<128x128xf32, #tpu.memory_space<vmem_shared>>
      %dma_wait3A_58 = arith.constant 0 : i32
      %dma_wait3A_59 = tpu.memref_slice %arg13[%add3A_9, %dma_wait3A_58] : memref<10240x128xf32, #tpu.memory_space<vmem_shared>> -> memref<128x128xf32, #tpu.memory_space<vmem_shared>>
      %dma_wait3A_60 = arith.constant 0 : i32
      %dma_wait3A_61 = arith.constant 0 : i32
      %dma_wait3A_62 = tpu.memref_slice %arg11[%dma_wait3A_60, %dma_wait3A_61] : memref<80x128xf32, #tpu.memory_space<vmem>> -> memref<128x128xf32, #tpu.memory_space<vmem>>
      tpu.wait_dma2 semaphore(%run_scoped3A : memref<!tpu.dma_semaphore, #tpu.memory_space<semaphore_mem>>) src(%dma_wait3A_62 : memref<128x128xf32, #tpu.memory_space<vmem>>) dst(%dma_wait3A_59 : memref<128x128xf32, #tpu.memory_space<vmem_shared>>)
      tpu.yield
    }) : () -> ()
    %add3A_10 = arith.constant 256 : i32
    %add3A_11 = arith.addi %mul3A_6, %add3A_10 : i32
    "tpu.region"() ({
      %run_scoped3A = tpu.sem_alloc : memref<!tpu.dma_semaphore, #tpu.memory_space<semaphore_mem>>
      %dma_start3A = arith.constant 0 : i32
      %dma_start3A_45 = arith.constant 0 : i32
      %dma_start3A_46 = tpu.memref_slice %arg11[%dma_start3A, %dma_start3A_45] : memref<80x128xf32, #tpu.memory_space<vmem>> -> memref<128x128xf32, #tpu.memory_space<vmem>>
      %dma_start3A_47 = arith.constant 0 : i32
      %dma_start3A_48 = tpu.memref_slice %arg13[%add3A_11, %dma_start3A_47] : memref<10240x128xf32, #tpu.memory_space<vmem_shared>> -> memref<128x128xf32, #tpu.memory_space<vmem_shared>>
      %dma_start3A_49 = arith.constant 0 : i32
      %dma_start3A_50 = tpu.memref_slice %arg13[%add3A_11, %dma_start3A_49] : memref<10240x128xf32, #tpu.memory_space<vmem_shared>> -> memref<128x128xf32, #tpu.memory_space<vmem_shared>>
      %dma_start3A_51 = arith.constant 0 : i32
      %dma_start3A_52 = arith.constant 0 : i32
      %dma_start3A_53 = tpu.memref_slice %arg11[%dma_start3A_51, %dma_start3A_52] : memref<80x128xf32, #tpu.memory_space<vmem>> -> memref<128x128xf32, #tpu.memory_space<vmem>>
      tpu.enqueue_dma source(%dma_start3A_53 : memref<128x128xf32, #tpu.memory_space<vmem>>) target(%dma_start3A_50 : memref<128x128xf32, #tpu.memory_space<vmem_shared>>) target_semaphore(%run_scoped3A : memref<!tpu.dma_semaphore, #tpu.memory_space<semaphore_mem>>)
      %dma_wait3A = arith.constant 0 : i32
      %dma_wait3A_54 = arith.constant 0 : i32
      %dma_wait3A_55 = tpu.memref_slice %arg11[%dma_wait3A, %dma_wait3A_54] : memref<80x128xf32, #tpu.memory_space<vmem>> -> memref<128x128xf32, #tpu.memory_space<vmem>>
      %dma_wait3A_56 = arith.constant 0 : i32
      %dma_wait3A_57 = tpu.memref_slice %arg13[%add3A_11, %dma_wait3A_56] : memref<10240x128xf32, #tpu.memory_space<vmem_shared>> -> memref<128x128xf32, #tpu.memory_space<vmem_shared>>
      %dma_wait3A_58 = arith.constant 0 : i32
      %dma_wait3A_59 = tpu.memref_slice %arg13[%add3A_11, %dma_wait3A_58] : memref<10240x128xf32, #tpu.memory_space<vmem_shared>> -> memref<128x128xf32, #tpu.memory_space<vmem_shared>>
      %dma_wait3A_60 = arith.constant 0 : i32
      %dma_wait3A_61 = arith.constant 0 : i32
      %dma_wait3A_62 = tpu.memref_slice %arg11[%dma_wait3A_60, %dma_wait3A_61] : memref<80x128xf32, #tpu.memory_space<vmem>> -> memref<128x128xf32, #tpu.memory_space<vmem>>
      tpu.wait_dma2 semaphore(%run_scoped3A : memref<!tpu.dma_semaphore, #tpu.memory_space<semaphore_mem>>) src(%dma_wait3A_62 : memref<128x128xf32, #tpu.memory_space<vmem>>) dst(%dma_wait3A_59 : memref<128x128xf32, #tpu.memory_space<vmem_shared>>)
      tpu.yield
    }) : () -> ()
    %add3A_12 = arith.constant 384 : i32
    %add3A_13 = arith.addi %mul3A_6, %add3A_12 : i32
    "tpu.region"() ({
      %run_scoped3A = tpu.sem_alloc : memref<!tpu.dma_semaphore, #tpu.memory_space<semaphore_mem>>
      %dma_start3A = arith.constant 0 : i32
      %dma_start3A_45 = arith.constant 0 : i32
      %dma_start3A_46 = tpu.memref_slice %arg11[%dma_start3A, %dma_start3A_45] : memref<80x128xf32, #tpu.memory_space<vmem>> -> memref<128x128xf32, #tpu.memory_space<vmem>>
      %dma_start3A_47 = arith.constant 0 : i32
      %dma_start3A_48 = tpu.memref_slice %arg13[%add3A_13, %dma_start3A_47] : memref<10240x128xf32, #tpu.memory_space<vmem_shared>> -> memref<128x128xf32, #tpu.memory_space<vmem_shared>>
      %dma_start3A_49 = arith.constant 0 : i32
      %dma_start3A_50 = tpu.memref_slice %arg13[%add3A_13, %dma_start3A_49] : memref<10240x128xf32, #tpu.memory_space<vmem_shared>> -> memref<128x128xf32, #tpu.memory_space<vmem_shared>>
      %dma_start3A_51 = arith.constant 0 : i32
      %dma_start3A_52 = arith.constant 0 : i32
      %dma_start3A_53 = tpu.memref_slice %arg11[%dma_start3A_51, %dma_start3A_52] : memref<80x128xf32, #tpu.memory_space<vmem>> -> memref<128x128xf32, #tpu.memory_space<vmem>>
      tpu.enqueue_dma source(%dma_start3A_53 : memref<128x128xf32, #tpu.memory_space<vmem>>) target(%dma_start3A_50 : memref<128x128xf32, #tpu.memory_space<vmem_shared>>) target_semaphore(%run_scoped3A : memref<!tpu.dma_semaphore, #tpu.memory_space<semaphore_mem>>)
      %dma_wait3A = arith.constant 0 : i32
      %dma_wait3A_54 = arith.constant 0 : i32
      %dma_wait3A_55 = tpu.memref_slice %arg11[%dma_wait3A, %dma_wait3A_54] : memref<80x128xf32, #tpu.memory_space<vmem>> -> memref<128x128xf32, #tpu.memory_space<vmem>>
      %dma_wait3A_56 = arith.constant 0 : i32
      %dma_wait3A_57 = tpu.memref_slice %arg13[%add3A_13, %dma_wait3A_56] : memref<10240x128xf32, #tpu.memory_space<vmem_shared>> -> memref<128x128xf32, #tpu.memory_space<vmem_shared>>
      %dma_wait3A_58 = arith.constant 0 : i32
      %dma_wait3A_59 = tpu.memref_slice %arg13[%add3A_13, %dma_wait3A_58] : memref<10240x128xf32, #tpu.memory_space<vmem_shared>> -> memref<128x128xf32, #tpu.memory_space<vmem_shared>>
      %dma_wait3A_60 = arith.constant 0 : i32
      %dma_wait3A_61 = arith.constant 0 : i32
      %dma_wait3A_62 = tpu.memref_slice %arg11[%dma_wait3A_60, %dma_wait3A_61] : memref<80x128xf32, #tpu.memory_space<vmem>> -> memref<128x128xf32, #tpu.memory_space<vmem>>
      tpu.wait_dma2 semaphore(%run_scoped3A : memref<!tpu.dma_semaphore, #tpu.memory_space<semaphore_mem>>) src(%dma_wait3A_62 : memref<128x128xf32, #tpu.memory_space<vmem>>) dst(%dma_wait3A_59 : memref<128x128xf32, #tpu.memory_space<vmem_shared>>)
      tpu.yield
    }) : () -> ()
    %add3A_14 = arith.constant 512 : i32
    %add3A_15 = arith.addi %mul3A_6, %add3A_14 : i32
    "tpu.region"() ({
      %run_scoped3A = tpu.sem_alloc : memref<!tpu.dma_semaphore, #tpu.memory_space<semaphore_mem>>
      %dma_start3A = arith.constant 0 : i32
      %dma_start3A_45 = arith.constant 0 : i32
      %dma_start3A_46 = tpu.memref_slice %arg11[%dma_start3A, %dma_start3A_45] : memref<80x128xf32, #tpu.memory_space<vmem>> -> memref<128x128xf32, #tpu.memory_space<vmem>>
      %dma_start3A_47 = arith.constant 0 : i32
      %dma_start3A_48 = tpu.memref_slice %arg13[%add3A_15, %dma_start3A_47] : memref<10240x128xf32, #tpu.memory_space<vmem_shared>> -> memref<128x128xf32, #tpu.memory_space<vmem_shared>>
      %dma_start3A_49 = arith.constant 0 : i32
      %dma_start3A_50 = tpu.memref_slice %arg13[%add3A_15, %dma_start3A_49] : memref<10240x128xf32, #tpu.memory_space<vmem_shared>> -> memref<128x128xf32, #tpu.memory_space<vmem_shared>>
      %dma_start3A_51 = arith.constant 0 : i32
      %dma_start3A_52 = arith.constant 0 : i32
      %dma_start3A_53 = tpu.memref_slice %arg11[%dma_start3A_51, %dma_start3A_52] : memref<80x128xf32, #tpu.memory_space<vmem>> -> memref<128x128xf32, #tpu.memory_space<vmem>>
      tpu.enqueue_dma source(%dma_start3A_53 : memref<128x128xf32, #tpu.memory_space<vmem>>) target(%dma_start3A_50 : memref<128x128xf32, #tpu.memory_space<vmem_shared>>) target_semaphore(%run_scoped3A : memref<!tpu.dma_semaphore, #tpu.memory_space<semaphore_mem>>)
      %dma_wait3A = arith.constant 0 : i32
      %dma_wait3A_54 = arith.constant 0 : i32
      %dma_wait3A_55 = tpu.memref_slice %arg11[%dma_wait3A, %dma_wait3A_54] : memref<80x128xf32, #tpu.memory_space<vmem>> -> memref<128x128xf32, #tpu.memory_space<vmem>>
      %dma_wait3A_56 = arith.constant 0 : i32
      %dma_wait3A_57 = tpu.memref_slice %arg13[%add3A_15, %dma_wait3A_56] : memref<10240x128xf32, #tpu.memory_space<vmem_shared>> -> memref<128x128xf32, #tpu.memory_space<vmem_shared>>
      %dma_wait3A_58 = arith.constant 0 : i32
      %dma_wait3A_59 = tpu.memref_slice %arg13[%add3A_15, %dma_wait3A_58] : memref<10240x128xf32, #tpu.memory_space<vmem_shared>> -> memref<128x128xf32, #tpu.memory_space<vmem_shared>>
      %dma_wait3A_60 = arith.constant 0 : i32
      %dma_wait3A_61 = arith.constant 0 : i32
      %dma_wait3A_62 = tpu.memref_slice %arg11[%dma_wait3A_60, %dma_wait3A_61] : memref<80x128xf32, #tpu.memory_space<vmem>> -> memref<128x128xf32, #tpu.memory_space<vmem>>
      tpu.wait_dma2 semaphore(%run_scoped3A : memref<!tpu.dma_semaphore, #tpu.memory_space<semaphore_mem>>) src(%dma_wait3A_62 : memref<128x128xf32, #tpu.memory_space<vmem>>) dst(%dma_wait3A_59 : memref<128x128xf32, #tpu.memory_space<vmem_shared>>)
      tpu.yield
    }) : () -> ()
    %barrier3A = arith.constant 0 : index
    tpu.barrier barrier_id(%barrier3A)
    "tpu.region"() ({
      %run_scoped3A = tpu.sem_alloc : memref<!tpu.dma_semaphore, #tpu.memory_space<semaphore_mem>>
      tpu.enqueue_dma source(%arg4 : memref<10000xf32, #tpu.memory_space<hbm>>) target(%arg16 : memref<10000xf32, #tpu.memory_space<vmem>>) target_semaphore(%run_scoped3A : memref<!tpu.dma_semaphore, #tpu.memory_space<semaphore_mem>>)
      tpu.wait_dma2 semaphore(%run_scoped3A : memref<!tpu.dma_semaphore, #tpu.memory_space<semaphore_mem>>) src(%arg4 : memref<10000xf32, #tpu.memory_space<hbm>>) dst(%arg16 : memref<10000xf32, #tpu.memory_space<vmem>>)
      tpu.yield
    }) : () -> ()
    %scan3A_16 = arith.constant 0 : i32
    %scan3A_17 = arith.constant 0 : i32
    %scan3A_18 = arith.constant 625 : i32
    %scan3A_19 = arith.addi %scan3A_17, %scan3A_18 : i32
    %scan3A_20 = arith.constant 1 : i32
    scf.for %scan3A_45 = %scan3A_17 to %scan3A_19 step %scan3A_20  : i32 {
      %mul3A_46 = arith.constant 16 : i32
      %mul3A_47 = arith.muli %scan3A_45, %mul3A_46 : i32
      %swap3A = arith.index_cast %mul3A_47 : i32 to index
      %swap3A_48 = tpu.vector_load %arg17[%swap3A] {strides = array<i32>} : memref<10000xf32, #tpu.memory_space<vmem>>, vector<16xf32>,
      tpu.vector_store %arg17[%swap3A], %broadcast_in_dim3A_0 {strides = array<i32>} : memref<10000xf32, #tpu.memory_space<vmem>>, vector<16xf32>,
    }
    %scan3A_21 = arith.constant 625 : i32
    %iota3A = tpu.iota {dimensions = array<i32: 0>} : vector<16xi32>
    %eq3A = arith.constant 0 : i32
    %eq3A_22 = arith.cmpi eq, %arg0, %eq3A : i32
    %convert_element_type3A = arith.extui %eq3A_22 : i1 to i32
    %cond3A = arith.constant 0 : i32
    %cond3A_23 = arith.cmpi ne, %convert_element_type3A, %cond3A : i32
    scf.if %cond3A_23 {
      %add3A_45 = arith.constant 0 : i32
      %add3A_46 = arith.addi %arg1, %add3A_45 : i32
      %mul3A_47 = arith.constant 80 : i32
      %mul3A_48 = arith.muli %add3A_46, %mul3A_47 : i32
      %multiple_of3A = tpu.assume_multiple %mul3A_48, 80 : i32
      %run_scoped3A = arith.constant 0 : i32
      "tpu.region"() ({
        %run_scoped3A_62 = tpu.sem_alloc : memref<!tpu.dma_semaphore, #tpu.memory_space<semaphore_mem>>
        %dma_start3A_63 = arith.constant 0 : i32
        %dma_start3A_64 = tpu.memref_slice %arg9[%run_scoped3A, %dma_start3A_63] : memref<2x80xi32, #tpu.memory_space<vmem>> -> memref<1x80xi32, #tpu.memory_space<vmem>>
        %dma_start3A_65 = tpu.memref_squeeze %dma_start3A_64 : memref<1x80xi32, #tpu.memory_space<vmem>> -> memref<80xi32, #tpu.memory_space<vmem>>
        %dma_start3A_66 = tpu.memref_slice %arg5[%multiple_of3A] : memref<320000xi32, #tpu.memory_space<hbm>> -> memref<80xi32, #tpu.memory_space<hbm>>
        %dma_start3A_67 = arith.constant 0 : i32
        %dma_start3A_68 = tpu.memref_slice %arg9[%run_scoped3A, %dma_start3A_67] : memref<2x80xi32, #tpu.memory_space<vmem>> -> memref<1x80xi32, #tpu.memory_space<vmem>>
        %dma_start3A_69 = tpu.memref_squeeze %dma_start3A_68 : memref<1x80xi32, #tpu.memory_space<vmem>> -> memref<80xi32, #tpu.memory_space<vmem>>
        %dma_start3A_70 = tpu.memref_slice %arg5[%multiple_of3A] : memref<320000xi32, #tpu.memory_space<hbm>> -> memref<80xi32, #tpu.memory_space<hbm>>
        tpu.enqueue_dma source(%dma_start3A_70 : memref<80xi32, #tpu.memory_space<hbm>>) target(%dma_start3A_69 : memref<80xi32, #tpu.memory_space<vmem>>) target_semaphore(%run_scoped3A_62 : memref<!tpu.dma_semaphore, #tpu.memory_space<semaphore_mem>>)
        %dma_wait3A = arith.constant 0 : i32
        %dma_wait3A_71 = tpu.memref_slice %arg9[%run_scoped3A, %dma_wait3A] : memref<2x80xi32, #tpu.memory_space<vmem>> -> memref<1x80xi32, #tpu.memory_space<vmem>>
        %dma_wait3A_72 = tpu.memref_squeeze %dma_wait3A_71 : memref<1x80xi32, #tpu.memory_space<vmem>> -> memref<80xi32, #tpu.memory_space<vmem>>
        %dma_wait3A_73 = tpu.memref_slice %arg5[%multiple_of3A] : memref<320000xi32, #tpu.memory_space<hbm>> -> memref<80xi32, #tpu.memory_space<hbm>>
        %dma_wait3A_74 = arith.constant 0 : i32
        %dma_wait3A_75 = tpu.memref_slice %arg9[%run_scoped3A, %dma_wait3A_74] : memref<2x80xi32, #tpu.memory_space<vmem>> -> memref<1x80xi32, #tpu.memory_space<vmem>>
        %dma_wait3A_76 = tpu.memref_squeeze %dma_wait3A_75 : memref<1x80xi32, #tpu.memory_space<vmem>> -> memref<80xi32, #tpu.memory_space<vmem>>
        %dma_wait3A_77 = tpu.memref_slice %arg5[%multiple_of3A] : memref<320000xi32, #tpu.memory_space<hbm>> -> memref<80xi32, #tpu.memory_space<hbm>>
        tpu.wait_dma2 semaphore(%run_scoped3A_62 : memref<!tpu.dma_semaphore, #tpu.memory_space<semaphore_mem>>) src(%dma_wait3A_77 : memref<80xi32, #tpu.memory_space<hbm>>) dst(%dma_wait3A_76 : memref<80xi32, #tpu.memory_space<vmem>>)
        tpu.yield
      }) : () -> ()
      %run_scoped3A_49 = arith.constant 0 : i32
      "tpu.region"() ({
        %run_scoped3A_62 = tpu.sem_alloc : memref<!tpu.dma_semaphore, #tpu.memory_space<semaphore_mem>>
        %dma_start3A_63 = arith.constant 0 : i32
        %dma_start3A_64 = tpu.memref_slice %arg10[%run_scoped3A_49, %dma_start3A_63] : memref<2x80xi32, #tpu.memory_space<vmem>> -> memref<1x80xi32, #tpu.memory_space<vmem>>
        %dma_start3A_65 = tpu.memref_squeeze %dma_start3A_64 : memref<1x80xi32, #tpu.memory_space<vmem>> -> memref<80xi32, #tpu.memory_space<vmem>>
        %dma_start3A_66 = tpu.memref_slice %arg6[%multiple_of3A] : memref<320000xi32, #tpu.memory_space<hbm>> -> memref<80xi32, #tpu.memory_space<hbm>>
        %dma_start3A_67 = arith.constant 0 : i32
        %dma_start3A_68 = tpu.memref_slice %arg10[%run_scoped3A_49, %dma_start3A_67] : memref<2x80xi32, #tpu.memory_space<vmem>> -> memref<1x80xi32, #tpu.memory_space<vmem>>
        %dma_start3A_69 = tpu.memref_squeeze %dma_start3A_68 : memref<1x80xi32, #tpu.memory_space<vmem>> -> memref<80xi32, #tpu.memory_space<vmem>>
        %dma_start3A_70 = tpu.memref_slice %arg6[%multiple_of3A] : memref<320000xi32, #tpu.memory_space<hbm>> -> memref<80xi32, #tpu.memory_space<hbm>>
        tpu.enqueue_dma source(%dma_start3A_70 : memref<80xi32, #tpu.memory_space<hbm>>) target(%dma_start3A_69 : memref<80xi32, #tpu.memory_space<vmem>>) target_semaphore(%run_scoped3A_62 : memref<!tpu.dma_semaphore, #tpu.memory_space<semaphore_mem>>)
        %dma_wait3A = arith.constant 0 : i32
        %dma_wait3A_71 = tpu.memref_slice %arg10[%run_scoped3A_49, %dma_wait3A] : memref<2x80xi32, #tpu.memory_space<vmem>> -> memref<1x80xi32, #tpu.memory_space<vmem>>
        %dma_wait3A_72 = tpu.memref_squeeze %dma_wait3A_71 : memref<1x80xi32, #tpu.memory_space<vmem>> -> memref<80xi32, #tpu.memory_space<vmem>>
        %dma_wait3A_73 = tpu.memref_slice %arg6[%multiple_of3A] : memref<320000xi32, #tpu.memory_space<hbm>> -> memref<80xi32, #tpu.memory_space<hbm>>
        %dma_wait3A_74 = arith.constant 0 : i32
        %dma_wait3A_75 = tpu.memref_slice %arg10[%run_scoped3A_49, %dma_wait3A_74] : memref<2x80xi32, #tpu.memory_space<vmem>> -> memref<1x80xi32, #tpu.memory_space<vmem>>
        %dma_wait3A_76 = tpu.memref_squeeze %dma_wait3A_75 : memref<1x80xi32, #tpu.memory_space<vmem>> -> memref<80xi32, #tpu.memory_space<vmem>>
        %dma_wait3A_77 = tpu.memref_slice %arg6[%multiple_of3A] : memref<320000xi32, #tpu.memory_space<hbm>> -> memref<80xi32, #tpu.memory_space<hbm>>
        tpu.wait_dma2 semaphore(%run_scoped3A_62 : memref<!tpu.dma_semaphore, #tpu.memory_space<semaphore_mem>>) src(%dma_wait3A_77 : memref<80xi32, #tpu.memory_space<hbm>>) dst(%dma_wait3A_76 : memref<80xi32, #tpu.memory_space<vmem>>)
        tpu.yield
      }) : () -> ()
      %dma_start3A = arith.constant 0 : i32
      %dma_start3A_50 = arith.constant 0 : i32
      %dma_start3A_51 = tpu.memref_slice %arg9[%dma_start3A, %dma_start3A_50] : memref<2x80xi32, #tpu.memory_space<vmem>> -> memref<1x80xi32, #tpu.memory_space<vmem>>
      %dma_start3A_52 = tpu.memref_squeeze %dma_start3A_51 : memref<1x80xi32, #tpu.memory_space<vmem>> -> memref<80xi32, #tpu.memory_space<vmem>>
      %dma_start3A_53 = arith.constant 0 : i32
      %dma_start3A_54 = arith.constant 0 : i32
      %dma_start3A_55 = tpu.memref_slice %arg3[%dma_start3A_53, %dma_start3A_54] : memref<10000x128xf32, #tpu.memory_space<hbm>> -> memref<10000x128xf32, #tpu.memory_space<hbm>>
      tpu.enqueue_indirect_dma source(%dma_start3A_55 : memref<10000x128xf32, #tpu.memory_space<hbm>>) target(%arg11 : memref<80x128xf32, #tpu.memory_space<vmem>>) offsets(%dma_start3A_52 : memref<80xi32, #tpu.memory_space<vmem>>) semaphore(%arg14 : memref<!tpu.dma_semaphore, #tpu.memory_space<semaphore_mem>>)
      %scan3A_56 = arith.constant 0 : i32
      %scan3A_57 = arith.constant 0 : i32
      %scan3A_58 = arith.constant 125 : i32
      %scan3A_59 = arith.addi %scan3A_57, %scan3A_58 : i32
      %scan3A_60 = arith.constant 1 : i32
      scf.for %scan3A_62 = %scan3A_57 to %scan3A_59 step %scan3A_60  : i32 {
        %mul3A_63 = arith.constant 2 : i32
        %mul3A_64 = arith.muli %mul3A_63, %scan3A_62 : i32
        %add3A_65 = arith.constant 0 : i32
        %add3A_66 = arith.addi %mul3A_64, %add3A_65 : i32
        %add3A_67 = arith.constant 1 : i32
        %add3A_68 = arith.addi %add3A_66, %add3A_67 : i32
        %lt3A = arith.constant 250 : i32
        %lt3A_69 = arith.cmpi slt, %add3A_68, %lt3A : i32
        %convert_element_type3A_70 = arith.extui %lt3A_69 : i1 to i32
        %cond3A_71 = arith.constant 0 : i32
        %cond3A_72 = arith.cmpi ne, %convert_element_type3A_70, %cond3A_71 : i32
        scf.if %cond3A_72 {
          %add3A_99 = arith.constant 1 : i32
          %add3A_100 = arith.addi %add3A_66, %add3A_99 : i32
          %mul3A_101 = arith.constant 16 : i32
          %mul3A_102 = arith.muli %mul3A_101, %add3A_100 : i32
          %add3A_103 = arith.addi %arg1, %mul3A_102 : i32
          %mul3A_104 = arith.constant 80 : i32
          %mul3A_105 = arith.muli %add3A_103, %mul3A_104 : i32
          %multiple_of3A_106 = tpu.assume_multiple %mul3A_105, 80 : i32
          %run_scoped3A_107 = arith.constant 1 : i32
          "tpu.region"() ({
            %run_scoped3A_116 = tpu.sem_alloc : memref<!tpu.dma_semaphore, #tpu.memory_space<semaphore_mem>>
            %dma_start3A_117 = arith.constant 0 : i32
            %dma_start3A_118 = tpu.memref_slice %arg9[%run_scoped3A_107, %dma_start3A_117] : memref<2x80xi32, #tpu.memory_space<vmem>> -> memref<1x80xi32, #tpu.memory_space<vmem>>
            %dma_start3A_119 = tpu.memref_squeeze %dma_start3A_118 : memref<1x80xi32, #tpu.memory_space<vmem>> -> memref<80xi32, #tpu.memory_space<vmem>>
            %dma_start3A_120 = tpu.memref_slice %arg5[%multiple_of3A_106] : memref<320000xi32, #tpu.memory_space<hbm>> -> memref<80xi32, #tpu.memory_space<hbm>>
            %dma_start3A_121 = arith.constant 0 : i32
            %dma_start3A_122 = tpu.memref_slice %arg9[%run_scoped3A_107, %dma_start3A_121] : memref<2x80xi32, #tpu.memory_space<vmem>> -> memref<1x80xi32, #tpu.memory_space<vmem>>
            %dma_start3A_123 = tpu.memref_squeeze %dma_start3A_122 : memref<1x80xi32, #tpu.memory_space<vmem>> -> memref<80xi32, #tpu.memory_space<vmem>>
            %dma_start3A_124 = tpu.memref_slice %arg5[%multiple_of3A_106] : memref<320000xi32, #tpu.memory_space<hbm>> -> memref<80xi32, #tpu.memory_space<hbm>>
            tpu.enqueue_dma source(%dma_start3A_124 : memref<80xi32, #tpu.memory_space<hbm>>) target(%dma_start3A_123 : memref<80xi32, #tpu.memory_space<vmem>>) target_semaphore(%run_scoped3A_116 : memref<!tpu.dma_semaphore, #tpu.memory_space<semaphore_mem>>)
            %dma_wait3A_125 = arith.constant 0 : i32
            %dma_wait3A_126 = tpu.memref_slice %arg9[%run_scoped3A_107, %dma_wait3A_125] : memref<2x80xi32, #tpu.memory_space<vmem>> -> memref<1x80xi32, #tpu.memory_space<vmem>>
            %dma_wait3A_127 = tpu.memref_squeeze %dma_wait3A_126 : memref<1x80xi32, #tpu.memory_space<vmem>> -> memref<80xi32, #tpu.memory_space<vmem>>
            %dma_wait3A_128 = tpu.memref_slice %arg5[%multiple_of3A_106] : memref<320000xi32, #tpu.memory_space<hbm>> -> memref<80xi32, #tpu.memory_space<hbm>>
            %dma_wait3A_129 = arith.constant 0 : i32
            %dma_wait3A_130 = tpu.memref_slice %arg9[%run_scoped3A_107, %dma_wait3A_129] : memref<2x80xi32, #tpu.memory_space<vmem>> -> memref<1x80xi32, #tpu.memory_space<vmem>>
            %dma_wait3A_131 = tpu.memref_squeeze %dma_wait3A_130 : memref<1x80xi32, #tpu.memory_space<vmem>> -> memref<80xi32, #tpu.memory_space<vmem>>
            %dma_wait3A_132 = tpu.memref_slice %arg5[%multiple_of3A_106] : memref<320000xi32, #tpu.memory_space<hbm>> -> memref<80xi32, #tpu.memory_space<hbm>>
            tpu.wait_dma2 semaphore(%run_scoped3A_116 : memref<!tpu.dma_semaphore, #tpu.memory_space<semaphore_mem>>) src(%dma_wait3A_132 : memref<80xi32, #tpu.memory_space<hbm>>) dst(%dma_wait3A_131 : memref<80xi32, #tpu.memory_space<vmem>>)
            tpu.yield
          }) : () -> ()
          %run_scoped3A_108 = arith.constant 1 : i32
          "tpu.region"() ({
            %run_scoped3A_116 = tpu.sem_alloc : memref<!tpu.dma_semaphore, #tpu.memory_space<semaphore_mem>>
            %dma_start3A_117 = arith.constant 0 : i32
            %dma_start3A_118 = tpu.memref_slice %arg10[%run_scoped3A_108, %dma_start3A_117] : memref<2x80xi32, #tpu.memory_space<vmem>> -> memref<1x80xi32, #tpu.memory_space<vmem>>
            %dma_start3A_119 = tpu.memref_squeeze %dma_start3A_118 : memref<1x80xi32, #tpu.memory_space<vmem>> -> memref<80xi32, #tpu.memory_space<vmem>>
            %dma_start3A_120 = tpu.memref_slice %arg6[%multiple_of3A_106] : memref<320000xi32, #tpu.memory_space<hbm>> -> memref<80xi32, #tpu.memory_space<hbm>>
            %dma_start3A_121 = arith.constant 0 : i32
            %dma_start3A_122 = tpu.memref_slice %arg10[%run_scoped3A_108, %dma_start3A_121] : memref<2x80xi32, #tpu.memory_space<vmem>> -> memref<1x80xi32, #tpu.memory_space<vmem>>
            %dma_start3A_123 = tpu.memref_squeeze %dma_start3A_122 : memref<1x80xi32, #tpu.memory_space<vmem>> -> memref<80xi32, #tpu.memory_space<vmem>>
            %dma_start3A_124 = tpu.memref_slice %arg6[%multiple_of3A_106] : memref<320000xi32, #tpu.memory_space<hbm>> -> memref<80xi32, #tpu.memory_space<hbm>>
            tpu.enqueue_dma source(%dma_start3A_124 : memref<80xi32, #tpu.memory_space<hbm>>) target(%dma_start3A_123 : memref<80xi32, #tpu.memory_space<vmem>>) target_semaphore(%run_scoped3A_116 : memref<!tpu.dma_semaphore, #tpu.memory_space<semaphore_mem>>)
            %dma_wait3A_125 = arith.constant 0 : i32
            %dma_wait3A_126 = tpu.memref_slice %arg10[%run_scoped3A_108, %dma_wait3A_125] : memref<2x80xi32, #tpu.memory_space<vmem>> -> memref<1x80xi32, #tpu.memory_space<vmem>>
            %dma_wait3A_127 = tpu.memref_squeeze %dma_wait3A_126 : memref<1x80xi32, #tpu.memory_space<vmem>> -> memref<80xi32, #tpu.memory_space<vmem>>
            %dma_wait3A_128 = tpu.memref_slice %arg6[%multiple_of3A_106] : memref<320000xi32, #tpu.memory_space<hbm>> -> memref<80xi32, #tpu.memory_space<hbm>>
            %dma_wait3A_129 = arith.constant 0 : i32
            %dma_wait3A_130 = tpu.memref_slice %arg10[%run_scoped3A_108, %dma_wait3A_129] : memref<2x80xi32, #tpu.memory_space<vmem>> -> memref<1x80xi32, #tpu.memory_space<vmem>>
            %dma_wait3A_131 = tpu.memref_squeeze %dma_wait3A_130 : memref<1x80xi32, #tpu.memory_space<vmem>> -> memref<80xi32, #tpu.memory_space<vmem>>
            %dma_wait3A_132 = tpu.memref_slice %arg6[%multiple_of3A_106] : memref<320000xi32, #tpu.memory_space<hbm>> -> memref<80xi32, #tpu.memory_space<hbm>>
            tpu.wait_dma2 semaphore(%run_scoped3A_116 : memref<!tpu.dma_semaphore, #tpu.memory_space<semaphore_mem>>) src(%dma_wait3A_132 : memref<80xi32, #tpu.memory_space<hbm>>) dst(%dma_wait3A_131 : memref<80xi32, #tpu.memory_space<vmem>>)
            tpu.yield
          }) : () -> ()
          %dma_start3A_109 = arith.constant 1 : i32
          %dma_start3A_110 = arith.constant 0 : i32
          %dma_start3A_111 = tpu.memref_slice %arg9[%dma_start3A_109, %dma_start3A_110] : memref<2x80xi32, #tpu.memory_space<vmem>> -> memref<1x80xi32, #tpu.memory_space<vmem>>
          %dma_start3A_112 = tpu.memref_squeeze %dma_start3A_111 : memref<1x80xi32, #tpu.memory_space<vmem>> -> memref<80xi32, #tpu.memory_space<vmem>>
          %dma_start3A_113 = arith.constant 0 : i32
          %dma_start3A_114 = arith.constant 0 : i32
          %dma_start3A_115 = tpu.memref_slice %arg3[%dma_start3A_113, %dma_start3A_114] : memref<10000x128xf32, #tpu.memory_space<hbm>> -> memref<10000x128xf32, #tpu.memory_space<hbm>>
          tpu.enqueue_indirect_dma source(%dma_start3A_115 : memref<10000x128xf32, #tpu.memory_space<hbm>>) target(%arg12 : memref<80x128xf32, #tpu.memory_space<vmem>>) offsets(%dma_start3A_112 : memref<80xi32, #tpu.memory_space<vmem>>) semaphore(%arg15 : memref<!tpu.dma_semaphore, #tpu.memory_space<semaphore_mem>>)
        } else {
        }
        %dma_wait3A = arith.constant 0 : i32
        %dma_wait3A_73 = arith.constant 0 : i32
        %dma_wait3A_74 = tpu.memref_slice %arg9[%dma_wait3A, %dma_wait3A_73] : memref<2x80xi32, #tpu.memory_space<vmem>> -> memref<1x80xi32, #tpu.memory_space<vmem>>
        %dma_wait3A_75 = tpu.memref_squeeze %dma_wait3A_74 : memref<1x80xi32, #tpu.memory_space<vmem>> -> memref<80xi32, #tpu.memory_space<vmem>>
        %dma_wait3A_76 = arith.constant 0 : i32
        %dma_wait3A_77 = arith.constant 0 : i32
        %dma_wait3A_78 = tpu.memref_slice %arg3[%dma_wait3A_76, %dma_wait3A_77] : memref<10000x128xf32, #tpu.memory_space<hbm>> -> memref<10000x128xf32, #tpu.memory_space<hbm>>
        tpu.wait_indirect_dma semaphore(%arg14 : memref<!tpu.dma_semaphore, #tpu.memory_space<semaphore_mem>>) src(%dma_wait3A_78 : memref<10000x128xf32, #tpu.memory_space<hbm>>) dst(%arg11 : memref<80x128xf32, #tpu.memory_space<vmem>>)
        %run_scoped3A_79 = arith.constant 0 : i32
        "tpu.region"() ({
          %run_scoped3A_99 = tpu.sem_alloc : memref<!tpu.dma_semaphore, #tpu.memory_space<semaphore_mem>>
          %dma_start3A_100 = arith.constant 0 : i32
          %dma_start3A_101 = tpu.memref_slice %arg10[%run_scoped3A_79, %dma_start3A_100] : memref<2x80xi32, #tpu.memory_space<vmem>> -> memref<1x80xi32, #tpu.memory_space<vmem>>
          %dma_start3A_102 = tpu.memref_squeeze %dma_start3A_101 : memref<1x80xi32, #tpu.memory_space<vmem>> -> memref<80xi32, #tpu.memory_space<vmem>>
          %dma_start3A_103 = arith.constant 0 : i32
          %dma_start3A_104 = arith.constant 0 : i32
          %dma_start3A_105 = tpu.memref_slice %arg13[%dma_start3A_103, %dma_start3A_104] : memref<10240x128xf32, #tpu.memory_space<vmem_shared>> -> memref<10240x128xf32, #tpu.memory_space<vmem_shared>>
          tpu.enqueue_indirect_dma source(%arg11 : memref<80x128xf32, #tpu.memory_space<vmem>>) target(%dma_start3A_105 : memref<10240x128xf32, #tpu.memory_space<vmem_shared>>) offsets(%dma_start3A_102 : memref<80xi32, #tpu.memory_space<vmem>>) semaphore(%run_scoped3A_99 : memref<!tpu.dma_semaphore, #tpu.memory_space<semaphore_mem>>) {add = true}
          %dma_wait3A_106 = arith.constant 0 : i32
          %dma_wait3A_107 = tpu.memref_slice %arg10[%run_scoped3A_79, %dma_wait3A_106] : memref<2x80xi32, #tpu.memory_space<vmem>> -> memref<1x80xi32, #tpu.memory_space<vmem>>
          %dma_wait3A_108 = tpu.memref_squeeze %dma_wait3A_107 : memref<1x80xi32, #tpu.memory_space<vmem>> -> memref<80xi32, #tpu.memory_space<vmem>>
          %dma_wait3A_109 = arith.constant 0 : i32
          %dma_wait3A_110 = arith.constant 0 : i32
          %dma_wait3A_111 = tpu.memref_slice %arg13[%dma_wait3A_109, %dma_wait3A_110] : memref<10240x128xf32, #tpu.memory_space<vmem_shared>> -> memref<10240x128xf32, #tpu.memory_space<vmem_shared>>
          tpu.wait_indirect_dma semaphore(%run_scoped3A_99 : memref<!tpu.dma_semaphore, #tpu.memory_space<semaphore_mem>>) src(%arg11 : memref<80x128xf32, #tpu.memory_space<vmem>>) dst(%dma_wait3A_111 : memref<10240x128xf32, #tpu.memory_space<vmem_shared>>)
          tpu.yield
        }) : () -> ()
        %mul3A_80 = arith.constant 2 : i32
        %mul3A_81 = arith.muli %mul3A_80, %scan3A_62 : i32
        %add3A_82 = arith.constant 1 : i32
        %add3A_83 = arith.addi %mul3A_81, %add3A_82 : i32
        %add3A_84 = arith.constant 1 : i32
        %add3A_85 = arith.addi %add3A_83, %add3A_84 : i32
        %lt3A_86 = arith.constant 250 : i32
        %lt3A_87 = arith.cmpi slt, %add3A_85, %lt3A_86 : i32
        %convert_element_type3A_88 = arith.extui %lt3A_87 : i1 to i32
        %cond3A_89 = arith.constant 0 : i32
        %cond3A_90 = arith.cmpi ne, %convert_element_type3A_88, %cond3A_89 : i32
        scf.if %cond3A_90 {
          %add3A_99 = arith.constant 1 : i32
          %add3A_100 = arith.addi %add3A_83, %add3A_99 : i32
          %mul3A_101 = arith.constant 16 : i32
          %mul3A_102 = arith.muli %mul3A_101, %add3A_100 : i32
          %add3A_103 = arith.addi %arg1, %mul3A_102 : i32
          %mul3A_104 = arith.constant 80 : i32
          %mul3A_105 = arith.muli %add3A_103, %mul3A_104 : i32
          %multiple_of3A_106 = tpu.assume_multiple %mul3A_105, 80 : i32
          %run_scoped3A_107 = arith.constant 0 : i32
          "tpu.region"() ({
            %run_scoped3A_116 = tpu.sem_alloc : memref<!tpu.dma_semaphore, #tpu.memory_space<semaphore_mem>>
            %dma_start3A_117 = arith.constant 0 : i32
            %dma_start3A_118 = tpu.memref_slice %arg9[%run_scoped3A_107, %dma_start3A_117] : memref<2x80xi32, #tpu.memory_space<vmem>> -> memref<1x80xi32, #tpu.memory_space<vmem>>
            %dma_start3A_119 = tpu.memref_squeeze %dma_start3A_118 : memref<1x80xi32, #tpu.memory_space<vmem>> -> memref<80xi32, #tpu.memory_space<vmem>>
            %dma_start3A_120 = tpu.memref_slice %arg5[%multiple_of3A_106] : memref<320000xi32, #tpu.memory_space<hbm>> -> memref<80xi32, #tpu.memory_space<hbm>>
            %dma_start3A_121 = arith.constant 0 : i32
            %dma_start3A_122 = tpu.memref_slice %arg9[%run_scoped3A_107, %dma_start3A_121] : memref<2x80xi32, #tpu.memory_space<vmem>> -> memref<1x80xi32, #tpu.memory_space<vmem>>
            %dma_start3A_123 = tpu.memref_squeeze %dma_start3A_122 : memref<1x80xi32, #tpu.memory_space<vmem>> -> memref<80xi32, #tpu.memory_space<vmem>>
            %dma_start3A_124 = tpu.memref_slice %arg5[%multiple_of3A_106] : memref<320000xi32, #tpu.memory_space<hbm>> -> memref<80xi32, #tpu.memory_space<hbm>>
            tpu.enqueue_dma source(%dma_start3A_124 : memref<80xi32, #tpu.memory_space<hbm>>) target(%dma_start3A_123 : memref<80xi32, #tpu.memory_space<vmem>>) target_semaphore(%run_scoped3A_116 : memref<!tpu.dma_semaphore, #tpu.memory_space<semaphore_mem>>)
            %dma_wait3A_125 = arith.constant 0 : i32
            %dma_wait3A_126 = tpu.memref_slice %arg9[%run_scoped3A_107, %dma_wait3A_125] : memref<2x80xi32, #tpu.memory_space<vmem>> -> memref<1x80xi32, #tpu.memory_space<vmem>>
            %dma_wait3A_127 = tpu.memref_squeeze %dma_wait3A_126 : memref<1x80xi32, #tpu.memory_space<vmem>> -> memref<80xi32, #tpu.memory_space<vmem>>
            %dma_wait3A_128 = tpu.memref_slice %arg5[%multiple_of3A_106] : memref<320000xi32, #tpu.memory_space<hbm>> -> memref<80xi32, #tpu.memory_space<hbm>>
            %dma_wait3A_129 = arith.constant 0 : i32
            %dma_wait3A_130 = tpu.memref_slice %arg9[%run_scoped3A_107, %dma_wait3A_129] : memref<2x80xi32, #tpu.memory_space<vmem>> -> memref<1x80xi32, #tpu.memory_space<vmem>>
            %dma_wait3A_131 = tpu.memref_squeeze %dma_wait3A_130 : memref<1x80xi32, #tpu.memory_space<vmem>> -> memref<80xi32, #tpu.memory_space<vmem>>
            %dma_wait3A_132 = tpu.memref_slice %arg5[%multiple_of3A_106] : memref<320000xi32, #tpu.memory_space<hbm>> -> memref<80xi32, #tpu.memory_space<hbm>>
            tpu.wait_dma2 semaphore(%run_scoped3A_116 : memref<!tpu.dma_semaphore, #tpu.memory_space<semaphore_mem>>) src(%dma_wait3A_132 : memref<80xi32, #tpu.memory_space<hbm>>) dst(%dma_wait3A_131 : memref<80xi32, #tpu.memory_space<vmem>>)
            tpu.yield
          }) : () -> ()
          %run_scoped3A_108 = arith.constant 0 : i32
          "tpu.region"() ({
            %run_scoped3A_116 = tpu.sem_alloc : memref<!tpu.dma_semaphore, #tpu.memory_space<semaphore_mem>>
            %dma_start3A_117 = arith.constant 0 : i32
            %dma_start3A_118 = tpu.memref_slice %arg10[%run_scoped3A_108, %dma_start3A_117] : memref<2x80xi32, #tpu.memory_space<vmem>> -> memref<1x80xi32, #tpu.memory_space<vmem>>
            %dma_start3A_119 = tpu.memref_squeeze %dma_start3A_118 : memref<1x80xi32, #tpu.memory_space<vmem>> -> memref<80xi32, #tpu.memory_space<vmem>>
            %dma_start3A_120 = tpu.memref_slice %arg6[%multiple_of3A_106] : memref<320000xi32, #tpu.memory_space<hbm>> -> memref<80xi32, #tpu.memory_space<hbm>>
            %dma_start3A_121 = arith.constant 0 : i32
            %dma_start3A_122 = tpu.memref_slice %arg10[%run_scoped3A_108, %dma_start3A_121] : memref<2x80xi32, #tpu.memory_space<vmem>> -> memref<1x80xi32, #tpu.memory_space<vmem>>
            %dma_start3A_123 = tpu.memref_squeeze %dma_start3A_122 : memref<1x80xi32, #tpu.memory_space<vmem>> -> memref<80xi32, #tpu.memory_space<vmem>>
            %dma_start3A_124 = tpu.memref_slice %arg6[%multiple_of3A_106] : memref<320000xi32, #tpu.memory_space<hbm>> -> memref<80xi32, #tpu.memory_space<hbm>>
            tpu.enqueue_dma source(%dma_start3A_124 : memref<80xi32, #tpu.memory_space<hbm>>) target(%dma_start3A_123 : memref<80xi32, #tpu.memory_space<vmem>>) target_semaphore(%run_scoped3A_116 : memref<!tpu.dma_semaphore, #tpu.memory_space<semaphore_mem>>)
            %dma_wait3A_125 = arith.constant 0 : i32
            %dma_wait3A_126 = tpu.memref_slice %arg10[%run_scoped3A_108, %dma_wait3A_125] : memref<2x80xi32, #tpu.memory_space<vmem>> -> memref<1x80xi32, #tpu.memory_space<vmem>>
            %dma_wait3A_127 = tpu.memref_squeeze %dma_wait3A_126 : memref<1x80xi32, #tpu.memory_space<vmem>> -> memref<80xi32, #tpu.memory_space<vmem>>
            %dma_wait3A_128 = tpu.memref_slice %arg6[%multiple_of3A_106] : memref<320000xi32, #tpu.memory_space<hbm>> -> memref<80xi32, #tpu.memory_space<hbm>>
            %dma_wait3A_129 = arith.constant 0 : i32
            %dma_wait3A_130 = tpu.memref_slice %arg10[%run_scoped3A_108, %dma_wait3A_129] : memref<2x80xi32, #tpu.memory_space<vmem>> -> memref<1x80xi32, #tpu.memory_space<vmem>>
            %dma_wait3A_131 = tpu.memref_squeeze %dma_wait3A_130 : memref<1x80xi32, #tpu.memory_space<vmem>> -> memref<80xi32, #tpu.memory_space<vmem>>
            %dma_wait3A_132 = tpu.memref_slice %arg6[%multiple_of3A_106] : memref<320000xi32, #tpu.memory_space<hbm>> -> memref<80xi32, #tpu.memory_space<hbm>>
            tpu.wait_dma2 semaphore(%run_scoped3A_116 : memref<!tpu.dma_semaphore, #tpu.memory_space<semaphore_mem>>) src(%dma_wait3A_132 : memref<80xi32, #tpu.memory_space<hbm>>) dst(%dma_wait3A_131 : memref<80xi32, #tpu.memory_space<vmem>>)
            tpu.yield
          }) : () -> ()
          %dma_start3A_109 = arith.constant 0 : i32
          %dma_start3A_110 = arith.constant 0 : i32
          %dma_start3A_111 = tpu.memref_slice %arg9[%dma_start3A_109, %dma_start3A_110] : memref<2x80xi32, #tpu.memory_space<vmem>> -> memref<1x80xi32, #tpu.memory_space<vmem>>
          %dma_start3A_112 = tpu.memref_squeeze %dma_start3A_111 : memref<1x80xi32, #tpu.memory_space<vmem>> -> memref<80xi32, #tpu.memory_space<vmem>>
          %dma_start3A_113 = arith.constant 0 : i32
          %dma_start3A_114 = arith.constant 0 : i32
          %dma_start3A_115 = tpu.memref_slice %arg3[%dma_start3A_113, %dma_start3A_114] : memref<10000x128xf32, #tpu.memory_space<hbm>> -> memref<10000x128xf32, #tpu.memory_space<hbm>>
          tpu.enqueue_indirect_dma source(%dma_start3A_115 : memref<10000x128xf32, #tpu.memory_space<hbm>>) target(%arg11 : memref<80x128xf32, #tpu.memory_space<vmem>>) offsets(%dma_start3A_112 : memref<80xi32, #tpu.memory_space<vmem>>) semaphore(%arg14 : memref<!tpu.dma_semaphore, #tpu.memory_space<semaphore_mem>>)
        } else {
        }
        %dma_wait3A_91 = arith.constant 1 : i32
        %dma_wait3A_92 = arith.constant 0 : i32
        %dma_wait3A_93 = tpu.memref_slice %arg9[%dma_wait3A_91, %dma_wait3A_92] : memref<2x80xi32, #tpu.memory_space<vmem>> -> memref<1x80xi32, #tpu.memory_space<vmem>>
        %dma_wait3A_94 = tpu.memref_squeeze %dma_wait3A_93 : memref<1x80xi32, #tpu.memory_space<vmem>> -> memref<80xi32, #tpu.memory_space<vmem>>
        %dma_wait3A_95 = arith.constant 0 : i32
        %dma_wait3A_96 = arith.constant 0 : i32
        %dma_wait3A_97 = tpu.memref_slice %arg3[%dma_wait3A_95, %dma_wait3A_96] : memref<10000x128xf32, #tpu.memory_space<hbm>> -> memref<10000x128xf32, #tpu.memory_space<hbm>>
        tpu.wait_indirect_dma semaphore(%arg15 : memref<!tpu.dma_semaphore, #tpu.memory_space<semaphore_mem>>) src(%dma_wait3A_97 : memref<10000x128xf32, #tpu.memory_space<hbm>>) dst(%arg12 : memref<80x128xf32, #tpu.memory_space<vmem>>)
        %run_scoped3A_98 = arith.constant 1 : i32
        "tpu.region"() ({
          %run_scoped3A_99 = tpu.sem_alloc : memref<!tpu.dma_semaphore, #tpu.memory_space<semaphore_mem>>
          %dma_start3A_100 = arith.constant 0 : i32
          %dma_start3A_101 = tpu.memref_slice %arg10[%run_scoped3A_98, %dma_start3A_100] : memref<2x80xi32, #tpu.memory_space<vmem>> -> memref<1x80xi32, #tpu.memory_space<vmem>>
          %dma_start3A_102 = tpu.memref_squeeze %dma_start3A_101 : memref<1x80xi32, #tpu.memory_space<vmem>> -> memref<80xi32, #tpu.memory_space<vmem>>
          %dma_start3A_103 = arith.constant 0 : i32
          %dma_start3A_104 = arith.constant 0 : i32
          %dma_start3A_105 = tpu.memref_slice %arg13[%dma_start3A_103, %dma_start3A_104] : memref<10240x128xf32, #tpu.memory_space<vmem_shared>> -> memref<10240x128xf32, #tpu.memory_space<vmem_shared>>
          tpu.enqueue_indirect_dma source(%arg12 : memref<80x128xf32, #tpu.memory_space<vmem>>) target(%dma_start3A_105 : memref<10240x128xf32, #tpu.memory_space<vmem_shared>>) offsets(%dma_start3A_102 : memref<80xi32, #tpu.memory_space<vmem>>) semaphore(%run_scoped3A_99 : memref<!tpu.dma_semaphore, #tpu.memory_space<semaphore_mem>>) {add = true}
          %dma_wait3A_106 = arith.constant 0 : i32
          %dma_wait3A_107 = tpu.memref_slice %arg10[%run_scoped3A_98, %dma_wait3A_106] : memref<2x80xi32, #tpu.memory_space<vmem>> -> memref<1x80xi32, #tpu.memory_space<vmem>>
          %dma_wait3A_108 = tpu.memref_squeeze %dma_wait3A_107 : memref<1x80xi32, #tpu.memory_space<vmem>> -> memref<80xi32, #tpu.memory_space<vmem>>
          %dma_wait3A_109 = arith.constant 0 : i32
          %dma_wait3A_110 = arith.constant 0 : i32
          %dma_wait3A_111 = tpu.memref_slice %arg13[%dma_wait3A_109, %dma_wait3A_110] : memref<10240x128xf32, #tpu.memory_space<vmem_shared>> -> memref<10240x128xf32, #tpu.memory_space<vmem_shared>>
          tpu.wait_indirect_dma semaphore(%run_scoped3A_99 : memref<!tpu.dma_semaphore, #tpu.memory_space<semaphore_mem>>) src(%arg12 : memref<80x128xf32, #tpu.memory_space<vmem>>) dst(%dma_wait3A_111 : memref<10240x128xf32, #tpu.memory_space<vmem_shared>>)
          tpu.yield
        }) : () -> ()
      }
      %scan3A_61 = arith.constant 125 : i32
    } else {
    }
    %eq3A_24 = arith.constant 1 : i32
    %eq3A_25 = arith.cmpi eq, %arg0, %eq3A_24 : i32
    %convert_element_type3A_26 = arith.extui %eq3A_25 : i1 to i32
    %cond3A_27 = arith.constant 0 : i32
    %cond3A_28 = arith.cmpi ne, %convert_element_type3A_26, %cond3A_27 : i32
    scf.if %cond3A_28 {
      %add3A_45 = arith.constant 0 : i32
      %add3A_46 = arith.addi %arg1, %add3A_45 : i32
      %mul3A_47 = arith.constant 80 : i32
      %mul3A_48 = arith.muli %add3A_46, %mul3A_47 : i32
      %multiple_of3A = tpu.assume_multiple %mul3A_48, 80 : i32
      %run_scoped3A = arith.constant 0 : i32
      "tpu.region"() ({
        %run_scoped3A_62 = tpu.sem_alloc : memref<!tpu.dma_semaphore, #tpu.memory_space<semaphore_mem>>
        %dma_start3A_63 = arith.constant 0 : i32
        %dma_start3A_64 = tpu.memref_slice %arg9[%run_scoped3A, %dma_start3A_63] : memref<2x80xi32, #tpu.memory_space<vmem>> -> memref<1x80xi32, #tpu.memory_space<vmem>>
        %dma_start3A_65 = tpu.memref_squeeze %dma_start3A_64 : memref<1x80xi32, #tpu.memory_space<vmem>> -> memref<80xi32, #tpu.memory_space<vmem>>
        %dma_start3A_66 = tpu.memref_slice %arg6[%multiple_of3A] : memref<320000xi32, #tpu.memory_space<hbm>> -> memref<80xi32, #tpu.memory_space<hbm>>
        %dma_start3A_67 = arith.constant 0 : i32
        %dma_start3A_68 = tpu.memref_slice %arg9[%run_scoped3A, %dma_start3A_67] : memref<2x80xi32, #tpu.memory_space<vmem>> -> memref<1x80xi32, #tpu.memory_space<vmem>>
        %dma_start3A_69 = tpu.memref_squeeze %dma_start3A_68 : memref<1x80xi32, #tpu.memory_space<vmem>> -> memref<80xi32, #tpu.memory_space<vmem>>
        %dma_start3A_70 = tpu.memref_slice %arg6[%multiple_of3A] : memref<320000xi32, #tpu.memory_space<hbm>> -> memref<80xi32, #tpu.memory_space<hbm>>
        tpu.enqueue_dma source(%dma_start3A_70 : memref<80xi32, #tpu.memory_space<hbm>>) target(%dma_start3A_69 : memref<80xi32, #tpu.memory_space<vmem>>) target_semaphore(%run_scoped3A_62 : memref<!tpu.dma_semaphore, #tpu.memory_space<semaphore_mem>>)
        %dma_wait3A = arith.constant 0 : i32
        %dma_wait3A_71 = tpu.memref_slice %arg9[%run_scoped3A, %dma_wait3A] : memref<2x80xi32, #tpu.memory_space<vmem>> -> memref<1x80xi32, #tpu.memory_space<vmem>>
        %dma_wait3A_72 = tpu.memref_squeeze %dma_wait3A_71 : memref<1x80xi32, #tpu.memory_space<vmem>> -> memref<80xi32, #tpu.memory_space<vmem>>
        %dma_wait3A_73 = tpu.memref_slice %arg6[%multiple_of3A] : memref<320000xi32, #tpu.memory_space<hbm>> -> memref<80xi32, #tpu.memory_space<hbm>>
        %dma_wait3A_74 = arith.constant 0 : i32
        %dma_wait3A_75 = tpu.memref_slice %arg9[%run_scoped3A, %dma_wait3A_74] : memref<2x80xi32, #tpu.memory_space<vmem>> -> memref<1x80xi32, #tpu.memory_space<vmem>>
        %dma_wait3A_76 = tpu.memref_squeeze %dma_wait3A_75 : memref<1x80xi32, #tpu.memory_space<vmem>> -> memref<80xi32, #tpu.memory_space<vmem>>
        %dma_wait3A_77 = tpu.memref_slice %arg6[%multiple_of3A] : memref<320000xi32, #tpu.memory_space<hbm>> -> memref<80xi32, #tpu.memory_space<hbm>>
        tpu.wait_dma2 semaphore(%run_scoped3A_62 : memref<!tpu.dma_semaphore, #tpu.memory_space<semaphore_mem>>) src(%dma_wait3A_77 : memref<80xi32, #tpu.memory_space<hbm>>) dst(%dma_wait3A_76 : memref<80xi32, #tpu.memory_space<vmem>>)
        tpu.yield
      }) : () -> ()
      %run_scoped3A_49 = arith.constant 0 : i32
      "tpu.region"() ({
        %run_scoped3A_62 = tpu.sem_alloc : memref<!tpu.dma_semaphore, #tpu.memory_space<semaphore_mem>>
        %dma_start3A_63 = arith.constant 0 : i32
        %dma_start3A_64 = tpu.memref_slice %arg10[%run_scoped3A_49, %dma_start3A_63] : memref<2x80xi32, #tpu.memory_space<vmem>> -> memref<1x80xi32, #tpu.memory_space<vmem>>
        %dma_start3A_65 = tpu.memref_squeeze %dma_start3A_64 : memref<1x80xi32, #tpu.memory_space<vmem>> -> memref<80xi32, #tpu.memory_space<vmem>>
        %dma_start3A_66 = tpu.memref_slice %arg5[%multiple_of3A] : memref<320000xi32, #tpu.memory_space<hbm>> -> memref<80xi32, #tpu.memory_space<hbm>>
        %dma_start3A_67 = arith.constant 0 : i32
        %dma_start3A_68 = tpu.memref_slice %arg10[%run_scoped3A_49, %dma_start3A_67] : memref<2x80xi32, #tpu.memory_space<vmem>> -> memref<1x80xi32, #tpu.memory_space<vmem>>
        %dma_start3A_69 = tpu.memref_squeeze %dma_start3A_68 : memref<1x80xi32, #tpu.memory_space<vmem>> -> memref<80xi32, #tpu.memory_space<vmem>>
        %dma_start3A_70 = tpu.memref_slice %arg5[%multiple_of3A] : memref<320000xi32, #tpu.memory_space<hbm>> -> memref<80xi32, #tpu.memory_space<hbm>>
        tpu.enqueue_dma source(%dma_start3A_70 : memref<80xi32, #tpu.memory_space<hbm>>) target(%dma_start3A_69 : memref<80xi32, #tpu.memory_space<vmem>>) target_semaphore(%run_scoped3A_62 : memref<!tpu.dma_semaphore, #tpu.memory_space<semaphore_mem>>)
        %dma_wait3A = arith.constant 0 : i32
        %dma_wait3A_71 = tpu.memref_slice %arg10[%run_scoped3A_49, %dma_wait3A] : memref<2x80xi32, #tpu.memory_space<vmem>> -> memref<1x80xi32, #tpu.memory_space<vmem>>
        %dma_wait3A_72 = tpu.memref_squeeze %dma_wait3A_71 : memref<1x80xi32, #tpu.memory_space<vmem>> -> memref<80xi32, #tpu.memory_space<vmem>>
        %dma_wait3A_73 = tpu.memref_slice %arg5[%multiple_of3A] : memref<320000xi32, #tpu.memory_space<hbm>> -> memref<80xi32, #tpu.memory_space<hbm>>
        %dma_wait3A_74 = arith.constant 0 : i32
        %dma_wait3A_75 = tpu.memref_slice %arg10[%run_scoped3A_49, %dma_wait3A_74] : memref<2x80xi32, #tpu.memory_space<vmem>> -> memref<1x80xi32, #tpu.memory_space<vmem>>
        %dma_wait3A_76 = tpu.memref_squeeze %dma_wait3A_75 : memref<1x80xi32, #tpu.memory_space<vmem>> -> memref<80xi32, #tpu.memory_space<vmem>>
        %dma_wait3A_77 = tpu.memref_slice %arg5[%multiple_of3A] : memref<320000xi32, #tpu.memory_space<hbm>> -> memref<80xi32, #tpu.memory_space<hbm>>
        tpu.wait_dma2 semaphore(%run_scoped3A_62 : memref<!tpu.dma_semaphore, #tpu.memory_space<semaphore_mem>>) src(%dma_wait3A_77 : memref<80xi32, #tpu.memory_space<hbm>>) dst(%dma_wait3A_76 : memref<80xi32, #tpu.memory_space<vmem>>)
        tpu.yield
      }) : () -> ()
      %dma_start3A = arith.constant 0 : i32
      %dma_start3A_50 = arith.constant 0 : i32
      %dma_start3A_51 = tpu.memref_slice %arg9[%dma_start3A, %dma_start3A_50] : memref<2x80xi32, #tpu.memory_space<vmem>> -> memref<1x80xi32, #tpu.memory_space<vmem>>
      %dma_start3A_52 = tpu.memref_squeeze %dma_start3A_51 : memref<1x80xi32, #tpu.memory_space<vmem>> -> memref<80xi32, #tpu.memory_space<vmem>>
      %dma_start3A_53 = arith.constant 0 : i32
      %dma_start3A_54 = arith.constant 0 : i32
      %dma_start3A_55 = tpu.memref_slice %arg2[%dma_start3A_53, %dma_start3A_54] : memref<10000x128xf32, #tpu.memory_space<hbm>> -> memref<10000x128xf32, #tpu.memory_space<hbm>>
      tpu.enqueue_indirect_dma source(%dma_start3A_55 : memref<10000x128xf32, #tpu.memory_space<hbm>>) target(%arg11 : memref<80x128xf32, #tpu.memory_space<vmem>>) offsets(%dma_start3A_52 : memref<80xi32, #tpu.memory_space<vmem>>) semaphore(%arg14 : memref<!tpu.dma_semaphore, #tpu.memory_space<semaphore_mem>>)
      %scan3A_56 = arith.constant 0 : i32
      %scan3A_57 = arith.constant 0 : i32
      %scan3A_58 = arith.constant 125 : i32
      %scan3A_59 = arith.addi %scan3A_57, %scan3A_58 : i32
      %scan3A_60 = arith.constant 1 : i32
      scf.for %scan3A_62 = %scan3A_57 to %scan3A_59 step %scan3A_60  : i32 {
        %mul3A_63 = arith.constant 2 : i32
        %mul3A_64 = arith.muli %mul3A_63, %scan3A_62 : i32
        %add3A_65 = arith.constant 0 : i32
        %add3A_66 = arith.addi %mul3A_64, %add3A_65 : i32
        %add3A_67 = arith.constant 1 : i32
        %add3A_68 = arith.addi %add3A_66, %add3A_67 : i32
        %lt3A = arith.constant 250 : i32
        %lt3A_69 = arith.cmpi slt, %add3A_68, %lt3A : i32
        %convert_element_type3A_70 = arith.extui %lt3A_69 : i1 to i32
        %cond3A_71 = arith.constant 0 : i32
        %cond3A_72 = arith.cmpi ne, %convert_element_type3A_70, %cond3A_71 : i32
        scf.if %cond3A_72 {
          %add3A_111 = arith.constant 1 : i32
          %add3A_112 = arith.addi %add3A_66, %add3A_111 : i32
          %mul3A_113 = arith.constant 16 : i32
          %mul3A_114 = arith.muli %mul3A_113, %add3A_112 : i32
          %add3A_115 = arith.addi %arg1, %mul3A_114 : i32
          %mul3A_116 = arith.constant 80 : i32
          %mul3A_117 = arith.muli %add3A_115, %mul3A_116 : i32
          %multiple_of3A_118 = tpu.assume_multiple %mul3A_117, 80 : i32
          %run_scoped3A_119 = arith.constant 1 : i32
          "tpu.region"() ({
            %run_scoped3A_128 = tpu.sem_alloc : memref<!tpu.dma_semaphore, #tpu.memory_space<semaphore_mem>>
            %dma_start3A_129 = arith.constant 0 : i32
            %dma_start3A_130 = tpu.memref_slice %arg9[%run_scoped3A_119, %dma_start3A_129] : memref<2x80xi32, #tpu.memory_space<vmem>> -> memref<1x80xi32, #tpu.memory_space<vmem>>
            %dma_start3A_131 = tpu.memref_squeeze %dma_start3A_130 : memref<1x80xi32, #tpu.memory_space<vmem>> -> memref<80xi32, #tpu.memory_space<vmem>>
            %dma_start3A_132 = tpu.memref_slice %arg6[%multiple_of3A_118] : memref<320000xi32, #tpu.memory_space<hbm>> -> memref<80xi32, #tpu.memory_space<hbm>>
            %dma_start3A_133 = arith.constant 0 : i32
            %dma_start3A_134 = tpu.memref_slice %arg9[%run_scoped3A_119, %dma_start3A_133] : memref<2x80xi32, #tpu.memory_space<vmem>> -> memref<1x80xi32, #tpu.memory_space<vmem>>
            %dma_start3A_135 = tpu.memref_squeeze %dma_start3A_134 : memref<1x80xi32, #tpu.memory_space<vmem>> -> memref<80xi32, #tpu.memory_space<vmem>>
            %dma_start3A_136 = tpu.memref_slice %arg6[%multiple_of3A_118] : memref<320000xi32, #tpu.memory_space<hbm>> -> memref<80xi32, #tpu.memory_space<hbm>>
            tpu.enqueue_dma source(%dma_start3A_136 : memref<80xi32, #tpu.memory_space<hbm>>) target(%dma_start3A_135 : memref<80xi32, #tpu.memory_space<vmem>>) target_semaphore(%run_scoped3A_128 : memref<!tpu.dma_semaphore, #tpu.memory_space<semaphore_mem>>)
            %dma_wait3A_137 = arith.constant 0 : i32
            %dma_wait3A_138 = tpu.memref_slice %arg9[%run_scoped3A_119, %dma_wait3A_137] : memref<2x80xi32, #tpu.memory_space<vmem>> -> memref<1x80xi32, #tpu.memory_space<vmem>>
            %dma_wait3A_139 = tpu.memref_squeeze %dma_wait3A_138 : memref<1x80xi32, #tpu.memory_space<vmem>> -> memref<80xi32, #tpu.memory_space<vmem>>
            %dma_wait3A_140 = tpu.memref_slice %arg6[%multiple_of3A_118] : memref<320000xi32, #tpu.memory_space<hbm>> -> memref<80xi32, #tpu.memory_space<hbm>>
            %dma_wait3A_141 = arith.constant 0 : i32
            %dma_wait3A_142 = tpu.memref_slice %arg9[%run_scoped3A_119, %dma_wait3A_141] : memref<2x80xi32, #tpu.memory_space<vmem>> -> memref<1x80xi32, #tpu.memory_space<vmem>>
            %dma_wait3A_143 = tpu.memref_squeeze %dma_wait3A_142 : memref<1x80xi32, #tpu.memory_space<vmem>> -> memref<80xi32, #tpu.memory_space<vmem>>
            %dma_wait3A_144 = tpu.memref_slice %arg6[%multiple_of3A_118] : memref<320000xi32, #tpu.memory_space<hbm>> -> memref<80xi32, #tpu.memory_space<hbm>>
            tpu.wait_dma2 semaphore(%run_scoped3A_128 : memref<!tpu.dma_semaphore, #tpu.memory_space<semaphore_mem>>) src(%dma_wait3A_144 : memref<80xi32, #tpu.memory_space<hbm>>) dst(%dma_wait3A_143 : memref<80xi32, #tpu.memory_space<vmem>>)
            tpu.yield
          }) : () -> ()
          %run_scoped3A_120 = arith.constant 1 : i32
          "tpu.region"() ({
            %run_scoped3A_128 = tpu.sem_alloc : memref<!tpu.dma_semaphore, #tpu.memory_space<semaphore_mem>>
            %dma_start3A_129 = arith.constant 0 : i32
            %dma_start3A_130 = tpu.memref_slice %arg10[%run_scoped3A_120, %dma_start3A_129] : memref<2x80xi32, #tpu.memory_space<vmem>> -> memref<1x80xi32, #tpu.memory_space<vmem>>
            %dma_start3A_131 = tpu.memref_squeeze %dma_start3A_130 : memref<1x80xi32, #tpu.memory_space<vmem>> -> memref<80xi32, #tpu.memory_space<vmem>>
            %dma_start3A_132 = tpu.memref_slice %arg5[%multiple_of3A_118] : memref<320000xi32, #tpu.memory_space<hbm>> -> memref<80xi32, #tpu.memory_space<hbm>>
            %dma_start3A_133 = arith.constant 0 : i32
            %dma_start3A_134 = tpu.memref_slice %arg10[%run_scoped3A_120, %dma_start3A_133] : memref<2x80xi32, #tpu.memory_space<vmem>> -> memref<1x80xi32, #tpu.memory_space<vmem>>
            %dma_start3A_135 = tpu.memref_squeeze %dma_start3A_134 : memref<1x80xi32, #tpu.memory_space<vmem>> -> memref<80xi32, #tpu.memory_space<vmem>>
            %dma_start3A_136 = tpu.memref_slice %arg5[%multiple_of3A_118] : memref<320000xi32, #tpu.memory_space<hbm>> -> memref<80xi32, #tpu.memory_space<hbm>>
            tpu.enqueue_dma source(%dma_start3A_136 : memref<80xi32, #tpu.memory_space<hbm>>) target(%dma_start3A_135 : memref<80xi32, #tpu.memory_space<vmem>>) target_semaphore(%run_scoped3A_128 : memref<!tpu.dma_semaphore, #tpu.memory_space<semaphore_mem>>)
            %dma_wait3A_137 = arith.constant 0 : i32
            %dma_wait3A_138 = tpu.memref_slice %arg10[%run_scoped3A_120, %dma_wait3A_137] : memref<2x80xi32, #tpu.memory_space<vmem>> -> memref<1x80xi32, #tpu.memory_space<vmem>>
            %dma_wait3A_139 = tpu.memref_squeeze %dma_wait3A_138 : memref<1x80xi32, #tpu.memory_space<vmem>> -> memref<80xi32, #tpu.memory_space<vmem>>
            %dma_wait3A_140 = tpu.memref_slice %arg5[%multiple_of3A_118] : memref<320000xi32, #tpu.memory_space<hbm>> -> memref<80xi32, #tpu.memory_space<hbm>>
            %dma_wait3A_141 = arith.constant 0 : i32
            %dma_wait3A_142 = tpu.memref_slice %arg10[%run_scoped3A_120, %dma_wait3A_141] : memref<2x80xi32, #tpu.memory_space<vmem>> -> memref<1x80xi32, #tpu.memory_space<vmem>>
            %dma_wait3A_143 = tpu.memref_squeeze %dma_wait3A_142 : memref<1x80xi32, #tpu.memory_space<vmem>> -> memref<80xi32, #tpu.memory_space<vmem>>
            %dma_wait3A_144 = tpu.memref_slice %arg5[%multiple_of3A_118] : memref<320000xi32, #tpu.memory_space<hbm>> -> memref<80xi32, #tpu.memory_space<hbm>>
            tpu.wait_dma2 semaphore(%run_scoped3A_128 : memref<!tpu.dma_semaphore, #tpu.memory_space<semaphore_mem>>) src(%dma_wait3A_144 : memref<80xi32, #tpu.memory_space<hbm>>) dst(%dma_wait3A_143 : memref<80xi32, #tpu.memory_space<vmem>>)
            tpu.yield
          }) : () -> ()
          %dma_start3A_121 = arith.constant 1 : i32
          %dma_start3A_122 = arith.constant 0 : i32
          %dma_start3A_123 = tpu.memref_slice %arg9[%dma_start3A_121, %dma_start3A_122] : memref<2x80xi32, #tpu.memory_space<vmem>> -> memref<1x80xi32, #tpu.memory_space<vmem>>
          %dma_start3A_124 = tpu.memref_squeeze %dma_start3A_123 : memref<1x80xi32, #tpu.memory_space<vmem>> -> memref<80xi32, #tpu.memory_space<vmem>>
          %dma_start3A_125 = arith.constant 0 : i32
          %dma_start3A_126 = arith.constant 0 : i32
          %dma_start3A_127 = tpu.memref_slice %arg2[%dma_start3A_125, %dma_start3A_126] : memref<10000x128xf32, #tpu.memory_space<hbm>> -> memref<10000x128xf32, #tpu.memory_space<hbm>>
          tpu.enqueue_indirect_dma source(%dma_start3A_127 : memref<10000x128xf32, #tpu.memory_space<hbm>>) target(%arg12 : memref<80x128xf32, #tpu.memory_space<vmem>>) offsets(%dma_start3A_124 : memref<80xi32, #tpu.memory_space<vmem>>) semaphore(%arg15 : memref<!tpu.dma_semaphore, #tpu.memory_space<semaphore_mem>>)
        } else {
        }
        %dma_wait3A = arith.constant 0 : i32
        %dma_wait3A_73 = arith.constant 0 : i32
        %dma_wait3A_74 = tpu.memref_slice %arg9[%dma_wait3A, %dma_wait3A_73] : memref<2x80xi32, #tpu.memory_space<vmem>> -> memref<1x80xi32, #tpu.memory_space<vmem>>
        %dma_wait3A_75 = tpu.memref_squeeze %dma_wait3A_74 : memref<1x80xi32, #tpu.memory_space<vmem>> -> memref<80xi32, #tpu.memory_space<vmem>>
        %dma_wait3A_76 = arith.constant 0 : i32
        %dma_wait3A_77 = arith.constant 0 : i32
        %dma_wait3A_78 = tpu.memref_slice %arg2[%dma_wait3A_76, %dma_wait3A_77] : memref<10000x128xf32, #tpu.memory_space<hbm>> -> memref<10000x128xf32, #tpu.memory_space<hbm>>
        tpu.wait_indirect_dma semaphore(%arg14 : memref<!tpu.dma_semaphore, #tpu.memory_space<semaphore_mem>>) src(%dma_wait3A_78 : memref<10000x128xf32, #tpu.memory_space<hbm>>) dst(%arg11 : memref<80x128xf32, #tpu.memory_space<vmem>>)
        %run_scoped3A_79 = arith.constant 0 : i32
        "tpu.region"() ({
          %run_scoped3A_111 = tpu.sem_alloc : memref<!tpu.dma_semaphore, #tpu.memory_space<semaphore_mem>>
          %dma_start3A_112 = arith.constant 0 : i32
          %dma_start3A_113 = tpu.memref_slice %arg10[%run_scoped3A_79, %dma_start3A_112] : memref<2x80xi32, #tpu.memory_space<vmem>> -> memref<1x80xi32, #tpu.memory_space<vmem>>
          %dma_start3A_114 = tpu.memref_squeeze %dma_start3A_113 : memref<1x80xi32, #tpu.memory_space<vmem>> -> memref<80xi32, #tpu.memory_space<vmem>>
          %dma_start3A_115 = arith.constant 0 : i32
          %dma_start3A_116 = arith.constant 0 : i32
          %dma_start3A_117 = tpu.memref_slice %arg13[%dma_start3A_115, %dma_start3A_116] : memref<10240x128xf32, #tpu.memory_space<vmem_shared>> -> memref<10240x128xf32, #tpu.memory_space<vmem_shared>>
          tpu.enqueue_indirect_dma source(%arg11 : memref<80x128xf32, #tpu.memory_space<vmem>>) target(%dma_start3A_117 : memref<10240x128xf32, #tpu.memory_space<vmem_shared>>) offsets(%dma_start3A_114 : memref<80xi32, #tpu.memory_space<vmem>>) semaphore(%run_scoped3A_111 : memref<!tpu.dma_semaphore, #tpu.memory_space<semaphore_mem>>) {add = true}
          %dma_wait3A_118 = arith.constant 0 : i32
          %dma_wait3A_119 = tpu.memref_slice %arg10[%run_scoped3A_79, %dma_wait3A_118] : memref<2x80xi32, #tpu.memory_space<vmem>> -> memref<1x80xi32, #tpu.memory_space<vmem>>
          %dma_wait3A_120 = tpu.memref_squeeze %dma_wait3A_119 : memref<1x80xi32, #tpu.memory_space<vmem>> -> memref<80xi32, #tpu.memory_space<vmem>>
          %dma_wait3A_121 = arith.constant 0 : i32
          %dma_wait3A_122 = arith.constant 0 : i32
          %dma_wait3A_123 = tpu.memref_slice %arg13[%dma_wait3A_121, %dma_wait3A_122] : memref<10240x128xf32, #tpu.memory_space<vmem_shared>> -> memref<10240x128xf32, #tpu.memory_space<vmem_shared>>
          tpu.wait_indirect_dma semaphore(%run_scoped3A_111 : memref<!tpu.dma_semaphore, #tpu.memory_space<semaphore_mem>>) src(%arg11 : memref<80x128xf32, #tpu.memory_space<vmem>>) dst(%dma_wait3A_123 : memref<10240x128xf32, #tpu.memory_space<vmem_shared>>)
          tpu.yield
        }) : () -> ()
        %scan3A_80 = arith.constant 0 : i32
        %scan3A_81 = arith.constant 0 : i32
        %scan3A_82 = arith.constant 5 : i32
        %scan3A_83 = arith.addi %scan3A_81, %scan3A_82 : i32
        %scan3A_84 = arith.constant 1 : i32
        scf.for %scan3A_111 = %scan3A_81 to %scan3A_83 step %scan3A_84  : i32 {
          %mul3A_112 = arith.constant 16 : i32
          %mul3A_113 = arith.muli %scan3A_111, %mul3A_112 : i32
          %get3A = arith.constant 0 : i32
          %get3A_114 = arith.index_cast %get3A : i32 to index
          %get3A_115 = arith.index_cast %mul3A_113 : i32 to index
          %get3A_116 = tpu.vector_load %arg9[%get3A_114, %get3A_115] {strides = array<i32>} : memref<2x80xi32, #tpu.memory_space<vmem>>, vector<16xi32>,
          %mul3A_117 = arith.constant 16 : i32
          %mul3A_118 = arith.muli %scan3A_111, %mul3A_117 : i32
          %get3A_119 = arith.constant 0 : i32
          %get3A_120 = arith.index_cast %get3A_119 : i32 to index
          %get3A_121 = arith.index_cast %mul3A_118 : i32 to index
          %get3A_122 = tpu.vector_load %arg10[%get3A_120, %get3A_121] {strides = array<i32>} : memref<2x80xi32, #tpu.memory_space<vmem>>, vector<16xi32>,
          %gather3A = tpu.vector_load_idx %arg16[%get3A_116] : memref<10000xf32, #tpu.memory_space<vmem>>[vector<16xi32>], vector<16xf32>,
          %scan3A_123 = arith.constant 0 : i32
          %scan3A_124 = arith.constant 0 : i32
          %scan3A_125 = arith.constant 16 : i32
          %scan3A_126 = arith.addi %scan3A_124, %scan3A_125 : i32
          %scan3A_127 = arith.constant 1 : i32
          scf.for %scan3A_129 = %scan3A_124 to %scan3A_126 step %scan3A_127  : i32 {
            %eq3A_130 = vector.broadcast %scan3A_129 : i32 to vector<16xi32>
            %eq3A_131 = arith.cmpi eq, %iota3A, %eq3A_130 : vector<16xi32>
            tpu.vector_store_idx %arg17[%get3A_122], %gather3A masked %eq3A_131 {add = true} : memref<10000xf32, #tpu.memory_space<vmem>>[vector<16xi32>], vector<16xf32>, vector<16xi1>
          }
          %scan3A_128 = arith.constant 16 : i32
        }
        %scan3A_85 = arith.constant 5 : i32
        %mul3A_86 = arith.constant 2 : i32
        %mul3A_87 = arith.muli %mul3A_86, %scan3A_62 : i32
        %add3A_88 = arith.constant 1 : i32
        %add3A_89 = arith.addi %mul3A_87, %add3A_88 : i32
        %add3A_90 = arith.constant 1 : i32
        %add3A_91 = arith.addi %add3A_89, %add3A_90 : i32
        %lt3A_92 = arith.constant 250 : i32
        %lt3A_93 = arith.cmpi slt, %add3A_91, %lt3A_92 : i32
        %convert_element_type3A_94 = arith.extui %lt3A_93 : i1 to i32
        %cond3A_95 = arith.constant 0 : i32
        %cond3A_96 = arith.cmpi ne, %convert_element_type3A_94, %cond3A_95 : i32
        scf.if %cond3A_96 {
          %add3A_111 = arith.constant 1 : i32
          %add3A_112 = arith.addi %add3A_89, %add3A_111 : i32
          %mul3A_113 = arith.constant 16 : i32
          %mul3A_114 = arith.muli %mul3A_113, %add3A_112 : i32
          %add3A_115 = arith.addi %arg1, %mul3A_114 : i32
          %mul3A_116 = arith.constant 80 : i32
          %mul3A_117 = arith.muli %add3A_115, %mul3A_116 : i32
          %multiple_of3A_118 = tpu.assume_multiple %mul3A_117, 80 : i32
          %run_scoped3A_119 = arith.constant 0 : i32
          "tpu.region"() ({
            %run_scoped3A_128 = tpu.sem_alloc : memref<!tpu.dma_semaphore, #tpu.memory_space<semaphore_mem>>
            %dma_start3A_129 = arith.constant 0 : i32
            %dma_start3A_130 = tpu.memref_slice %arg9[%run_scoped3A_119, %dma_start3A_129] : memref<2x80xi32, #tpu.memory_space<vmem>> -> memref<1x80xi32, #tpu.memory_space<vmem>>
            %dma_start3A_131 = tpu.memref_squeeze %dma_start3A_130 : memref<1x80xi32, #tpu.memory_space<vmem>> -> memref<80xi32, #tpu.memory_space<vmem>>
            %dma_start3A_132 = tpu.memref_slice %arg6[%multiple_of3A_118] : memref<320000xi32, #tpu.memory_space<hbm>> -> memref<80xi32, #tpu.memory_space<hbm>>
            %dma_start3A_133 = arith.constant 0 : i32
            %dma_start3A_134 = tpu.memref_slice %arg9[%run_scoped3A_119, %dma_start3A_133] : memref<2x80xi32, #tpu.memory_space<vmem>> -> memref<1x80xi32, #tpu.memory_space<vmem>>
            %dma_start3A_135 = tpu.memref_squeeze %dma_start3A_134 : memref<1x80xi32, #tpu.memory_space<vmem>> -> memref<80xi32, #tpu.memory_space<vmem>>
            %dma_start3A_136 = tpu.memref_slice %arg6[%multiple_of3A_118] : memref<320000xi32, #tpu.memory_space<hbm>> -> memref<80xi32, #tpu.memory_space<hbm>>
            tpu.enqueue_dma source(%dma_start3A_136 : memref<80xi32, #tpu.memory_space<hbm>>) target(%dma_start3A_135 : memref<80xi32, #tpu.memory_space<vmem>>) target_semaphore(%run_scoped3A_128 : memref<!tpu.dma_semaphore, #tpu.memory_space<semaphore_mem>>)
            %dma_wait3A_137 = arith.constant 0 : i32
            %dma_wait3A_138 = tpu.memref_slice %arg9[%run_scoped3A_119, %dma_wait3A_137] : memref<2x80xi32, #tpu.memory_space<vmem>> -> memref<1x80xi32, #tpu.memory_space<vmem>>
            %dma_wait3A_139 = tpu.memref_squeeze %dma_wait3A_138 : memref<1x80xi32, #tpu.memory_space<vmem>> -> memref<80xi32, #tpu.memory_space<vmem>>
            %dma_wait3A_140 = tpu.memref_slice %arg6[%multiple_of3A_118] : memref<320000xi32, #tpu.memory_space<hbm>> -> memref<80xi32, #tpu.memory_space<hbm>>
            %dma_wait3A_141 = arith.constant 0 : i32
            %dma_wait3A_142 = tpu.memref_slice %arg9[%run_scoped3A_119, %dma_wait3A_141] : memref<2x80xi32, #tpu.memory_space<vmem>> -> memref<1x80xi32, #tpu.memory_space<vmem>>
            %dma_wait3A_143 = tpu.memref_squeeze %dma_wait3A_142 : memref<1x80xi32, #tpu.memory_space<vmem>> -> memref<80xi32, #tpu.memory_space<vmem>>
            %dma_wait3A_144 = tpu.memref_slice %arg6[%multiple_of3A_118] : memref<320000xi32, #tpu.memory_space<hbm>> -> memref<80xi32, #tpu.memory_space<hbm>>
            tpu.wait_dma2 semaphore(%run_scoped3A_128 : memref<!tpu.dma_semaphore, #tpu.memory_space<semaphore_mem>>) src(%dma_wait3A_144 : memref<80xi32, #tpu.memory_space<hbm>>) dst(%dma_wait3A_143 : memref<80xi32, #tpu.memory_space<vmem>>)
            tpu.yield
          }) : () -> ()
          %run_scoped3A_120 = arith.constant 0 : i32
          "tpu.region"() ({
            %run_scoped3A_128 = tpu.sem_alloc : memref<!tpu.dma_semaphore, #tpu.memory_space<semaphore_mem>>
            %dma_start3A_129 = arith.constant 0 : i32
            %dma_start3A_130 = tpu.memref_slice %arg10[%run_scoped3A_120, %dma_start3A_129] : memref<2x80xi32, #tpu.memory_space<vmem>> -> memref<1x80xi32, #tpu.memory_space<vmem>>
            %dma_start3A_131 = tpu.memref_squeeze %dma_start3A_130 : memref<1x80xi32, #tpu.memory_space<vmem>> -> memref<80xi32, #tpu.memory_space<vmem>>
            %dma_start3A_132 = tpu.memref_slice %arg5[%multiple_of3A_118] : memref<320000xi32, #tpu.memory_space<hbm>> -> memref<80xi32, #tpu.memory_space<hbm>>
            %dma_start3A_133 = arith.constant 0 : i32
            %dma_start3A_134 = tpu.memref_slice %arg10[%run_scoped3A_120, %dma_start3A_133] : memref<2x80xi32, #tpu.memory_space<vmem>> -> memref<1x80xi32, #tpu.memory_space<vmem>>
            %dma_start3A_135 = tpu.memref_squeeze %dma_start3A_134 : memref<1x80xi32, #tpu.memory_space<vmem>> -> memref<80xi32, #tpu.memory_space<vmem>>
            %dma_start3A_136 = tpu.memref_slice %arg5[%multiple_of3A_118] : memref<320000xi32, #tpu.memory_space<hbm>> -> memref<80xi32, #tpu.memory_space<hbm>>
            tpu.enqueue_dma source(%dma_start3A_136 : memref<80xi32, #tpu.memory_space<hbm>>) target(%dma_start3A_135 : memref<80xi32, #tpu.memory_space<vmem>>) target_semaphore(%run_scoped3A_128 : memref<!tpu.dma_semaphore, #tpu.memory_space<semaphore_mem>>)
            %dma_wait3A_137 = arith.constant 0 : i32
            %dma_wait3A_138 = tpu.memref_slice %arg10[%run_scoped3A_120, %dma_wait3A_137] : memref<2x80xi32, #tpu.memory_space<vmem>> -> memref<1x80xi32, #tpu.memory_space<vmem>>
            %dma_wait3A_139 = tpu.memref_squeeze %dma_wait3A_138 : memref<1x80xi32, #tpu.memory_space<vmem>> -> memref<80xi32, #tpu.memory_space<vmem>>
            %dma_wait3A_140 = tpu.memref_slice %arg5[%multiple_of3A_118] : memref<320000xi32, #tpu.memory_space<hbm>> -> memref<80xi32, #tpu.memory_space<hbm>>
            %dma_wait3A_141 = arith.constant 0 : i32
            %dma_wait3A_142 = tpu.memref_slice %arg10[%run_scoped3A_120, %dma_wait3A_141] : memref<2x80xi32, #tpu.memory_space<vmem>> -> memref<1x80xi32, #tpu.memory_space<vmem>>
            %dma_wait3A_143 = tpu.memref_squeeze %dma_wait3A_142 : memref<1x80xi32, #tpu.memory_space<vmem>> -> memref<80xi32, #tpu.memory_space<vmem>>
            %dma_wait3A_144 = tpu.memref_slice %arg5[%multiple_of3A_118] : memref<320000xi32, #tpu.memory_space<hbm>> -> memref<80xi32, #tpu.memory_space<hbm>>
            tpu.wait_dma2 semaphore(%run_scoped3A_128 : memref<!tpu.dma_semaphore, #tpu.memory_space<semaphore_mem>>) src(%dma_wait3A_144 : memref<80xi32, #tpu.memory_space<hbm>>) dst(%dma_wait3A_143 : memref<80xi32, #tpu.memory_space<vmem>>)
            tpu.yield
          }) : () -> ()
          %dma_start3A_121 = arith.constant 0 : i32
          %dma_start3A_122 = arith.constant 0 : i32
          %dma_start3A_123 = tpu.memref_slice %arg9[%dma_start3A_121, %dma_start3A_122] : memref<2x80xi32, #tpu.memory_space<vmem>> -> memref<1x80xi32, #tpu.memory_space<vmem>>
          %dma_start3A_124 = tpu.memref_squeeze %dma_start3A_123 : memref<1x80xi32, #tpu.memory_space<vmem>> -> memref<80xi32, #tpu.memory_space<vmem>>
          %dma_start3A_125 = arith.constant 0 : i32
          %dma_start3A_126 = arith.constant 0 : i32
          %dma_start3A_127 = tpu.memref_slice %arg2[%dma_start3A_125, %dma_start3A_126] : memref<10000x128xf32, #tpu.memory_space<hbm>> -> memref<10000x128xf32, #tpu.memory_space<hbm>>
          tpu.enqueue_indirect_dma source(%dma_start3A_127 : memref<10000x128xf32, #tpu.memory_space<hbm>>) target(%arg11 : memref<80x128xf32, #tpu.memory_space<vmem>>) offsets(%dma_start3A_124 : memref<80xi32, #tpu.memory_space<vmem>>) semaphore(%arg14 : memref<!tpu.dma_semaphore, #tpu.memory_space<semaphore_mem>>)
        } else {
        }
        %dma_wait3A_97 = arith.constant 1 : i32
        %dma_wait3A_98 = arith.constant 0 : i32
        %dma_wait3A_99 = tpu.memref_slice %arg9[%dma_wait3A_97, %dma_wait3A_98] : memref<2x80xi32, #tpu.memory_space<vmem>> -> memref<1x80xi32, #tpu.memory_space<vmem>>
        %dma_wait3A_100 = tpu.memref_squeeze %dma_wait3A_99 : memref<1x80xi32, #tpu.memory_space<vmem>> -> memref<80xi32, #tpu.memory_space<vmem>>
        %dma_wait3A_101 = arith.constant 0 : i32
        %dma_wait3A_102 = arith.constant 0 : i32
        %dma_wait3A_103 = tpu.memref_slice %arg2[%dma_wait3A_101, %dma_wait3A_102] : memref<10000x128xf32, #tpu.memory_space<hbm>> -> memref<10000x128xf32, #tpu.memory_space<hbm>>
        tpu.wait_indirect_dma semaphore(%arg15 : memref<!tpu.dma_semaphore, #tpu.memory_space<semaphore_mem>>) src(%dma_wait3A_103 : memref<10000x128xf32, #tpu.memory_space<hbm>>) dst(%arg12 : memref<80x128xf32, #tpu.memory_space<vmem>>)
        %run_scoped3A_104 = arith.constant 1 : i32
        "tpu.region"() ({
          %run_scoped3A_111 = tpu.sem_alloc : memref<!tpu.dma_semaphore, #tpu.memory_space<semaphore_mem>>
          %dma_start3A_112 = arith.constant 0 : i32
          %dma_start3A_113 = tpu.memref_slice %arg10[%run_scoped3A_104, %dma_start3A_112] : memref<2x80xi32, #tpu.memory_space<vmem>> -> memref<1x80xi32, #tpu.memory_space<vmem>>
          %dma_start3A_114 = tpu.memref_squeeze %dma_start3A_113 : memref<1x80xi32, #tpu.memory_space<vmem>> -> memref<80xi32, #tpu.memory_space<vmem>>
          %dma_start3A_115 = arith.constant 0 : i32
          %dma_start3A_116 = arith.constant 0 : i32
          %dma_start3A_117 = tpu.memref_slice %arg13[%dma_start3A_115, %dma_start3A_116] : memref<10240x128xf32, #tpu.memory_space<vmem_shared>> -> memref<10240x128xf32, #tpu.memory_space<vmem_shared>>
          tpu.enqueue_indirect_dma source(%arg12 : memref<80x128xf32, #tpu.memory_space<vmem>>) target(%dma_start3A_117 : memref<10240x128xf32, #tpu.memory_space<vmem_shared>>) offsets(%dma_start3A_114 : memref<80xi32, #tpu.memory_space<vmem>>) semaphore(%run_scoped3A_111 : memref<!tpu.dma_semaphore, #tpu.memory_space<semaphore_mem>>) {add = true}
          %dma_wait3A_118 = arith.constant 0 : i32
          %dma_wait3A_119 = tpu.memref_slice %arg10[%run_scoped3A_104, %dma_wait3A_118] : memref<2x80xi32, #tpu.memory_space<vmem>> -> memref<1x80xi32, #tpu.memory_space<vmem>>
          %dma_wait3A_120 = tpu.memref_squeeze %dma_wait3A_119 : memref<1x80xi32, #tpu.memory_space<vmem>> -> memref<80xi32, #tpu.memory_space<vmem>>
          %dma_wait3A_121 = arith.constant 0 : i32
          %dma_wait3A_122 = arith.constant 0 : i32
          %dma_wait3A_123 = tpu.memref_slice %arg13[%dma_wait3A_121, %dma_wait3A_122] : memref<10240x128xf32, #tpu.memory_space<vmem_shared>> -> memref<10240x128xf32, #tpu.memory_space<vmem_shared>>
          tpu.wait_indirect_dma semaphore(%run_scoped3A_111 : memref<!tpu.dma_semaphore, #tpu.memory_space<semaphore_mem>>) src(%arg12 : memref<80x128xf32, #tpu.memory_space<vmem>>) dst(%dma_wait3A_123 : memref<10240x128xf32, #tpu.memory_space<vmem_shared>>)
          tpu.yield
        }) : () -> ()
        %scan3A_105 = arith.constant 0 : i32
        %scan3A_106 = arith.constant 0 : i32
        %scan3A_107 = arith.constant 5 : i32
        %scan3A_108 = arith.addi %scan3A_106, %scan3A_107 : i32
        %scan3A_109 = arith.constant 1 : i32
        scf.for %scan3A_111 = %scan3A_106 to %scan3A_108 step %scan3A_109  : i32 {
          %mul3A_112 = arith.constant 16 : i32
          %mul3A_113 = arith.muli %scan3A_111, %mul3A_112 : i32
          %get3A = arith.constant 1 : i32
          %get3A_114 = arith.index_cast %get3A : i32 to index
          %get3A_115 = arith.index_cast %mul3A_113 : i32 to index
          %get3A_116 = tpu.vector_load %arg9[%get3A_114, %get3A_115] {strides = array<i32>} : memref<2x80xi32, #tpu.memory_space<vmem>>, vector<16xi32>,
          %mul3A_117 = arith.constant 16 : i32
          %mul3A_118 = arith.muli %scan3A_111, %mul3A_117 : i32
          %get3A_119 = arith.constant 1 : i32
          %get3A_120 = arith.index_cast %get3A_119 : i32 to index
          %get3A_121 = arith.index_cast %mul3A_118 : i32 to index
          %get3A_122 = tpu.vector_load %arg10[%get3A_120, %get3A_121] {strides = array<i32>} : memref<2x80xi32, #tpu.memory_space<vmem>>, vector<16xi32>,
          %gather3A = tpu.vector_load_idx %arg16[%get3A_116] : memref<10000xf32, #tpu.memory_space<vmem>>[vector<16xi32>], vector<16xf32>,
          %scan3A_123 = arith.constant 0 : i32
          %scan3A_124 = arith.constant 0 : i32
          %scan3A_125 = arith.constant 16 : i32
          %scan3A_126 = arith.addi %scan3A_124, %scan3A_125 : i32
          %scan3A_127 = arith.constant 1 : i32
          scf.for %scan3A_129 = %scan3A_124 to %scan3A_126 step %scan3A_127  : i32 {
            %eq3A_130 = vector.broadcast %scan3A_129 : i32 to vector<16xi32>
            %eq3A_131 = arith.cmpi eq, %iota3A, %eq3A_130 : vector<16xi32>
            tpu.vector_store_idx %arg17[%get3A_122], %gather3A masked %eq3A_131 {add = true} : memref<10000xf32, #tpu.memory_space<vmem>>[vector<16xi32>], vector<16xf32>, vector<16xi1>
          }
          %scan3A_128 = arith.constant 16 : i32
        }
        %scan3A_110 = arith.constant 5 : i32
      }
      %scan3A_61 = arith.constant 125 : i32
    } else {
    }
    %barrier3A_29 = arith.constant 0 : index
    tpu.barrier barrier_id(%barrier3A_29)
    %add3A_30 = arith.constant 0 : i32
    %add3A_31 = arith.addi %mul3A_6, %add3A_30 : i32
    "tpu.region"() ({
      %run_scoped3A = tpu.sem_alloc : memref<!tpu.dma_semaphore, #tpu.memory_space<semaphore_mem>>
      %dma_start3A = arith.constant 0 : i32
      %dma_start3A_45 = arith.constant 0 : i32
      %dma_start3A_46 = tpu.memref_slice %arg11[%dma_start3A, %dma_start3A_45] : memref<80x128xf32, #tpu.memory_space<vmem>> -> memref<128x128xf32, #tpu.memory_space<vmem>>
      %dma_start3A_47 = arith.constant 0 : i32
      %dma_start3A_48 = tpu.memref_slice %arg13[%add3A_31, %dma_start3A_47] : memref<10240x128xf32, #tpu.memory_space<vmem_shared>> -> memref<128x128xf32, #tpu.memory_space<vmem_shared>>
      %dma_start3A_49 = arith.constant 0 : i32
      %dma_start3A_50 = arith.constant 0 : i32
      %dma_start3A_51 = tpu.memref_slice %arg11[%dma_start3A_49, %dma_start3A_50] : memref<80x128xf32, #tpu.memory_space<vmem>> -> memref<128x128xf32, #tpu.memory_space<vmem>>
      %dma_start3A_52 = arith.constant 0 : i32
      %dma_start3A_53 = tpu.memref_slice %arg13[%add3A_31, %dma_start3A_52] : memref<10240x128xf32, #tpu.memory_space<vmem_shared>> -> memref<128x128xf32, #tpu.memory_space<vmem_shared>>
      tpu.enqueue_dma source(%dma_start3A_53 : memref<128x128xf32, #tpu.memory_space<vmem_shared>>) target(%dma_start3A_51 : memref<128x128xf32, #tpu.memory_space<vmem>>) target_semaphore(%run_scoped3A : memref<!tpu.dma_semaphore, #tpu.memory_space<semaphore_mem>>)
      %dma_wait3A = arith.constant 0 : i32
      %dma_wait3A_54 = arith.constant 0 : i32
      %dma_wait3A_55 = tpu.memref_slice %arg11[%dma_wait3A, %dma_wait3A_54] : memref<80x128xf32, #tpu.memory_space<vmem>> -> memref<128x128xf32, #tpu.memory_space<vmem>>
      %dma_wait3A_56 = arith.constant 0 : i32
      %dma_wait3A_57 = tpu.memref_slice %arg13[%add3A_31, %dma_wait3A_56] : memref<10240x128xf32, #tpu.memory_space<vmem_shared>> -> memref<128x128xf32, #tpu.memory_space<vmem_shared>>
      %dma_wait3A_58 = arith.constant 0 : i32
      %dma_wait3A_59 = arith.constant 0 : i32
      %dma_wait3A_60 = tpu.memref_slice %arg11[%dma_wait3A_58, %dma_wait3A_59] : memref<80x128xf32, #tpu.memory_space<vmem>> -> memref<128x128xf32, #tpu.memory_space<vmem>>
      %dma_wait3A_61 = arith.constant 0 : i32
      %dma_wait3A_62 = tpu.memref_slice %arg13[%add3A_31, %dma_wait3A_61] : memref<10240x128xf32, #tpu.memory_space<vmem_shared>> -> memref<128x128xf32, #tpu.memory_space<vmem_shared>>
      tpu.wait_dma2 semaphore(%run_scoped3A : memref<!tpu.dma_semaphore, #tpu.memory_space<semaphore_mem>>) src(%dma_wait3A_62 : memref<128x128xf32, #tpu.memory_space<vmem_shared>>) dst(%dma_wait3A_60 : memref<128x128xf32, #tpu.memory_space<vmem>>)
      tpu.yield
    }) : () -> ()
    "tpu.region"() ({
      %run_scoped3A = tpu.sem_alloc : memref<!tpu.dma_semaphore, #tpu.memory_space<semaphore_mem>>
      %dma_start3A = arith.constant 0 : i32
      %dma_start3A_45 = arith.constant 0 : i32
      %dma_start3A_46 = tpu.memref_slice %arg11[%dma_start3A, %dma_start3A_45] : memref<80x128xf32, #tpu.memory_space<vmem>> -> memref<128x128xf32, #tpu.memory_space<vmem>>
      %dma_start3A_47 = arith.constant 0 : i32
      %dma_start3A_48 = arith.constant 0 : i32
      %dma_start3A_49 = tpu.memref_slice %arg7[%arg0, %dma_start3A_47, %dma_start3A_48] : memref<2x10240x128xf32, #tpu.memory_space<hbm>> -> memref<1x10240x128xf32, #tpu.memory_space<hbm>>
      %dma_start3A_50 = tpu.memref_squeeze %dma_start3A_49 : memref<1x10240x128xf32, #tpu.memory_space<hbm>> -> memref<10240x128xf32, #tpu.memory_space<hbm>>
      %dma_start3A_51 = arith.constant 0 : i32
      %dma_start3A_52 = tpu.memref_slice %dma_start3A_50[%add3A_31, %dma_start3A_51] : memref<10240x128xf32, #tpu.memory_space<hbm>> -> memref<128x128xf32, #tpu.memory_space<hbm>>
      %dma_start3A_53 = arith.constant 0 : i32
      %dma_start3A_54 = arith.constant 0 : i32
      %dma_start3A_55 = tpu.memref_slice %arg7[%arg0, %dma_start3A_53, %dma_start3A_54] : memref<2x10240x128xf32, #tpu.memory_space<hbm>> -> memref<1x10240x128xf32, #tpu.memory_space<hbm>>
      %dma_start3A_56 = tpu.memref_squeeze %dma_start3A_55 : memref<1x10240x128xf32, #tpu.memory_space<hbm>> -> memref<10240x128xf32, #tpu.memory_space<hbm>>
      %dma_start3A_57 = arith.constant 0 : i32
      %dma_start3A_58 = tpu.memref_slice %dma_start3A_56[%add3A_31, %dma_start3A_57] : memref<10240x128xf32, #tpu.memory_space<hbm>> -> memref<128x128xf32, #tpu.memory_space<hbm>>
      %dma_start3A_59 = arith.constant 0 : i32
      %dma_start3A_60 = arith.constant 0 : i32
      %dma_start3A_61 = tpu.memref_slice %arg11[%dma_start3A_59, %dma_start3A_60] : memref<80x128xf32, #tpu.memory_space<vmem>> -> memref<128x128xf32, #tpu.memory_space<vmem>>
      tpu.enqueue_dma source(%dma_start3A_61 : memref<128x128xf32, #tpu.memory_space<vmem>>) target(%dma_start3A_58 : memref<128x128xf32, #tpu.memory_space<hbm>>) target_semaphore(%run_scoped3A : memref<!tpu.dma_semaphore, #tpu.memory_space<semaphore_mem>>)
      %dma_wait3A = arith.constant 0 : i32
      %dma_wait3A_62 = arith.constant 0 : i32
      %dma_wait3A_63 = tpu.memref_slice %arg11[%dma_wait3A, %dma_wait3A_62] : memref<80x128xf32, #tpu.memory_space<vmem>> -> memref<128x128xf32, #tpu.memory_space<vmem>>
      %dma_wait3A_64 = arith.constant 0 : i32
      %dma_wait3A_65 = arith.constant 0 : i32
      %dma_wait3A_66 = tpu.memref_slice %arg7[%arg0, %dma_wait3A_64, %dma_wait3A_65] : memref<2x10240x128xf32, #tpu.memory_space<hbm>> -> memref<1x10240x128xf32, #tpu.memory_space<hbm>>
      %dma_wait3A_67 = tpu.memref_squeeze %dma_wait3A_66 : memref<1x10240x128xf32, #tpu.memory_space<hbm>> -> memref<10240x128xf32, #tpu.memory_space<hbm>>
      %dma_wait3A_68 = arith.constant 0 : i32
      %dma_wait3A_69 = tpu.memref_slice %dma_wait3A_67[%add3A_31, %dma_wait3A_68] : memref<10240x128xf32, #tpu.memory_space<hbm>> -> memref<128x128xf32, #tpu.memory_space<hbm>>
      %dma_wait3A_70 = arith.constant 0 : i32
      %dma_wait3A_71 = arith.constant 0 : i32
      %dma_wait3A_72 = tpu.memref_slice %arg7[%arg0, %dma_wait3A_70, %dma_wait3A_71] : memref<2x10240x128xf32, #tpu.memory_space<hbm>> -> memref<1x10240x128xf32, #tpu.memory_space<hbm>>
      %dma_wait3A_73 = tpu.memref_squeeze %dma_wait3A_72 : memref<1x10240x128xf32, #tpu.memory_space<hbm>> -> memref<10240x128xf32, #tpu.memory_space<hbm>>
      %dma_wait3A_74 = arith.constant 0 : i32
      %dma_wait3A_75 = tpu.memref_slice %dma_wait3A_73[%add3A_31, %dma_wait3A_74] : memref<10240x128xf32, #tpu.memory_space<hbm>> -> memref<128x128xf32, #tpu.memory_space<hbm>>
      %dma_wait3A_76 = arith.constant 0 : i32
      %dma_wait3A_77 = arith.constant 0 : i32
      %dma_wait3A_78 = tpu.memref_slice %arg11[%dma_wait3A_76, %dma_wait3A_77] : memref<80x128xf32, #tpu.memory_space<vmem>> -> memref<128x128xf32, #tpu.memory_space<vmem>>
      tpu.wait_dma2 semaphore(%run_scoped3A : memref<!tpu.dma_semaphore, #tpu.memory_space<semaphore_mem>>) src(%dma_wait3A_78 : memref<128x128xf32, #tpu.memory_space<vmem>>) dst(%dma_wait3A_75 : memref<128x128xf32, #tpu.memory_space<hbm>>)
      tpu.yield
    }) : () -> ()
    %add3A_32 = arith.constant 128 : i32
    %add3A_33 = arith.addi %mul3A_6, %add3A_32 : i32
    "tpu.region"() ({
      %run_scoped3A = tpu.sem_alloc : memref<!tpu.dma_semaphore, #tpu.memory_space<semaphore_mem>>
      %dma_start3A = arith.constant 0 : i32
      %dma_start3A_45 = arith.constant 0 : i32
      %dma_start3A_46 = tpu.memref_slice %arg11[%dma_start3A, %dma_start3A_45] : memref<80x128xf32, #tpu.memory_space<vmem>> -> memref<128x128xf32, #tpu.memory_space<vmem>>
      %dma_start3A_47 = arith.constant 0 : i32
      %dma_start3A_48 = tpu.memref_slice %arg13[%add3A_33, %dma_start3A_47] : memref<10240x128xf32, #tpu.memory_space<vmem_shared>> -> memref<128x128xf32, #tpu.memory_space<vmem_shared>>
      %dma_start3A_49 = arith.constant 0 : i32
      %dma_start3A_50 = arith.constant 0 : i32
      %dma_start3A_51 = tpu.memref_slice %arg11[%dma_start3A_49, %dma_start3A_50] : memref<80x128xf32, #tpu.memory_space<vmem>> -> memref<128x128xf32, #tpu.memory_space<vmem>>
      %dma_start3A_52 = arith.constant 0 : i32
      %dma_start3A_53 = tpu.memref_slice %arg13[%add3A_33, %dma_start3A_52] : memref<10240x128xf32, #tpu.memory_space<vmem_shared>> -> memref<128x128xf32, #tpu.memory_space<vmem_shared>>
      tpu.enqueue_dma source(%dma_start3A_53 : memref<128x128xf32, #tpu.memory_space<vmem_shared>>) target(%dma_start3A_51 : memref<128x128xf32, #tpu.memory_space<vmem>>) target_semaphore(%run_scoped3A : memref<!tpu.dma_semaphore, #tpu.memory_space<semaphore_mem>>)
      %dma_wait3A = arith.constant 0 : i32
      %dma_wait3A_54 = arith.constant 0 : i32
      %dma_wait3A_55 = tpu.memref_slice %arg11[%dma_wait3A, %dma_wait3A_54] : memref<80x128xf32, #tpu.memory_space<vmem>> -> memref<128x128xf32, #tpu.memory_space<vmem>>
      %dma_wait3A_56 = arith.constant 0 : i32
      %dma_wait3A_57 = tpu.memref_slice %arg13[%add3A_33, %dma_wait3A_56] : memref<10240x128xf32, #tpu.memory_space<vmem_shared>> -> memref<128x128xf32, #tpu.memory_space<vmem_shared>>
      %dma_wait3A_58 = arith.constant 0 : i32
      %dma_wait3A_59 = arith.constant 0 : i32
      %dma_wait3A_60 = tpu.memref_slice %arg11[%dma_wait3A_58, %dma_wait3A_59] : memref<80x128xf32, #tpu.memory_space<vmem>> -> memref<128x128xf32, #tpu.memory_space<vmem>>
      %dma_wait3A_61 = arith.constant 0 : i32
      %dma_wait3A_62 = tpu.memref_slice %arg13[%add3A_33, %dma_wait3A_61] : memref<10240x128xf32, #tpu.memory_space<vmem_shared>> -> memref<128x128xf32, #tpu.memory_space<vmem_shared>>
      tpu.wait_dma2 semaphore(%run_scoped3A : memref<!tpu.dma_semaphore, #tpu.memory_space<semaphore_mem>>) src(%dma_wait3A_62 : memref<128x128xf32, #tpu.memory_space<vmem_shared>>) dst(%dma_wait3A_60 : memref<128x128xf32, #tpu.memory_space<vmem>>)
      tpu.yield
    }) : () -> ()
    "tpu.region"() ({
      %run_scoped3A = tpu.sem_alloc : memref<!tpu.dma_semaphore, #tpu.memory_space<semaphore_mem>>
      %dma_start3A = arith.constant 0 : i32
      %dma_start3A_45 = arith.constant 0 : i32
      %dma_start3A_46 = tpu.memref_slice %arg11[%dma_start3A, %dma_start3A_45] : memref<80x128xf32, #tpu.memory_space<vmem>> -> memref<128x128xf32, #tpu.memory_space<vmem>>
      %dma_start3A_47 = arith.constant 0 : i32
      %dma_start3A_48 = arith.constant 0 : i32
      %dma_start3A_49 = tpu.memref_slice %arg7[%arg0, %dma_start3A_47, %dma_start3A_48] : memref<2x10240x128xf32, #tpu.memory_space<hbm>> -> memref<1x10240x128xf32, #tpu.memory_space<hbm>>
      %dma_start3A_50 = tpu.memref_squeeze %dma_start3A_49 : memref<1x10240x128xf32, #tpu.memory_space<hbm>> -> memref<10240x128xf32, #tpu.memory_space<hbm>>
      %dma_start3A_51 = arith.constant 0 : i32
      %dma_start3A_52 = tpu.memref_slice %dma_start3A_50[%add3A_33, %dma_start3A_51] : memref<10240x128xf32, #tpu.memory_space<hbm>> -> memref<128x128xf32, #tpu.memory_space<hbm>>
      %dma_start3A_53 = arith.constant 0 : i32
      %dma_start3A_54 = arith.constant 0 : i32
      %dma_start3A_55 = tpu.memref_slice %arg7[%arg0, %dma_start3A_53, %dma_start3A_54] : memref<2x10240x128xf32, #tpu.memory_space<hbm>> -> memref<1x10240x128xf32, #tpu.memory_space<hbm>>
      %dma_start3A_56 = tpu.memref_squeeze %dma_start3A_55 : memref<1x10240x128xf32, #tpu.memory_space<hbm>> -> memref<10240x128xf32, #tpu.memory_space<hbm>>
      %dma_start3A_57 = arith.constant 0 : i32
      %dma_start3A_58 = tpu.memref_slice %dma_start3A_56[%add3A_33, %dma_start3A_57] : memref<10240x128xf32, #tpu.memory_space<hbm>> -> memref<128x128xf32, #tpu.memory_space<hbm>>
      %dma_start3A_59 = arith.constant 0 : i32
      %dma_start3A_60 = arith.constant 0 : i32
      %dma_start3A_61 = tpu.memref_slice %arg11[%dma_start3A_59, %dma_start3A_60] : memref<80x128xf32, #tpu.memory_space<vmem>> -> memref<128x128xf32, #tpu.memory_space<vmem>>
      tpu.enqueue_dma source(%dma_start3A_61 : memref<128x128xf32, #tpu.memory_space<vmem>>) target(%dma_start3A_58 : memref<128x128xf32, #tpu.memory_space<hbm>>) target_semaphore(%run_scoped3A : memref<!tpu.dma_semaphore, #tpu.memory_space<semaphore_mem>>)
      %dma_wait3A = arith.constant 0 : i32
      %dma_wait3A_62 = arith.constant 0 : i32
      %dma_wait3A_63 = tpu.memref_slice %arg11[%dma_wait3A, %dma_wait3A_62] : memref<80x128xf32, #tpu.memory_space<vmem>> -> memref<128x128xf32, #tpu.memory_space<vmem>>
      %dma_wait3A_64 = arith.constant 0 : i32
      %dma_wait3A_65 = arith.constant 0 : i32
      %dma_wait3A_66 = tpu.memref_slice %arg7[%arg0, %dma_wait3A_64, %dma_wait3A_65] : memref<2x10240x128xf32, #tpu.memory_space<hbm>> -> memref<1x10240x128xf32, #tpu.memory_space<hbm>>
      %dma_wait3A_67 = tpu.memref_squeeze %dma_wait3A_66 : memref<1x10240x128xf32, #tpu.memory_space<hbm>> -> memref<10240x128xf32, #tpu.memory_space<hbm>>
      %dma_wait3A_68 = arith.constant 0 : i32
      %dma_wait3A_69 = tpu.memref_slice %dma_wait3A_67[%add3A_33, %dma_wait3A_68] : memref<10240x128xf32, #tpu.memory_space<hbm>> -> memref<128x128xf32, #tpu.memory_space<hbm>>
      %dma_wait3A_70 = arith.constant 0 : i32
      %dma_wait3A_71 = arith.constant 0 : i32
      %dma_wait3A_72 = tpu.memref_slice %arg7[%arg0, %dma_wait3A_70, %dma_wait3A_71] : memref<2x10240x128xf32, #tpu.memory_space<hbm>> -> memref<1x10240x128xf32, #tpu.memory_space<hbm>>
      %dma_wait3A_73 = tpu.memref_squeeze %dma_wait3A_72 : memref<1x10240x128xf32, #tpu.memory_space<hbm>> -> memref<10240x128xf32, #tpu.memory_space<hbm>>
      %dma_wait3A_74 = arith.constant 0 : i32
      %dma_wait3A_75 = tpu.memref_slice %dma_wait3A_73[%add3A_33, %dma_wait3A_74] : memref<10240x128xf32, #tpu.memory_space<hbm>> -> memref<128x128xf32, #tpu.memory_space<hbm>>
      %dma_wait3A_76 = arith.constant 0 : i32
      %dma_wait3A_77 = arith.constant 0 : i32
      %dma_wait3A_78 = tpu.memref_slice %arg11[%dma_wait3A_76, %dma_wait3A_77] : memref<80x128xf32, #tpu.memory_space<vmem>> -> memref<128x128xf32, #tpu.memory_space<vmem>>
      tpu.wait_dma2 semaphore(%run_scoped3A : memref<!tpu.dma_semaphore, #tpu.memory_space<semaphore_mem>>) src(%dma_wait3A_78 : memref<128x128xf32, #tpu.memory_space<vmem>>) dst(%dma_wait3A_75 : memref<128x128xf32, #tpu.memory_space<hbm>>)
      tpu.yield
    }) : () -> ()
    %add3A_34 = arith.constant 256 : i32
    %add3A_35 = arith.addi %mul3A_6, %add3A_34 : i32
    "tpu.region"() ({
      %run_scoped3A = tpu.sem_alloc : memref<!tpu.dma_semaphore, #tpu.memory_space<semaphore_mem>>
      %dma_start3A = arith.constant 0 : i32
      %dma_start3A_45 = arith.constant 0 : i32
      %dma_start3A_46 = tpu.memref_slice %arg11[%dma_start3A, %dma_start3A_45] : memref<80x128xf32, #tpu.memory_space<vmem>> -> memref<128x128xf32, #tpu.memory_space<vmem>>
      %dma_start3A_47 = arith.constant 0 : i32
      %dma_start3A_48 = tpu.memref_slice %arg13[%add3A_35, %dma_start3A_47] : memref<10240x128xf32, #tpu.memory_space<vmem_shared>> -> memref<128x128xf32, #tpu.memory_space<vmem_shared>>
      %dma_start3A_49 = arith.constant 0 : i32
      %dma_start3A_50 = arith.constant 0 : i32
      %dma_start3A_51 = tpu.memref_slice %arg11[%dma_start3A_49, %dma_start3A_50] : memref<80x128xf32, #tpu.memory_space<vmem>> -> memref<128x128xf32, #tpu.memory_space<vmem>>
      %dma_start3A_52 = arith.constant 0 : i32
      %dma_start3A_53 = tpu.memref_slice %arg13[%add3A_35, %dma_start3A_52] : memref<10240x128xf32, #tpu.memory_space<vmem_shared>> -> memref<128x128xf32, #tpu.memory_space<vmem_shared>>
      tpu.enqueue_dma source(%dma_start3A_53 : memref<128x128xf32, #tpu.memory_space<vmem_shared>>) target(%dma_start3A_51 : memref<128x128xf32, #tpu.memory_space<vmem>>) target_semaphore(%run_scoped3A : memref<!tpu.dma_semaphore, #tpu.memory_space<semaphore_mem>>)
      %dma_wait3A = arith.constant 0 : i32
      %dma_wait3A_54 = arith.constant 0 : i32
      %dma_wait3A_55 = tpu.memref_slice %arg11[%dma_wait3A, %dma_wait3A_54] : memref<80x128xf32, #tpu.memory_space<vmem>> -> memref<128x128xf32, #tpu.memory_space<vmem>>
      %dma_wait3A_56 = arith.constant 0 : i32
      %dma_wait3A_57 = tpu.memref_slice %arg13[%add3A_35, %dma_wait3A_56] : memref<10240x128xf32, #tpu.memory_space<vmem_shared>> -> memref<128x128xf32, #tpu.memory_space<vmem_shared>>
      %dma_wait3A_58 = arith.constant 0 : i32
      %dma_wait3A_59 = arith.constant 0 : i32
      %dma_wait3A_60 = tpu.memref_slice %arg11[%dma_wait3A_58, %dma_wait3A_59] : memref<80x128xf32, #tpu.memory_space<vmem>> -> memref<128x128xf32, #tpu.memory_space<vmem>>
      %dma_wait3A_61 = arith.constant 0 : i32
      %dma_wait3A_62 = tpu.memref_slice %arg13[%add3A_35, %dma_wait3A_61] : memref<10240x128xf32, #tpu.memory_space<vmem_shared>> -> memref<128x128xf32, #tpu.memory_space<vmem_shared>>
      tpu.wait_dma2 semaphore(%run_scoped3A : memref<!tpu.dma_semaphore, #tpu.memory_space<semaphore_mem>>) src(%dma_wait3A_62 : memref<128x128xf32, #tpu.memory_space<vmem_shared>>) dst(%dma_wait3A_60 : memref<128x128xf32, #tpu.memory_space<vmem>>)
      tpu.yield
    }) : () -> ()
    "tpu.region"() ({
      %run_scoped3A = tpu.sem_alloc : memref<!tpu.dma_semaphore, #tpu.memory_space<semaphore_mem>>
      %dma_start3A = arith.constant 0 : i32
      %dma_start3A_45 = arith.constant 0 : i32
      %dma_start3A_46 = tpu.memref_slice %arg11[%dma_start3A, %dma_start3A_45] : memref<80x128xf32, #tpu.memory_space<vmem>> -> memref<128x128xf32, #tpu.memory_space<vmem>>
      %dma_start3A_47 = arith.constant 0 : i32
      %dma_start3A_48 = arith.constant 0 : i32
      %dma_start3A_49 = tpu.memref_slice %arg7[%arg0, %dma_start3A_47, %dma_start3A_48] : memref<2x10240x128xf32, #tpu.memory_space<hbm>> -> memref<1x10240x128xf32, #tpu.memory_space<hbm>>
      %dma_start3A_50 = tpu.memref_squeeze %dma_start3A_49 : memref<1x10240x128xf32, #tpu.memory_space<hbm>> -> memref<10240x128xf32, #tpu.memory_space<hbm>>
      %dma_start3A_51 = arith.constant 0 : i32
      %dma_start3A_52 = tpu.memref_slice %dma_start3A_50[%add3A_35, %dma_start3A_51] : memref<10240x128xf32, #tpu.memory_space<hbm>> -> memref<128x128xf32, #tpu.memory_space<hbm>>
      %dma_start3A_53 = arith.constant 0 : i32
      %dma_start3A_54 = arith.constant 0 : i32
      %dma_start3A_55 = tpu.memref_slice %arg7[%arg0, %dma_start3A_53, %dma_start3A_54] : memref<2x10240x128xf32, #tpu.memory_space<hbm>> -> memref<1x10240x128xf32, #tpu.memory_space<hbm>>
      %dma_start3A_56 = tpu.memref_squeeze %dma_start3A_55 : memref<1x10240x128xf32, #tpu.memory_space<hbm>> -> memref<10240x128xf32, #tpu.memory_space<hbm>>
      %dma_start3A_57 = arith.constant 0 : i32
      %dma_start3A_58 = tpu.memref_slice %dma_start3A_56[%add3A_35, %dma_start3A_57] : memref<10240x128xf32, #tpu.memory_space<hbm>> -> memref<128x128xf32, #tpu.memory_space<hbm>>
      %dma_start3A_59 = arith.constant 0 : i32
      %dma_start3A_60 = arith.constant 0 : i32
      %dma_start3A_61 = tpu.memref_slice %arg11[%dma_start3A_59, %dma_start3A_60] : memref<80x128xf32, #tpu.memory_space<vmem>> -> memref<128x128xf32, #tpu.memory_space<vmem>>
      tpu.enqueue_dma source(%dma_start3A_61 : memref<128x128xf32, #tpu.memory_space<vmem>>) target(%dma_start3A_58 : memref<128x128xf32, #tpu.memory_space<hbm>>) target_semaphore(%run_scoped3A : memref<!tpu.dma_semaphore, #tpu.memory_space<semaphore_mem>>)
      %dma_wait3A = arith.constant 0 : i32
      %dma_wait3A_62 = arith.constant 0 : i32
      %dma_wait3A_63 = tpu.memref_slice %arg11[%dma_wait3A, %dma_wait3A_62] : memref<80x128xf32, #tpu.memory_space<vmem>> -> memref<128x128xf32, #tpu.memory_space<vmem>>
      %dma_wait3A_64 = arith.constant 0 : i32
      %dma_wait3A_65 = arith.constant 0 : i32
      %dma_wait3A_66 = tpu.memref_slice %arg7[%arg0, %dma_wait3A_64, %dma_wait3A_65] : memref<2x10240x128xf32, #tpu.memory_space<hbm>> -> memref<1x10240x128xf32, #tpu.memory_space<hbm>>
      %dma_wait3A_67 = tpu.memref_squeeze %dma_wait3A_66 : memref<1x10240x128xf32, #tpu.memory_space<hbm>> -> memref<10240x128xf32, #tpu.memory_space<hbm>>
      %dma_wait3A_68 = arith.constant 0 : i32
      %dma_wait3A_69 = tpu.memref_slice %dma_wait3A_67[%add3A_35, %dma_wait3A_68] : memref<10240x128xf32, #tpu.memory_space<hbm>> -> memref<128x128xf32, #tpu.memory_space<hbm>>
      %dma_wait3A_70 = arith.constant 0 : i32
      %dma_wait3A_71 = arith.constant 0 : i32
      %dma_wait3A_72 = tpu.memref_slice %arg7[%arg0, %dma_wait3A_70, %dma_wait3A_71] : memref<2x10240x128xf32, #tpu.memory_space<hbm>> -> memref<1x10240x128xf32, #tpu.memory_space<hbm>>
      %dma_wait3A_73 = tpu.memref_squeeze %dma_wait3A_72 : memref<1x10240x128xf32, #tpu.memory_space<hbm>> -> memref<10240x128xf32, #tpu.memory_space<hbm>>
      %dma_wait3A_74 = arith.constant 0 : i32
      %dma_wait3A_75 = tpu.memref_slice %dma_wait3A_73[%add3A_35, %dma_wait3A_74] : memref<10240x128xf32, #tpu.memory_space<hbm>> -> memref<128x128xf32, #tpu.memory_space<hbm>>
      %dma_wait3A_76 = arith.constant 0 : i32
      %dma_wait3A_77 = arith.constant 0 : i32
      %dma_wait3A_78 = tpu.memref_slice %arg11[%dma_wait3A_76, %dma_wait3A_77] : memref<80x128xf32, #tpu.memory_space<vmem>> -> memref<128x128xf32, #tpu.memory_space<vmem>>
      tpu.wait_dma2 semaphore(%run_scoped3A : memref<!tpu.dma_semaphore, #tpu.memory_space<semaphore_mem>>) src(%dma_wait3A_78 : memref<128x128xf32, #tpu.memory_space<vmem>>) dst(%dma_wait3A_75 : memref<128x128xf32, #tpu.memory_space<hbm>>)
      tpu.yield
    }) : () -> ()
    %add3A_36 = arith.constant 384 : i32
    %add3A_37 = arith.addi %mul3A_6, %add3A_36 : i32
    "tpu.region"() ({
      %run_scoped3A = tpu.sem_alloc : memref<!tpu.dma_semaphore, #tpu.memory_space<semaphore_mem>>
      %dma_start3A = arith.constant 0 : i32
      %dma_start3A_45 = arith.constant 0 : i32
      %dma_start3A_46 = tpu.memref_slice %arg11[%dma_start3A, %dma_start3A_45] : memref<80x128xf32, #tpu.memory_space<vmem>> -> memref<128x128xf32, #tpu.memory_space<vmem>>
      %dma_start3A_47 = arith.constant 0 : i32
      %dma_start3A_48 = tpu.memref_slice %arg13[%add3A_37, %dma_start3A_47] : memref<10240x128xf32, #tpu.memory_space<vmem_shared>> -> memref<128x128xf32, #tpu.memory_space<vmem_shared>>
      %dma_start3A_49 = arith.constant 0 : i32
      %dma_start3A_50 = arith.constant 0 : i32
      %dma_start3A_51 = tpu.memref_slice %arg11[%dma_start3A_49, %dma_start3A_50] : memref<80x128xf32, #tpu.memory_space<vmem>> -> memref<128x128xf32, #tpu.memory_space<vmem>>
      %dma_start3A_52 = arith.constant 0 : i32
      %dma_start3A_53 = tpu.memref_slice %arg13[%add3A_37, %dma_start3A_52] : memref<10240x128xf32, #tpu.memory_space<vmem_shared>> -> memref<128x128xf32, #tpu.memory_space<vmem_shared>>
      tpu.enqueue_dma source(%dma_start3A_53 : memref<128x128xf32, #tpu.memory_space<vmem_shared>>) target(%dma_start3A_51 : memref<128x128xf32, #tpu.memory_space<vmem>>) target_semaphore(%run_scoped3A : memref<!tpu.dma_semaphore, #tpu.memory_space<semaphore_mem>>)
      %dma_wait3A = arith.constant 0 : i32
      %dma_wait3A_54 = arith.constant 0 : i32
      %dma_wait3A_55 = tpu.memref_slice %arg11[%dma_wait3A, %dma_wait3A_54] : memref<80x128xf32, #tpu.memory_space<vmem>> -> memref<128x128xf32, #tpu.memory_space<vmem>>
      %dma_wait3A_56 = arith.constant 0 : i32
      %dma_wait3A_57 = tpu.memref_slice %arg13[%add3A_37, %dma_wait3A_56] : memref<10240x128xf32, #tpu.memory_space<vmem_shared>> -> memref<128x128xf32, #tpu.memory_space<vmem_shared>>
      %dma_wait3A_58 = arith.constant 0 : i32
      %dma_wait3A_59 = arith.constant 0 : i32
      %dma_wait3A_60 = tpu.memref_slice %arg11[%dma_wait3A_58, %dma_wait3A_59] : memref<80x128xf32, #tpu.memory_space<vmem>> -> memref<128x128xf32, #tpu.memory_space<vmem>>
      %dma_wait3A_61 = arith.constant 0 : i32
      %dma_wait3A_62 = tpu.memref_slice %arg13[%add3A_37, %dma_wait3A_61] : memref<10240x128xf32, #tpu.memory_space<vmem_shared>> -> memref<128x128xf32, #tpu.memory_space<vmem_shared>>
      tpu.wait_dma2 semaphore(%run_scoped3A : memref<!tpu.dma_semaphore, #tpu.memory_space<semaphore_mem>>) src(%dma_wait3A_62 : memref<128x128xf32, #tpu.memory_space<vmem_shared>>) dst(%dma_wait3A_60 : memref<128x128xf32, #tpu.memory_space<vmem>>)
      tpu.yield
    }) : () -> ()
    "tpu.region"() ({
      %run_scoped3A = tpu.sem_alloc : memref<!tpu.dma_semaphore, #tpu.memory_space<semaphore_mem>>
      %dma_start3A = arith.constant 0 : i32
      %dma_start3A_45 = arith.constant 0 : i32
      %dma_start3A_46 = tpu.memref_slice %arg11[%dma_start3A, %dma_start3A_45] : memref<80x128xf32, #tpu.memory_space<vmem>> -> memref<128x128xf32, #tpu.memory_space<vmem>>
      %dma_start3A_47 = arith.constant 0 : i32
      %dma_start3A_48 = arith.constant 0 : i32
      %dma_start3A_49 = tpu.memref_slice %arg7[%arg0, %dma_start3A_47, %dma_start3A_48] : memref<2x10240x128xf32, #tpu.memory_space<hbm>> -> memref<1x10240x128xf32, #tpu.memory_space<hbm>>
      %dma_start3A_50 = tpu.memref_squeeze %dma_start3A_49 : memref<1x10240x128xf32, #tpu.memory_space<hbm>> -> memref<10240x128xf32, #tpu.memory_space<hbm>>
      %dma_start3A_51 = arith.constant 0 : i32
      %dma_start3A_52 = tpu.memref_slice %dma_start3A_50[%add3A_37, %dma_start3A_51] : memref<10240x128xf32, #tpu.memory_space<hbm>> -> memref<128x128xf32, #tpu.memory_space<hbm>>
      %dma_start3A_53 = arith.constant 0 : i32
      %dma_start3A_54 = arith.constant 0 : i32
      %dma_start3A_55 = tpu.memref_slice %arg7[%arg0, %dma_start3A_53, %dma_start3A_54] : memref<2x10240x128xf32, #tpu.memory_space<hbm>> -> memref<1x10240x128xf32, #tpu.memory_space<hbm>>
      %dma_start3A_56 = tpu.memref_squeeze %dma_start3A_55 : memref<1x10240x128xf32, #tpu.memory_space<hbm>> -> memref<10240x128xf32, #tpu.memory_space<hbm>>
      %dma_start3A_57 = arith.constant 0 : i32
      %dma_start3A_58 = tpu.memref_slice %dma_start3A_56[%add3A_37, %dma_start3A_57] : memref<10240x128xf32, #tpu.memory_space<hbm>> -> memref<128x128xf32, #tpu.memory_space<hbm>>
      %dma_start3A_59 = arith.constant 0 : i32
      %dma_start3A_60 = arith.constant 0 : i32
      %dma_start3A_61 = tpu.memref_slice %arg11[%dma_start3A_59, %dma_start3A_60] : memref<80x128xf32, #tpu.memory_space<vmem>> -> memref<128x128xf32, #tpu.memory_space<vmem>>
      tpu.enqueue_dma source(%dma_start3A_61 : memref<128x128xf32, #tpu.memory_space<vmem>>) target(%dma_start3A_58 : memref<128x128xf32, #tpu.memory_space<hbm>>) target_semaphore(%run_scoped3A : memref<!tpu.dma_semaphore, #tpu.memory_space<semaphore_mem>>)
      %dma_wait3A = arith.constant 0 : i32
      %dma_wait3A_62 = arith.constant 0 : i32
      %dma_wait3A_63 = tpu.memref_slice %arg11[%dma_wait3A, %dma_wait3A_62] : memref<80x128xf32, #tpu.memory_space<vmem>> -> memref<128x128xf32, #tpu.memory_space<vmem>>
      %dma_wait3A_64 = arith.constant 0 : i32
      %dma_wait3A_65 = arith.constant 0 : i32
      %dma_wait3A_66 = tpu.memref_slice %arg7[%arg0, %dma_wait3A_64, %dma_wait3A_65] : memref<2x10240x128xf32, #tpu.memory_space<hbm>> -> memref<1x10240x128xf32, #tpu.memory_space<hbm>>
      %dma_wait3A_67 = tpu.memref_squeeze %dma_wait3A_66 : memref<1x10240x128xf32, #tpu.memory_space<hbm>> -> memref<10240x128xf32, #tpu.memory_space<hbm>>
      %dma_wait3A_68 = arith.constant 0 : i32
      %dma_wait3A_69 = tpu.memref_slice %dma_wait3A_67[%add3A_37, %dma_wait3A_68] : memref<10240x128xf32, #tpu.memory_space<hbm>> -> memref<128x128xf32, #tpu.memory_space<hbm>>
      %dma_wait3A_70 = arith.constant 0 : i32
      %dma_wait3A_71 = arith.constant 0 : i32
      %dma_wait3A_72 = tpu.memref_slice %arg7[%arg0, %dma_wait3A_70, %dma_wait3A_71] : memref<2x10240x128xf32, #tpu.memory_space<hbm>> -> memref<1x10240x128xf32, #tpu.memory_space<hbm>>
      %dma_wait3A_73 = tpu.memref_squeeze %dma_wait3A_72 : memref<1x10240x128xf32, #tpu.memory_space<hbm>> -> memref<10240x128xf32, #tpu.memory_space<hbm>>
      %dma_wait3A_74 = arith.constant 0 : i32
      %dma_wait3A_75 = tpu.memref_slice %dma_wait3A_73[%add3A_37, %dma_wait3A_74] : memref<10240x128xf32, #tpu.memory_space<hbm>> -> memref<128x128xf32, #tpu.memory_space<hbm>>
      %dma_wait3A_76 = arith.constant 0 : i32
      %dma_wait3A_77 = arith.constant 0 : i32
      %dma_wait3A_78 = tpu.memref_slice %arg11[%dma_wait3A_76, %dma_wait3A_77] : memref<80x128xf32, #tpu.memory_space<vmem>> -> memref<128x128xf32, #tpu.memory_space<vmem>>
      tpu.wait_dma2 semaphore(%run_scoped3A : memref<!tpu.dma_semaphore, #tpu.memory_space<semaphore_mem>>) src(%dma_wait3A_78 : memref<128x128xf32, #tpu.memory_space<vmem>>) dst(%dma_wait3A_75 : memref<128x128xf32, #tpu.memory_space<hbm>>)
      tpu.yield
    }) : () -> ()
    %add3A_38 = arith.constant 512 : i32
    %add3A_39 = arith.addi %mul3A_6, %add3A_38 : i32
    "tpu.region"() ({
      %run_scoped3A = tpu.sem_alloc : memref<!tpu.dma_semaphore, #tpu.memory_space<semaphore_mem>>
      %dma_start3A = arith.constant 0 : i32
      %dma_start3A_45 = arith.constant 0 : i32
      %dma_start3A_46 = tpu.memref_slice %arg11[%dma_start3A, %dma_start3A_45] : memref<80x128xf32, #tpu.memory_space<vmem>> -> memref<128x128xf32, #tpu.memory_space<vmem>>
      %dma_start3A_47 = arith.constant 0 : i32
      %dma_start3A_48 = tpu.memref_slice %arg13[%add3A_39, %dma_start3A_47] : memref<10240x128xf32, #tpu.memory_space<vmem_shared>> -> memref<128x128xf32, #tpu.memory_space<vmem_shared>>
      %dma_start3A_49 = arith.constant 0 : i32
      %dma_start3A_50 = arith.constant 0 : i32
      %dma_start3A_51 = tpu.memref_slice %arg11[%dma_start3A_49, %dma_start3A_50] : memref<80x128xf32, #tpu.memory_space<vmem>> -> memref<128x128xf32, #tpu.memory_space<vmem>>
      %dma_start3A_52 = arith.constant 0 : i32
      %dma_start3A_53 = tpu.memref_slice %arg13[%add3A_39, %dma_start3A_52] : memref<10240x128xf32, #tpu.memory_space<vmem_shared>> -> memref<128x128xf32, #tpu.memory_space<vmem_shared>>
      tpu.enqueue_dma source(%dma_start3A_53 : memref<128x128xf32, #tpu.memory_space<vmem_shared>>) target(%dma_start3A_51 : memref<128x128xf32, #tpu.memory_space<vmem>>) target_semaphore(%run_scoped3A : memref<!tpu.dma_semaphore, #tpu.memory_space<semaphore_mem>>)
      %dma_wait3A = arith.constant 0 : i32
      %dma_wait3A_54 = arith.constant 0 : i32
      %dma_wait3A_55 = tpu.memref_slice %arg11[%dma_wait3A, %dma_wait3A_54] : memref<80x128xf32, #tpu.memory_space<vmem>> -> memref<128x128xf32, #tpu.memory_space<vmem>>
      %dma_wait3A_56 = arith.constant 0 : i32
      %dma_wait3A_57 = tpu.memref_slice %arg13[%add3A_39, %dma_wait3A_56] : memref<10240x128xf32, #tpu.memory_space<vmem_shared>> -> memref<128x128xf32, #tpu.memory_space<vmem_shared>>
      %dma_wait3A_58 = arith.constant 0 : i32
      %dma_wait3A_59 = arith.constant 0 : i32
      %dma_wait3A_60 = tpu.memref_slice %arg11[%dma_wait3A_58, %dma_wait3A_59] : memref<80x128xf32, #tpu.memory_space<vmem>> -> memref<128x128xf32, #tpu.memory_space<vmem>>
      %dma_wait3A_61 = arith.constant 0 : i32
      %dma_wait3A_62 = tpu.memref_slice %arg13[%add3A_39, %dma_wait3A_61] : memref<10240x128xf32, #tpu.memory_space<vmem_shared>> -> memref<128x128xf32, #tpu.memory_space<vmem_shared>>
      tpu.wait_dma2 semaphore(%run_scoped3A : memref<!tpu.dma_semaphore, #tpu.memory_space<semaphore_mem>>) src(%dma_wait3A_62 : memref<128x128xf32, #tpu.memory_space<vmem_shared>>) dst(%dma_wait3A_60 : memref<128x128xf32, #tpu.memory_space<vmem>>)
      tpu.yield
    }) : () -> ()
    "tpu.region"() ({
      %run_scoped3A = tpu.sem_alloc : memref<!tpu.dma_semaphore, #tpu.memory_space<semaphore_mem>>
      %dma_start3A = arith.constant 0 : i32
      %dma_start3A_45 = arith.constant 0 : i32
      %dma_start3A_46 = tpu.memref_slice %arg11[%dma_start3A, %dma_start3A_45] : memref<80x128xf32, #tpu.memory_space<vmem>> -> memref<128x128xf32, #tpu.memory_space<vmem>>
      %dma_start3A_47 = arith.constant 0 : i32
      %dma_start3A_48 = arith.constant 0 : i32
      %dma_start3A_49 = tpu.memref_slice %arg7[%arg0, %dma_start3A_47, %dma_start3A_48] : memref<2x10240x128xf32, #tpu.memory_space<hbm>> -> memref<1x10240x128xf32, #tpu.memory_space<hbm>>
      %dma_start3A_50 = tpu.memref_squeeze %dma_start3A_49 : memref<1x10240x128xf32, #tpu.memory_space<hbm>> -> memref<10240x128xf32, #tpu.memory_space<hbm>>
      %dma_start3A_51 = arith.constant 0 : i32
      %dma_start3A_52 = tpu.memref_slice %dma_start3A_50[%add3A_39, %dma_start3A_51] : memref<10240x128xf32, #tpu.memory_space<hbm>> -> memref<128x128xf32, #tpu.memory_space<hbm>>
      %dma_start3A_53 = arith.constant 0 : i32
      %dma_start3A_54 = arith.constant 0 : i32
      %dma_start3A_55 = tpu.memref_slice %arg7[%arg0, %dma_start3A_53, %dma_start3A_54] : memref<2x10240x128xf32, #tpu.memory_space<hbm>> -> memref<1x10240x128xf32, #tpu.memory_space<hbm>>
      %dma_start3A_56 = tpu.memref_squeeze %dma_start3A_55 : memref<1x10240x128xf32, #tpu.memory_space<hbm>> -> memref<10240x128xf32, #tpu.memory_space<hbm>>
      %dma_start3A_57 = arith.constant 0 : i32
      %dma_start3A_58 = tpu.memref_slice %dma_start3A_56[%add3A_39, %dma_start3A_57] : memref<10240x128xf32, #tpu.memory_space<hbm>> -> memref<128x128xf32, #tpu.memory_space<hbm>>
      %dma_start3A_59 = arith.constant 0 : i32
      %dma_start3A_60 = arith.constant 0 : i32
      %dma_start3A_61 = tpu.memref_slice %arg11[%dma_start3A_59, %dma_start3A_60] : memref<80x128xf32, #tpu.memory_space<vmem>> -> memref<128x128xf32, #tpu.memory_space<vmem>>
      tpu.enqueue_dma source(%dma_start3A_61 : memref<128x128xf32, #tpu.memory_space<vmem>>) target(%dma_start3A_58 : memref<128x128xf32, #tpu.memory_space<hbm>>) target_semaphore(%run_scoped3A : memref<!tpu.dma_semaphore, #tpu.memory_space<semaphore_mem>>)
      %dma_wait3A = arith.constant 0 : i32
      %dma_wait3A_62 = arith.constant 0 : i32
      %dma_wait3A_63 = tpu.memref_slice %arg11[%dma_wait3A, %dma_wait3A_62] : memref<80x128xf32, #tpu.memory_space<vmem>> -> memref<128x128xf32, #tpu.memory_space<vmem>>
      %dma_wait3A_64 = arith.constant 0 : i32
      %dma_wait3A_65 = arith.constant 0 : i32
      %dma_wait3A_66 = tpu.memref_slice %arg7[%arg0, %dma_wait3A_64, %dma_wait3A_65] : memref<2x10240x128xf32, #tpu.memory_space<hbm>> -> memref<1x10240x128xf32, #tpu.memory_space<hbm>>
      %dma_wait3A_67 = tpu.memref_squeeze %dma_wait3A_66 : memref<1x10240x128xf32, #tpu.memory_space<hbm>> -> memref<10240x128xf32, #tpu.memory_space<hbm>>
      %dma_wait3A_68 = arith.constant 0 : i32
      %dma_wait3A_69 = tpu.memref_slice %dma_wait3A_67[%add3A_39, %dma_wait3A_68] : memref<10240x128xf32, #tpu.memory_space<hbm>> -> memref<128x128xf32, #tpu.memory_space<hbm>>
      %dma_wait3A_70 = arith.constant 0 : i32
      %dma_wait3A_71 = arith.constant 0 : i32
      %dma_wait3A_72 = tpu.memref_slice %arg7[%arg0, %dma_wait3A_70, %dma_wait3A_71] : memref<2x10240x128xf32, #tpu.memory_space<hbm>> -> memref<1x10240x128xf32, #tpu.memory_space<hbm>>
      %dma_wait3A_73 = tpu.memref_squeeze %dma_wait3A_72 : memref<1x10240x128xf32, #tpu.memory_space<hbm>> -> memref<10240x128xf32, #tpu.memory_space<hbm>>
      %dma_wait3A_74 = arith.constant 0 : i32
      %dma_wait3A_75 = tpu.memref_slice %dma_wait3A_73[%add3A_39, %dma_wait3A_74] : memref<10240x128xf32, #tpu.memory_space<hbm>> -> memref<128x128xf32, #tpu.memory_space<hbm>>
      %dma_wait3A_76 = arith.constant 0 : i32
      %dma_wait3A_77 = arith.constant 0 : i32
      %dma_wait3A_78 = tpu.memref_slice %arg11[%dma_wait3A_76, %dma_wait3A_77] : memref<80x128xf32, #tpu.memory_space<vmem>> -> memref<128x128xf32, #tpu.memory_space<vmem>>
      tpu.wait_dma2 semaphore(%run_scoped3A : memref<!tpu.dma_semaphore, #tpu.memory_space<semaphore_mem>>) src(%dma_wait3A_78 : memref<128x128xf32, #tpu.memory_space<vmem>>) dst(%dma_wait3A_75 : memref<128x128xf32, #tpu.memory_space<hbm>>)
      tpu.yield
    }) : () -> ()
    %eq3A_40 = arith.constant 1 : i32
    %eq3A_41 = arith.cmpi eq, %arg0, %eq3A_40 : i32
    %convert_element_type3A_42 = arith.extui %eq3A_41 : i1 to i32
    %cond3A_43 = arith.constant 0 : i32
    %cond3A_44 = arith.cmpi ne, %convert_element_type3A_42, %cond3A_43 : i32
    scf.if %cond3A_44 {
      "tpu.region"() ({
        %run_scoped3A = tpu.sem_alloc : memref<!tpu.dma_semaphore, #tpu.memory_space<semaphore_mem>>
        %dma_start3A = arith.constant 0 : i32
        %dma_start3A_45 = tpu.memref_slice %arg8[%arg1, %dma_start3A] : memref<16x10000xf32, #tpu.memory_space<hbm>> -> memref<1x10000xf32, #tpu.memory_space<hbm>>
        %dma_start3A_46 = tpu.memref_squeeze %dma_start3A_45 : memref<1x10000xf32, #tpu.memory_space<hbm>> -> memref<10000xf32, #tpu.memory_space<hbm>>
        %dma_start3A_47 = arith.constant 0 : i32
        %dma_start3A_48 = tpu.memref_slice %arg8[%arg1, %dma_start3A_47] : memref<16x10000xf32, #tpu.memory_space<hbm>> -> memref<1x10000xf32, #tpu.memory_space<hbm>>
        %dma_start3A_49 = tpu.memref_squeeze %dma_start3A_48 : memref<1x10000xf32, #tpu.memory_space<hbm>> -> memref<10000xf32, #tpu.memory_space<hbm>>
        tpu.enqueue_dma source(%arg17 : memref<10000xf32, #tpu.memory_space<vmem>>) target(%dma_start3A_49 : memref<10000xf32, #tpu.memory_space<hbm>>) target_semaphore(%run_scoped3A : memref<!tpu.dma_semaphore, #tpu.memory_space<semaphore_mem>>)
        %dma_wait3A = arith.constant 0 : i32
        %dma_wait3A_50 = tpu.memref_slice %arg8[%arg1, %dma_wait3A] : memref<16x10000xf32, #tpu.memory_space<hbm>> -> memref<1x10000xf32, #tpu.memory_space<hbm>>
        %dma_wait3A_51 = tpu.memref_squeeze %dma_wait3A_50 : memref<1x10000xf32, #tpu.memory_space<hbm>> -> memref<10000xf32, #tpu.memory_space<hbm>>
        %dma_wait3A_52 = arith.constant 0 : i32
        %dma_wait3A_53 = tpu.memref_slice %arg8[%arg1, %dma_wait3A_52] : memref<16x10000xf32, #tpu.memory_space<hbm>> -> memref<1x10000xf32, #tpu.memory_space<hbm>>
        %dma_wait3A_54 = tpu.memref_squeeze %dma_wait3A_53 : memref<1x10000xf32, #tpu.memory_space<hbm>> -> memref<10000xf32, #tpu.memory_space<hbm>>
        tpu.wait_dma2 semaphore(%run_scoped3A : memref<!tpu.dma_semaphore, #tpu.memory_space<semaphore_mem>>) src(%arg17 : memref<10000xf32, #tpu.memory_space<vmem>>) dst(%dma_wait3A_54 : memref<10000xf32, #tpu.memory_space<hbm>>)
        tpu.yield
      }) : () -> ()
    } else {
    }
    return
  }
}

#map = affine_map<(d0, d1) -> (0, 0)>
#map1 = affine_map<(d0, d1) -> (0)>
#map2 = affine_map<(d0, d1) -> (0, 0, 0)>
module attributes {stable_mosaic.version = 14 : i64} {
  func.func @ep(%arg0: i32, %arg1: i32, %arg2: memref<10000x128xf32, #tpu.memory_space<hbm>>, %arg3: memref<10000x128xf32, #tpu.memory_space<hbm>>, %arg4: memref<10000xf32, #tpu.memory_space<hbm>>, %arg5: memref<320000xi32, #tpu.memory_space<hbm>>, %arg6: memref<320000xi32, #tpu.memory_space<hbm>>, %arg7: memref<2x10240x128xf32, #tpu.memory_space<hbm>>, %arg8: memref<16x10000xf32, #tpu.memory_space<hbm>>, %arg9: memref<2x80xi32, #tpu.memory_space<vmem>>, %arg10: memref<2x80xi32, #tpu.memory_space<vmem>>, %arg11: memref<80x128xf32, #tpu.memory_space<vmem>>, %arg12: memref<80x128xf32, #tpu.memory_space<vmem>>, %arg13: memref<10240x128xf32, #tpu.memory_space<vmem_shared>>, %arg14: memref<!tpu.dma_semaphore, #tpu.memory_space<semaphore_mem>>, %arg15: memref<!tpu.dma_semaphore, #tpu.memory_space<semaphore_mem>>, %arg16: memref<10000xf32, #tpu.memory_space<vmem>>, %arg17: memref<10000xf32, #tpu.memory_space<vmem>>) attributes {dimension_semantics = [#tpu.dimension_semantics<core_parallel>, #tpu.dimension_semantics<subcore_parallel>], iteration_bounds = array<i64: 2, 16>, scalar_prefetch = 0 : i64, scratch_operands = 9 : i64, tpu.core_type = #tpu.core_type<sc_vector_subcore>, window_params = [{transform_indices = #map}, {transform_indices = #map}, {transform_indices = #map1}, {transform_indices = #map1}, {transform_indices = #map1}, {transform_indices = #map2}, {transform_indices = #map}]} {
    %broadcast_in_dim3A = arith.constant 0.000000e+00 : f32
    %broadcast_in_dim3A_0 = vector.broadcast %broadcast_in_dim3A : f32 to vector<16xf32>
    %scan3A = arith.constant 0 : i32
    %scan3A_1 = arith.constant 0 : i32
    %scan3A_2 = arith.constant 128 : i32
    %scan3A_3 = arith.addi %scan3A_1, %scan3A_2 : i32
    %scan3A_4 = arith.constant 1 : i32
    scf.for %scan3A_45 = %scan3A_1 to %scan3A_3 step %scan3A_4  : i32 {
      %swap3A = arith.index_cast %scan3A_45 : i32 to index
      %swap3A_46 = arith.constant 0 : index
      %swap3A_47 = tpu.vector_load %arg11[%swap3A, %swap3A_46] {strides = array<i32>} : memref<80x128xf32, #tpu.memory_space<vmem>>, vector<16xf32>,
      tpu.vector_store %arg11[%swap3A, %swap3A_46], %broadcast_in_dim3A_0 {strides = array<i32>} : memref<80x128xf32, #tpu.memory_space<vmem>>, vector<16xf32>,
      %swap3A_48 = arith.index_cast %scan3A_45 : i32 to index
      %swap3A_49 = arith.constant 16 : index
      %swap3A_50 = tpu.vector_load %arg11[%swap3A_48, %swap3A_49] {strides = array<i32>} : memref<80x128xf32, #tpu.memory_space<vmem>>, vector<16xf32>,
      tpu.vector_store %arg11[%swap3A_48, %swap3A_49], %broadcast_in_dim3A_0 {strides = array<i32>} : memref<80x128xf32, #tpu.memory_space<vmem>>, vector<16xf32>,
      %swap3A_51 = arith.index_cast %scan3A_45 : i32 to index
      %swap3A_52 = arith.constant 32 : index
      %swap3A_53 = tpu.vector_load %arg11[%swap3A_51, %swap3A_52] {strides = array<i32>} : memref<80x128xf32, #tpu.memory_space<vmem>>, vector<16xf32>,
      tpu.vector_store %arg11[%swap3A_51, %swap3A_52], %broadcast_in_dim3A_0 {strides = array<i32>} : memref<80x128xf32, #tpu.memory_space<vmem>>, vector<16xf32>,
      %swap3A_54 = arith.index_cast %scan3A_45 : i32 to index
      %swap3A_55 = arith.constant 48 : index
      %swap3A_56 = tpu.vector_load %arg11[%swap3A_54, %swap3A_55] {strides = array<i32>} : memref<80x128xf32, #tpu.memory_space<vmem>>, vector<16xf32>,
      tpu.vector_store %arg11[%swap3A_54, %swap3A_55], %broadcast_in_dim3A_0 {strides = array<i32>} : memref<80x128xf32, #tpu.memory_space<vmem>>, vector<16xf32>,
      %swap3A_57 = arith.index_cast %scan3A_45 : i32 to index
      %swap3A_58 = arith.constant 64 : index
      %swap3A_59 = tpu.vector_load %arg11[%swap3A_57, %swap3A_58] {strides = array<i32>} : memref<80x128xf32, #tpu.memory_space<vmem>>, vector<16xf32>,
      tpu.vector_store %arg11[%swap3A_57, %swap3A_58], %broadcast_in_dim3A_0 {strides = array<i32>} : memref<80x128xf32, #tpu.memory_space<vmem>>, vector<16xf32>,
      %swap3A_60 = arith.index_cast %scan3A_45 : i32 to index
      %swap3A_61 = arith.constant 80 : index
      %swap3A_62 = tpu.vector_load %arg11[%swap3A_60, %swap3A_61] {strides = array<i32>} : memref<80x128xf32, #tpu.memory_space<vmem>>, vector<16xf32>,
      tpu.vector_store %arg11[%swap3A_60, %swap3A_61], %broadcast_in_dim3A_0 {strides = array<i32>} : memref<80x128xf32, #tpu.memory_space<vmem>>, vector<16xf32>,
      %swap3A_63 = arith.index_cast %scan3A_45 : i32 to index
      %swap3A_64 = arith.constant 96 : index
      %swap3A_65 = tpu.vector_load %arg11[%swap3A_63, %swap3A_64] {strides = array<i32>} : memref<80x128xf32, #tpu.memory_space<vmem>>, vector<16xf32>,
      tpu.vector_store %arg11[%swap3A_63, %swap3A_64], %broadcast_in_dim3A_0 {strides = array<i32>} : memref<80x128xf32, #tpu.memory_space<vmem>>, vector<16xf32>,
      %swap3A_66 = arith.index_cast %scan3A_45 : i32 to index
      %swap3A_67 = arith.constant 112 : index
      %swap3A_68 = tpu.vector_load %arg11[%swap3A_66, %swap3A_67] {strides = array<i32>} : memref<80x128xf32, #tpu.memory_space<vmem>>, vector<16xf32>,
      tpu.vector_store %arg11[%swap3A_66, %swap3A_67], %broadcast_in_dim3A_0 {strides = array<i32>} : memref<80x128xf32, #tpu.memory_space<vmem>>, vector<16xf32>,
    }
    %scan3A_5 = arith.constant 128 : i32
    %mul3A = arith.constant 640 : i32
    %mul3A_6 = arith.muli %arg1, %mul3A : i32
    %add3A = arith.constant 0 : i32
    %add3A_7 = arith.addi %mul3A_6, %add3A : i32
    "tpu.region"() ({
      %run_scoped3A = tpu.sem_alloc : memref<!tpu.dma_semaphore, #tpu.memory_space<semaphore_mem>>
      %dma_start3A = arith.constant 0 : i32
      %dma_start3A_45 = arith.constant 0 : i32
      %dma_start3A_46 = tpu.memref_slice %arg11[%dma_start3A, %dma_start3A_45] : memref<80x128xf32, #tpu.memory_space<vmem>> -> memref<128x128xf32, #tpu.memory_space<vmem>>
      %dma_start3A_47 = arith.constant 0 : i32
      %dma_start3A_48 = tpu.memref_slice %arg13[%add3A_7, %dma_start3A_47] : memref<10240x128xf32, #tpu.memory_space<vmem_shared>> -> memref<128x128xf32, #tpu.memory_space<vmem_shared>>
      %dma_start3A_49 = arith.constant 0 : i32
      %dma_start3A_50 = tpu.memref_slice %arg13[%add3A_7, %dma_start3A_49] : memref<10240x128xf32, #tpu.memory_space<vmem_shared>> -> memref<128x128xf32, #tpu.memory_space<vmem_shared>>
      %dma_start3A_51 = arith.constant 0 : i32
      %dma_start3A_52 = arith.constant 0 : i32
      %dma_start3A_53 = tpu.memref_slice %arg11[%dma_start3A_51, %dma_start3A_52] : memref<80x128xf32, #tpu.memory_space<vmem>> -> memref<128x128xf32, #tpu.memory_space<vmem>>
      tpu.enqueue_dma source(%dma_start3A_53 : memref<128x128xf32, #tpu.memory_space<vmem>>) target(%dma_start3A_50 : memref<128x128xf32, #tpu.memory_space<vmem_shared>>) target_semaphore(%run_scoped3A : memref<!tpu.dma_semaphore, #tpu.memory_space<semaphore_mem>>)
      %dma_wait3A = arith.constant 0 : i32
      %dma_wait3A_54 = arith.constant 0 : i32
      %dma_wait3A_55 = tpu.memref_slice %arg11[%dma_wait3A, %dma_wait3A_54] : memref<80x128xf32, #tpu.memory_space<vmem>> -> memref<128x128xf32, #tpu.memory_space<vmem>>
      %dma_wait3A_56 = arith.constant 0 : i32
      %dma_wait3A_57 = tpu.memref_slice %arg13[%add3A_7, %dma_wait3A_56] : memref<10240x128xf32, #tpu.memory_space<vmem_shared>> -> memref<128x128xf32, #tpu.memory_space<vmem_shared>>
      %dma_wait3A_58 = arith.constant 0 : i32
      %dma_wait3A_59 = tpu.memref_slice %arg13[%add3A_7, %dma_wait3A_58] : memref<10240x128xf32, #tpu.memory_space<vmem_shared>> -> memref<128x128xf32, #tpu.memory_space<vmem_shared>>
      %dma_wait3A_60 = arith.constant 0 : i32
      %dma_wait3A_61 = arith.constant 0 : i32
      %dma_wait3A_62 = tpu.memref_slice %arg11[%dma_wait3A_60, %dma_wait3A_61] : memref<80x128xf32, #tpu.memory_space<vmem>> -> memref<128x128xf32, #tpu.memory_space<vmem>>
      tpu.wait_dma2 semaphore(%run_scoped3A : memref<!tpu.dma_semaphore, #tpu.memory_space<semaphore_mem>>) src(%dma_wait3A_62 : memref<128x128xf32, #tpu.memory_space<vmem>>) dst(%dma_wait3A_59 : memref<128x128xf32, #tpu.memory_space<vmem_shared>>)
      tpu.yield
    }) : () -> ()
    %add3A_8 = arith.constant 128 : i32
    %add3A_9 = arith.addi %mul3A_6, %add3A_8 : i32
    "tpu.region"() ({
      %run_scoped3A = tpu.sem_alloc : memref<!tpu.dma_semaphore, #tpu.memory_space<semaphore_mem>>
      %dma_start3A = arith.constant 0 : i32
      %dma_start3A_45 = arith.constant 0 : i32
      %dma_start3A_46 = tpu.memref_slice %arg11[%dma_start3A, %dma_start3A_45] : memref<80x128xf32, #tpu.memory_space<vmem>> -> memref<128x128xf32, #tpu.memory_space<vmem>>
      %dma_start3A_47 = arith.constant 0 : i32
      %dma_start3A_48 = tpu.memref_slice %arg13[%add3A_9, %dma_start3A_47] : memref<10240x128xf32, #tpu.memory_space<vmem_shared>> -> memref<128x128xf32, #tpu.memory_space<vmem_shared>>
      %dma_start3A_49 = arith.constant 0 : i32
      %dma_start3A_50 = tpu.memref_slice %arg13[%add3A_9, %dma_start3A_49] : memref<10240x128xf32, #tpu.memory_space<vmem_shared>> -> memref<128x128xf32, #tpu.memory_space<vmem_shared>>
      %dma_start3A_51 = arith.constant 0 : i32
      %dma_start3A_52 = arith.constant 0 : i32
      %dma_start3A_53 = tpu.memref_slice %arg11[%dma_start3A_51, %dma_start3A_52] : memref<80x128xf32, #tpu.memory_space<vmem>> -> memref<128x128xf32, #tpu.memory_space<vmem>>
      tpu.enqueue_dma source(%dma_start3A_53 : memref<128x128xf32, #tpu.memory_space<vmem>>) target(%dma_start3A_50 : memref<128x128xf32, #tpu.memory_space<vmem_shared>>) target_semaphore(%run_scoped3A : memref<!tpu.dma_semaphore, #tpu.memory_space<semaphore_mem>>)
      %dma_wait3A = arith.constant 0 : i32
      %dma_wait3A_54 = arith.constant 0 : i32
      %dma_wait3A_55 = tpu.memref_slice %arg11[%dma_wait3A, %dma_wait3A_54] : memref<80x128xf32, #tpu.memory_space<vmem>> -> memref<128x128xf32, #tpu.memory_space<vmem>>
      %dma_wait3A_56 = arith.constant 0 : i32
      %dma_wait3A_57 = tpu.memref_slice %arg13[%add3A_9, %dma_wait3A_56] : memref<10240x128xf32, #tpu.memory_space<vmem_shared>> -> memref<128x128xf32, #tpu.memory_space<vmem_shared>>
      %dma_wait3A_58 = arith.constant 0 : i32
      %dma_wait3A_59 = tpu.memref_slice %arg13[%add3A_9, %dma_wait3A_58] : memref<10240x128xf32, #tpu.memory_space<vmem_shared>> -> memref<128x128xf32, #tpu.memory_space<vmem_shared>>
      %dma_wait3A_60 = arith.constant 0 : i32
      %dma_wait3A_61 = arith.constant 0 : i32
      %dma_wait3A_62 = tpu.memref_slice %arg11[%dma_wait3A_60, %dma_wait3A_61] : memref<80x128xf32, #tpu.memory_space<vmem>> -> memref<128x128xf32, #tpu.memory_space<vmem>>
      tpu.wait_dma2 semaphore(%run_scoped3A : memref<!tpu.dma_semaphore, #tpu.memory_space<semaphore_mem>>) src(%dma_wait3A_62 : memref<128x128xf32, #tpu.memory_space<vmem>>) dst(%dma_wait3A_59 : memref<128x128xf32, #tpu.memory_space<vmem_shared>>)
      tpu.yield
    }) : () -> ()
    %add3A_10 = arith.constant 256 : i32
    %add3A_11 = arith.addi %mul3A_6, %add3A_10 : i32
    "tpu.region"() ({
      %run_scoped3A = tpu.sem_alloc : memref<!tpu.dma_semaphore, #tpu.memory_space<semaphore_mem>>
      %dma_start3A = arith.constant 0 : i32
      %dma_start3A_45 = arith.constant 0 : i32
      %dma_start3A_46 = tpu.memref_slice %arg11[%dma_start3A, %dma_start3A_45] : memref<80x128xf32, #tpu.memory_space<vmem>> -> memref<128x128xf32, #tpu.memory_space<vmem>>
      %dma_start3A_47 = arith.constant 0 : i32
      %dma_start3A_48 = tpu.memref_slice %arg13[%add3A_11, %dma_start3A_47] : memref<10240x128xf32, #tpu.memory_space<vmem_shared>> -> memref<128x128xf32, #tpu.memory_space<vmem_shared>>
      %dma_start3A_49 = arith.constant 0 : i32
      %dma_start3A_50 = tpu.memref_slice %arg13[%add3A_11, %dma_start3A_49] : memref<10240x128xf32, #tpu.memory_space<vmem_shared>> -> memref<128x128xf32, #tpu.memory_space<vmem_shared>>
      %dma_start3A_51 = arith.constant 0 : i32
      %dma_start3A_52 = arith.constant 0 : i32
      %dma_start3A_53 = tpu.memref_slice %arg11[%dma_start3A_51, %dma_start3A_52] : memref<80x128xf32, #tpu.memory_space<vmem>> -> memref<128x128xf32, #tpu.memory_space<vmem>>
      tpu.enqueue_dma source(%dma_start3A_53 : memref<128x128xf32, #tpu.memory_space<vmem>>) target(%dma_start3A_50 : memref<128x128xf32, #tpu.memory_space<vmem_shared>>) target_semaphore(%run_scoped3A : memref<!tpu.dma_semaphore, #tpu.memory_space<semaphore_mem>>)
      %dma_wait3A = arith.constant 0 : i32
      %dma_wait3A_54 = arith.constant 0 : i32
      %dma_wait3A_55 = tpu.memref_slice %arg11[%dma_wait3A, %dma_wait3A_54] : memref<80x128xf32, #tpu.memory_space<vmem>> -> memref<128x128xf32, #tpu.memory_space<vmem>>
      %dma_wait3A_56 = arith.constant 0 : i32
      %dma_wait3A_57 = tpu.memref_slice %arg13[%add3A_11, %dma_wait3A_56] : memref<10240x128xf32, #tpu.memory_space<vmem_shared>> -> memref<128x128xf32, #tpu.memory_space<vmem_shared>>
      %dma_wait3A_58 = arith.constant 0 : i32
      %dma_wait3A_59 = tpu.memref_slice %arg13[%add3A_11, %dma_wait3A_58] : memref<10240x128xf32, #tpu.memory_space<vmem_shared>> -> memref<128x128xf32, #tpu.memory_space<vmem_shared>>
      %dma_wait3A_60 = arith.constant 0 : i32
      %dma_wait3A_61 = arith.constant 0 : i32
      %dma_wait3A_62 = tpu.memref_slice %arg11[%dma_wait3A_60, %dma_wait3A_61] : memref<80x128xf32, #tpu.memory_space<vmem>> -> memref<128x128xf32, #tpu.memory_space<vmem>>
      tpu.wait_dma2 semaphore(%run_scoped3A : memref<!tpu.dma_semaphore, #tpu.memory_space<semaphore_mem>>) src(%dma_wait3A_62 : memref<128x128xf32, #tpu.memory_space<vmem>>) dst(%dma_wait3A_59 : memref<128x128xf32, #tpu.memory_space<vmem_shared>>)
      tpu.yield
    }) : () -> ()
    %add3A_12 = arith.constant 384 : i32
    %add3A_13 = arith.addi %mul3A_6, %add3A_12 : i32
    "tpu.region"() ({
      %run_scoped3A = tpu.sem_alloc : memref<!tpu.dma_semaphore, #tpu.memory_space<semaphore_mem>>
      %dma_start3A = arith.constant 0 : i32
      %dma_start3A_45 = arith.constant 0 : i32
      %dma_start3A_46 = tpu.memref_slice %arg11[%dma_start3A, %dma_start3A_45] : memref<80x128xf32, #tpu.memory_space<vmem>> -> memref<128x128xf32, #tpu.memory_space<vmem>>
      %dma_start3A_47 = arith.constant 0 : i32
      %dma_start3A_48 = tpu.memref_slice %arg13[%add3A_13, %dma_start3A_47] : memref<10240x128xf32, #tpu.memory_space<vmem_shared>> -> memref<128x128xf32, #tpu.memory_space<vmem_shared>>
      %dma_start3A_49 = arith.constant 0 : i32
      %dma_start3A_50 = tpu.memref_slice %arg13[%add3A_13, %dma_start3A_49] : memref<10240x128xf32, #tpu.memory_space<vmem_shared>> -> memref<128x128xf32, #tpu.memory_space<vmem_shared>>
      %dma_start3A_51 = arith.constant 0 : i32
      %dma_start3A_52 = arith.constant 0 : i32
      %dma_start3A_53 = tpu.memref_slice %arg11[%dma_start3A_51, %dma_start3A_52] : memref<80x128xf32, #tpu.memory_space<vmem>> -> memref<128x128xf32, #tpu.memory_space<vmem>>
      tpu.enqueue_dma source(%dma_start3A_53 : memref<128x128xf32, #tpu.memory_space<vmem>>) target(%dma_start3A_50 : memref<128x128xf32, #tpu.memory_space<vmem_shared>>) target_semaphore(%run_scoped3A : memref<!tpu.dma_semaphore, #tpu.memory_space<semaphore_mem>>)
      %dma_wait3A = arith.constant 0 : i32
      %dma_wait3A_54 = arith.constant 0 : i32
      %dma_wait3A_55 = tpu.memref_slice %arg11[%dma_wait3A, %dma_wait3A_54] : memref<80x128xf32, #tpu.memory_space<vmem>> -> memref<128x128xf32, #tpu.memory_space<vmem>>
      %dma_wait3A_56 = arith.constant 0 : i32
      %dma_wait3A_57 = tpu.memref_slice %arg13[%add3A_13, %dma_wait3A_56] : memref<10240x128xf32, #tpu.memory_space<vmem_shared>> -> memref<128x128xf32, #tpu.memory_space<vmem_shared>>
      %dma_wait3A_58 = arith.constant 0 : i32
      %dma_wait3A_59 = tpu.memref_slice %arg13[%add3A_13, %dma_wait3A_58] : memref<10240x128xf32, #tpu.memory_space<vmem_shared>> -> memref<128x128xf32, #tpu.memory_space<vmem_shared>>
      %dma_wait3A_60 = arith.constant 0 : i32
      %dma_wait3A_61 = arith.constant 0 : i32
      %dma_wait3A_62 = tpu.memref_slice %arg11[%dma_wait3A_60, %dma_wait3A_61] : memref<80x128xf32, #tpu.memory_space<vmem>> -> memref<128x128xf32, #tpu.memory_space<vmem>>
      tpu.wait_dma2 semaphore(%run_scoped3A : memref<!tpu.dma_semaphore, #tpu.memory_space<semaphore_mem>>) src(%dma_wait3A_62 : memref<128x128xf32, #tpu.memory_space<vmem>>) dst(%dma_wait3A_59 : memref<128x128xf32, #tpu.memory_space<vmem_shared>>)
      tpu.yield
    }) : () -> ()
    %add3A_14 = arith.constant 512 : i32
    %add3A_15 = arith.addi %mul3A_6, %add3A_14 : i32
    "tpu.region"() ({
      %run_scoped3A = tpu.sem_alloc : memref<!tpu.dma_semaphore, #tpu.memory_space<semaphore_mem>>
      %dma_start3A = arith.constant 0 : i32
      %dma_start3A_45 = arith.constant 0 : i32
      %dma_start3A_46 = tpu.memref_slice %arg11[%dma_start3A, %dma_start3A_45] : memref<80x128xf32, #tpu.memory_space<vmem>> -> memref<128x128xf32, #tpu.memory_space<vmem>>
      %dma_start3A_47 = arith.constant 0 : i32
      %dma_start3A_48 = tpu.memref_slice %arg13[%add3A_15, %dma_start3A_47] : memref<10240x128xf32, #tpu.memory_space<vmem_shared>> -> memref<128x128xf32, #tpu.memory_space<vmem_shared>>
      %dma_start3A_49 = arith.constant 0 : i32
      %dma_start3A_50 = tpu.memref_slice %arg13[%add3A_15, %dma_start3A_49] : memref<10240x128xf32, #tpu.memory_space<vmem_shared>> -> memref<128x128xf32, #tpu.memory_space<vmem_shared>>
      %dma_start3A_51 = arith.constant 0 : i32
      %dma_start3A_52 = arith.constant 0 : i32
      %dma_start3A_53 = tpu.memref_slice %arg11[%dma_start3A_51, %dma_start3A_52] : memref<80x128xf32, #tpu.memory_space<vmem>> -> memref<128x128xf32, #tpu.memory_space<vmem>>
      tpu.enqueue_dma source(%dma_start3A_53 : memref<128x128xf32, #tpu.memory_space<vmem>>) target(%dma_start3A_50 : memref<128x128xf32, #tpu.memory_space<vmem_shared>>) target_semaphore(%run_scoped3A : memref<!tpu.dma_semaphore, #tpu.memory_space<semaphore_mem>>)
      %dma_wait3A = arith.constant 0 : i32
      %dma_wait3A_54 = arith.constant 0 : i32
      %dma_wait3A_55 = tpu.memref_slice %arg11[%dma_wait3A, %dma_wait3A_54] : memref<80x128xf32, #tpu.memory_space<vmem>> -> memref<128x128xf32, #tpu.memory_space<vmem>>
      %dma_wait3A_56 = arith.constant 0 : i32
      %dma_wait3A_57 = tpu.memref_slice %arg13[%add3A_15, %dma_wait3A_56] : memref<10240x128xf32, #tpu.memory_space<vmem_shared>> -> memref<128x128xf32, #tpu.memory_space<vmem_shared>>
      %dma_wait3A_58 = arith.constant 0 : i32
      %dma_wait3A_59 = tpu.memref_slice %arg13[%add3A_15, %dma_wait3A_58] : memref<10240x128xf32, #tpu.memory_space<vmem_shared>> -> memref<128x128xf32, #tpu.memory_space<vmem_shared>>
      %dma_wait3A_60 = arith.constant 0 : i32
      %dma_wait3A_61 = arith.constant 0 : i32
      %dma_wait3A_62 = tpu.memref_slice %arg11[%dma_wait3A_60, %dma_wait3A_61] : memref<80x128xf32, #tpu.memory_space<vmem>> -> memref<128x128xf32, #tpu.memory_space<vmem>>
      tpu.wait_dma2 semaphore(%run_scoped3A : memref<!tpu.dma_semaphore, #tpu.memory_space<semaphore_mem>>) src(%dma_wait3A_62 : memref<128x128xf32, #tpu.memory_space<vmem>>) dst(%dma_wait3A_59 : memref<128x128xf32, #tpu.memory_space<vmem_shared>>)
      tpu.yield
    }) : () -> ()
    %barrier3A = arith.constant 0 : index
    tpu.barrier barrier_id(%barrier3A)
    "tpu.region"() ({
      %run_scoped3A = tpu.sem_alloc : memref<!tpu.dma_semaphore, #tpu.memory_space<semaphore_mem>>
      tpu.enqueue_dma source(%arg4 : memref<10000xf32, #tpu.memory_space<hbm>>) target(%arg16 : memref<10000xf32, #tpu.memory_space<vmem>>) target_semaphore(%run_scoped3A : memref<!tpu.dma_semaphore, #tpu.memory_space<semaphore_mem>>)
      tpu.wait_dma2 semaphore(%run_scoped3A : memref<!tpu.dma_semaphore, #tpu.memory_space<semaphore_mem>>) src(%arg4 : memref<10000xf32, #tpu.memory_space<hbm>>) dst(%arg16 : memref<10000xf32, #tpu.memory_space<vmem>>)
      tpu.yield
    }) : () -> ()
    %scan3A_16 = arith.constant 0 : i32
    %scan3A_17 = arith.constant 0 : i32
    %scan3A_18 = arith.constant 625 : i32
    %scan3A_19 = arith.addi %scan3A_17, %scan3A_18 : i32
    %scan3A_20 = arith.constant 1 : i32
    scf.for %scan3A_45 = %scan3A_17 to %scan3A_19 step %scan3A_20  : i32 {
      %mul3A_46 = arith.constant 16 : i32
      %mul3A_47 = arith.muli %scan3A_45, %mul3A_46 : i32
      %swap3A = arith.index_cast %mul3A_47 : i32 to index
      %swap3A_48 = tpu.vector_load %arg17[%swap3A] {strides = array<i32>} : memref<10000xf32, #tpu.memory_space<vmem>>, vector<16xf32>,
      tpu.vector_store %arg17[%swap3A], %broadcast_in_dim3A_0 {strides = array<i32>} : memref<10000xf32, #tpu.memory_space<vmem>>, vector<16xf32>,
    }
    %scan3A_21 = arith.constant 625 : i32
    %iota3A = tpu.iota {dimensions = array<i32: 0>} : vector<16xi32>
    %eq3A = arith.constant 0 : i32
    %eq3A_22 = arith.cmpi eq, %arg0, %eq3A : i32
    %convert_element_type3A = arith.extui %eq3A_22 : i1 to i32
    %cond3A = arith.constant 0 : i32
    %cond3A_23 = arith.cmpi ne, %convert_element_type3A, %cond3A : i32
    scf.if %cond3A_23 {
      %add3A_45 = arith.constant 0 : i32
      %add3A_46 = arith.addi %arg1, %add3A_45 : i32
      %mul3A_47 = arith.constant 80 : i32
      %mul3A_48 = arith.muli %add3A_46, %mul3A_47 : i32
      %multiple_of3A = tpu.assume_multiple %mul3A_48, 80 : i32
      %run_scoped3A = arith.constant 0 : i32
      "tpu.region"() ({
        %run_scoped3A_62 = tpu.sem_alloc : memref<!tpu.dma_semaphore, #tpu.memory_space<semaphore_mem>>
        %dma_start3A_63 = arith.constant 0 : i32
        %dma_start3A_64 = tpu.memref_slice %arg9[%run_scoped3A, %dma_start3A_63] : memref<2x80xi32, #tpu.memory_space<vmem>> -> memref<1x80xi32, #tpu.memory_space<vmem>>
        %dma_start3A_65 = tpu.memref_squeeze %dma_start3A_64 : memref<1x80xi32, #tpu.memory_space<vmem>> -> memref<80xi32, #tpu.memory_space<vmem>>
        %dma_start3A_66 = tpu.memref_slice %arg5[%multiple_of3A] : memref<320000xi32, #tpu.memory_space<hbm>> -> memref<80xi32, #tpu.memory_space<hbm>>
        %dma_start3A_67 = arith.constant 0 : i32
        %dma_start3A_68 = tpu.memref_slice %arg9[%run_scoped3A, %dma_start3A_67] : memref<2x80xi32, #tpu.memory_space<vmem>> -> memref<1x80xi32, #tpu.memory_space<vmem>>
        %dma_start3A_69 = tpu.memref_squeeze %dma_start3A_68 : memref<1x80xi32, #tpu.memory_space<vmem>> -> memref<80xi32, #tpu.memory_space<vmem>>
        %dma_start3A_70 = tpu.memref_slice %arg5[%multiple_of3A] : memref<320000xi32, #tpu.memory_space<hbm>> -> memref<80xi32, #tpu.memory_space<hbm>>
        tpu.enqueue_dma source(%dma_start3A_70 : memref<80xi32, #tpu.memory_space<hbm>>) target(%dma_start3A_69 : memref<80xi32, #tpu.memory_space<vmem>>) target_semaphore(%run_scoped3A_62 : memref<!tpu.dma_semaphore, #tpu.memory_space<semaphore_mem>>)
        %dma_wait3A = arith.constant 0 : i32
        %dma_wait3A_71 = tpu.memref_slice %arg9[%run_scoped3A, %dma_wait3A] : memref<2x80xi32, #tpu.memory_space<vmem>> -> memref<1x80xi32, #tpu.memory_space<vmem>>
        %dma_wait3A_72 = tpu.memref_squeeze %dma_wait3A_71 : memref<1x80xi32, #tpu.memory_space<vmem>> -> memref<80xi32, #tpu.memory_space<vmem>>
        %dma_wait3A_73 = tpu.memref_slice %arg5[%multiple_of3A] : memref<320000xi32, #tpu.memory_space<hbm>> -> memref<80xi32, #tpu.memory_space<hbm>>
        %dma_wait3A_74 = arith.constant 0 : i32
        %dma_wait3A_75 = tpu.memref_slice %arg9[%run_scoped3A, %dma_wait3A_74] : memref<2x80xi32, #tpu.memory_space<vmem>> -> memref<1x80xi32, #tpu.memory_space<vmem>>
        %dma_wait3A_76 = tpu.memref_squeeze %dma_wait3A_75 : memref<1x80xi32, #tpu.memory_space<vmem>> -> memref<80xi32, #tpu.memory_space<vmem>>
        %dma_wait3A_77 = tpu.memref_slice %arg5[%multiple_of3A] : memref<320000xi32, #tpu.memory_space<hbm>> -> memref<80xi32, #tpu.memory_space<hbm>>
        tpu.wait_dma2 semaphore(%run_scoped3A_62 : memref<!tpu.dma_semaphore, #tpu.memory_space<semaphore_mem>>) src(%dma_wait3A_77 : memref<80xi32, #tpu.memory_space<hbm>>) dst(%dma_wait3A_76 : memref<80xi32, #tpu.memory_space<vmem>>)
        tpu.yield
      }) : () -> ()
      %run_scoped3A_49 = arith.constant 0 : i32
      "tpu.region"() ({
        %run_scoped3A_62 = tpu.sem_alloc : memref<!tpu.dma_semaphore, #tpu.memory_space<semaphore_mem>>
        %dma_start3A_63 = arith.constant 0 : i32
        %dma_start3A_64 = tpu.memref_slice %arg10[%run_scoped3A_49, %dma_start3A_63] : memref<2x80xi32, #tpu.memory_space<vmem>> -> memref<1x80xi32, #tpu.memory_space<vmem>>
        %dma_start3A_65 = tpu.memref_squeeze %dma_start3A_64 : memref<1x80xi32, #tpu.memory_space<vmem>> -> memref<80xi32, #tpu.memory_space<vmem>>
        %dma_start3A_66 = tpu.memref_slice %arg6[%multiple_of3A] : memref<320000xi32, #tpu.memory_space<hbm>> -> memref<80xi32, #tpu.memory_space<hbm>>
        %dma_start3A_67 = arith.constant 0 : i32
        %dma_start3A_68 = tpu.memref_slice %arg10[%run_scoped3A_49, %dma_start3A_67] : memref<2x80xi32, #tpu.memory_space<vmem>> -> memref<1x80xi32, #tpu.memory_space<vmem>>
        %dma_start3A_69 = tpu.memref_squeeze %dma_start3A_68 : memref<1x80xi32, #tpu.memory_space<vmem>> -> memref<80xi32, #tpu.memory_space<vmem>>
        %dma_start3A_70 = tpu.memref_slice %arg6[%multiple_of3A] : memref<320000xi32, #tpu.memory_space<hbm>> -> memref<80xi32, #tpu.memory_space<hbm>>
        tpu.enqueue_dma source(%dma_start3A_70 : memref<80xi32, #tpu.memory_space<hbm>>) target(%dma_start3A_69 : memref<80xi32, #tpu.memory_space<vmem>>) target_semaphore(%run_scoped3A_62 : memref<!tpu.dma_semaphore, #tpu.memory_space<semaphore_mem>>)
        %dma_wait3A = arith.constant 0 : i32
        %dma_wait3A_71 = tpu.memref_slice %arg10[%run_scoped3A_49, %dma_wait3A] : memref<2x80xi32, #tpu.memory_space<vmem>> -> memref<1x80xi32, #tpu.memory_space<vmem>>
        %dma_wait3A_72 = tpu.memref_squeeze %dma_wait3A_71 : memref<1x80xi32, #tpu.memory_space<vmem>> -> memref<80xi32, #tpu.memory_space<vmem>>
        %dma_wait3A_73 = tpu.memref_slice %arg6[%multiple_of3A] : memref<320000xi32, #tpu.memory_space<hbm>> -> memref<80xi32, #tpu.memory_space<hbm>>
        %dma_wait3A_74 = arith.constant 0 : i32
        %dma_wait3A_75 = tpu.memref_slice %arg10[%run_scoped3A_49, %dma_wait3A_74] : memref<2x80xi32, #tpu.memory_space<vmem>> -> memref<1x80xi32, #tpu.memory_space<vmem>>
        %dma_wait3A_76 = tpu.memref_squeeze %dma_wait3A_75 : memref<1x80xi32, #tpu.memory_space<vmem>> -> memref<80xi32, #tpu.memory_space<vmem>>
        %dma_wait3A_77 = tpu.memref_slice %arg6[%multiple_of3A] : memref<320000xi32, #tpu.memory_space<hbm>> -> memref<80xi32, #tpu.memory_space<hbm>>
        tpu.wait_dma2 semaphore(%run_scoped3A_62 : memref<!tpu.dma_semaphore, #tpu.memory_space<semaphore_mem>>) src(%dma_wait3A_77 : memref<80xi32, #tpu.memory_space<hbm>>) dst(%dma_wait3A_76 : memref<80xi32, #tpu.memory_space<vmem>>)
        tpu.yield
      }) : () -> ()
      %dma_start3A = arith.constant 0 : i32
      %dma_start3A_50 = arith.constant 0 : i32
      %dma_start3A_51 = tpu.memref_slice %arg9[%dma_start3A, %dma_start3A_50] : memref<2x80xi32, #tpu.memory_space<vmem>> -> memref<1x80xi32, #tpu.memory_space<vmem>>
      %dma_start3A_52 = tpu.memref_squeeze %dma_start3A_51 : memref<1x80xi32, #tpu.memory_space<vmem>> -> memref<80xi32, #tpu.memory_space<vmem>>
      %dma_start3A_53 = arith.constant 0 : i32
      %dma_start3A_54 = arith.constant 0 : i32
      %dma_start3A_55 = tpu.memref_slice %arg3[%dma_start3A_53, %dma_start3A_54] : memref<10000x128xf32, #tpu.memory_space<hbm>> -> memref<10000x128xf32, #tpu.memory_space<hbm>>
      tpu.enqueue_indirect_dma source(%dma_start3A_55 : memref<10000x128xf32, #tpu.memory_space<hbm>>) target(%arg11 : memref<80x128xf32, #tpu.memory_space<vmem>>) offsets(%dma_start3A_52 : memref<80xi32, #tpu.memory_space<vmem>>) semaphore(%arg14 : memref<!tpu.dma_semaphore, #tpu.memory_space<semaphore_mem>>)
      %scan3A_56 = arith.constant 0 : i32
      %scan3A_57 = arith.constant 0 : i32
      %scan3A_58 = arith.constant 125 : i32
      %scan3A_59 = arith.addi %scan3A_57, %scan3A_58 : i32
      %scan3A_60 = arith.constant 1 : i32
      scf.for %scan3A_62 = %scan3A_57 to %scan3A_59 step %scan3A_60  : i32 {
        %mul3A_63 = arith.constant 2 : i32
        %mul3A_64 = arith.muli %mul3A_63, %scan3A_62 : i32
        %add3A_65 = arith.constant 0 : i32
        %add3A_66 = arith.addi %mul3A_64, %add3A_65 : i32
        %add3A_67 = arith.constant 1 : i32
        %add3A_68 = arith.addi %add3A_66, %add3A_67 : i32
        %lt3A = arith.constant 250 : i32
        %lt3A_69 = arith.cmpi slt, %add3A_68, %lt3A : i32
        %convert_element_type3A_70 = arith.extui %lt3A_69 : i1 to i32
        %cond3A_71 = arith.constant 0 : i32
        %cond3A_72 = arith.cmpi ne, %convert_element_type3A_70, %cond3A_71 : i32
        scf.if %cond3A_72 {
          %add3A_99 = arith.constant 1 : i32
          %add3A_100 = arith.addi %add3A_66, %add3A_99 : i32
          %mul3A_101 = arith.constant 16 : i32
          %mul3A_102 = arith.muli %mul3A_101, %add3A_100 : i32
          %add3A_103 = arith.addi %arg1, %mul3A_102 : i32
          %mul3A_104 = arith.constant 80 : i32
          %mul3A_105 = arith.muli %add3A_103, %mul3A_104 : i32
          %multiple_of3A_106 = tpu.assume_multiple %mul3A_105, 80 : i32
          %run_scoped3A_107 = arith.constant 1 : i32
          "tpu.region"() ({
            %run_scoped3A_116 = tpu.sem_alloc : memref<!tpu.dma_semaphore, #tpu.memory_space<semaphore_mem>>
            %dma_start3A_117 = arith.constant 0 : i32
            %dma_start3A_118 = tpu.memref_slice %arg9[%run_scoped3A_107, %dma_start3A_117] : memref<2x80xi32, #tpu.memory_space<vmem>> -> memref<1x80xi32, #tpu.memory_space<vmem>>
            %dma_start3A_119 = tpu.memref_squeeze %dma_start3A_118 : memref<1x80xi32, #tpu.memory_space<vmem>> -> memref<80xi32, #tpu.memory_space<vmem>>
            %dma_start3A_120 = tpu.memref_slice %arg5[%multiple_of3A_106] : memref<320000xi32, #tpu.memory_space<hbm>> -> memref<80xi32, #tpu.memory_space<hbm>>
            %dma_start3A_121 = arith.constant 0 : i32
            %dma_start3A_122 = tpu.memref_slice %arg9[%run_scoped3A_107, %dma_start3A_121] : memref<2x80xi32, #tpu.memory_space<vmem>> -> memref<1x80xi32, #tpu.memory_space<vmem>>
            %dma_start3A_123 = tpu.memref_squeeze %dma_start3A_122 : memref<1x80xi32, #tpu.memory_space<vmem>> -> memref<80xi32, #tpu.memory_space<vmem>>
            %dma_start3A_124 = tpu.memref_slice %arg5[%multiple_of3A_106] : memref<320000xi32, #tpu.memory_space<hbm>> -> memref<80xi32, #tpu.memory_space<hbm>>
            tpu.enqueue_dma source(%dma_start3A_124 : memref<80xi32, #tpu.memory_space<hbm>>) target(%dma_start3A_123 : memref<80xi32, #tpu.memory_space<vmem>>) target_semaphore(%run_scoped3A_116 : memref<!tpu.dma_semaphore, #tpu.memory_space<semaphore_mem>>)
            %dma_wait3A_125 = arith.constant 0 : i32
            %dma_wait3A_126 = tpu.memref_slice %arg9[%run_scoped3A_107, %dma_wait3A_125] : memref<2x80xi32, #tpu.memory_space<vmem>> -> memref<1x80xi32, #tpu.memory_space<vmem>>
            %dma_wait3A_127 = tpu.memref_squeeze %dma_wait3A_126 : memref<1x80xi32, #tpu.memory_space<vmem>> -> memref<80xi32, #tpu.memory_space<vmem>>
            %dma_wait3A_128 = tpu.memref_slice %arg5[%multiple_of3A_106] : memref<320000xi32, #tpu.memory_space<hbm>> -> memref<80xi32, #tpu.memory_space<hbm>>
            %dma_wait3A_129 = arith.constant 0 : i32
            %dma_wait3A_130 = tpu.memref_slice %arg9[%run_scoped3A_107, %dma_wait3A_129] : memref<2x80xi32, #tpu.memory_space<vmem>> -> memref<1x80xi32, #tpu.memory_space<vmem>>
            %dma_wait3A_131 = tpu.memref_squeeze %dma_wait3A_130 : memref<1x80xi32, #tpu.memory_space<vmem>> -> memref<80xi32, #tpu.memory_space<vmem>>
            %dma_wait3A_132 = tpu.memref_slice %arg5[%multiple_of3A_106] : memref<320000xi32, #tpu.memory_space<hbm>> -> memref<80xi32, #tpu.memory_space<hbm>>
            tpu.wait_dma2 semaphore(%run_scoped3A_116 : memref<!tpu.dma_semaphore, #tpu.memory_space<semaphore_mem>>) src(%dma_wait3A_132 : memref<80xi32, #tpu.memory_space<hbm>>) dst(%dma_wait3A_131 : memref<80xi32, #tpu.memory_space<vmem>>)
            tpu.yield
          }) : () -> ()
          %run_scoped3A_108 = arith.constant 1 : i32
          "tpu.region"() ({
            %run_scoped3A_116 = tpu.sem_alloc : memref<!tpu.dma_semaphore, #tpu.memory_space<semaphore_mem>>
            %dma_start3A_117 = arith.constant 0 : i32
            %dma_start3A_118 = tpu.memref_slice %arg10[%run_scoped3A_108, %dma_start3A_117] : memref<2x80xi32, #tpu.memory_space<vmem>> -> memref<1x80xi32, #tpu.memory_space<vmem>>
            %dma_start3A_119 = tpu.memref_squeeze %dma_start3A_118 : memref<1x80xi32, #tpu.memory_space<vmem>> -> memref<80xi32, #tpu.memory_space<vmem>>
            %dma_start3A_120 = tpu.memref_slice %arg6[%multiple_of3A_106] : memref<320000xi32, #tpu.memory_space<hbm>> -> memref<80xi32, #tpu.memory_space<hbm>>
            %dma_start3A_121 = arith.constant 0 : i32
            %dma_start3A_122 = tpu.memref_slice %arg10[%run_scoped3A_108, %dma_start3A_121] : memref<2x80xi32, #tpu.memory_space<vmem>> -> memref<1x80xi32, #tpu.memory_space<vmem>>
            %dma_start3A_123 = tpu.memref_squeeze %dma_start3A_122 : memref<1x80xi32, #tpu.memory_space<vmem>> -> memref<80xi32, #tpu.memory_space<vmem>>
            %dma_start3A_124 = tpu.memref_slice %arg6[%multiple_of3A_106] : memref<320000xi32, #tpu.memory_space<hbm>> -> memref<80xi32, #tpu.memory_space<hbm>>
            tpu.enqueue_dma source(%dma_start3A_124 : memref<80xi32, #tpu.memory_space<hbm>>) target(%dma_start3A_123 : memref<80xi32, #tpu.memory_space<vmem>>) target_semaphore(%run_scoped3A_116 : memref<!tpu.dma_semaphore, #tpu.memory_space<semaphore_mem>>)
            %dma_wait3A_125 = arith.constant 0 : i32
            %dma_wait3A_126 = tpu.memref_slice %arg10[%run_scoped3A_108, %dma_wait3A_125] : memref<2x80xi32, #tpu.memory_space<vmem>> -> memref<1x80xi32, #tpu.memory_space<vmem>>
            %dma_wait3A_127 = tpu.memref_squeeze %dma_wait3A_126 : memref<1x80xi32, #tpu.memory_space<vmem>> -> memref<80xi32, #tpu.memory_space<vmem>>
            %dma_wait3A_128 = tpu.memref_slice %arg6[%multiple_of3A_106] : memref<320000xi32, #tpu.memory_space<hbm>> -> memref<80xi32, #tpu.memory_space<hbm>>
            %dma_wait3A_129 = arith.constant 0 : i32
            %dma_wait3A_130 = tpu.memref_slice %arg10[%run_scoped3A_108, %dma_wait3A_129] : memref<2x80xi32, #tpu.memory_space<vmem>> -> memref<1x80xi32, #tpu.memory_space<vmem>>
            %dma_wait3A_131 = tpu.memref_squeeze %dma_wait3A_130 : memref<1x80xi32, #tpu.memory_space<vmem>> -> memref<80xi32, #tpu.memory_space<vmem>>
            %dma_wait3A_132 = tpu.memref_slice %arg6[%multiple_of3A_106] : memref<320000xi32, #tpu.memory_space<hbm>> -> memref<80xi32, #tpu.memory_space<hbm>>
            tpu.wait_dma2 semaphore(%run_scoped3A_116 : memref<!tpu.dma_semaphore, #tpu.memory_space<semaphore_mem>>) src(%dma_wait3A_132 : memref<80xi32, #tpu.memory_space<hbm>>) dst(%dma_wait3A_131 : memref<80xi32, #tpu.memory_space<vmem>>)
            tpu.yield
          }) : () -> ()
          %dma_start3A_109 = arith.constant 1 : i32
          %dma_start3A_110 = arith.constant 0 : i32
          %dma_start3A_111 = tpu.memref_slice %arg9[%dma_start3A_109, %dma_start3A_110] : memref<2x80xi32, #tpu.memory_space<vmem>> -> memref<1x80xi32, #tpu.memory_space<vmem>>
          %dma_start3A_112 = tpu.memref_squeeze %dma_start3A_111 : memref<1x80xi32, #tpu.memory_space<vmem>> -> memref<80xi32, #tpu.memory_space<vmem>>
          %dma_start3A_113 = arith.constant 0 : i32
          %dma_start3A_114 = arith.constant 0 : i32
          %dma_start3A_115 = tpu.memref_slice %arg3[%dma_start3A_113, %dma_start3A_114] : memref<10000x128xf32, #tpu.memory_space<hbm>> -> memref<10000x128xf32, #tpu.memory_space<hbm>>
          tpu.enqueue_indirect_dma source(%dma_start3A_115 : memref<10000x128xf32, #tpu.memory_space<hbm>>) target(%arg12 : memref<80x128xf32, #tpu.memory_space<vmem>>) offsets(%dma_start3A_112 : memref<80xi32, #tpu.memory_space<vmem>>) semaphore(%arg15 : memref<!tpu.dma_semaphore, #tpu.memory_space<semaphore_mem>>)
        } else {
        }
        %dma_wait3A = arith.constant 0 : i32
        %dma_wait3A_73 = arith.constant 0 : i32
        %dma_wait3A_74 = tpu.memref_slice %arg9[%dma_wait3A, %dma_wait3A_73] : memref<2x80xi32, #tpu.memory_space<vmem>> -> memref<1x80xi32, #tpu.memory_space<vmem>>
        %dma_wait3A_75 = tpu.memref_squeeze %dma_wait3A_74 : memref<1x80xi32, #tpu.memory_space<vmem>> -> memref<80xi32, #tpu.memory_space<vmem>>
        %dma_wait3A_76 = arith.constant 0 : i32
        %dma_wait3A_77 = arith.constant 0 : i32
        %dma_wait3A_78 = tpu.memref_slice %arg3[%dma_wait3A_76, %dma_wait3A_77] : memref<10000x128xf32, #tpu.memory_space<hbm>> -> memref<10000x128xf32, #tpu.memory_space<hbm>>
        tpu.wait_indirect_dma semaphore(%arg14 : memref<!tpu.dma_semaphore, #tpu.memory_space<semaphore_mem>>) src(%dma_wait3A_78 : memref<10000x128xf32, #tpu.memory_space<hbm>>) dst(%arg11 : memref<80x128xf32, #tpu.memory_space<vmem>>)
        %run_scoped3A_79 = arith.constant 0 : i32
        "tpu.region"() ({
          %run_scoped3A_99 = tpu.sem_alloc : memref<!tpu.dma_semaphore, #tpu.memory_space<semaphore_mem>>
          %dma_start3A_100 = arith.constant 0 : i32
          %dma_start3A_101 = tpu.memref_slice %arg10[%run_scoped3A_79, %dma_start3A_100] : memref<2x80xi32, #tpu.memory_space<vmem>> -> memref<1x80xi32, #tpu.memory_space<vmem>>
          %dma_start3A_102 = tpu.memref_squeeze %dma_start3A_101 : memref<1x80xi32, #tpu.memory_space<vmem>> -> memref<80xi32, #tpu.memory_space<vmem>>
          %dma_start3A_103 = arith.constant 0 : i32
          %dma_start3A_104 = arith.constant 0 : i32
          %dma_start3A_105 = tpu.memref_slice %arg13[%dma_start3A_103, %dma_start3A_104] : memref<10240x128xf32, #tpu.memory_space<vmem_shared>> -> memref<10240x128xf32, #tpu.memory_space<vmem_shared>>
          tpu.enqueue_indirect_dma source(%arg11 : memref<80x128xf32, #tpu.memory_space<vmem>>) target(%dma_start3A_105 : memref<10240x128xf32, #tpu.memory_space<vmem_shared>>) offsets(%dma_start3A_102 : memref<80xi32, #tpu.memory_space<vmem>>) semaphore(%run_scoped3A_99 : memref<!tpu.dma_semaphore, #tpu.memory_space<semaphore_mem>>) {add = true}
          %dma_wait3A_106 = arith.constant 0 : i32
          %dma_wait3A_107 = tpu.memref_slice %arg10[%run_scoped3A_79, %dma_wait3A_106] : memref<2x80xi32, #tpu.memory_space<vmem>> -> memref<1x80xi32, #tpu.memory_space<vmem>>
          %dma_wait3A_108 = tpu.memref_squeeze %dma_wait3A_107 : memref<1x80xi32, #tpu.memory_space<vmem>> -> memref<80xi32, #tpu.memory_space<vmem>>
          %dma_wait3A_109 = arith.constant 0 : i32
          %dma_wait3A_110 = arith.constant 0 : i32
          %dma_wait3A_111 = tpu.memref_slice %arg13[%dma_wait3A_109, %dma_wait3A_110] : memref<10240x128xf32, #tpu.memory_space<vmem_shared>> -> memref<10240x128xf32, #tpu.memory_space<vmem_shared>>
          tpu.wait_indirect_dma semaphore(%run_scoped3A_99 : memref<!tpu.dma_semaphore, #tpu.memory_space<semaphore_mem>>) src(%arg11 : memref<80x128xf32, #tpu.memory_space<vmem>>) dst(%dma_wait3A_111 : memref<10240x128xf32, #tpu.memory_space<vmem_shared>>)
          tpu.yield
        }) : () -> ()
        %mul3A_80 = arith.constant 2 : i32
        %mul3A_81 = arith.muli %mul3A_80, %scan3A_62 : i32
        %add3A_82 = arith.constant 1 : i32
        %add3A_83 = arith.addi %mul3A_81, %add3A_82 : i32
        %add3A_84 = arith.constant 1 : i32
        %add3A_85 = arith.addi %add3A_83, %add3A_84 : i32
        %lt3A_86 = arith.constant 250 : i32
        %lt3A_87 = arith.cmpi slt, %add3A_85, %lt3A_86 : i32
        %convert_element_type3A_88 = arith.extui %lt3A_87 : i1 to i32
        %cond3A_89 = arith.constant 0 : i32
        %cond3A_90 = arith.cmpi ne, %convert_element_type3A_88, %cond3A_89 : i32
        scf.if %cond3A_90 {
          %add3A_99 = arith.constant 1 : i32
          %add3A_100 = arith.addi %add3A_83, %add3A_99 : i32
          %mul3A_101 = arith.constant 16 : i32
          %mul3A_102 = arith.muli %mul3A_101, %add3A_100 : i32
          %add3A_103 = arith.addi %arg1, %mul3A_102 : i32
          %mul3A_104 = arith.constant 80 : i32
          %mul3A_105 = arith.muli %add3A_103, %mul3A_104 : i32
          %multiple_of3A_106 = tpu.assume_multiple %mul3A_105, 80 : i32
          %run_scoped3A_107 = arith.constant 0 : i32
          "tpu.region"() ({
            %run_scoped3A_116 = tpu.sem_alloc : memref<!tpu.dma_semaphore, #tpu.memory_space<semaphore_mem>>
            %dma_start3A_117 = arith.constant 0 : i32
            %dma_start3A_118 = tpu.memref_slice %arg9[%run_scoped3A_107, %dma_start3A_117] : memref<2x80xi32, #tpu.memory_space<vmem>> -> memref<1x80xi32, #tpu.memory_space<vmem>>
            %dma_start3A_119 = tpu.memref_squeeze %dma_start3A_118 : memref<1x80xi32, #tpu.memory_space<vmem>> -> memref<80xi32, #tpu.memory_space<vmem>>
            %dma_start3A_120 = tpu.memref_slice %arg5[%multiple_of3A_106] : memref<320000xi32, #tpu.memory_space<hbm>> -> memref<80xi32, #tpu.memory_space<hbm>>
            %dma_start3A_121 = arith.constant 0 : i32
            %dma_start3A_122 = tpu.memref_slice %arg9[%run_scoped3A_107, %dma_start3A_121] : memref<2x80xi32, #tpu.memory_space<vmem>> -> memref<1x80xi32, #tpu.memory_space<vmem>>
            %dma_start3A_123 = tpu.memref_squeeze %dma_start3A_122 : memref<1x80xi32, #tpu.memory_space<vmem>> -> memref<80xi32, #tpu.memory_space<vmem>>
            %dma_start3A_124 = tpu.memref_slice %arg5[%multiple_of3A_106] : memref<320000xi32, #tpu.memory_space<hbm>> -> memref<80xi32, #tpu.memory_space<hbm>>
            tpu.enqueue_dma source(%dma_start3A_124 : memref<80xi32, #tpu.memory_space<hbm>>) target(%dma_start3A_123 : memref<80xi32, #tpu.memory_space<vmem>>) target_semaphore(%run_scoped3A_116 : memref<!tpu.dma_semaphore, #tpu.memory_space<semaphore_mem>>)
            %dma_wait3A_125 = arith.constant 0 : i32
            %dma_wait3A_126 = tpu.memref_slice %arg9[%run_scoped3A_107, %dma_wait3A_125] : memref<2x80xi32, #tpu.memory_space<vmem>> -> memref<1x80xi32, #tpu.memory_space<vmem>>
            %dma_wait3A_127 = tpu.memref_squeeze %dma_wait3A_126 : memref<1x80xi32, #tpu.memory_space<vmem>> -> memref<80xi32, #tpu.memory_space<vmem>>
            %dma_wait3A_128 = tpu.memref_slice %arg5[%multiple_of3A_106] : memref<320000xi32, #tpu.memory_space<hbm>> -> memref<80xi32, #tpu.memory_space<hbm>>
            %dma_wait3A_129 = arith.constant 0 : i32
            %dma_wait3A_130 = tpu.memref_slice %arg9[%run_scoped3A_107, %dma_wait3A_129] : memref<2x80xi32, #tpu.memory_space<vmem>> -> memref<1x80xi32, #tpu.memory_space<vmem>>
            %dma_wait3A_131 = tpu.memref_squeeze %dma_wait3A_130 : memref<1x80xi32, #tpu.memory_space<vmem>> -> memref<80xi32, #tpu.memory_space<vmem>>
            %dma_wait3A_132 = tpu.memref_slice %arg5[%multiple_of3A_106] : memref<320000xi32, #tpu.memory_space<hbm>> -> memref<80xi32, #tpu.memory_space<hbm>>
            tpu.wait_dma2 semaphore(%run_scoped3A_116 : memref<!tpu.dma_semaphore, #tpu.memory_space<semaphore_mem>>) src(%dma_wait3A_132 : memref<80xi32, #tpu.memory_space<hbm>>) dst(%dma_wait3A_131 : memref<80xi32, #tpu.memory_space<vmem>>)
            tpu.yield
          }) : () -> ()
          %run_scoped3A_108 = arith.constant 0 : i32
          "tpu.region"() ({
            %run_scoped3A_116 = tpu.sem_alloc : memref<!tpu.dma_semaphore, #tpu.memory_space<semaphore_mem>>
            %dma_start3A_117 = arith.constant 0 : i32
            %dma_start3A_118 = tpu.memref_slice %arg10[%run_scoped3A_108, %dma_start3A_117] : memref<2x80xi32, #tpu.memory_space<vmem>> -> memref<1x80xi32, #tpu.memory_space<vmem>>
            %dma_start3A_119 = tpu.memref_squeeze %dma_start3A_118 : memref<1x80xi32, #tpu.memory_space<vmem>> -> memref<80xi32, #tpu.memory_space<vmem>>
            %dma_start3A_120 = tpu.memref_slice %arg6[%multiple_of3A_106] : memref<320000xi32, #tpu.memory_space<hbm>> -> memref<80xi32, #tpu.memory_space<hbm>>
            %dma_start3A_121 = arith.constant 0 : i32
            %dma_start3A_122 = tpu.memref_slice %arg10[%run_scoped3A_108, %dma_start3A_121] : memref<2x80xi32, #tpu.memory_space<vmem>> -> memref<1x80xi32, #tpu.memory_space<vmem>>
            %dma_start3A_123 = tpu.memref_squeeze %dma_start3A_122 : memref<1x80xi32, #tpu.memory_space<vmem>> -> memref<80xi32, #tpu.memory_space<vmem>>
            %dma_start3A_124 = tpu.memref_slice %arg6[%multiple_of3A_106] : memref<320000xi32, #tpu.memory_space<hbm>> -> memref<80xi32, #tpu.memory_space<hbm>>
            tpu.enqueue_dma source(%dma_start3A_124 : memref<80xi32, #tpu.memory_space<hbm>>) target(%dma_start3A_123 : memref<80xi32, #tpu.memory_space<vmem>>) target_semaphore(%run_scoped3A_116 : memref<!tpu.dma_semaphore, #tpu.memory_space<semaphore_mem>>)
            %dma_wait3A_125 = arith.constant 0 : i32
            %dma_wait3A_126 = tpu.memref_slice %arg10[%run_scoped3A_108, %dma_wait3A_125] : memref<2x80xi32, #tpu.memory_space<vmem>> -> memref<1x80xi32, #tpu.memory_space<vmem>>
            %dma_wait3A_127 = tpu.memref_squeeze %dma_wait3A_126 : memref<1x80xi32, #tpu.memory_space<vmem>> -> memref<80xi32, #tpu.memory_space<vmem>>
            %dma_wait3A_128 = tpu.memref_slice %arg6[%multiple_of3A_106] : memref<320000xi32, #tpu.memory_space<hbm>> -> memref<80xi32, #tpu.memory_space<hbm>>
            %dma_wait3A_129 = arith.constant 0 : i32
            %dma_wait3A_130 = tpu.memref_slice %arg10[%run_scoped3A_108, %dma_wait3A_129] : memref<2x80xi32, #tpu.memory_space<vmem>> -> memref<1x80xi32, #tpu.memory_space<vmem>>
            %dma_wait3A_131 = tpu.memref_squeeze %dma_wait3A_130 : memref<1x80xi32, #tpu.memory_space<vmem>> -> memref<80xi32, #tpu.memory_space<vmem>>
            %dma_wait3A_132 = tpu.memref_slice %arg6[%multiple_of3A_106] : memref<320000xi32, #tpu.memory_space<hbm>> -> memref<80xi32, #tpu.memory_space<hbm>>
            tpu.wait_dma2 semaphore(%run_scoped3A_116 : memref<!tpu.dma_semaphore, #tpu.memory_space<semaphore_mem>>) src(%dma_wait3A_132 : memref<80xi32, #tpu.memory_space<hbm>>) dst(%dma_wait3A_131 : memref<80xi32, #tpu.memory_space<vmem>>)
            tpu.yield
          }) : () -> ()
          %dma_start3A_109 = arith.constant 0 : i32
          %dma_start3A_110 = arith.constant 0 : i32
          %dma_start3A_111 = tpu.memref_slice %arg9[%dma_start3A_109, %dma_start3A_110] : memref<2x80xi32, #tpu.memory_space<vmem>> -> memref<1x80xi32, #tpu.memory_space<vmem>>
          %dma_start3A_112 = tpu.memref_squeeze %dma_start3A_111 : memref<1x80xi32, #tpu.memory_space<vmem>> -> memref<80xi32, #tpu.memory_space<vmem>>
          %dma_start3A_113 = arith.constant 0 : i32
          %dma_start3A_114 = arith.constant 0 : i32
          %dma_start3A_115 = tpu.memref_slice %arg3[%dma_start3A_113, %dma_start3A_114] : memref<10000x128xf32, #tpu.memory_space<hbm>> -> memref<10000x128xf32, #tpu.memory_space<hbm>>
          tpu.enqueue_indirect_dma source(%dma_start3A_115 : memref<10000x128xf32, #tpu.memory_space<hbm>>) target(%arg11 : memref<80x128xf32, #tpu.memory_space<vmem>>) offsets(%dma_start3A_112 : memref<80xi32, #tpu.memory_space<vmem>>) semaphore(%arg14 : memref<!tpu.dma_semaphore, #tpu.memory_space<semaphore_mem>>)
        } else {
        }
        %dma_wait3A_91 = arith.constant 1 : i32
        %dma_wait3A_92 = arith.constant 0 : i32
        %dma_wait3A_93 = tpu.memref_slice %arg9[%dma_wait3A_91, %dma_wait3A_92] : memref<2x80xi32, #tpu.memory_space<vmem>> -> memref<1x80xi32, #tpu.memory_space<vmem>>
        %dma_wait3A_94 = tpu.memref_squeeze %dma_wait3A_93 : memref<1x80xi32, #tpu.memory_space<vmem>> -> memref<80xi32, #tpu.memory_space<vmem>>
        %dma_wait3A_95 = arith.constant 0 : i32
        %dma_wait3A_96 = arith.constant 0 : i32
        %dma_wait3A_97 = tpu.memref_slice %arg3[%dma_wait3A_95, %dma_wait3A_96] : memref<10000x128xf32, #tpu.memory_space<hbm>> -> memref<10000x128xf32, #tpu.memory_space<hbm>>
        tpu.wait_indirect_dma semaphore(%arg15 : memref<!tpu.dma_semaphore, #tpu.memory_space<semaphore_mem>>) src(%dma_wait3A_97 : memref<10000x128xf32, #tpu.memory_space<hbm>>) dst(%arg12 : memref<80x128xf32, #tpu.memory_space<vmem>>)
        %run_scoped3A_98 = arith.constant 1 : i32
        "tpu.region"() ({
          %run_scoped3A_99 = tpu.sem_alloc : memref<!tpu.dma_semaphore, #tpu.memory_space<semaphore_mem>>
          %dma_start3A_100 = arith.constant 0 : i32
          %dma_start3A_101 = tpu.memref_slice %arg10[%run_scoped3A_98, %dma_start3A_100] : memref<2x80xi32, #tpu.memory_space<vmem>> -> memref<1x80xi32, #tpu.memory_space<vmem>>
          %dma_start3A_102 = tpu.memref_squeeze %dma_start3A_101 : memref<1x80xi32, #tpu.memory_space<vmem>> -> memref<80xi32, #tpu.memory_space<vmem>>
          %dma_start3A_103 = arith.constant 0 : i32
          %dma_start3A_104 = arith.constant 0 : i32
          %dma_start3A_105 = tpu.memref_slice %arg13[%dma_start3A_103, %dma_start3A_104] : memref<10240x128xf32, #tpu.memory_space<vmem_shared>> -> memref<10240x128xf32, #tpu.memory_space<vmem_shared>>
          tpu.enqueue_indirect_dma source(%arg12 : memref<80x128xf32, #tpu.memory_space<vmem>>) target(%dma_start3A_105 : memref<10240x128xf32, #tpu.memory_space<vmem_shared>>) offsets(%dma_start3A_102 : memref<80xi32, #tpu.memory_space<vmem>>) semaphore(%run_scoped3A_99 : memref<!tpu.dma_semaphore, #tpu.memory_space<semaphore_mem>>) {add = true}
          %dma_wait3A_106 = arith.constant 0 : i32
          %dma_wait3A_107 = tpu.memref_slice %arg10[%run_scoped3A_98, %dma_wait3A_106] : memref<2x80xi32, #tpu.memory_space<vmem>> -> memref<1x80xi32, #tpu.memory_space<vmem>>
          %dma_wait3A_108 = tpu.memref_squeeze %dma_wait3A_107 : memref<1x80xi32, #tpu.memory_space<vmem>> -> memref<80xi32, #tpu.memory_space<vmem>>
          %dma_wait3A_109 = arith.constant 0 : i32
          %dma_wait3A_110 = arith.constant 0 : i32
          %dma_wait3A_111 = tpu.memref_slice %arg13[%dma_wait3A_109, %dma_wait3A_110] : memref<10240x128xf32, #tpu.memory_space<vmem_shared>> -> memref<10240x128xf32, #tpu.memory_space<vmem_shared>>
          tpu.wait_indirect_dma semaphore(%run_scoped3A_99 : memref<!tpu.dma_semaphore, #tpu.memory_space<semaphore_mem>>) src(%arg12 : memref<80x128xf32, #tpu.memory_space<vmem>>) dst(%dma_wait3A_111 : memref<10240x128xf32, #tpu.memory_space<vmem_shared>>)
          tpu.yield
        }) : () -> ()
      }
      %scan3A_61 = arith.constant 125 : i32
    } else {
    }
    %eq3A_24 = arith.constant 1 : i32
    %eq3A_25 = arith.cmpi eq, %arg0, %eq3A_24 : i32
    %convert_element_type3A_26 = arith.extui %eq3A_25 : i1 to i32
    %cond3A_27 = arith.constant 0 : i32
    %cond3A_28 = arith.cmpi ne, %convert_element_type3A_26, %cond3A_27 : i32
    scf.if %cond3A_28 {
      %add3A_45 = arith.constant 0 : i32
      %add3A_46 = arith.addi %arg1, %add3A_45 : i32
      %mul3A_47 = arith.constant 80 : i32
      %mul3A_48 = arith.muli %add3A_46, %mul3A_47 : i32
      %multiple_of3A = tpu.assume_multiple %mul3A_48, 80 : i32
      %run_scoped3A = arith.constant 0 : i32
      "tpu.region"() ({
        %run_scoped3A_62 = tpu.sem_alloc : memref<!tpu.dma_semaphore, #tpu.memory_space<semaphore_mem>>
        %dma_start3A_63 = arith.constant 0 : i32
        %dma_start3A_64 = tpu.memref_slice %arg9[%run_scoped3A, %dma_start3A_63] : memref<2x80xi32, #tpu.memory_space<vmem>> -> memref<1x80xi32, #tpu.memory_space<vmem>>
        %dma_start3A_65 = tpu.memref_squeeze %dma_start3A_64 : memref<1x80xi32, #tpu.memory_space<vmem>> -> memref<80xi32, #tpu.memory_space<vmem>>
        %dma_start3A_66 = tpu.memref_slice %arg6[%multiple_of3A] : memref<320000xi32, #tpu.memory_space<hbm>> -> memref<80xi32, #tpu.memory_space<hbm>>
        %dma_start3A_67 = arith.constant 0 : i32
        %dma_start3A_68 = tpu.memref_slice %arg9[%run_scoped3A, %dma_start3A_67] : memref<2x80xi32, #tpu.memory_space<vmem>> -> memref<1x80xi32, #tpu.memory_space<vmem>>
        %dma_start3A_69 = tpu.memref_squeeze %dma_start3A_68 : memref<1x80xi32, #tpu.memory_space<vmem>> -> memref<80xi32, #tpu.memory_space<vmem>>
        %dma_start3A_70 = tpu.memref_slice %arg6[%multiple_of3A] : memref<320000xi32, #tpu.memory_space<hbm>> -> memref<80xi32, #tpu.memory_space<hbm>>
        tpu.enqueue_dma source(%dma_start3A_70 : memref<80xi32, #tpu.memory_space<hbm>>) target(%dma_start3A_69 : memref<80xi32, #tpu.memory_space<vmem>>) target_semaphore(%run_scoped3A_62 : memref<!tpu.dma_semaphore, #tpu.memory_space<semaphore_mem>>)
        %dma_wait3A = arith.constant 0 : i32
        %dma_wait3A_71 = tpu.memref_slice %arg9[%run_scoped3A, %dma_wait3A] : memref<2x80xi32, #tpu.memory_space<vmem>> -> memref<1x80xi32, #tpu.memory_space<vmem>>
        %dma_wait3A_72 = tpu.memref_squeeze %dma_wait3A_71 : memref<1x80xi32, #tpu.memory_space<vmem>> -> memref<80xi32, #tpu.memory_space<vmem>>
        %dma_wait3A_73 = tpu.memref_slice %arg6[%multiple_of3A] : memref<320000xi32, #tpu.memory_space<hbm>> -> memref<80xi32, #tpu.memory_space<hbm>>
        %dma_wait3A_74 = arith.constant 0 : i32
        %dma_wait3A_75 = tpu.memref_slice %arg9[%run_scoped3A, %dma_wait3A_74] : memref<2x80xi32, #tpu.memory_space<vmem>> -> memref<1x80xi32, #tpu.memory_space<vmem>>
        %dma_wait3A_76 = tpu.memref_squeeze %dma_wait3A_75 : memref<1x80xi32, #tpu.memory_space<vmem>> -> memref<80xi32, #tpu.memory_space<vmem>>
        %dma_wait3A_77 = tpu.memref_slice %arg6[%multiple_of3A] : memref<320000xi32, #tpu.memory_space<hbm>> -> memref<80xi32, #tpu.memory_space<hbm>>
        tpu.wait_dma2 semaphore(%run_scoped3A_62 : memref<!tpu.dma_semaphore, #tpu.memory_space<semaphore_mem>>) src(%dma_wait3A_77 : memref<80xi32, #tpu.memory_space<hbm>>) dst(%dma_wait3A_76 : memref<80xi32, #tpu.memory_space<vmem>>)
        tpu.yield
      }) : () -> ()
      %run_scoped3A_49 = arith.constant 0 : i32
      "tpu.region"() ({
        %run_scoped3A_62 = tpu.sem_alloc : memref<!tpu.dma_semaphore, #tpu.memory_space<semaphore_mem>>
        %dma_start3A_63 = arith.constant 0 : i32
        %dma_start3A_64 = tpu.memref_slice %arg10[%run_scoped3A_49, %dma_start3A_63] : memref<2x80xi32, #tpu.memory_space<vmem>> -> memref<1x80xi32, #tpu.memory_space<vmem>>
        %dma_start3A_65 = tpu.memref_squeeze %dma_start3A_64 : memref<1x80xi32, #tpu.memory_space<vmem>> -> memref<80xi32, #tpu.memory_space<vmem>>
        %dma_start3A_66 = tpu.memref_slice %arg5[%multiple_of3A] : memref<320000xi32, #tpu.memory_space<hbm>> -> memref<80xi32, #tpu.memory_space<hbm>>
        %dma_start3A_67 = arith.constant 0 : i32
        %dma_start3A_68 = tpu.memref_slice %arg10[%run_scoped3A_49, %dma_start3A_67] : memref<2x80xi32, #tpu.memory_space<vmem>> -> memref<1x80xi32, #tpu.memory_space<vmem>>
        %dma_start3A_69 = tpu.memref_squeeze %dma_start3A_68 : memref<1x80xi32, #tpu.memory_space<vmem>> -> memref<80xi32, #tpu.memory_space<vmem>>
        %dma_start3A_70 = tpu.memref_slice %arg5[%multiple_of3A] : memref<320000xi32, #tpu.memory_space<hbm>> -> memref<80xi32, #tpu.memory_space<hbm>>
        tpu.enqueue_dma source(%dma_start3A_70 : memref<80xi32, #tpu.memory_space<hbm>>) target(%dma_start3A_69 : memref<80xi32, #tpu.memory_space<vmem>>) target_semaphore(%run_scoped3A_62 : memref<!tpu.dma_semaphore, #tpu.memory_space<semaphore_mem>>)
        %dma_wait3A = arith.constant 0 : i32
        %dma_wait3A_71 = tpu.memref_slice %arg10[%run_scoped3A_49, %dma_wait3A] : memref<2x80xi32, #tpu.memory_space<vmem>> -> memref<1x80xi32, #tpu.memory_space<vmem>>
        %dma_wait3A_72 = tpu.memref_squeeze %dma_wait3A_71 : memref<1x80xi32, #tpu.memory_space<vmem>> -> memref<80xi32, #tpu.memory_space<vmem>>
        %dma_wait3A_73 = tpu.memref_slice %arg5[%multiple_of3A] : memref<320000xi32, #tpu.memory_space<hbm>> -> memref<80xi32, #tpu.memory_space<hbm>>
        %dma_wait3A_74 = arith.constant 0 : i32
        %dma_wait3A_75 = tpu.memref_slice %arg10[%run_scoped3A_49, %dma_wait3A_74] : memref<2x80xi32, #tpu.memory_space<vmem>> -> memref<1x80xi32, #tpu.memory_space<vmem>>
        %dma_wait3A_76 = tpu.memref_squeeze %dma_wait3A_75 : memref<1x80xi32, #tpu.memory_space<vmem>> -> memref<80xi32, #tpu.memory_space<vmem>>
        %dma_wait3A_77 = tpu.memref_slice %arg5[%multiple_of3A] : memref<320000xi32, #tpu.memory_space<hbm>> -> memref<80xi32, #tpu.memory_space<hbm>>
        tpu.wait_dma2 semaphore(%run_scoped3A_62 : memref<!tpu.dma_semaphore, #tpu.memory_space<semaphore_mem>>) src(%dma_wait3A_77 : memref<80xi32, #tpu.memory_space<hbm>>) dst(%dma_wait3A_76 : memref<80xi32, #tpu.memory_space<vmem>>)
        tpu.yield
      }) : () -> ()
      %dma_start3A = arith.constant 0 : i32
      %dma_start3A_50 = arith.constant 0 : i32
      %dma_start3A_51 = tpu.memref_slice %arg9[%dma_start3A, %dma_start3A_50] : memref<2x80xi32, #tpu.memory_space<vmem>> -> memref<1x80xi32, #tpu.memory_space<vmem>>
      %dma_start3A_52 = tpu.memref_squeeze %dma_start3A_51 : memref<1x80xi32, #tpu.memory_space<vmem>> -> memref<80xi32, #tpu.memory_space<vmem>>
      %dma_start3A_53 = arith.constant 0 : i32
      %dma_start3A_54 = arith.constant 0 : i32
      %dma_start3A_55 = tpu.memref_slice %arg2[%dma_start3A_53, %dma_start3A_54] : memref<10000x128xf32, #tpu.memory_space<hbm>> -> memref<10000x128xf32, #tpu.memory_space<hbm>>
      tpu.enqueue_indirect_dma source(%dma_start3A_55 : memref<10000x128xf32, #tpu.memory_space<hbm>>) target(%arg11 : memref<80x128xf32, #tpu.memory_space<vmem>>) offsets(%dma_start3A_52 : memref<80xi32, #tpu.memory_space<vmem>>) semaphore(%arg14 : memref<!tpu.dma_semaphore, #tpu.memory_space<semaphore_mem>>)
      %scan3A_56 = arith.constant 0 : i32
      %scan3A_57 = arith.constant 0 : i32
      %scan3A_58 = arith.constant 125 : i32
      %scan3A_59 = arith.addi %scan3A_57, %scan3A_58 : i32
      %scan3A_60 = arith.constant 1 : i32
      scf.for %scan3A_62 = %scan3A_57 to %scan3A_59 step %scan3A_60  : i32 {
        %mul3A_63 = arith.constant 2 : i32
        %mul3A_64 = arith.muli %mul3A_63, %scan3A_62 : i32
        %add3A_65 = arith.constant 0 : i32
        %add3A_66 = arith.addi %mul3A_64, %add3A_65 : i32
        %add3A_67 = arith.constant 1 : i32
        %add3A_68 = arith.addi %add3A_66, %add3A_67 : i32
        %lt3A = arith.constant 250 : i32
        %lt3A_69 = arith.cmpi slt, %add3A_68, %lt3A : i32
        %convert_element_type3A_70 = arith.extui %lt3A_69 : i1 to i32
        %cond3A_71 = arith.constant 0 : i32
        %cond3A_72 = arith.cmpi ne, %convert_element_type3A_70, %cond3A_71 : i32
        scf.if %cond3A_72 {
          %add3A_111 = arith.constant 1 : i32
          %add3A_112 = arith.addi %add3A_66, %add3A_111 : i32
          %mul3A_113 = arith.constant 16 : i32
          %mul3A_114 = arith.muli %mul3A_113, %add3A_112 : i32
          %add3A_115 = arith.addi %arg1, %mul3A_114 : i32
          %mul3A_116 = arith.constant 80 : i32
          %mul3A_117 = arith.muli %add3A_115, %mul3A_116 : i32
          %multiple_of3A_118 = tpu.assume_multiple %mul3A_117, 80 : i32
          %run_scoped3A_119 = arith.constant 1 : i32
          "tpu.region"() ({
            %run_scoped3A_128 = tpu.sem_alloc : memref<!tpu.dma_semaphore, #tpu.memory_space<semaphore_mem>>
            %dma_start3A_129 = arith.constant 0 : i32
            %dma_start3A_130 = tpu.memref_slice %arg9[%run_scoped3A_119, %dma_start3A_129] : memref<2x80xi32, #tpu.memory_space<vmem>> -> memref<1x80xi32, #tpu.memory_space<vmem>>
            %dma_start3A_131 = tpu.memref_squeeze %dma_start3A_130 : memref<1x80xi32, #tpu.memory_space<vmem>> -> memref<80xi32, #tpu.memory_space<vmem>>
            %dma_start3A_132 = tpu.memref_slice %arg6[%multiple_of3A_118] : memref<320000xi32, #tpu.memory_space<hbm>> -> memref<80xi32, #tpu.memory_space<hbm>>
            %dma_start3A_133 = arith.constant 0 : i32
            %dma_start3A_134 = tpu.memref_slice %arg9[%run_scoped3A_119, %dma_start3A_133] : memref<2x80xi32, #tpu.memory_space<vmem>> -> memref<1x80xi32, #tpu.memory_space<vmem>>
            %dma_start3A_135 = tpu.memref_squeeze %dma_start3A_134 : memref<1x80xi32, #tpu.memory_space<vmem>> -> memref<80xi32, #tpu.memory_space<vmem>>
            %dma_start3A_136 = tpu.memref_slice %arg6[%multiple_of3A_118] : memref<320000xi32, #tpu.memory_space<hbm>> -> memref<80xi32, #tpu.memory_space<hbm>>
            tpu.enqueue_dma source(%dma_start3A_136 : memref<80xi32, #tpu.memory_space<hbm>>) target(%dma_start3A_135 : memref<80xi32, #tpu.memory_space<vmem>>) target_semaphore(%run_scoped3A_128 : memref<!tpu.dma_semaphore, #tpu.memory_space<semaphore_mem>>)
            %dma_wait3A_137 = arith.constant 0 : i32
            %dma_wait3A_138 = tpu.memref_slice %arg9[%run_scoped3A_119, %dma_wait3A_137] : memref<2x80xi32, #tpu.memory_space<vmem>> -> memref<1x80xi32, #tpu.memory_space<vmem>>
            %dma_wait3A_139 = tpu.memref_squeeze %dma_wait3A_138 : memref<1x80xi32, #tpu.memory_space<vmem>> -> memref<80xi32, #tpu.memory_space<vmem>>
            %dma_wait3A_140 = tpu.memref_slice %arg6[%multiple_of3A_118] : memref<320000xi32, #tpu.memory_space<hbm>> -> memref<80xi32, #tpu.memory_space<hbm>>
            %dma_wait3A_141 = arith.constant 0 : i32
            %dma_wait3A_142 = tpu.memref_slice %arg9[%run_scoped3A_119, %dma_wait3A_141] : memref<2x80xi32, #tpu.memory_space<vmem>> -> memref<1x80xi32, #tpu.memory_space<vmem>>
            %dma_wait3A_143 = tpu.memref_squeeze %dma_wait3A_142 : memref<1x80xi32, #tpu.memory_space<vmem>> -> memref<80xi32, #tpu.memory_space<vmem>>
            %dma_wait3A_144 = tpu.memref_slice %arg6[%multiple_of3A_118] : memref<320000xi32, #tpu.memory_space<hbm>> -> memref<80xi32, #tpu.memory_space<hbm>>
            tpu.wait_dma2 semaphore(%run_scoped3A_128 : memref<!tpu.dma_semaphore, #tpu.memory_space<semaphore_mem>>) src(%dma_wait3A_144 : memref<80xi32, #tpu.memory_space<hbm>>) dst(%dma_wait3A_143 : memref<80xi32, #tpu.memory_space<vmem>>)
            tpu.yield
          }) : () -> ()
          %run_scoped3A_120 = arith.constant 1 : i32
          "tpu.region"() ({
            %run_scoped3A_128 = tpu.sem_alloc : memref<!tpu.dma_semaphore, #tpu.memory_space<semaphore_mem>>
            %dma_start3A_129 = arith.constant 0 : i32
            %dma_start3A_130 = tpu.memref_slice %arg10[%run_scoped3A_120, %dma_start3A_129] : memref<2x80xi32, #tpu.memory_space<vmem>> -> memref<1x80xi32, #tpu.memory_space<vmem>>
            %dma_start3A_131 = tpu.memref_squeeze %dma_start3A_130 : memref<1x80xi32, #tpu.memory_space<vmem>> -> memref<80xi32, #tpu.memory_space<vmem>>
            %dma_start3A_132 = tpu.memref_slice %arg5[%multiple_of3A_118] : memref<320000xi32, #tpu.memory_space<hbm>> -> memref<80xi32, #tpu.memory_space<hbm>>
            %dma_start3A_133 = arith.constant 0 : i32
            %dma_start3A_134 = tpu.memref_slice %arg10[%run_scoped3A_120, %dma_start3A_133] : memref<2x80xi32, #tpu.memory_space<vmem>> -> memref<1x80xi32, #tpu.memory_space<vmem>>
            %dma_start3A_135 = tpu.memref_squeeze %dma_start3A_134 : memref<1x80xi32, #tpu.memory_space<vmem>> -> memref<80xi32, #tpu.memory_space<vmem>>
            %dma_start3A_136 = tpu.memref_slice %arg5[%multiple_of3A_118] : memref<320000xi32, #tpu.memory_space<hbm>> -> memref<80xi32, #tpu.memory_space<hbm>>
            tpu.enqueue_dma source(%dma_start3A_136 : memref<80xi32, #tpu.memory_space<hbm>>) target(%dma_start3A_135 : memref<80xi32, #tpu.memory_space<vmem>>) target_semaphore(%run_scoped3A_128 : memref<!tpu.dma_semaphore, #tpu.memory_space<semaphore_mem>>)
            %dma_wait3A_137 = arith.constant 0 : i32
            %dma_wait3A_138 = tpu.memref_slice %arg10[%run_scoped3A_120, %dma_wait3A_137] : memref<2x80xi32, #tpu.memory_space<vmem>> -> memref<1x80xi32, #tpu.memory_space<vmem>>
            %dma_wait3A_139 = tpu.memref_squeeze %dma_wait3A_138 : memref<1x80xi32, #tpu.memory_space<vmem>> -> memref<80xi32, #tpu.memory_space<vmem>>
            %dma_wait3A_140 = tpu.memref_slice %arg5[%multiple_of3A_118] : memref<320000xi32, #tpu.memory_space<hbm>> -> memref<80xi32, #tpu.memory_space<hbm>>
            %dma_wait3A_141 = arith.constant 0 : i32
            %dma_wait3A_142 = tpu.memref_slice %arg10[%run_scoped3A_120, %dma_wait3A_141] : memref<2x80xi32, #tpu.memory_space<vmem>> -> memref<1x80xi32, #tpu.memory_space<vmem>>
            %dma_wait3A_143 = tpu.memref_squeeze %dma_wait3A_142 : memref<1x80xi32, #tpu.memory_space<vmem>> -> memref<80xi32, #tpu.memory_space<vmem>>
            %dma_wait3A_144 = tpu.memref_slice %arg5[%multiple_of3A_118] : memref<320000xi32, #tpu.memory_space<hbm>> -> memref<80xi32, #tpu.memory_space<hbm>>
            tpu.wait_dma2 semaphore(%run_scoped3A_128 : memref<!tpu.dma_semaphore, #tpu.memory_space<semaphore_mem>>) src(%dma_wait3A_144 : memref<80xi32, #tpu.memory_space<hbm>>) dst(%dma_wait3A_143 : memref<80xi32, #tpu.memory_space<vmem>>)
            tpu.yield
          }) : () -> ()
          %dma_start3A_121 = arith.constant 1 : i32
          %dma_start3A_122 = arith.constant 0 : i32
          %dma_start3A_123 = tpu.memref_slice %arg9[%dma_start3A_121, %dma_start3A_122] : memref<2x80xi32, #tpu.memory_space<vmem>> -> memref<1x80xi32, #tpu.memory_space<vmem>>
          %dma_start3A_124 = tpu.memref_squeeze %dma_start3A_123 : memref<1x80xi32, #tpu.memory_space<vmem>> -> memref<80xi32, #tpu.memory_space<vmem>>
          %dma_start3A_125 = arith.constant 0 : i32
          %dma_start3A_126 = arith.constant 0 : i32
          %dma_start3A_127 = tpu.memref_slice %arg2[%dma_start3A_125, %dma_start3A_126] : memref<10000x128xf32, #tpu.memory_space<hbm>> -> memref<10000x128xf32, #tpu.memory_space<hbm>>
          tpu.enqueue_indirect_dma source(%dma_start3A_127 : memref<10000x128xf32, #tpu.memory_space<hbm>>) target(%arg12 : memref<80x128xf32, #tpu.memory_space<vmem>>) offsets(%dma_start3A_124 : memref<80xi32, #tpu.memory_space<vmem>>) semaphore(%arg15 : memref<!tpu.dma_semaphore, #tpu.memory_space<semaphore_mem>>)
        } else {
        }
        %dma_wait3A = arith.constant 0 : i32
        %dma_wait3A_73 = arith.constant 0 : i32
        %dma_wait3A_74 = tpu.memref_slice %arg9[%dma_wait3A, %dma_wait3A_73] : memref<2x80xi32, #tpu.memory_space<vmem>> -> memref<1x80xi32, #tpu.memory_space<vmem>>
        %dma_wait3A_75 = tpu.memref_squeeze %dma_wait3A_74 : memref<1x80xi32, #tpu.memory_space<vmem>> -> memref<80xi32, #tpu.memory_space<vmem>>
        %dma_wait3A_76 = arith.constant 0 : i32
        %dma_wait3A_77 = arith.constant 0 : i32
        %dma_wait3A_78 = tpu.memref_slice %arg2[%dma_wait3A_76, %dma_wait3A_77] : memref<10000x128xf32, #tpu.memory_space<hbm>> -> memref<10000x128xf32, #tpu.memory_space<hbm>>
        tpu.wait_indirect_dma semaphore(%arg14 : memref<!tpu.dma_semaphore, #tpu.memory_space<semaphore_mem>>) src(%dma_wait3A_78 : memref<10000x128xf32, #tpu.memory_space<hbm>>) dst(%arg11 : memref<80x128xf32, #tpu.memory_space<vmem>>)
        %run_scoped3A_79 = arith.constant 0 : i32
        "tpu.region"() ({
          %run_scoped3A_111 = tpu.sem_alloc : memref<!tpu.dma_semaphore, #tpu.memory_space<semaphore_mem>>
          %dma_start3A_112 = arith.constant 0 : i32
          %dma_start3A_113 = tpu.memref_slice %arg10[%run_scoped3A_79, %dma_start3A_112] : memref<2x80xi32, #tpu.memory_space<vmem>> -> memref<1x80xi32, #tpu.memory_space<vmem>>
          %dma_start3A_114 = tpu.memref_squeeze %dma_start3A_113 : memref<1x80xi32, #tpu.memory_space<vmem>> -> memref<80xi32, #tpu.memory_space<vmem>>
          %dma_start3A_115 = arith.constant 0 : i32
          %dma_start3A_116 = arith.constant 0 : i32
          %dma_start3A_117 = tpu.memref_slice %arg13[%dma_start3A_115, %dma_start3A_116] : memref<10240x128xf32, #tpu.memory_space<vmem_shared>> -> memref<10240x128xf32, #tpu.memory_space<vmem_shared>>
          tpu.enqueue_indirect_dma source(%arg11 : memref<80x128xf32, #tpu.memory_space<vmem>>) target(%dma_start3A_117 : memref<10240x128xf32, #tpu.memory_space<vmem_shared>>) offsets(%dma_start3A_114 : memref<80xi32, #tpu.memory_space<vmem>>) semaphore(%run_scoped3A_111 : memref<!tpu.dma_semaphore, #tpu.memory_space<semaphore_mem>>) {add = true}
          %dma_wait3A_118 = arith.constant 0 : i32
          %dma_wait3A_119 = tpu.memref_slice %arg10[%run_scoped3A_79, %dma_wait3A_118] : memref<2x80xi32, #tpu.memory_space<vmem>> -> memref<1x80xi32, #tpu.memory_space<vmem>>
          %dma_wait3A_120 = tpu.memref_squeeze %dma_wait3A_119 : memref<1x80xi32, #tpu.memory_space<vmem>> -> memref<80xi32, #tpu.memory_space<vmem>>
          %dma_wait3A_121 = arith.constant 0 : i32
          %dma_wait3A_122 = arith.constant 0 : i32
          %dma_wait3A_123 = tpu.memref_slice %arg13[%dma_wait3A_121, %dma_wait3A_122] : memref<10240x128xf32, #tpu.memory_space<vmem_shared>> -> memref<10240x128xf32, #tpu.memory_space<vmem_shared>>
          tpu.wait_indirect_dma semaphore(%run_scoped3A_111 : memref<!tpu.dma_semaphore, #tpu.memory_space<semaphore_mem>>) src(%arg11 : memref<80x128xf32, #tpu.memory_space<vmem>>) dst(%dma_wait3A_123 : memref<10240x128xf32, #tpu.memory_space<vmem_shared>>)
          tpu.yield
        }) : () -> ()
        %scan3A_80 = arith.constant 0 : i32
        %scan3A_81 = arith.constant 0 : i32
        %scan3A_82 = arith.constant 5 : i32
        %scan3A_83 = arith.addi %scan3A_81, %scan3A_82 : i32
        %scan3A_84 = arith.constant 1 : i32
        scf.for %scan3A_111 = %scan3A_81 to %scan3A_83 step %scan3A_84  : i32 {
          %mul3A_112 = arith.constant 16 : i32
          %mul3A_113 = arith.muli %scan3A_111, %mul3A_112 : i32
          %get3A = arith.constant 0 : i32
          %get3A_114 = arith.index_cast %get3A : i32 to index
          %get3A_115 = arith.index_cast %mul3A_113 : i32 to index
          %get3A_116 = tpu.vector_load %arg9[%get3A_114, %get3A_115] {strides = array<i32>} : memref<2x80xi32, #tpu.memory_space<vmem>>, vector<16xi32>,
          %mul3A_117 = arith.constant 16 : i32
          %mul3A_118 = arith.muli %scan3A_111, %mul3A_117 : i32
          %get3A_119 = arith.constant 0 : i32
          %get3A_120 = arith.index_cast %get3A_119 : i32 to index
          %get3A_121 = arith.index_cast %mul3A_118 : i32 to index
          %get3A_122 = tpu.vector_load %arg10[%get3A_120, %get3A_121] {strides = array<i32>} : memref<2x80xi32, #tpu.memory_space<vmem>>, vector<16xi32>,
          %gather3A = tpu.vector_load_idx %arg16[%get3A_116] : memref<10000xf32, #tpu.memory_space<vmem>>[vector<16xi32>], vector<16xf32>,
          %scan3A_123 = arith.constant 0 : i32
          %scan3A_124 = arith.constant 0 : i32
          %scan3A_125 = arith.constant 16 : i32
          %scan3A_126 = arith.addi %scan3A_124, %scan3A_125 : i32
          %scan3A_127 = arith.constant 1 : i32
          scf.for %scan3A_129 = %scan3A_124 to %scan3A_126 step %scan3A_127  : i32 {
            %eq3A_130 = vector.broadcast %scan3A_129 : i32 to vector<16xi32>
            %eq3A_131 = arith.cmpi eq, %iota3A, %eq3A_130 : vector<16xi32>
            tpu.vector_store_idx %arg17[%get3A_122], %gather3A masked %eq3A_131 {add = true} : memref<10000xf32, #tpu.memory_space<vmem>>[vector<16xi32>], vector<16xf32>, vector<16xi1>
          }
          %scan3A_128 = arith.constant 16 : i32
        }
        %scan3A_85 = arith.constant 5 : i32
        %mul3A_86 = arith.constant 2 : i32
        %mul3A_87 = arith.muli %mul3A_86, %scan3A_62 : i32
        %add3A_88 = arith.constant 1 : i32
        %add3A_89 = arith.addi %mul3A_87, %add3A_88 : i32
        %add3A_90 = arith.constant 1 : i32
        %add3A_91 = arith.addi %add3A_89, %add3A_90 : i32
        %lt3A_92 = arith.constant 250 : i32
        %lt3A_93 = arith.cmpi slt, %add3A_91, %lt3A_92 : i32
        %convert_element_type3A_94 = arith.extui %lt3A_93 : i1 to i32
        %cond3A_95 = arith.constant 0 : i32
        %cond3A_96 = arith.cmpi ne, %convert_element_type3A_94, %cond3A_95 : i32
        scf.if %cond3A_96 {
          %add3A_111 = arith.constant 1 : i32
          %add3A_112 = arith.addi %add3A_89, %add3A_111 : i32
          %mul3A_113 = arith.constant 16 : i32
          %mul3A_114 = arith.muli %mul3A_113, %add3A_112 : i32
          %add3A_115 = arith.addi %arg1, %mul3A_114 : i32
          %mul3A_116 = arith.constant 80 : i32
          %mul3A_117 = arith.muli %add3A_115, %mul3A_116 : i32
          %multiple_of3A_118 = tpu.assume_multiple %mul3A_117, 80 : i32
          %run_scoped3A_119 = arith.constant 0 : i32
          "tpu.region"() ({
            %run_scoped3A_128 = tpu.sem_alloc : memref<!tpu.dma_semaphore, #tpu.memory_space<semaphore_mem>>
            %dma_start3A_129 = arith.constant 0 : i32
            %dma_start3A_130 = tpu.memref_slice %arg9[%run_scoped3A_119, %dma_start3A_129] : memref<2x80xi32, #tpu.memory_space<vmem>> -> memref<1x80xi32, #tpu.memory_space<vmem>>
            %dma_start3A_131 = tpu.memref_squeeze %dma_start3A_130 : memref<1x80xi32, #tpu.memory_space<vmem>> -> memref<80xi32, #tpu.memory_space<vmem>>
            %dma_start3A_132 = tpu.memref_slice %arg6[%multiple_of3A_118] : memref<320000xi32, #tpu.memory_space<hbm>> -> memref<80xi32, #tpu.memory_space<hbm>>
            %dma_start3A_133 = arith.constant 0 : i32
            %dma_start3A_134 = tpu.memref_slice %arg9[%run_scoped3A_119, %dma_start3A_133] : memref<2x80xi32, #tpu.memory_space<vmem>> -> memref<1x80xi32, #tpu.memory_space<vmem>>
            %dma_start3A_135 = tpu.memref_squeeze %dma_start3A_134 : memref<1x80xi32, #tpu.memory_space<vmem>> -> memref<80xi32, #tpu.memory_space<vmem>>
            %dma_start3A_136 = tpu.memref_slice %arg6[%multiple_of3A_118] : memref<320000xi32, #tpu.memory_space<hbm>> -> memref<80xi32, #tpu.memory_space<hbm>>
            tpu.enqueue_dma source(%dma_start3A_136 : memref<80xi32, #tpu.memory_space<hbm>>) target(%dma_start3A_135 : memref<80xi32, #tpu.memory_space<vmem>>) target_semaphore(%run_scoped3A_128 : memref<!tpu.dma_semaphore, #tpu.memory_space<semaphore_mem>>)
            %dma_wait3A_137 = arith.constant 0 : i32
            %dma_wait3A_138 = tpu.memref_slice %arg9[%run_scoped3A_119, %dma_wait3A_137] : memref<2x80xi32, #tpu.memory_space<vmem>> -> memref<1x80xi32, #tpu.memory_space<vmem>>
            %dma_wait3A_139 = tpu.memref_squeeze %dma_wait3A_138 : memref<1x80xi32, #tpu.memory_space<vmem>> -> memref<80xi32, #tpu.memory_space<vmem>>
            %dma_wait3A_140 = tpu.memref_slice %arg6[%multiple_of3A_118] : memref<320000xi32, #tpu.memory_space<hbm>> -> memref<80xi32, #tpu.memory_space<hbm>>
            %dma_wait3A_141 = arith.constant 0 : i32
            %dma_wait3A_142 = tpu.memref_slice %arg9[%run_scoped3A_119, %dma_wait3A_141] : memref<2x80xi32, #tpu.memory_space<vmem>> -> memref<1x80xi32, #tpu.memory_space<vmem>>
            %dma_wait3A_143 = tpu.memref_squeeze %dma_wait3A_142 : memref<1x80xi32, #tpu.memory_space<vmem>> -> memref<80xi32, #tpu.memory_space<vmem>>
            %dma_wait3A_144 = tpu.memref_slice %arg6[%multiple_of3A_118] : memref<320000xi32, #tpu.memory_space<hbm>> -> memref<80xi32, #tpu.memory_space<hbm>>
            tpu.wait_dma2 semaphore(%run_scoped3A_128 : memref<!tpu.dma_semaphore, #tpu.memory_space<semaphore_mem>>) src(%dma_wait3A_144 : memref<80xi32, #tpu.memory_space<hbm>>) dst(%dma_wait3A_143 : memref<80xi32, #tpu.memory_space<vmem>>)
            tpu.yield
          }) : () -> ()
          %run_scoped3A_120 = arith.constant 0 : i32
          "tpu.region"() ({
            %run_scoped3A_128 = tpu.sem_alloc : memref<!tpu.dma_semaphore, #tpu.memory_space<semaphore_mem>>
            %dma_start3A_129 = arith.constant 0 : i32
            %dma_start3A_130 = tpu.memref_slice %arg10[%run_scoped3A_120, %dma_start3A_129] : memref<2x80xi32, #tpu.memory_space<vmem>> -> memref<1x80xi32, #tpu.memory_space<vmem>>
            %dma_start3A_131 = tpu.memref_squeeze %dma_start3A_130 : memref<1x80xi32, #tpu.memory_space<vmem>> -> memref<80xi32, #tpu.memory_space<vmem>>
            %dma_start3A_132 = tpu.memref_slice %arg5[%multiple_of3A_118] : memref<320000xi32, #tpu.memory_space<hbm>> -> memref<80xi32, #tpu.memory_space<hbm>>
            %dma_start3A_133 = arith.constant 0 : i32
            %dma_start3A_134 = tpu.memref_slice %arg10[%run_scoped3A_120, %dma_start3A_133] : memref<2x80xi32, #tpu.memory_space<vmem>> -> memref<1x80xi32, #tpu.memory_space<vmem>>
            %dma_start3A_135 = tpu.memref_squeeze %dma_start3A_134 : memref<1x80xi32, #tpu.memory_space<vmem>> -> memref<80xi32, #tpu.memory_space<vmem>>
            %dma_start3A_136 = tpu.memref_slice %arg5[%multiple_of3A_118] : memref<320000xi32, #tpu.memory_space<hbm>> -> memref<80xi32, #tpu.memory_space<hbm>>
            tpu.enqueue_dma source(%dma_start3A_136 : memref<80xi32, #tpu.memory_space<hbm>>) target(%dma_start3A_135 : memref<80xi32, #tpu.memory_space<vmem>>) target_semaphore(%run_scoped3A_128 : memref<!tpu.dma_semaphore, #tpu.memory_space<semaphore_mem>>)
            %dma_wait3A_137 = arith.constant 0 : i32
            %dma_wait3A_138 = tpu.memref_slice %arg10[%run_scoped3A_120, %dma_wait3A_137] : memref<2x80xi32, #tpu.memory_space<vmem>> -> memref<1x80xi32, #tpu.memory_space<vmem>>
            %dma_wait3A_139 = tpu.memref_squeeze %dma_wait3A_138 : memref<1x80xi32, #tpu.memory_space<vmem>> -> memref<80xi32, #tpu.memory_space<vmem>>
            %dma_wait3A_140 = tpu.memref_slice %arg5[%multiple_of3A_118] : memref<320000xi32, #tpu.memory_space<hbm>> -> memref<80xi32, #tpu.memory_space<hbm>>
            %dma_wait3A_141 = arith.constant 0 : i32
            %dma_wait3A_142 = tpu.memref_slice %arg10[%run_scoped3A_120, %dma_wait3A_141] : memref<2x80xi32, #tpu.memory_space<vmem>> -> memref<1x80xi32, #tpu.memory_space<vmem>>
            %dma_wait3A_143 = tpu.memref_squeeze %dma_wait3A_142 : memref<1x80xi32, #tpu.memory_space<vmem>> -> memref<80xi32, #tpu.memory_space<vmem>>
            %dma_wait3A_144 = tpu.memref_slice %arg5[%multiple_of3A_118] : memref<320000xi32, #tpu.memory_space<hbm>> -> memref<80xi32, #tpu.memory_space<hbm>>
            tpu.wait_dma2 semaphore(%run_scoped3A_128 : memref<!tpu.dma_semaphore, #tpu.memory_space<semaphore_mem>>) src(%dma_wait3A_144 : memref<80xi32, #tpu.memory_space<hbm>>) dst(%dma_wait3A_143 : memref<80xi32, #tpu.memory_space<vmem>>)
            tpu.yield
          }) : () -> ()
          %dma_start3A_121 = arith.constant 0 : i32
          %dma_start3A_122 = arith.constant 0 : i32
          %dma_start3A_123 = tpu.memref_slice %arg9[%dma_start3A_121, %dma_start3A_122] : memref<2x80xi32, #tpu.memory_space<vmem>> -> memref<1x80xi32, #tpu.memory_space<vmem>>
          %dma_start3A_124 = tpu.memref_squeeze %dma_start3A_123 : memref<1x80xi32, #tpu.memory_space<vmem>> -> memref<80xi32, #tpu.memory_space<vmem>>
          %dma_start3A_125 = arith.constant 0 : i32
          %dma_start3A_126 = arith.constant 0 : i32
          %dma_start3A_127 = tpu.memref_slice %arg2[%dma_start3A_125, %dma_start3A_126] : memref<10000x128xf32, #tpu.memory_space<hbm>> -> memref<10000x128xf32, #tpu.memory_space<hbm>>
          tpu.enqueue_indirect_dma source(%dma_start3A_127 : memref<10000x128xf32, #tpu.memory_space<hbm>>) target(%arg11 : memref<80x128xf32, #tpu.memory_space<vmem>>) offsets(%dma_start3A_124 : memref<80xi32, #tpu.memory_space<vmem>>) semaphore(%arg14 : memref<!tpu.dma_semaphore, #tpu.memory_space<semaphore_mem>>)
        } else {
        }
        %dma_wait3A_97 = arith.constant 1 : i32
        %dma_wait3A_98 = arith.constant 0 : i32
        %dma_wait3A_99 = tpu.memref_slice %arg9[%dma_wait3A_97, %dma_wait3A_98] : memref<2x80xi32, #tpu.memory_space<vmem>> -> memref<1x80xi32, #tpu.memory_space<vmem>>
        %dma_wait3A_100 = tpu.memref_squeeze %dma_wait3A_99 : memref<1x80xi32, #tpu.memory_space<vmem>> -> memref<80xi32, #tpu.memory_space<vmem>>
        %dma_wait3A_101 = arith.constant 0 : i32
        %dma_wait3A_102 = arith.constant 0 : i32
        %dma_wait3A_103 = tpu.memref_slice %arg2[%dma_wait3A_101, %dma_wait3A_102] : memref<10000x128xf32, #tpu.memory_space<hbm>> -> memref<10000x128xf32, #tpu.memory_space<hbm>>
        tpu.wait_indirect_dma semaphore(%arg15 : memref<!tpu.dma_semaphore, #tpu.memory_space<semaphore_mem>>) src(%dma_wait3A_103 : memref<10000x128xf32, #tpu.memory_space<hbm>>) dst(%arg12 : memref<80x128xf32, #tpu.memory_space<vmem>>)
        %run_scoped3A_104 = arith.constant 1 : i32
        "tpu.region"() ({
          %run_scoped3A_111 = tpu.sem_alloc : memref<!tpu.dma_semaphore, #tpu.memory_space<semaphore_mem>>
          %dma_start3A_112 = arith.constant 0 : i32
          %dma_start3A_113 = tpu.memref_slice %arg10[%run_scoped3A_104, %dma_start3A_112] : memref<2x80xi32, #tpu.memory_space<vmem>> -> memref<1x80xi32, #tpu.memory_space<vmem>>
          %dma_start3A_114 = tpu.memref_squeeze %dma_start3A_113 : memref<1x80xi32, #tpu.memory_space<vmem>> -> memref<80xi32, #tpu.memory_space<vmem>>
          %dma_start3A_115 = arith.constant 0 : i32
          %dma_start3A_116 = arith.constant 0 : i32
          %dma_start3A_117 = tpu.memref_slice %arg13[%dma_start3A_115, %dma_start3A_116] : memref<10240x128xf32, #tpu.memory_space<vmem_shared>> -> memref<10240x128xf32, #tpu.memory_space<vmem_shared>>
          tpu.enqueue_indirect_dma source(%arg12 : memref<80x128xf32, #tpu.memory_space<vmem>>) target(%dma_start3A_117 : memref<10240x128xf32, #tpu.memory_space<vmem_shared>>) offsets(%dma_start3A_114 : memref<80xi32, #tpu.memory_space<vmem>>) semaphore(%run_scoped3A_111 : memref<!tpu.dma_semaphore, #tpu.memory_space<semaphore_mem>>) {add = true}
          %dma_wait3A_118 = arith.constant 0 : i32
          %dma_wait3A_119 = tpu.memref_slice %arg10[%run_scoped3A_104, %dma_wait3A_118] : memref<2x80xi32, #tpu.memory_space<vmem>> -> memref<1x80xi32, #tpu.memory_space<vmem>>
          %dma_wait3A_120 = tpu.memref_squeeze %dma_wait3A_119 : memref<1x80xi32, #tpu.memory_space<vmem>> -> memref<80xi32, #tpu.memory_space<vmem>>
          %dma_wait3A_121 = arith.constant 0 : i32
          %dma_wait3A_122 = arith.constant 0 : i32
          %dma_wait3A_123 = tpu.memref_slice %arg13[%dma_wait3A_121, %dma_wait3A_122] : memref<10240x128xf32, #tpu.memory_space<vmem_shared>> -> memref<10240x128xf32, #tpu.memory_space<vmem_shared>>
          tpu.wait_indirect_dma semaphore(%run_scoped3A_111 : memref<!tpu.dma_semaphore, #tpu.memory_space<semaphore_mem>>) src(%arg12 : memref<80x128xf32, #tpu.memory_space<vmem>>) dst(%dma_wait3A_123 : memref<10240x128xf32, #tpu.memory_space<vmem_shared>>)
          tpu.yield
        }) : () -> ()
        %scan3A_105 = arith.constant 0 : i32
        %scan3A_106 = arith.constant 0 : i32
        %scan3A_107 = arith.constant 5 : i32
        %scan3A_108 = arith.addi %scan3A_106, %scan3A_107 : i32
        %scan3A_109 = arith.constant 1 : i32
        scf.for %scan3A_111 = %scan3A_106 to %scan3A_108 step %scan3A_109  : i32 {
          %mul3A_112 = arith.constant 16 : i32
          %mul3A_113 = arith.muli %scan3A_111, %mul3A_112 : i32
          %get3A = arith.constant 1 : i32
          %get3A_114 = arith.index_cast %get3A : i32 to index
          %get3A_115 = arith.index_cast %mul3A_113 : i32 to index
          %get3A_116 = tpu.vector_load %arg9[%get3A_114, %get3A_115] {strides = array<i32>} : memref<2x80xi32, #tpu.memory_space<vmem>>, vector<16xi32>,
          %mul3A_117 = arith.constant 16 : i32
          %mul3A_118 = arith.muli %scan3A_111, %mul3A_117 : i32
          %get3A_119 = arith.constant 1 : i32
          %get3A_120 = arith.index_cast %get3A_119 : i32 to index
          %get3A_121 = arith.index_cast %mul3A_118 : i32 to index
          %get3A_122 = tpu.vector_load %arg10[%get3A_120, %get3A_121] {strides = array<i32>} : memref<2x80xi32, #tpu.memory_space<vmem>>, vector<16xi32>,
          %gather3A = tpu.vector_load_idx %arg16[%get3A_116] : memref<10000xf32, #tpu.memory_space<vmem>>[vector<16xi32>], vector<16xf32>,
          %scan3A_123 = arith.constant 0 : i32
          %scan3A_124 = arith.constant 0 : i32
          %scan3A_125 = arith.constant 16 : i32
          %scan3A_126 = arith.addi %scan3A_124, %scan3A_125 : i32
          %scan3A_127 = arith.constant 1 : i32
          scf.for %scan3A_129 = %scan3A_124 to %scan3A_126 step %scan3A_127  : i32 {
            %eq3A_130 = vector.broadcast %scan3A_129 : i32 to vector<16xi32>
            %eq3A_131 = arith.cmpi eq, %iota3A, %eq3A_130 : vector<16xi32>
            tpu.vector_store_idx %arg17[%get3A_122], %gather3A masked %eq3A_131 {add = true} : memref<10000xf32, #tpu.memory_space<vmem>>[vector<16xi32>], vector<16xf32>, vector<16xi1>
          }
          %scan3A_128 = arith.constant 16 : i32
        }
        %scan3A_110 = arith.constant 5 : i32
      }
      %scan3A_61 = arith.constant 125 : i32
    } else {
    }
    %barrier3A_29 = arith.constant 0 : index
    tpu.barrier barrier_id(%barrier3A_29)
    %add3A_30 = arith.constant 0 : i32
    %add3A_31 = arith.addi %mul3A_6, %add3A_30 : i32
    "tpu.region"() ({
      %run_scoped3A = tpu.sem_alloc : memref<!tpu.dma_semaphore, #tpu.memory_space<semaphore_mem>>
      %dma_start3A = arith.constant 0 : i32
      %dma_start3A_45 = arith.constant 0 : i32
      %dma_start3A_46 = tpu.memref_slice %arg11[%dma_start3A, %dma_start3A_45] : memref<80x128xf32, #tpu.memory_space<vmem>> -> memref<128x128xf32, #tpu.memory_space<vmem>>
      %dma_start3A_47 = arith.constant 0 : i32
      %dma_start3A_48 = tpu.memref_slice %arg13[%add3A_31, %dma_start3A_47] : memref<10240x128xf32, #tpu.memory_space<vmem_shared>> -> memref<128x128xf32, #tpu.memory_space<vmem_shared>>
      %dma_start3A_49 = arith.constant 0 : i32
      %dma_start3A_50 = arith.constant 0 : i32
      %dma_start3A_51 = tpu.memref_slice %arg11[%dma_start3A_49, %dma_start3A_50] : memref<80x128xf32, #tpu.memory_space<vmem>> -> memref<128x128xf32, #tpu.memory_space<vmem>>
      %dma_start3A_52 = arith.constant 0 : i32
      %dma_start3A_53 = tpu.memref_slice %arg13[%add3A_31, %dma_start3A_52] : memref<10240x128xf32, #tpu.memory_space<vmem_shared>> -> memref<128x128xf32, #tpu.memory_space<vmem_shared>>
      tpu.enqueue_dma source(%dma_start3A_53 : memref<128x128xf32, #tpu.memory_space<vmem_shared>>) target(%dma_start3A_51 : memref<128x128xf32, #tpu.memory_space<vmem>>) target_semaphore(%run_scoped3A : memref<!tpu.dma_semaphore, #tpu.memory_space<semaphore_mem>>)
      %dma_wait3A = arith.constant 0 : i32
      %dma_wait3A_54 = arith.constant 0 : i32
      %dma_wait3A_55 = tpu.memref_slice %arg11[%dma_wait3A, %dma_wait3A_54] : memref<80x128xf32, #tpu.memory_space<vmem>> -> memref<128x128xf32, #tpu.memory_space<vmem>>
      %dma_wait3A_56 = arith.constant 0 : i32
      %dma_wait3A_57 = tpu.memref_slice %arg13[%add3A_31, %dma_wait3A_56] : memref<10240x128xf32, #tpu.memory_space<vmem_shared>> -> memref<128x128xf32, #tpu.memory_space<vmem_shared>>
      %dma_wait3A_58 = arith.constant 0 : i32
      %dma_wait3A_59 = arith.constant 0 : i32
      %dma_wait3A_60 = tpu.memref_slice %arg11[%dma_wait3A_58, %dma_wait3A_59] : memref<80x128xf32, #tpu.memory_space<vmem>> -> memref<128x128xf32, #tpu.memory_space<vmem>>
      %dma_wait3A_61 = arith.constant 0 : i32
      %dma_wait3A_62 = tpu.memref_slice %arg13[%add3A_31, %dma_wait3A_61] : memref<10240x128xf32, #tpu.memory_space<vmem_shared>> -> memref<128x128xf32, #tpu.memory_space<vmem_shared>>
      tpu.wait_dma2 semaphore(%run_scoped3A : memref<!tpu.dma_semaphore, #tpu.memory_space<semaphore_mem>>) src(%dma_wait3A_62 : memref<128x128xf32, #tpu.memory_space<vmem_shared>>) dst(%dma_wait3A_60 : memref<128x128xf32, #tpu.memory_space<vmem>>)
      tpu.yield
    }) : () -> ()
    "tpu.region"() ({
      %run_scoped3A = tpu.sem_alloc : memref<!tpu.dma_semaphore, #tpu.memory_space<semaphore_mem>>
      %dma_start3A = arith.constant 0 : i32
      %dma_start3A_45 = arith.constant 0 : i32
      %dma_start3A_46 = tpu.memref_slice %arg11[%dma_start3A, %dma_start3A_45] : memref<80x128xf32, #tpu.memory_space<vmem>> -> memref<128x128xf32, #tpu.memory_space<vmem>>
      %dma_start3A_47 = arith.constant 0 : i32
      %dma_start3A_48 = arith.constant 0 : i32
      %dma_start3A_49 = tpu.memref_slice %arg7[%arg0, %dma_start3A_47, %dma_start3A_48] : memref<2x10240x128xf32, #tpu.memory_space<hbm>> -> memref<1x10240x128xf32, #tpu.memory_space<hbm>>
      %dma_start3A_50 = tpu.memref_squeeze %dma_start3A_49 : memref<1x10240x128xf32, #tpu.memory_space<hbm>> -> memref<10240x128xf32, #tpu.memory_space<hbm>>
      %dma_start3A_51 = arith.constant 0 : i32
      %dma_start3A_52 = tpu.memref_slice %dma_start3A_50[%add3A_31, %dma_start3A_51] : memref<10240x128xf32, #tpu.memory_space<hbm>> -> memref<128x128xf32, #tpu.memory_space<hbm>>
      %dma_start3A_53 = arith.constant 0 : i32
      %dma_start3A_54 = arith.constant 0 : i32
      %dma_start3A_55 = tpu.memref_slice %arg7[%arg0, %dma_start3A_53, %dma_start3A_54] : memref<2x10240x128xf32, #tpu.memory_space<hbm>> -> memref<1x10240x128xf32, #tpu.memory_space<hbm>>
      %dma_start3A_56 = tpu.memref_squeeze %dma_start3A_55 : memref<1x10240x128xf32, #tpu.memory_space<hbm>> -> memref<10240x128xf32, #tpu.memory_space<hbm>>
      %dma_start3A_57 = arith.constant 0 : i32
      %dma_start3A_58 = tpu.memref_slice %dma_start3A_56[%add3A_31, %dma_start3A_57] : memref<10240x128xf32, #tpu.memory_space<hbm>> -> memref<128x128xf32, #tpu.memory_space<hbm>>
      %dma_start3A_59 = arith.constant 0 : i32
      %dma_start3A_60 = arith.constant 0 : i32
      %dma_start3A_61 = tpu.memref_slice %arg11[%dma_start3A_59, %dma_start3A_60] : memref<80x128xf32, #tpu.memory_space<vmem>> -> memref<128x128xf32, #tpu.memory_space<vmem>>
      tpu.enqueue_dma source(%dma_start3A_61 : memref<128x128xf32, #tpu.memory_space<vmem>>) target(%dma_start3A_58 : memref<128x128xf32, #tpu.memory_space<hbm>>) target_semaphore(%run_scoped3A : memref<!tpu.dma_semaphore, #tpu.memory_space<semaphore_mem>>)
      %dma_wait3A = arith.constant 0 : i32
      %dma_wait3A_62 = arith.constant 0 : i32
      %dma_wait3A_63 = tpu.memref_slice %arg11[%dma_wait3A, %dma_wait3A_62] : memref<80x128xf32, #tpu.memory_space<vmem>> -> memref<128x128xf32, #tpu.memory_space<vmem>>
      %dma_wait3A_64 = arith.constant 0 : i32
      %dma_wait3A_65 = arith.constant 0 : i32
      %dma_wait3A_66 = tpu.memref_slice %arg7[%arg0, %dma_wait3A_64, %dma_wait3A_65] : memref<2x10240x128xf32, #tpu.memory_space<hbm>> -> memref<1x10240x128xf32, #tpu.memory_space<hbm>>
      %dma_wait3A_67 = tpu.memref_squeeze %dma_wait3A_66 : memref<1x10240x128xf32, #tpu.memory_space<hbm>> -> memref<10240x128xf32, #tpu.memory_space<hbm>>
      %dma_wait3A_68 = arith.constant 0 : i32
      %dma_wait3A_69 = tpu.memref_slice %dma_wait3A_67[%add3A_31, %dma_wait3A_68] : memref<10240x128xf32, #tpu.memory_space<hbm>> -> memref<128x128xf32, #tpu.memory_space<hbm>>
      %dma_wait3A_70 = arith.constant 0 : i32
      %dma_wait3A_71 = arith.constant 0 : i32
      %dma_wait3A_72 = tpu.memref_slice %arg7[%arg0, %dma_wait3A_70, %dma_wait3A_71] : memref<2x10240x128xf32, #tpu.memory_space<hbm>> -> memref<1x10240x128xf32, #tpu.memory_space<hbm>>
      %dma_wait3A_73 = tpu.memref_squeeze %dma_wait3A_72 : memref<1x10240x128xf32, #tpu.memory_space<hbm>> -> memref<10240x128xf32, #tpu.memory_space<hbm>>
      %dma_wait3A_74 = arith.constant 0 : i32
      %dma_wait3A_75 = tpu.memref_slice %dma_wait3A_73[%add3A_31, %dma_wait3A_74] : memref<10240x128xf32, #tpu.memory_space<hbm>> -> memref<128x128xf32, #tpu.memory_space<hbm>>
      %dma_wait3A_76 = arith.constant 0 : i32
      %dma_wait3A_77 = arith.constant 0 : i32
      %dma_wait3A_78 = tpu.memref_slice %arg11[%dma_wait3A_76, %dma_wait3A_77] : memref<80x128xf32, #tpu.memory_space<vmem>> -> memref<128x128xf32, #tpu.memory_space<vmem>>
      tpu.wait_dma2 semaphore(%run_scoped3A : memref<!tpu.dma_semaphore, #tpu.memory_space<semaphore_mem>>) src(%dma_wait3A_78 : memref<128x128xf32, #tpu.memory_space<vmem>>) dst(%dma_wait3A_75 : memref<128x128xf32, #tpu.memory_space<hbm>>)
      tpu.yield
    }) : () -> ()
    %add3A_32 = arith.constant 128 : i32
    %add3A_33 = arith.addi %mul3A_6, %add3A_32 : i32
    "tpu.region"() ({
      %run_scoped3A = tpu.sem_alloc : memref<!tpu.dma_semaphore, #tpu.memory_space<semaphore_mem>>
      %dma_start3A = arith.constant 0 : i32
      %dma_start3A_45 = arith.constant 0 : i32
      %dma_start3A_46 = tpu.memref_slice %arg11[%dma_start3A, %dma_start3A_45] : memref<80x128xf32, #tpu.memory_space<vmem>> -> memref<128x128xf32, #tpu.memory_space<vmem>>
      %dma_start3A_47 = arith.constant 0 : i32
      %dma_start3A_48 = tpu.memref_slice %arg13[%add3A_33, %dma_start3A_47] : memref<10240x128xf32, #tpu.memory_space<vmem_shared>> -> memref<128x128xf32, #tpu.memory_space<vmem_shared>>
      %dma_start3A_49 = arith.constant 0 : i32
      %dma_start3A_50 = arith.constant 0 : i32
      %dma_start3A_51 = tpu.memref_slice %arg11[%dma_start3A_49, %dma_start3A_50] : memref<80x128xf32, #tpu.memory_space<vmem>> -> memref<128x128xf32, #tpu.memory_space<vmem>>
      %dma_start3A_52 = arith.constant 0 : i32
      %dma_start3A_53 = tpu.memref_slice %arg13[%add3A_33, %dma_start3A_52] : memref<10240x128xf32, #tpu.memory_space<vmem_shared>> -> memref<128x128xf32, #tpu.memory_space<vmem_shared>>
      tpu.enqueue_dma source(%dma_start3A_53 : memref<128x128xf32, #tpu.memory_space<vmem_shared>>) target(%dma_start3A_51 : memref<128x128xf32, #tpu.memory_space<vmem>>) target_semaphore(%run_scoped3A : memref<!tpu.dma_semaphore, #tpu.memory_space<semaphore_mem>>)
      %dma_wait3A = arith.constant 0 : i32
      %dma_wait3A_54 = arith.constant 0 : i32
      %dma_wait3A_55 = tpu.memref_slice %arg11[%dma_wait3A, %dma_wait3A_54] : memref<80x128xf32, #tpu.memory_space<vmem>> -> memref<128x128xf32, #tpu.memory_space<vmem>>
      %dma_wait3A_56 = arith.constant 0 : i32
      %dma_wait3A_57 = tpu.memref_slice %arg13[%add3A_33, %dma_wait3A_56] : memref<10240x128xf32, #tpu.memory_space<vmem_shared>> -> memref<128x128xf32, #tpu.memory_space<vmem_shared>>
      %dma_wait3A_58 = arith.constant 0 : i32
      %dma_wait3A_59 = arith.constant 0 : i32
      %dma_wait3A_60 = tpu.memref_slice %arg11[%dma_wait3A_58, %dma_wait3A_59] : memref<80x128xf32, #tpu.memory_space<vmem>> -> memref<128x128xf32, #tpu.memory_space<vmem>>
      %dma_wait3A_61 = arith.constant 0 : i32
      %dma_wait3A_62 = tpu.memref_slice %arg13[%add3A_33, %dma_wait3A_61] : memref<10240x128xf32, #tpu.memory_space<vmem_shared>> -> memref<128x128xf32, #tpu.memory_space<vmem_shared>>
      tpu.wait_dma2 semaphore(%run_scoped3A : memref<!tpu.dma_semaphore, #tpu.memory_space<semaphore_mem>>) src(%dma_wait3A_62 : memref<128x128xf32, #tpu.memory_space<vmem_shared>>) dst(%dma_wait3A_60 : memref<128x128xf32, #tpu.memory_space<vmem>>)
      tpu.yield
    }) : () -> ()
    "tpu.region"() ({
      %run_scoped3A = tpu.sem_alloc : memref<!tpu.dma_semaphore, #tpu.memory_space<semaphore_mem>>
      %dma_start3A = arith.constant 0 : i32
      %dma_start3A_45 = arith.constant 0 : i32
      %dma_start3A_46 = tpu.memref_slice %arg11[%dma_start3A, %dma_start3A_45] : memref<80x128xf32, #tpu.memory_space<vmem>> -> memref<128x128xf32, #tpu.memory_space<vmem>>
      %dma_start3A_47 = arith.constant 0 : i32
      %dma_start3A_48 = arith.constant 0 : i32
      %dma_start3A_49 = tpu.memref_slice %arg7[%arg0, %dma_start3A_47, %dma_start3A_48] : memref<2x10240x128xf32, #tpu.memory_space<hbm>> -> memref<1x10240x128xf32, #tpu.memory_space<hbm>>
      %dma_start3A_50 = tpu.memref_squeeze %dma_start3A_49 : memref<1x10240x128xf32, #tpu.memory_space<hbm>> -> memref<10240x128xf32, #tpu.memory_space<hbm>>
      %dma_start3A_51 = arith.constant 0 : i32
      %dma_start3A_52 = tpu.memref_slice %dma_start3A_50[%add3A_33, %dma_start3A_51] : memref<10240x128xf32, #tpu.memory_space<hbm>> -> memref<128x128xf32, #tpu.memory_space<hbm>>
      %dma_start3A_53 = arith.constant 0 : i32
      %dma_start3A_54 = arith.constant 0 : i32
      %dma_start3A_55 = tpu.memref_slice %arg7[%arg0, %dma_start3A_53, %dma_start3A_54] : memref<2x10240x128xf32, #tpu.memory_space<hbm>> -> memref<1x10240x128xf32, #tpu.memory_space<hbm>>
      %dma_start3A_56 = tpu.memref_squeeze %dma_start3A_55 : memref<1x10240x128xf32, #tpu.memory_space<hbm>> -> memref<10240x128xf32, #tpu.memory_space<hbm>>
      %dma_start3A_57 = arith.constant 0 : i32
      %dma_start3A_58 = tpu.memref_slice %dma_start3A_56[%add3A_33, %dma_start3A_57] : memref<10240x128xf32, #tpu.memory_space<hbm>> -> memref<128x128xf32, #tpu.memory_space<hbm>>
      %dma_start3A_59 = arith.constant 0 : i32
      %dma_start3A_60 = arith.constant 0 : i32
      %dma_start3A_61 = tpu.memref_slice %arg11[%dma_start3A_59, %dma_start3A_60] : memref<80x128xf32, #tpu.memory_space<vmem>> -> memref<128x128xf32, #tpu.memory_space<vmem>>
      tpu.enqueue_dma source(%dma_start3A_61 : memref<128x128xf32, #tpu.memory_space<vmem>>) target(%dma_start3A_58 : memref<128x128xf32, #tpu.memory_space<hbm>>) target_semaphore(%run_scoped3A : memref<!tpu.dma_semaphore, #tpu.memory_space<semaphore_mem>>)
      %dma_wait3A = arith.constant 0 : i32
      %dma_wait3A_62 = arith.constant 0 : i32
      %dma_wait3A_63 = tpu.memref_slice %arg11[%dma_wait3A, %dma_wait3A_62] : memref<80x128xf32, #tpu.memory_space<vmem>> -> memref<128x128xf32, #tpu.memory_space<vmem>>
      %dma_wait3A_64 = arith.constant 0 : i32
      %dma_wait3A_65 = arith.constant 0 : i32
      %dma_wait3A_66 = tpu.memref_slice %arg7[%arg0, %dma_wait3A_64, %dma_wait3A_65] : memref<2x10240x128xf32, #tpu.memory_space<hbm>> -> memref<1x10240x128xf32, #tpu.memory_space<hbm>>
      %dma_wait3A_67 = tpu.memref_squeeze %dma_wait3A_66 : memref<1x10240x128xf32, #tpu.memory_space<hbm>> -> memref<10240x128xf32, #tpu.memory_space<hbm>>
      %dma_wait3A_68 = arith.constant 0 : i32
      %dma_wait3A_69 = tpu.memref_slice %dma_wait3A_67[%add3A_33, %dma_wait3A_68] : memref<10240x128xf32, #tpu.memory_space<hbm>> -> memref<128x128xf32, #tpu.memory_space<hbm>>
      %dma_wait3A_70 = arith.constant 0 : i32
      %dma_wait3A_71 = arith.constant 0 : i32
      %dma_wait3A_72 = tpu.memref_slice %arg7[%arg0, %dma_wait3A_70, %dma_wait3A_71] : memref<2x10240x128xf32, #tpu.memory_space<hbm>> -> memref<1x10240x128xf32, #tpu.memory_space<hbm>>
      %dma_wait3A_73 = tpu.memref_squeeze %dma_wait3A_72 : memref<1x10240x128xf32, #tpu.memory_space<hbm>> -> memref<10240x128xf32, #tpu.memory_space<hbm>>
      %dma_wait3A_74 = arith.constant 0 : i32
      %dma_wait3A_75 = tpu.memref_slice %dma_wait3A_73[%add3A_33, %dma_wait3A_74] : memref<10240x128xf32, #tpu.memory_space<hbm>> -> memref<128x128xf32, #tpu.memory_space<hbm>>
      %dma_wait3A_76 = arith.constant 0 : i32
      %dma_wait3A_77 = arith.constant 0 : i32
      %dma_wait3A_78 = tpu.memref_slice %arg11[%dma_wait3A_76, %dma_wait3A_77] : memref<80x128xf32, #tpu.memory_space<vmem>> -> memref<128x128xf32, #tpu.memory_space<vmem>>
      tpu.wait_dma2 semaphore(%run_scoped3A : memref<!tpu.dma_semaphore, #tpu.memory_space<semaphore_mem>>) src(%dma_wait3A_78 : memref<128x128xf32, #tpu.memory_space<vmem>>) dst(%dma_wait3A_75 : memref<128x128xf32, #tpu.memory_space<hbm>>)
      tpu.yield
    }) : () -> ()
    %add3A_34 = arith.constant 256 : i32
    %add3A_35 = arith.addi %mul3A_6, %add3A_34 : i32
    "tpu.region"() ({
      %run_scoped3A = tpu.sem_alloc : memref<!tpu.dma_semaphore, #tpu.memory_space<semaphore_mem>>
      %dma_start3A = arith.constant 0 : i32
      %dma_start3A_45 = arith.constant 0 : i32
      %dma_start3A_46 = tpu.memref_slice %arg11[%dma_start3A, %dma_start3A_45] : memref<80x128xf32, #tpu.memory_space<vmem>> -> memref<128x128xf32, #tpu.memory_space<vmem>>
      %dma_start3A_47 = arith.constant 0 : i32
      %dma_start3A_48 = tpu.memref_slice %arg13[%add3A_35, %dma_start3A_47] : memref<10240x128xf32, #tpu.memory_space<vmem_shared>> -> memref<128x128xf32, #tpu.memory_space<vmem_shared>>
      %dma_start3A_49 = arith.constant 0 : i32
      %dma_start3A_50 = arith.constant 0 : i32
      %dma_start3A_51 = tpu.memref_slice %arg11[%dma_start3A_49, %dma_start3A_50] : memref<80x128xf32, #tpu.memory_space<vmem>> -> memref<128x128xf32, #tpu.memory_space<vmem>>
      %dma_start3A_52 = arith.constant 0 : i32
      %dma_start3A_53 = tpu.memref_slice %arg13[%add3A_35, %dma_start3A_52] : memref<10240x128xf32, #tpu.memory_space<vmem_shared>> -> memref<128x128xf32, #tpu.memory_space<vmem_shared>>
      tpu.enqueue_dma source(%dma_start3A_53 : memref<128x128xf32, #tpu.memory_space<vmem_shared>>) target(%dma_start3A_51 : memref<128x128xf32, #tpu.memory_space<vmem>>) target_semaphore(%run_scoped3A : memref<!tpu.dma_semaphore, #tpu.memory_space<semaphore_mem>>)
      %dma_wait3A = arith.constant 0 : i32
      %dma_wait3A_54 = arith.constant 0 : i32
      %dma_wait3A_55 = tpu.memref_slice %arg11[%dma_wait3A, %dma_wait3A_54] : memref<80x128xf32, #tpu.memory_space<vmem>> -> memref<128x128xf32, #tpu.memory_space<vmem>>
      %dma_wait3A_56 = arith.constant 0 : i32
      %dma_wait3A_57 = tpu.memref_slice %arg13[%add3A_35, %dma_wait3A_56] : memref<10240x128xf32, #tpu.memory_space<vmem_shared>> -> memref<128x128xf32, #tpu.memory_space<vmem_shared>>
      %dma_wait3A_58 = arith.constant 0 : i32
      %dma_wait3A_59 = arith.constant 0 : i32
      %dma_wait3A_60 = tpu.memref_slice %arg11[%dma_wait3A_58, %dma_wait3A_59] : memref<80x128xf32, #tpu.memory_space<vmem>> -> memref<128x128xf32, #tpu.memory_space<vmem>>
      %dma_wait3A_61 = arith.constant 0 : i32
      %dma_wait3A_62 = tpu.memref_slice %arg13[%add3A_35, %dma_wait3A_61] : memref<10240x128xf32, #tpu.memory_space<vmem_shared>> -> memref<128x128xf32, #tpu.memory_space<vmem_shared>>
      tpu.wait_dma2 semaphore(%run_scoped3A : memref<!tpu.dma_semaphore, #tpu.memory_space<semaphore_mem>>) src(%dma_wait3A_62 : memref<128x128xf32, #tpu.memory_space<vmem_shared>>) dst(%dma_wait3A_60 : memref<128x128xf32, #tpu.memory_space<vmem>>)
      tpu.yield
    }) : () -> ()
    "tpu.region"() ({
      %run_scoped3A = tpu.sem_alloc : memref<!tpu.dma_semaphore, #tpu.memory_space<semaphore_mem>>
      %dma_start3A = arith.constant 0 : i32
      %dma_start3A_45 = arith.constant 0 : i32
      %dma_start3A_46 = tpu.memref_slice %arg11[%dma_start3A, %dma_start3A_45] : memref<80x128xf32, #tpu.memory_space<vmem>> -> memref<128x128xf32, #tpu.memory_space<vmem>>
      %dma_start3A_47 = arith.constant 0 : i32
      %dma_start3A_48 = arith.constant 0 : i32
      %dma_start3A_49 = tpu.memref_slice %arg7[%arg0, %dma_start3A_47, %dma_start3A_48] : memref<2x10240x128xf32, #tpu.memory_space<hbm>> -> memref<1x10240x128xf32, #tpu.memory_space<hbm>>
      %dma_start3A_50 = tpu.memref_squeeze %dma_start3A_49 : memref<1x10240x128xf32, #tpu.memory_space<hbm>> -> memref<10240x128xf32, #tpu.memory_space<hbm>>
      %dma_start3A_51 = arith.constant 0 : i32
      %dma_start3A_52 = tpu.memref_slice %dma_start3A_50[%add3A_35, %dma_start3A_51] : memref<10240x128xf32, #tpu.memory_space<hbm>> -> memref<128x128xf32, #tpu.memory_space<hbm>>
      %dma_start3A_53 = arith.constant 0 : i32
      %dma_start3A_54 = arith.constant 0 : i32
      %dma_start3A_55 = tpu.memref_slice %arg7[%arg0, %dma_start3A_53, %dma_start3A_54] : memref<2x10240x128xf32, #tpu.memory_space<hbm>> -> memref<1x10240x128xf32, #tpu.memory_space<hbm>>
      %dma_start3A_56 = tpu.memref_squeeze %dma_start3A_55 : memref<1x10240x128xf32, #tpu.memory_space<hbm>> -> memref<10240x128xf32, #tpu.memory_space<hbm>>
      %dma_start3A_57 = arith.constant 0 : i32
      %dma_start3A_58 = tpu.memref_slice %dma_start3A_56[%add3A_35, %dma_start3A_57] : memref<10240x128xf32, #tpu.memory_space<hbm>> -> memref<128x128xf32, #tpu.memory_space<hbm>>
      %dma_start3A_59 = arith.constant 0 : i32
      %dma_start3A_60 = arith.constant 0 : i32
      %dma_start3A_61 = tpu.memref_slice %arg11[%dma_start3A_59, %dma_start3A_60] : memref<80x128xf32, #tpu.memory_space<vmem>> -> memref<128x128xf32, #tpu.memory_space<vmem>>
      tpu.enqueue_dma source(%dma_start3A_61 : memref<128x128xf32, #tpu.memory_space<vmem>>) target(%dma_start3A_58 : memref<128x128xf32, #tpu.memory_space<hbm>>) target_semaphore(%run_scoped3A : memref<!tpu.dma_semaphore, #tpu.memory_space<semaphore_mem>>)
      %dma_wait3A = arith.constant 0 : i32
      %dma_wait3A_62 = arith.constant 0 : i32
      %dma_wait3A_63 = tpu.memref_slice %arg11[%dma_wait3A, %dma_wait3A_62] : memref<80x128xf32, #tpu.memory_space<vmem>> -> memref<128x128xf32, #tpu.memory_space<vmem>>
      %dma_wait3A_64 = arith.constant 0 : i32
      %dma_wait3A_65 = arith.constant 0 : i32
      %dma_wait3A_66 = tpu.memref_slice %arg7[%arg0, %dma_wait3A_64, %dma_wait3A_65] : memref<2x10240x128xf32, #tpu.memory_space<hbm>> -> memref<1x10240x128xf32, #tpu.memory_space<hbm>>
      %dma_wait3A_67 = tpu.memref_squeeze %dma_wait3A_66 : memref<1x10240x128xf32, #tpu.memory_space<hbm>> -> memref<10240x128xf32, #tpu.memory_space<hbm>>
      %dma_wait3A_68 = arith.constant 0 : i32
      %dma_wait3A_69 = tpu.memref_slice %dma_wait3A_67[%add3A_35, %dma_wait3A_68] : memref<10240x128xf32, #tpu.memory_space<hbm>> -> memref<128x128xf32, #tpu.memory_space<hbm>>
      %dma_wait3A_70 = arith.constant 0 : i32
      %dma_wait3A_71 = arith.constant 0 : i32
      %dma_wait3A_72 = tpu.memref_slice %arg7[%arg0, %dma_wait3A_70, %dma_wait3A_71] : memref<2x10240x128xf32, #tpu.memory_space<hbm>> -> memref<1x10240x128xf32, #tpu.memory_space<hbm>>
      %dma_wait3A_73 = tpu.memref_squeeze %dma_wait3A_72 : memref<1x10240x128xf32, #tpu.memory_space<hbm>> -> memref<10240x128xf32, #tpu.memory_space<hbm>>
      %dma_wait3A_74 = arith.constant 0 : i32
      %dma_wait3A_75 = tpu.memref_slice %dma_wait3A_73[%add3A_35, %dma_wait3A_74] : memref<10240x128xf32, #tpu.memory_space<hbm>> -> memref<128x128xf32, #tpu.memory_space<hbm>>
      %dma_wait3A_76 = arith.constant 0 : i32
      %dma_wait3A_77 = arith.constant 0 : i32
      %dma_wait3A_78 = tpu.memref_slice %arg11[%dma_wait3A_76, %dma_wait3A_77] : memref<80x128xf32, #tpu.memory_space<vmem>> -> memref<128x128xf32, #tpu.memory_space<vmem>>
      tpu.wait_dma2 semaphore(%run_scoped3A : memref<!tpu.dma_semaphore, #tpu.memory_space<semaphore_mem>>) src(%dma_wait3A_78 : memref<128x128xf32, #tpu.memory_space<vmem>>) dst(%dma_wait3A_75 : memref<128x128xf32, #tpu.memory_space<hbm>>)
      tpu.yield
    }) : () -> ()
    %add3A_36 = arith.constant 384 : i32
    %add3A_37 = arith.addi %mul3A_6, %add3A_36 : i32
    "tpu.region"() ({
      %run_scoped3A = tpu.sem_alloc : memref<!tpu.dma_semaphore, #tpu.memory_space<semaphore_mem>>
      %dma_start3A = arith.constant 0 : i32
      %dma_start3A_45 = arith.constant 0 : i32
      %dma_start3A_46 = tpu.memref_slice %arg11[%dma_start3A, %dma_start3A_45] : memref<80x128xf32, #tpu.memory_space<vmem>> -> memref<128x128xf32, #tpu.memory_space<vmem>>
      %dma_start3A_47 = arith.constant 0 : i32
      %dma_start3A_48 = tpu.memref_slice %arg13[%add3A_37, %dma_start3A_47] : memref<10240x128xf32, #tpu.memory_space<vmem_shared>> -> memref<128x128xf32, #tpu.memory_space<vmem_shared>>
      %dma_start3A_49 = arith.constant 0 : i32
      %dma_start3A_50 = arith.constant 0 : i32
      %dma_start3A_51 = tpu.memref_slice %arg11[%dma_start3A_49, %dma_start3A_50] : memref<80x128xf32, #tpu.memory_space<vmem>> -> memref<128x128xf32, #tpu.memory_space<vmem>>
      %dma_start3A_52 = arith.constant 0 : i32
      %dma_start3A_53 = tpu.memref_slice %arg13[%add3A_37, %dma_start3A_52] : memref<10240x128xf32, #tpu.memory_space<vmem_shared>> -> memref<128x128xf32, #tpu.memory_space<vmem_shared>>
      tpu.enqueue_dma source(%dma_start3A_53 : memref<128x128xf32, #tpu.memory_space<vmem_shared>>) target(%dma_start3A_51 : memref<128x128xf32, #tpu.memory_space<vmem>>) target_semaphore(%run_scoped3A : memref<!tpu.dma_semaphore, #tpu.memory_space<semaphore_mem>>)
      %dma_wait3A = arith.constant 0 : i32
      %dma_wait3A_54 = arith.constant 0 : i32
      %dma_wait3A_55 = tpu.memref_slice %arg11[%dma_wait3A, %dma_wait3A_54] : memref<80x128xf32, #tpu.memory_space<vmem>> -> memref<128x128xf32, #tpu.memory_space<vmem>>
      %dma_wait3A_56 = arith.constant 0 : i32
      %dma_wait3A_57 = tpu.memref_slice %arg13[%add3A_37, %dma_wait3A_56] : memref<10240x128xf32, #tpu.memory_space<vmem_shared>> -> memref<128x128xf32, #tpu.memory_space<vmem_shared>>
      %dma_wait3A_58 = arith.constant 0 : i32
      %dma_wait3A_59 = arith.constant 0 : i32
      %dma_wait3A_60 = tpu.memref_slice %arg11[%dma_wait3A_58, %dma_wait3A_59] : memref<80x128xf32, #tpu.memory_space<vmem>> -> memref<128x128xf32, #tpu.memory_space<vmem>>
      %dma_wait3A_61 = arith.constant 0 : i32
      %dma_wait3A_62 = tpu.memref_slice %arg13[%add3A_37, %dma_wait3A_61] : memref<10240x128xf32, #tpu.memory_space<vmem_shared>> -> memref<128x128xf32, #tpu.memory_space<vmem_shared>>
      tpu.wait_dma2 semaphore(%run_scoped3A : memref<!tpu.dma_semaphore, #tpu.memory_space<semaphore_mem>>) src(%dma_wait3A_62 : memref<128x128xf32, #tpu.memory_space<vmem_shared>>) dst(%dma_wait3A_60 : memref<128x128xf32, #tpu.memory_space<vmem>>)
      tpu.yield
    }) : () -> ()
    "tpu.region"() ({
      %run_scoped3A = tpu.sem_alloc : memref<!tpu.dma_semaphore, #tpu.memory_space<semaphore_mem>>
      %dma_start3A = arith.constant 0 : i32
      %dma_start3A_45 = arith.constant 0 : i32
      %dma_start3A_46 = tpu.memref_slice %arg11[%dma_start3A, %dma_start3A_45] : memref<80x128xf32, #tpu.memory_space<vmem>> -> memref<128x128xf32, #tpu.memory_space<vmem>>
      %dma_start3A_47 = arith.constant 0 : i32
      %dma_start3A_48 = arith.constant 0 : i32
      %dma_start3A_49 = tpu.memref_slice %arg7[%arg0, %dma_start3A_47, %dma_start3A_48] : memref<2x10240x128xf32, #tpu.memory_space<hbm>> -> memref<1x10240x128xf32, #tpu.memory_space<hbm>>
      %dma_start3A_50 = tpu.memref_squeeze %dma_start3A_49 : memref<1x10240x128xf32, #tpu.memory_space<hbm>> -> memref<10240x128xf32, #tpu.memory_space<hbm>>
      %dma_start3A_51 = arith.constant 0 : i32
      %dma_start3A_52 = tpu.memref_slice %dma_start3A_50[%add3A_37, %dma_start3A_51] : memref<10240x128xf32, #tpu.memory_space<hbm>> -> memref<128x128xf32, #tpu.memory_space<hbm>>
      %dma_start3A_53 = arith.constant 0 : i32
      %dma_start3A_54 = arith.constant 0 : i32
      %dma_start3A_55 = tpu.memref_slice %arg7[%arg0, %dma_start3A_53, %dma_start3A_54] : memref<2x10240x128xf32, #tpu.memory_space<hbm>> -> memref<1x10240x128xf32, #tpu.memory_space<hbm>>
      %dma_start3A_56 = tpu.memref_squeeze %dma_start3A_55 : memref<1x10240x128xf32, #tpu.memory_space<hbm>> -> memref<10240x128xf32, #tpu.memory_space<hbm>>
      %dma_start3A_57 = arith.constant 0 : i32
      %dma_start3A_58 = tpu.memref_slice %dma_start3A_56[%add3A_37, %dma_start3A_57] : memref<10240x128xf32, #tpu.memory_space<hbm>> -> memref<128x128xf32, #tpu.memory_space<hbm>>
      %dma_start3A_59 = arith.constant 0 : i32
      %dma_start3A_60 = arith.constant 0 : i32
      %dma_start3A_61 = tpu.memref_slice %arg11[%dma_start3A_59, %dma_start3A_60] : memref<80x128xf32, #tpu.memory_space<vmem>> -> memref<128x128xf32, #tpu.memory_space<vmem>>
      tpu.enqueue_dma source(%dma_start3A_61 : memref<128x128xf32, #tpu.memory_space<vmem>>) target(%dma_start3A_58 : memref<128x128xf32, #tpu.memory_space<hbm>>) target_semaphore(%run_scoped3A : memref<!tpu.dma_semaphore, #tpu.memory_space<semaphore_mem>>)
      %dma_wait3A = arith.constant 0 : i32
      %dma_wait3A_62 = arith.constant 0 : i32
      %dma_wait3A_63 = tpu.memref_slice %arg11[%dma_wait3A, %dma_wait3A_62] : memref<80x128xf32, #tpu.memory_space<vmem>> -> memref<128x128xf32, #tpu.memory_space<vmem>>
      %dma_wait3A_64 = arith.constant 0 : i32
      %dma_wait3A_65 = arith.constant 0 : i32
      %dma_wait3A_66 = tpu.memref_slice %arg7[%arg0, %dma_wait3A_64, %dma_wait3A_65] : memref<2x10240x128xf32, #tpu.memory_space<hbm>> -> memref<1x10240x128xf32, #tpu.memory_space<hbm>>
      %dma_wait3A_67 = tpu.memref_squeeze %dma_wait3A_66 : memref<1x10240x128xf32, #tpu.memory_space<hbm>> -> memref<10240x128xf32, #tpu.memory_space<hbm>>
      %dma_wait3A_68 = arith.constant 0 : i32
      %dma_wait3A_69 = tpu.memref_slice %dma_wait3A_67[%add3A_37, %dma_wait3A_68] : memref<10240x128xf32, #tpu.memory_space<hbm>> -> memref<128x128xf32, #tpu.memory_space<hbm>>
      %dma_wait3A_70 = arith.constant 0 : i32
      %dma_wait3A_71 = arith.constant 0 : i32
      %dma_wait3A_72 = tpu.memref_slice %arg7[%arg0, %dma_wait3A_70, %dma_wait3A_71] : memref<2x10240x128xf32, #tpu.memory_space<hbm>> -> memref<1x10240x128xf32, #tpu.memory_space<hbm>>
      %dma_wait3A_73 = tpu.memref_squeeze %dma_wait3A_72 : memref<1x10240x128xf32, #tpu.memory_space<hbm>> -> memref<10240x128xf32, #tpu.memory_space<hbm>>
      %dma_wait3A_74 = arith.constant 0 : i32
      %dma_wait3A_75 = tpu.memref_slice %dma_wait3A_73[%add3A_37, %dma_wait3A_74] : memref<10240x128xf32, #tpu.memory_space<hbm>> -> memref<128x128xf32, #tpu.memory_space<hbm>>
      %dma_wait3A_76 = arith.constant 0 : i32
      %dma_wait3A_77 = arith.constant 0 : i32
      %dma_wait3A_78 = tpu.memref_slice %arg11[%dma_wait3A_76, %dma_wait3A_77] : memref<80x128xf32, #tpu.memory_space<vmem>> -> memref<128x128xf32, #tpu.memory_space<vmem>>
      tpu.wait_dma2 semaphore(%run_scoped3A : memref<!tpu.dma_semaphore, #tpu.memory_space<semaphore_mem>>) src(%dma_wait3A_78 : memref<128x128xf32, #tpu.memory_space<vmem>>) dst(%dma_wait3A_75 : memref<128x128xf32, #tpu.memory_space<hbm>>)
      tpu.yield
    }) : () -> ()
    %add3A_38 = arith.constant 512 : i32
    %add3A_39 = arith.addi %mul3A_6, %add3A_38 : i32
    "tpu.region"() ({
      %run_scoped3A = tpu.sem_alloc : memref<!tpu.dma_semaphore, #tpu.memory_space<semaphore_mem>>
      %dma_start3A = arith.constant 0 : i32
      %dma_start3A_45 = arith.constant 0 : i32
      %dma_start3A_46 = tpu.memref_slice %arg11[%dma_start3A, %dma_start3A_45] : memref<80x128xf32, #tpu.memory_space<vmem>> -> memref<128x128xf32, #tpu.memory_space<vmem>>
      %dma_start3A_47 = arith.constant 0 : i32
      %dma_start3A_48 = tpu.memref_slice %arg13[%add3A_39, %dma_start3A_47] : memref<10240x128xf32, #tpu.memory_space<vmem_shared>> -> memref<128x128xf32, #tpu.memory_space<vmem_shared>>
      %dma_start3A_49 = arith.constant 0 : i32
      %dma_start3A_50 = arith.constant 0 : i32
      %dma_start3A_51 = tpu.memref_slice %arg11[%dma_start3A_49, %dma_start3A_50] : memref<80x128xf32, #tpu.memory_space<vmem>> -> memref<128x128xf32, #tpu.memory_space<vmem>>
      %dma_start3A_52 = arith.constant 0 : i32
      %dma_start3A_53 = tpu.memref_slice %arg13[%add3A_39, %dma_start3A_52] : memref<10240x128xf32, #tpu.memory_space<vmem_shared>> -> memref<128x128xf32, #tpu.memory_space<vmem_shared>>
      tpu.enqueue_dma source(%dma_start3A_53 : memref<128x128xf32, #tpu.memory_space<vmem_shared>>) target(%dma_start3A_51 : memref<128x128xf32, #tpu.memory_space<vmem>>) target_semaphore(%run_scoped3A : memref<!tpu.dma_semaphore, #tpu.memory_space<semaphore_mem>>)
      %dma_wait3A = arith.constant 0 : i32
      %dma_wait3A_54 = arith.constant 0 : i32
      %dma_wait3A_55 = tpu.memref_slice %arg11[%dma_wait3A, %dma_wait3A_54] : memref<80x128xf32, #tpu.memory_space<vmem>> -> memref<128x128xf32, #tpu.memory_space<vmem>>
      %dma_wait3A_56 = arith.constant 0 : i32
      %dma_wait3A_57 = tpu.memref_slice %arg13[%add3A_39, %dma_wait3A_56] : memref<10240x128xf32, #tpu.memory_space<vmem_shared>> -> memref<128x128xf32, #tpu.memory_space<vmem_shared>>
      %dma_wait3A_58 = arith.constant 0 : i32
      %dma_wait3A_59 = arith.constant 0 : i32
      %dma_wait3A_60 = tpu.memref_slice %arg11[%dma_wait3A_58, %dma_wait3A_59] : memref<80x128xf32, #tpu.memory_space<vmem>> -> memref<128x128xf32, #tpu.memory_space<vmem>>
      %dma_wait3A_61 = arith.constant 0 : i32
      %dma_wait3A_62 = tpu.memref_slice %arg13[%add3A_39, %dma_wait3A_61] : memref<10240x128xf32, #tpu.memory_space<vmem_shared>> -> memref<128x128xf32, #tpu.memory_space<vmem_shared>>
      tpu.wait_dma2 semaphore(%run_scoped3A : memref<!tpu.dma_semaphore, #tpu.memory_space<semaphore_mem>>) src(%dma_wait3A_62 : memref<128x128xf32, #tpu.memory_space<vmem_shared>>) dst(%dma_wait3A_60 : memref<128x128xf32, #tpu.memory_space<vmem>>)
      tpu.yield
    }) : () -> ()
    "tpu.region"() ({
      %run_scoped3A = tpu.sem_alloc : memref<!tpu.dma_semaphore, #tpu.memory_space<semaphore_mem>>
      %dma_start3A = arith.constant 0 : i32
      %dma_start3A_45 = arith.constant 0 : i32
      %dma_start3A_46 = tpu.memref_slice %arg11[%dma_start3A, %dma_start3A_45] : memref<80x128xf32, #tpu.memory_space<vmem>> -> memref<128x128xf32, #tpu.memory_space<vmem>>
      %dma_start3A_47 = arith.constant 0 : i32
      %dma_start3A_48 = arith.constant 0 : i32
      %dma_start3A_49 = tpu.memref_slice %arg7[%arg0, %dma_start3A_47, %dma_start3A_48] : memref<2x10240x128xf32, #tpu.memory_space<hbm>> -> memref<1x10240x128xf32, #tpu.memory_space<hbm>>
      %dma_start3A_50 = tpu.memref_squeeze %dma_start3A_49 : memref<1x10240x128xf32, #tpu.memory_space<hbm>> -> memref<10240x128xf32, #tpu.memory_space<hbm>>
      %dma_start3A_51 = arith.constant 0 : i32
      %dma_start3A_52 = tpu.memref_slice %dma_start3A_50[%add3A_39, %dma_start3A_51] : memref<10240x128xf32, #tpu.memory_space<hbm>> -> memref<128x128xf32, #tpu.memory_space<hbm>>
      %dma_start3A_53 = arith.constant 0 : i32
      %dma_start3A_54 = arith.constant 0 : i32
      %dma_start3A_55 = tpu.memref_slice %arg7[%arg0, %dma_start3A_53, %dma_start3A_54] : memref<2x10240x128xf32, #tpu.memory_space<hbm>> -> memref<1x10240x128xf32, #tpu.memory_space<hbm>>
      %dma_start3A_56 = tpu.memref_squeeze %dma_start3A_55 : memref<1x10240x128xf32, #tpu.memory_space<hbm>> -> memref<10240x128xf32, #tpu.memory_space<hbm>>
      %dma_start3A_57 = arith.constant 0 : i32
      %dma_start3A_58 = tpu.memref_slice %dma_start3A_56[%add3A_39, %dma_start3A_57] : memref<10240x128xf32, #tpu.memory_space<hbm>> -> memref<128x128xf32, #tpu.memory_space<hbm>>
      %dma_start3A_59 = arith.constant 0 : i32
      %dma_start3A_60 = arith.constant 0 : i32
      %dma_start3A_61 = tpu.memref_slice %arg11[%dma_start3A_59, %dma_start3A_60] : memref<80x128xf32, #tpu.memory_space<vmem>> -> memref<128x128xf32, #tpu.memory_space<vmem>>
      tpu.enqueue_dma source(%dma_start3A_61 : memref<128x128xf32, #tpu.memory_space<vmem>>) target(%dma_start3A_58 : memref<128x128xf32, #tpu.memory_space<hbm>>) target_semaphore(%run_scoped3A : memref<!tpu.dma_semaphore, #tpu.memory_space<semaphore_mem>>)
      %dma_wait3A = arith.constant 0 : i32
      %dma_wait3A_62 = arith.constant 0 : i32
      %dma_wait3A_63 = tpu.memref_slice %arg11[%dma_wait3A, %dma_wait3A_62] : memref<80x128xf32, #tpu.memory_space<vmem>> -> memref<128x128xf32, #tpu.memory_space<vmem>>
      %dma_wait3A_64 = arith.constant 0 : i32
      %dma_wait3A_65 = arith.constant 0 : i32
      %dma_wait3A_66 = tpu.memref_slice %arg7[%arg0, %dma_wait3A_64, %dma_wait3A_65] : memref<2x10240x128xf32, #tpu.memory_space<hbm>> -> memref<1x10240x128xf32, #tpu.memory_space<hbm>>
      %dma_wait3A_67 = tpu.memref_squeeze %dma_wait3A_66 : memref<1x10240x128xf32, #tpu.memory_space<hbm>> -> memref<10240x128xf32, #tpu.memory_space<hbm>>
      %dma_wait3A_68 = arith.constant 0 : i32
      %dma_wait3A_69 = tpu.memref_slice %dma_wait3A_67[%add3A_39, %dma_wait3A_68] : memref<10240x128xf32, #tpu.memory_space<hbm>> -> memref<128x128xf32, #tpu.memory_space<hbm>>
      %dma_wait3A_70 = arith.constant 0 : i32
      %dma_wait3A_71 = arith.constant 0 : i32
      %dma_wait3A_72 = tpu.memref_slice %arg7[%arg0, %dma_wait3A_70, %dma_wait3A_71] : memref<2x10240x128xf32, #tpu.memory_space<hbm>> -> memref<1x10240x128xf32, #tpu.memory_space<hbm>>
      %dma_wait3A_73 = tpu.memref_squeeze %dma_wait3A_72 : memref<1x10240x128xf32, #tpu.memory_space<hbm>> -> memref<10240x128xf32, #tpu.memory_space<hbm>>
      %dma_wait3A_74 = arith.constant 0 : i32
      %dma_wait3A_75 = tpu.memref_slice %dma_wait3A_73[%add3A_39, %dma_wait3A_74] : memref<10240x128xf32, #tpu.memory_space<hbm>> -> memref<128x128xf32, #tpu.memory_space<hbm>>
      %dma_wait3A_76 = arith.constant 0 : i32
      %dma_wait3A_77 = arith.constant 0 : i32
      %dma_wait3A_78 = tpu.memref_slice %arg11[%dma_wait3A_76, %dma_wait3A_77] : memref<80x128xf32, #tpu.memory_space<vmem>> -> memref<128x128xf32, #tpu.memory_space<vmem>>
      tpu.wait_dma2 semaphore(%run_scoped3A : memref<!tpu.dma_semaphore, #tpu.memory_space<semaphore_mem>>) src(%dma_wait3A_78 : memref<128x128xf32, #tpu.memory_space<vmem>>) dst(%dma_wait3A_75 : memref<128x128xf32, #tpu.memory_space<hbm>>)
      tpu.yield
    }) : () -> ()
    %eq3A_40 = arith.constant 1 : i32
    %eq3A_41 = arith.cmpi eq, %arg0, %eq3A_40 : i32
    %convert_element_type3A_42 = arith.extui %eq3A_41 : i1 to i32
    %cond3A_43 = arith.constant 0 : i32
    %cond3A_44 = arith.cmpi ne, %convert_element_type3A_42, %cond3A_43 : i32
    scf.if %cond3A_44 {
      "tpu.region"() ({
        %run_scoped3A = tpu.sem_alloc : memref<!tpu.dma_semaphore, #tpu.memory_space<semaphore_mem>>
        %dma_start3A = arith.constant 0 : i32
        %dma_start3A_45 = tpu.memref_slice %arg8[%arg1, %dma_start3A] : memref<16x10000xf32, #tpu.memory_space<hbm>> -> memref<1x10000xf32, #tpu.memory_space<hbm>>
        %dma_start3A_46 = tpu.memref_squeeze %dma_start3A_45 : memref<1x10000xf32, #tpu.memory_space<hbm>> -> memref<10000xf32, #tpu.memory_space<hbm>>
        %dma_start3A_47 = arith.constant 0 : i32
        %dma_start3A_48 = tpu.memref_slice %arg8[%arg1, %dma_start3A_47] : memref<16x10000xf32, #tpu.memory_space<hbm>> -> memref<1x10000xf32, #tpu.memory_space<hbm>>
        %dma_start3A_49 = tpu.memref_squeeze %dma_start3A_48 : memref<1x10000xf32, #tpu.memory_space<hbm>> -> memref<10000xf32, #tpu.memory_space<hbm>>
        tpu.enqueue_dma source(%arg17 : memref<10000xf32, #tpu.memory_space<vmem>>) target(%dma_start3A_49 : memref<10000xf32, #tpu.memory_space<hbm>>) target_semaphore(%run_scoped3A : memref<!tpu.dma_semaphore, #tpu.memory_space<semaphore_mem>>)
        %dma_wait3A = arith.constant 0 : i32
        %dma_wait3A_50 = tpu.memref_slice %arg8[%arg1, %dma_wait3A] : memref<16x10000xf32, #tpu.memory_space<hbm>> -> memref<1x10000xf32, #tpu.memory_space<hbm>>
        %dma_wait3A_51 = tpu.memref_squeeze %dma_wait3A_50 : memref<1x10000xf32, #tpu.memory_space<hbm>> -> memref<10000xf32, #tpu.memory_space<hbm>>
        %dma_wait3A_52 = arith.constant 0 : i32
        %dma_wait3A_53 = tpu.memref_slice %arg8[%arg1, %dma_wait3A_52] : memref<16x10000xf32, #tpu.memory_space<hbm>> -> memref<1x10000xf32, #tpu.memory_space<hbm>>
        %dma_wait3A_54 = tpu.memref_squeeze %dma_wait3A_53 : memref<1x10000xf32, #tpu.memory_space<hbm>> -> memref<10000xf32, #tpu.memory_space<hbm>>
        tpu.wait_dma2 semaphore(%run_scoped3A : memref<!tpu.dma_semaphore, #tpu.memory_space<semaphore_mem>>) src(%arg17 : memref<10000xf32, #tpu.memory_space<vmem>>) dst(%dma_wait3A_54 : memref<10000xf32, #tpu.memory_space<hbm>>)
        tpu.yield
      }) : () -> ()
    } else {
    }
    return
  }
}

module attributes {stable_mosaic.version = 14 : i64} {
  func.func @_mm_bias_kernel(%arg0: i32, %arg1: memref<1000x128xf32, #tpu.memory_space<vmem>>, %arg2: memref<1x128xf32, #tpu.memory_space<vmem>>, %arg3: memref<128x128xf32, #tpu.memory_space<vmem>>, %arg4: memref<1x128xf32, #tpu.memory_space<vmem>>, %arg5: memref<1000x1xf32, #tpu.memory_space<vmem>>, %arg6: memref<1000x128xf32, #tpu.memory_space<vmem>>) attributes {dimension_semantics = [#tpu.dimension_semantics<arbitrary>], iteration_bounds = array<i64: 10>, scalar_prefetch = 0 : i64, scratch_operands = 0 : i64, tpu.core_type = #tpu.core_type<tc>, window_params = [{transform_indices = @transform_0, window_bounds = array<i64: 1000, 128>}, {pipeline_mode = #tpu.pipeline_mode<synchronous>, transform_indices = @transform_1, window_bounds = array<i64: 1, 128>}, {pipeline_mode = #tpu.pipeline_mode<synchronous>, transform_indices = @transform_2, window_bounds = array<i64: 128, 128>}, {pipeline_mode = #tpu.pipeline_mode<synchronous>, transform_indices = @transform_3, window_bounds = array<i64: 1, 128>}, {transform_indices = @transform_4, window_bounds = array<i64: 1000, 1>}, {transform_indices = @transform_5, window_bounds = array<i64: 1000, 128>}]} {
    %get3A = arith.constant 0 : index
    %get3A_0 = arith.constant 0 : index
    %get3A_1 = vector.load %arg1[%get3A, %get3A_0] : memref<1000x128xf32, #tpu.memory_space<vmem>>, vector<1000x128xf32>
    %get3A_2 = arith.constant 0 : index
    %get3A_3 = arith.constant 0 : index
    %get3A_4 = vector.load %arg3[%get3A_2, %get3A_3] : memref<128x128xf32, #tpu.memory_space<vmem>>, vector<128x128xf32>
    %dot_general3A = arith.constant dense<0.000000e+00> : vector<1000x128xf32>
    %dot_general3A_5 = tpu.matmul %get3A_1, %get3A_4, %dot_general3A {dimension_numbers = #tpu.dot_dimension_numbers<[1], [0], [0], [1], [0, 0, 1, 1], [], []>, transpose_lhs_hint = false} : vector<1000x128xf32>, vector<128x128xf32>, vector<1000x128xf32> -> vector<1000x128xf32>
    %get3A_6 = arith.constant 0 : index
    %get3A_7 = arith.constant 0 : index
    %get3A_8 = vector.load %arg4[%get3A_6, %get3A_7] : memref<1x128xf32, #tpu.memory_space<vmem>>, vector<1x128xf32>
    %add3A = vector.broadcast %get3A_8 : vector<1x128xf32> to vector<1000x128xf32>
    %add3A_9 = arith.addf %dot_general3A_5, %add3A : vector<1000x128xf32>
    %max3A = arith.constant 0.000000e+00 : f32
    %max3A_10 = vector.broadcast %max3A : f32 to vector<1000x128xf32>
    %max3A_11 = arith.maximumf %add3A_9, %max3A_10 : vector<1000x128xf32>
    %swap3A = arith.constant 0 : index
    %swap3A_12 = arith.constant 0 : index
    %swap3A_13 = vector.load %arg6[%swap3A, %swap3A_12] : memref<1000x128xf32, #tpu.memory_space<vmem>>, vector<1000x128xf32>
    tpu.vector_store %arg6[%swap3A, %swap3A_12], %max3A_11 {strides = array<i32>} : memref<1000x128xf32, #tpu.memory_space<vmem>>, vector<1000x128xf32>,
    return
  }
  func.func @transform_0(%arg0: i32) -> (i32, i32) {
    %c0_i32 = arith.constant 0 : i32
    %c0_i32_0 = arith.constant 0 : i32
    return %arg0, %c0_i32 : i32, i32
  }
  func.func @transform_1(%arg0: i32) -> (i32, i32) {
    %c0_i32 = arith.constant 0 : i32
    %c0_i32_0 = arith.constant 0 : i32
    %c0_i32_1 = arith.constant 0 : i32
    return %c0_i32, %c0_i32_0 : i32, i32
  }
  func.func @transform_2(%arg0: i32) -> (i32, i32) {
    %c0_i32 = arith.constant 0 : i32
    %c0_i32_0 = arith.constant 0 : i32
    %c0_i32_1 = arith.constant 0 : i32
    return %c0_i32, %c0_i32_0 : i32, i32
  }
  func.func @transform_3(%arg0: i32) -> (i32, i32) {
    %c0_i32 = arith.constant 0 : i32
    %c0_i32_0 = arith.constant 0 : i32
    %c0_i32_1 = arith.constant 0 : i32
    return %c0_i32, %c0_i32_0 : i32, i32
  }
  func.func @transform_4(%arg0: i32) -> (i32, i32) {
    %c0_i32 = arith.constant 0 : i32
    %c0_i32_0 = arith.constant 0 : i32
    return %arg0, %c0_i32 : i32, i32
  }
  func.func @transform_5(%arg0: i32) -> (i32, i32) {
    %c0_i32 = arith.constant 0 : i32
    %c0_i32_0 = arith.constant 0 : i32
    return %arg0, %c0_i32 : i32, i32
  }
}

module attributes {stable_mosaic.version = 14 : i64} {
  func.func @_mm_bias_kernel(%arg0: i32, %arg1: memref<1000x128xf32, #tpu.memory_space<vmem>>, %arg2: memref<1x128xf32, #tpu.memory_space<vmem>>, %arg3: memref<128x128xf32, #tpu.memory_space<vmem>>, %arg4: memref<1x128xf32, #tpu.memory_space<vmem>>, %arg5: memref<1000x1xf32, #tpu.memory_space<vmem>>, %arg6: memref<1000x128xf32, #tpu.memory_space<vmem>>) attributes {dimension_semantics = [#tpu.dimension_semantics<arbitrary>], iteration_bounds = array<i64: 10>, scalar_prefetch = 0 : i64, scratch_operands = 0 : i64, tpu.core_type = #tpu.core_type<tc>, window_params = [{transform_indices = @transform_0, window_bounds = array<i64: 1000, 128>}, {pipeline_mode = #tpu.pipeline_mode<synchronous>, transform_indices = @transform_1, window_bounds = array<i64: 1, 128>}, {pipeline_mode = #tpu.pipeline_mode<synchronous>, transform_indices = @transform_2, window_bounds = array<i64: 128, 128>}, {pipeline_mode = #tpu.pipeline_mode<synchronous>, transform_indices = @transform_3, window_bounds = array<i64: 1, 128>}, {transform_indices = @transform_4, window_bounds = array<i64: 1000, 1>}, {transform_indices = @transform_5, window_bounds = array<i64: 1000, 128>}]} {
    %get3A = arith.constant 0 : index
    %get3A_0 = arith.constant 0 : index
    %get3A_1 = vector.load %arg1[%get3A, %get3A_0] : memref<1000x128xf32, #tpu.memory_space<vmem>>, vector<1000x128xf32>
    %get3A_2 = arith.constant 0 : index
    %get3A_3 = arith.constant 0 : index
    %get3A_4 = vector.load %arg3[%get3A_2, %get3A_3] : memref<128x128xf32, #tpu.memory_space<vmem>>, vector<128x128xf32>
    %dot_general3A = arith.constant dense<0.000000e+00> : vector<1000x128xf32>
    %dot_general3A_5 = tpu.matmul %get3A_1, %get3A_4, %dot_general3A {dimension_numbers = #tpu.dot_dimension_numbers<[1], [0], [0], [1], [0, 0, 1, 1], [], []>, transpose_lhs_hint = false} : vector<1000x128xf32>, vector<128x128xf32>, vector<1000x128xf32> -> vector<1000x128xf32>
    %get3A_6 = arith.constant 0 : index
    %get3A_7 = arith.constant 0 : index
    %get3A_8 = vector.load %arg4[%get3A_6, %get3A_7] : memref<1x128xf32, #tpu.memory_space<vmem>>, vector<1x128xf32>
    %add3A = vector.broadcast %get3A_8 : vector<1x128xf32> to vector<1000x128xf32>
    %add3A_9 = arith.addf %dot_general3A_5, %add3A : vector<1000x128xf32>
    %swap3A = arith.constant 0 : index
    %swap3A_10 = arith.constant 0 : index
    %swap3A_11 = vector.load %arg6[%swap3A, %swap3A_10] : memref<1000x128xf32, #tpu.memory_space<vmem>>, vector<1000x128xf32>
    tpu.vector_store %arg6[%swap3A, %swap3A_10], %add3A_9 {strides = array<i32>} : memref<1000x128xf32, #tpu.memory_space<vmem>>, vector<1000x128xf32>,
    return
  }
  func.func @transform_0(%arg0: i32) -> (i32, i32) {
    %c0_i32 = arith.constant 0 : i32
    %c0_i32_0 = arith.constant 0 : i32
    return %arg0, %c0_i32 : i32, i32
  }
  func.func @transform_1(%arg0: i32) -> (i32, i32) {
    %c0_i32 = arith.constant 0 : i32
    %c0_i32_0 = arith.constant 0 : i32
    %c0_i32_1 = arith.constant 0 : i32
    return %c0_i32, %c0_i32_0 : i32, i32
  }
  func.func @transform_2(%arg0: i32) -> (i32, i32) {
    %c0_i32 = arith.constant 0 : i32
    %c0_i32_0 = arith.constant 0 : i32
    %c0_i32_1 = arith.constant 0 : i32
    return %c0_i32, %c0_i32_0 : i32, i32
  }
  func.func @transform_3(%arg0: i32) -> (i32, i32) {
    %c0_i32 = arith.constant 0 : i32
    %c0_i32_0 = arith.constant 0 : i32
    %c0_i32_1 = arith.constant 0 : i32
    return %c0_i32, %c0_i32_0 : i32, i32
  }
  func.func @transform_4(%arg0: i32) -> (i32, i32) {
    %c0_i32 = arith.constant 0 : i32
    %c0_i32_0 = arith.constant 0 : i32
    return %arg0, %c0_i32 : i32, i32
  }
  func.func @transform_5(%arg0: i32) -> (i32, i32) {
    %c0_i32 = arith.constant 0 : i32
    %c0_i32_0 = arith.constant 0 : i32
    return %arg0, %c0_i32 : i32, i32
  }
}

module attributes {stable_mosaic.version = 14 : i64} {
  func.func @_mm_bias_kernel(%arg0: i32, %arg1: memref<1000x128xf32, #tpu.memory_space<vmem>>, %arg2: memref<1000x128xf32, #tpu.memory_space<vmem>>, %arg3: memref<128x128xf32, #tpu.memory_space<vmem>>, %arg4: memref<1x128xf32, #tpu.memory_space<vmem>>, %arg5: memref<1000x1xf32, #tpu.memory_space<vmem>>, %arg6: memref<1000x128xf32, #tpu.memory_space<vmem>>) attributes {dimension_semantics = [#tpu.dimension_semantics<arbitrary>], iteration_bounds = array<i64: 10>, scalar_prefetch = 0 : i64, scratch_operands = 0 : i64, tpu.core_type = #tpu.core_type<tc>, window_params = [{transform_indices = @transform_0, window_bounds = array<i64: 1000, 128>}, {transform_indices = @transform_1, window_bounds = array<i64: 1000, 128>}, {pipeline_mode = #tpu.pipeline_mode<synchronous>, transform_indices = @transform_2, window_bounds = array<i64: 128, 128>}, {pipeline_mode = #tpu.pipeline_mode<synchronous>, transform_indices = @transform_3, window_bounds = array<i64: 1, 128>}, {transform_indices = @transform_4, window_bounds = array<i64: 1000, 1>}, {transform_indices = @transform_5, window_bounds = array<i64: 1000, 128>}]} {
    %get3A = arith.constant 0 : index
    %get3A_0 = arith.constant 0 : index
    %get3A_1 = vector.load %arg1[%get3A, %get3A_0] : memref<1000x128xf32, #tpu.memory_space<vmem>>, vector<1000x128xf32>
    %get3A_2 = arith.constant 0 : index
    %get3A_3 = arith.constant 0 : index
    %get3A_4 = vector.load %arg2[%get3A_2, %get3A_3] : memref<1000x128xf32, #tpu.memory_space<vmem>>, vector<1000x128xf32>
    %add3A = arith.addf %get3A_1, %get3A_4 : vector<1000x128xf32>
    %get3A_5 = arith.constant 0 : index
    %get3A_6 = arith.constant 0 : index
    %get3A_7 = vector.load %arg3[%get3A_5, %get3A_6] : memref<128x128xf32, #tpu.memory_space<vmem>>, vector<128x128xf32>
    %dot_general3A = arith.constant dense<0.000000e+00> : vector<1000x128xf32>
    %dot_general3A_8 = tpu.matmul %add3A, %get3A_7, %dot_general3A {dimension_numbers = #tpu.dot_dimension_numbers<[1], [0], [0], [1], [0, 0, 1, 1], [], []>, transpose_lhs_hint = false} : vector<1000x128xf32>, vector<128x128xf32>, vector<1000x128xf32> -> vector<1000x128xf32>
    %get3A_9 = arith.constant 0 : index
    %get3A_10 = arith.constant 0 : index
    %get3A_11 = vector.load %arg4[%get3A_9, %get3A_10] : memref<1x128xf32, #tpu.memory_space<vmem>>, vector<1x128xf32>
    %add3A_12 = vector.broadcast %get3A_11 : vector<1x128xf32> to vector<1000x128xf32>
    %add3A_13 = arith.addf %dot_general3A_8, %add3A_12 : vector<1000x128xf32>
    %swap3A = arith.constant 0 : index
    %swap3A_14 = arith.constant 0 : index
    %swap3A_15 = vector.load %arg6[%swap3A, %swap3A_14] : memref<1000x128xf32, #tpu.memory_space<vmem>>, vector<1000x128xf32>
    tpu.vector_store %arg6[%swap3A, %swap3A_14], %add3A_13 {strides = array<i32>} : memref<1000x128xf32, #tpu.memory_space<vmem>>, vector<1000x128xf32>,
    return
  }
  func.func @transform_0(%arg0: i32) -> (i32, i32) {
    %c0_i32 = arith.constant 0 : i32
    %c0_i32_0 = arith.constant 0 : i32
    return %arg0, %c0_i32 : i32, i32
  }
  func.func @transform_1(%arg0: i32) -> (i32, i32) {
    %c0_i32 = arith.constant 0 : i32
    %c0_i32_0 = arith.constant 0 : i32
    return %arg0, %c0_i32 : i32, i32
  }
  func.func @transform_2(%arg0: i32) -> (i32, i32) {
    %c0_i32 = arith.constant 0 : i32
    %c0_i32_0 = arith.constant 0 : i32
    %c0_i32_1 = arith.constant 0 : i32
    return %c0_i32, %c0_i32_0 : i32, i32
  }
  func.func @transform_3(%arg0: i32) -> (i32, i32) {
    %c0_i32 = arith.constant 0 : i32
    %c0_i32_0 = arith.constant 0 : i32
    %c0_i32_1 = arith.constant 0 : i32
    return %c0_i32, %c0_i32_0 : i32, i32
  }
  func.func @transform_4(%arg0: i32) -> (i32, i32) {
    %c0_i32 = arith.constant 0 : i32
    %c0_i32_0 = arith.constant 0 : i32
    return %arg0, %c0_i32 : i32, i32
  }
  func.func @transform_5(%arg0: i32) -> (i32, i32) {
    %c0_i32 = arith.constant 0 : i32
    %c0_i32_0 = arith.constant 0 : i32
    return %arg0, %c0_i32 : i32, i32
  }
}

module attributes {stable_mosaic.version = 14 : i64} {
  func.func @_update_kernel(%arg0: i32, %arg1: memref<1000x128xf32, #tpu.memory_space<vmem>>, %arg2: memref<1x1000x128xf32, #tpu.memory_space<vmem>>, %arg3: memref<1000x128xf32, #tpu.memory_space<vmem>>, %arg4: memref<1000x128xf32, #tpu.memory_space<vmem>>, %arg5: memref<1000x1xf32, #tpu.memory_space<vmem>>, %arg6: memref<1000x1xf32, #tpu.memory_space<vmem>>, %arg7: memref<1000x1xf32, #tpu.memory_space<vmem>>, %arg8: memref<1000x1xf32, #tpu.memory_space<vmem>>, %arg9: memref<1x128xf32, #tpu.memory_space<vmem>>, %arg10: memref<1000x128xf32, #tpu.memory_space<vmem>>) attributes {dimension_semantics = [#tpu.dimension_semantics<arbitrary>], iteration_bounds = array<i64: 10>, scalar_prefetch = 0 : i64, scratch_operands = 0 : i64, tpu.core_type = #tpu.core_type<tc>, window_params = [{transform_indices = @transform_0, window_bounds = array<i64: 1000, 128>}, {transform_indices = @transform_1, window_bounds = array<i64: 1, 1000, 128>}, {transform_indices = @transform_2, window_bounds = array<i64: 1000, 128>}, {transform_indices = @transform_3, window_bounds = array<i64: 1000, 128>}, {transform_indices = @transform_4, window_bounds = array<i64: 1000, 1>}, {transform_indices = @transform_5, window_bounds = array<i64: 1000, 1>}, {transform_indices = @transform_6, window_bounds = array<i64: 1000, 1>}, {transform_indices = @transform_7, window_bounds = array<i64: 1000, 1>}, {pipeline_mode = #tpu.pipeline_mode<synchronous>, transform_indices = @transform_8, window_bounds = array<i64: 1, 128>}, {transform_indices = @transform_9, window_bounds = array<i64: 1000, 128>}]} {
    %get3A = arith.constant 0 : index
    %get3A_0 = arith.constant 0 : index
    %get3A_1 = vector.load %arg1[%get3A, %get3A_0] : memref<1000x128xf32, #tpu.memory_space<vmem>>, vector<1000x128xf32>
    %get3A_2 = arith.constant 0 : index
    %get3A_3 = arith.constant 0 : index
    %get3A_4 = arith.constant 0 : index
    %get3A_5 = vector.load %arg2[%get3A_2, %get3A_3, %get3A_4] : memref<1x1000x128xf32, #tpu.memory_space<vmem>>, vector<1x1000x128xf32>
    %get3A_6 = vector.shape_cast %get3A_5 : vector<1x1000x128xf32> to vector<1000x128xf32>
    %get3A_7 = arith.constant 0 : index
    %get3A_8 = arith.constant 0 : index
    %get3A_9 = vector.load %arg8[%get3A_7, %get3A_8] : memref<1000x1xf32, #tpu.memory_space<vmem>>, vector<1000x1xf32>
    %mul3A = arith.mulf %get3A_1, %get3A_1 : vector<1000x128xf32>
    %reduce_sum3A = arith.constant dense<0.000000e+00> : vector<1000xf32>
    %reduce_sum3A_10 = vector.multi_reduction <add>, %mul3A, %reduce_sum3A [1] : vector<1000x128xf32> to vector<1000xf32>
    %broadcast_in_dim3A = vector.shape_cast %reduce_sum3A_10 : vector<1000xf32> to vector<1000x1xf32>
    %get3A_11 = arith.constant 0 : index
    %get3A_12 = arith.constant 0 : index
    %get3A_13 = vector.load %arg6[%get3A_11, %get3A_12] : memref<1000x1xf32, #tpu.memory_space<vmem>>, vector<1000x1xf32>
    %mul3A_14 = arith.mulf %get3A_13, %broadcast_in_dim3A : vector<1000x1xf32>
    %get3A_15 = arith.constant 0 : index
    %get3A_16 = arith.constant 0 : index
    %get3A_17 = vector.load %arg5[%get3A_15, %get3A_16] : memref<1000x1xf32, #tpu.memory_space<vmem>>, vector<1000x1xf32>
    %add3A = arith.addf %mul3A_14, %get3A_17 : vector<1000x1xf32>
    %mul3A_18 = arith.mulf %get3A_1, %get3A_6 : vector<1000x128xf32>
    %reduce_sum3A_19 = arith.constant dense<0.000000e+00> : vector<1000xf32>
    %reduce_sum3A_20 = vector.multi_reduction <add>, %mul3A_18, %reduce_sum3A_19 [1] : vector<1000x128xf32> to vector<1000xf32>
    %broadcast_in_dim3A_21 = vector.shape_cast %reduce_sum3A_20 : vector<1000xf32> to vector<1000x1xf32>
    %mul3A_22 = arith.constant 2.000000e+00 : f32
    %mul3A_23 = vector.broadcast %mul3A_22 : f32 to vector<1000x1xf32>
    %mul3A_24 = arith.mulf %mul3A_23, %broadcast_in_dim3A_21 : vector<1000x1xf32>
    %sub3A = arith.subf %add3A, %mul3A_24 : vector<1000x1xf32>
    %get3A_25 = arith.constant 0 : index
    %get3A_26 = arith.constant 0 : index
    %get3A_27 = vector.load %arg7[%get3A_25, %get3A_26] : memref<1000x1xf32, #tpu.memory_space<vmem>>, vector<1000x1xf32>
    %div3A = arith.divf %sub3A, %get3A_27 : vector<1000x1xf32>
    %tanh3A = math.tanh %div3A : vector<1000x1xf32>
    %get3A_28 = arith.constant 0 : index
    %get3A_29 = arith.constant 0 : index
    %get3A_30 = vector.load %arg3[%get3A_28, %get3A_29] : memref<1000x128xf32, #tpu.memory_space<vmem>>, vector<1000x128xf32>
    %mul3A_31 = vector.broadcast %get3A_9 : vector<1000x1xf32> to vector<1000x128xf32>
    %mul3A_32 = arith.mulf %mul3A_31, %get3A_30 : vector<1000x128xf32>
    %get3A_33 = arith.constant 0 : index
    %get3A_34 = arith.constant 0 : index
    %get3A_35 = vector.load %arg9[%get3A_33, %get3A_34] : memref<1x128xf32, #tpu.memory_space<vmem>>, vector<1x128xf32>
    %add3A_36 = vector.broadcast %get3A_35 : vector<1x128xf32> to vector<1000x128xf32>
    %add3A_37 = arith.addf %mul3A_32, %add3A_36 : vector<1000x128xf32>
    %max3A = arith.constant 0.000000e+00 : f32
    %max3A_38 = vector.broadcast %max3A : f32 to vector<1000x128xf32>
    %max3A_39 = arith.maximumf %add3A_37, %max3A_38 : vector<1000x128xf32>
    %get3A_40 = arith.constant 0 : index
    %get3A_41 = arith.constant 0 : index
    %get3A_42 = vector.load %arg4[%get3A_40, %get3A_41] : memref<1000x128xf32, #tpu.memory_space<vmem>>, vector<1000x128xf32>
    %add3A_43 = arith.addf %max3A_39, %get3A_42 : vector<1000x128xf32>
    %mul3A_44 = vector.broadcast %tanh3A : vector<1000x1xf32> to vector<1000x128xf32>
    %mul3A_45 = arith.mulf %mul3A_44, %add3A_43 : vector<1000x128xf32>
    %add3A_46 = arith.addf %get3A_1, %mul3A_45 : vector<1000x128xf32>
    %mul3A_47 = arith.constant 2.000000e+00 : f32
    %mul3A_48 = vector.broadcast %mul3A_47 : f32 to vector<1000x1xf32>
    %mul3A_49 = arith.mulf %mul3A_48, %tanh3A : vector<1000x1xf32>
    %add3A_50 = arith.constant 1.000000e+00 : f32
    %add3A_51 = vector.broadcast %add3A_50 : f32 to vector<1000x1xf32>
    %add3A_52 = arith.addf %add3A_51, %mul3A_49 : vector<1000x1xf32>
    %div3A_53 = vector.broadcast %add3A_52 : vector<1000x1xf32> to vector<1000x128xf32>
    %div3A_54 = arith.divf %add3A_46, %div3A_53 : vector<1000x128xf32>
    %swap3A = arith.constant 0 : index
    %swap3A_55 = arith.constant 0 : index
    %swap3A_56 = vector.load %arg10[%swap3A, %swap3A_55] : memref<1000x128xf32, #tpu.memory_space<vmem>>, vector<1000x128xf32>
    tpu.vector_store %arg10[%swap3A, %swap3A_55], %div3A_54 {strides = array<i32>} : memref<1000x128xf32, #tpu.memory_space<vmem>>, vector<1000x128xf32>,
    return
  }
  func.func @transform_0(%arg0: i32) -> (i32, i32) {
    %c0_i32 = arith.constant 0 : i32
    %c0_i32_0 = arith.constant 0 : i32
    return %arg0, %c0_i32 : i32, i32
  }
  func.func @transform_1(%arg0: i32) -> (i32, i32, i32) {
    %c0_i32 = arith.constant 0 : i32
    %c0_i32_0 = arith.constant 0 : i32
    %c0_i32_1 = arith.constant 0 : i32
    return %c0_i32, %arg0, %c0_i32_0 : i32, i32, i32
  }
  func.func @transform_2(%arg0: i32) -> (i32, i32) {
    %c0_i32 = arith.constant 0 : i32
    %c0_i32_0 = arith.constant 0 : i32
    return %arg0, %c0_i32 : i32, i32
  }
  func.func @transform_3(%arg0: i32) -> (i32, i32) {
    %c0_i32 = arith.constant 0 : i32
    %c0_i32_0 = arith.constant 0 : i32
    return %arg0, %c0_i32 : i32, i32
  }
  func.func @transform_4(%arg0: i32) -> (i32, i32) {
    %c0_i32 = arith.constant 0 : i32
    %c0_i32_0 = arith.constant 0 : i32
    return %arg0, %c0_i32 : i32, i32
  }
  func.func @transform_5(%arg0: i32) -> (i32, i32) {
    %c0_i32 = arith.constant 0 : i32
    %c0_i32_0 = arith.constant 0 : i32
    return %arg0, %c0_i32 : i32, i32
  }
  func.func @transform_6(%arg0: i32) -> (i32, i32) {
    %c0_i32 = arith.constant 0 : i32
    %c0_i32_0 = arith.constant 0 : i32
    return %arg0, %c0_i32 : i32, i32
  }
  func.func @transform_7(%arg0: i32) -> (i32, i32) {
    %c0_i32 = arith.constant 0 : i32
    %c0_i32_0 = arith.constant 0 : i32
    return %arg0, %c0_i32 : i32, i32
  }
  func.func @transform_8(%arg0: i32) -> (i32, i32) {
    %c0_i32 = arith.constant 0 : i32
    %c0_i32_0 = arith.constant 0 : i32
    %c0_i32_1 = arith.constant 0 : i32
    return %c0_i32, %c0_i32_0 : i32, i32
  }
  func.func @transform_9(%arg0: i32) -> (i32, i32) {
    %c0_i32 = arith.constant 0 : i32
    %c0_i32_0 = arith.constant 0 : i32
    return %arg0, %c0_i32 : i32, i32
  }
}

module attributes {stable_mosaic.version = 14 : i64} {
  func.func @_mm_bias_kernel(%arg0: i32, %arg1: memref<1000x128xf32, #tpu.memory_space<vmem>>, %arg2: memref<1x128xf32, #tpu.memory_space<vmem>>, %arg3: memref<128x40xf32, #tpu.memory_space<vmem>>, %arg4: memref<1x40xf32, #tpu.memory_space<vmem>>, %arg5: memref<1000x1xf32, #tpu.memory_space<vmem>>, %arg6: memref<1000x40xf32, #tpu.memory_space<vmem>>) attributes {dimension_semantics = [#tpu.dimension_semantics<arbitrary>], iteration_bounds = array<i64: 10>, scalar_prefetch = 0 : i64, scratch_operands = 0 : i64, tpu.core_type = #tpu.core_type<tc>, window_params = [{transform_indices = @transform_0, window_bounds = array<i64: 1000, 128>}, {pipeline_mode = #tpu.pipeline_mode<synchronous>, transform_indices = @transform_1, window_bounds = array<i64: 1, 128>}, {pipeline_mode = #tpu.pipeline_mode<synchronous>, transform_indices = @transform_2, window_bounds = array<i64: 128, 40>}, {pipeline_mode = #tpu.pipeline_mode<synchronous>, transform_indices = @transform_3, window_bounds = array<i64: 1, 40>}, {transform_indices = @transform_4, window_bounds = array<i64: 1000, 1>}, {transform_indices = @transform_5, window_bounds = array<i64: 1000, 40>}]} {
    %get3A = arith.constant 0 : index
    %get3A_0 = arith.constant 0 : index
    %get3A_1 = vector.load %arg1[%get3A, %get3A_0] : memref<1000x128xf32, #tpu.memory_space<vmem>>, vector<1000x128xf32>
    %get3A_2 = arith.constant 0 : index
    %get3A_3 = arith.constant 0 : index
    %get3A_4 = vector.load %arg3[%get3A_2, %get3A_3] : memref<128x40xf32, #tpu.memory_space<vmem>>, vector<128x40xf32>
    %dot_general3A = arith.constant dense<0.000000e+00> : vector<1000x40xf32>
    %dot_general3A_5 = tpu.matmul %get3A_1, %get3A_4, %dot_general3A {dimension_numbers = #tpu.dot_dimension_numbers<[1], [0], [0], [1], [0, 0, 1, 1], [], []>, transpose_lhs_hint = false} : vector<1000x128xf32>, vector<128x40xf32>, vector<1000x40xf32> -> vector<1000x40xf32>
    %get3A_6 = arith.constant 0 : index
    %get3A_7 = arith.constant 0 : index
    %get3A_8 = vector.load %arg4[%get3A_6, %get3A_7] : memref<1x40xf32, #tpu.memory_space<vmem>>, vector<1x40xf32>
    %add3A = vector.broadcast %get3A_8 : vector<1x40xf32> to vector<1000x40xf32>
    %add3A_9 = arith.addf %dot_general3A_5, %add3A : vector<1000x40xf32>
    %swap3A = arith.constant 0 : index
    %swap3A_10 = arith.constant 0 : index
    %swap3A_11 = vector.load %arg6[%swap3A, %swap3A_10] : memref<1000x40xf32, #tpu.memory_space<vmem>>, vector<1000x40xf32>
    tpu.vector_store %arg6[%swap3A, %swap3A_10], %add3A_9 {strides = array<i32>} : memref<1000x40xf32, #tpu.memory_space<vmem>>, vector<1000x40xf32>,
    return
  }
  func.func @transform_0(%arg0: i32) -> (i32, i32) {
    %c0_i32 = arith.constant 0 : i32
    %c0_i32_0 = arith.constant 0 : i32
    return %arg0, %c0_i32 : i32, i32
  }
  func.func @transform_1(%arg0: i32) -> (i32, i32) {
    %c0_i32 = arith.constant 0 : i32
    %c0_i32_0 = arith.constant 0 : i32
    %c0_i32_1 = arith.constant 0 : i32
    return %c0_i32, %c0_i32_0 : i32, i32
  }
  func.func @transform_2(%arg0: i32) -> (i32, i32) {
    %c0_i32 = arith.constant 0 : i32
    %c0_i32_0 = arith.constant 0 : i32
    %c0_i32_1 = arith.constant 0 : i32
    return %c0_i32, %c0_i32_0 : i32, i32
  }
  func.func @transform_3(%arg0: i32) -> (i32, i32) {
    %c0_i32 = arith.constant 0 : i32
    %c0_i32_0 = arith.constant 0 : i32
    %c0_i32_1 = arith.constant 0 : i32
    return %c0_i32, %c0_i32_0 : i32, i32
  }
  func.func @transform_4(%arg0: i32) -> (i32, i32) {
    %c0_i32 = arith.constant 0 : i32
    %c0_i32_0 = arith.constant 0 : i32
    return %arg0, %c0_i32 : i32, i32
  }
  func.func @transform_5(%arg0: i32) -> (i32, i32) {
    %c0_i32 = arith.constant 0 : i32
    %c0_i32_0 = arith.constant 0 : i32
    return %arg0, %c0_i32 : i32, i32
  }
}

</mosaic_0001>

<sc_bundles>
// kernel: kernel.11.cloned.1.call-start
scs
__scs_entry_jumppad:
0x0: {  	(pc) =	sbr.rel $0x88, $3  }
0x1: {  	(tag) =	ssettag $0x0;
	lr =	simm.s32 $0x1  }
0x2: {  	[smem:$0x3F98] =	sst lr;
	_ =	strace $0xD0000000  }
0x3: {  	_ = 	snop  }
0x4: {  	_ = 	snop  }
0x5: {  	_ = 	snop  }
0x6: {  	_ = 	snop  }
0x7: {  	_ = 	snop  }
__scs_overlays_trampoline_lowered:
0x8: {  	[smem:$0x3FA7] =	sst s0  }
0x9: {  	[smem:$0x3FA8] =	sst s1  }
0xa: {  	[smem:$0x3FA9] =	sst s2  }
0xb: {  	[smem:$0x3FAA] =	sst s3  }
0xc: {  	[smem:$0x3FAB] =	sst s4  }
0xd: {  	[smem:$0x3FAC] =	sst s5  }
0xe: {  	[smem:$0x3FAD] =	sst s6  }
0xf: {  	[smem:$0x3FAE] =	sst s7  }
0x10: {  	[smem:$0x3FAF] =	sst s8  }
0x11: {  	[smem:$0x3FB0] =	sst s9;
	s0 =	simm.s32 @!p0 $0x0  }
0x12: {  	s1 =	sld [smem:$0x3F96];
	s0 =	simm.s32 @p0 $0x1  }
0x13: {  	[smem:$0x3FB1] =	sst s0;
	s0 =	simm.s32 @!p1 $0x0  }
0x14: {  	s2 =	sld [smem:$0x3F95];
	s0 =	simm.s32 @p1 $0x1  }
0x15: {  	[smem:$0x3FB2] =	sst s0;
	s0 =	simm.s32 @!p2 $0x0  }
0x16: {  	s3 =	sld [smem:$0x3FDB];
	s0 =	simm.s32 @p2 $0x1  }
0x17: {  	s4 =	simm.s32 $0x1BF5;
	[smem:$0x3FB4] =	sst s0  }
0x18: {  	s0 =	sld [smem:$0x3F97];
	_ =	swait.ge [sflag:s4], $0x0  }
0x19: {  	s7 =	sld [smem:$0x3F98]  }
0x1a: {  	s8 =	sadd.s32 $0xFFFFE003, lr  }
0x1b: {  	s9 =	sadd.s32 $0xFFFFFEF7, lr;
	s5 =	simm.s32 $0xFFFFFFFF;
	p2 =	slt.u32 s8, $0xFFFFF086  }
0x1c: {  	p1 =	slt.u32 s9, $0xF7A;
	s5 =	simm.s32 @!p2 $0x0  }
0x1d: {  	s5 =	simm.s32 @p1 $0x1;
	p0 =	seq.s32 s7, s2  }
0x1e: {  	s7 =	smul.u32 @!p0 $0xF7A, s2;
	p2 =	seq.s32 @!p0 s5, $0x0  }
0x1f: {  	s9 =	smul.u32 $0xF7A, s1;
	s8 =	simm.s32 @!p0 $0x1BF5;
	p2 =	por !p2, p0  }
0x20: {  	[sflag:s8] =	ssyncset.s32 @!p0 $0xFFFFF086;
	s6 =	sadd.s32 @!p0 s3, s7;
	s7 =	simm.s32 @!p0 $0x108  }
0x21: {  	s3 =	sadd.s32 s3, s9;
	s6 =	sadd.s32 @!p0 $0x88, s6;
	s7 =	simm.s32 @p2 $0x1082  }
0x22: {  	[simem:s7], [sflag:s8] =	dma.local @!p0 [hbm:s6], $0xF7A  }
0x23: {  	s9 =	sor.u32 $0xD0000000, s2;
	s6 =	simm.s32 $0x108;
	_ =	swait.ge @!p0 [sflag:s8], $0x0  }
0x24: {  	s3 =	sadd.s32 $0x88, s3;
	s6 =	simm.s32 @!p1 $0x1082;
	[sflag:s4] =	ssyncset.s32 $0xFFFFF086  }
0x25: {  	[simem:s6], [sflag:s4] =	dma.local [hbm:s3], $0xF7A  }
0x26: {  	[smem:$0x3F98] =	sst s1;
	(tag) =	ssettag s2;
	_ =	strace s9  }
0x27: {  	s1 =	sld [smem:$0x3FA8]  }
0x28: {  	s2 =	sld [smem:$0x3FA9]  }
0x29: {  	s4 =	sld [smem:$0x3FAB]  }
0x2a: {  	p0 =	seq.s32 s5, $0x0;
	s5 =	sld [smem:$0x3FAC]  }
0x2b: {  	s6 =	sld [smem:$0x3FAD]  }
0x2c: {  	s7 =	sld [smem:$0x3FAE]  }
0x2d: {  	s3 =	simm.s32 $0x108;
	s8 =	sld [smem:$0x3FAF]  }
0x2e: {  	s3 =	simm.s32 @!p0 $0x1082;
	s9 =	sld [smem:$0x3FB0]  }
0x2f: {  	lr =	sadd.s32 s0, s3;
	s0 =	sld [smem:$0x3FA7]  }
0x30: {  	s3 =	sld [smem:$0x3FAA]  }
0x31: {  	[smem:$0x3FB3] =	sst s10  }
0x32: {  	s10 =	sld [smem:$0x3FB1];
	_ =	sdelay $0x3  }
0x33: {  	p0 =	seq.s32 s10, $0x1;
	s10 =	sld [smem:$0x3FB3];
	_ =	sdelay $0x3  }
0x34: {  	[smem:$0x3FB3] =	sst s10  }
0x35: {  	s10 =	sld [smem:$0x3FB2];
	_ =	sdelay $0x3  }
0x36: {  	p1 =	seq.s32 s10, $0x1;
	s10 =	sld [smem:$0x3FB3];
	_ =	sdelay $0x3  }
0x37: {  	[smem:$0x3FB3] =	sst s10  }
0x38: {  	s10 =	sld [smem:$0x3FB4]  }
0x39: {  	_ = 	snop;
	(pc) =	sbr.ind lr, $3  }
0x3a: {  	_ = 	snop  }
0x3b: {  	_ = 	snop  }
0x3c: {  	p2 =	seq.s32 s10, $0x1;
	s10 =	sld [smem:$0x3FB3]  }
0x3d: {  	_ =	shalt  }
0x3e: {  	_ =	shalt  }
0x3f: {  	_ =	shalt  }
0x40: {  	_ =	shalt  }
0x41: {  	_ =	shalt  }
0x42: {  	_ =	shalt  }
0x43: {  	_ =	shalt  }
0x44: {  	_ =	shalt  }
0x45: {  	_ =	shalt  }
0x46: {  	_ =	shalt  }
0x47: {  	_ =	shalt  }
0x48: {  	_ =	shalt  }
0x49: {  	_ =	shalt  }
0x4a: {  	_ =	shalt  }
0x4b: {  	_ =	shalt  }
0x4c: {  	_ =	shalt  }
0x4d: {  	_ =	shalt  }
0x4e: {  	_ =	shalt  }
0x4f: {  	_ =	shalt  }
0x50: {  	_ =	shalt  }
0x51: {  	_ =	shalt  }
0x52: {  	_ =	shalt  }
0x53: {  	_ =	shalt  }
0x54: {  	_ =	shalt  }
0x55: {  	_ =	shalt  }
0x56: {  	_ =	shalt  }
0x57: {  	_ =	shalt  }
0x58: {  	_ =	shalt  }
0x59: {  	_ =	shalt  }
0x5a: {  	_ =	shalt  }
0x5b: {  	_ =	shalt  }
0x5c: {  	_ =	shalt  }
0x5d: {  	_ =	shalt  }
0x5e: {  	_ =	shalt  }
0x5f: {  	_ =	shalt  }
0x60: {  	_ =	shalt  }
0x61: {  	_ =	shalt  }
0x62: {  	_ =	shalt  }
0x63: {  	_ =	shalt  }
0x64: {  	_ =	shalt  }
0x65: {  	_ =	shalt  }
0x66: {  	_ =	shalt  }
0x67: {  	_ =	shalt  }
0x68: {  	_ =	shalt  }
0x69: {  	_ =	shalt  }
0x6a: {  	_ =	shalt  }
0x6b: {  	_ =	shalt  }
0x6c: {  	_ =	shalt  }
0x6d: {  	_ =	shalt  }
0x6e: {  	_ =	shalt  }
0x6f: {  	_ =	shalt  }
0x70: {  	_ =	shalt  }
0x71: {  	_ =	shalt  }
0x72: {  	_ =	shalt  }
0x73: {  	_ =	shalt  }
0x74: {  	_ =	shalt  }
0x75: {  	_ =	shalt  }
0x76: {  	_ =	shalt  }
0x77: {  	_ =	shalt  }
0x78: {  	_ =	shalt  }
0x79: {  	_ =	shalt  }
0x7a: {  	_ =	shalt  }
0x7b: {  	_ =	shalt  }
0x7c: {  	_ =	shalt  }
0x7d: {  	_ =	shalt  }
0x7e: {  	_ =	shalt  }
0x7f: {  	_ =	shalt  }
0x80: {  	_ =	shalt  }
0x81: {  	_ =	shalt  }
0x82: {  	_ =	shalt  }
0x83: {  	_ =	shalt  }
0x84: {  	_ =	shalt  }
0x85: {  	_ =	shalt  }
0x86: {  	_ =	shalt  }
0x87: {  	_ =	shalt  }
.Lfunc_end0:
.L_simem_size_0:
called_computation.2_lowered:
.L_overlay_start_0:
0x88: {  	s2 =	sld [smem:$0x3FD9]  }
0x89: {  	s3 =	sld [smem:$0x3FFE];
	_ =	sdelay $0x1  }
0x8a: {  	s1 =	srdreg.scid  }
0x8b: {  	s0 =	sand.u32 $0x1, s1  }
0x8c: {  	s17 =	sshll.u32 s0, $0xA;
	s2 =	sadd.s32 s3, s2  }
0x8d: {  	s2 =	sadd.s32 s2, s17  }
0x8e: {  	[smem:$0x3FBF] =	sst s2  }
0x8f: {  	_ = 	snop  }
0x90: {  	s18 =	sld [smem:$0x3FD0];
	(tm) =	ssettm $0x1  }
0x91: {  	s19 =	sld [smem:$0x3FFB];
	_ =	sdelay $0x3  }
0x92: {  	_ =	strace s19  }
0x93: {  	s2 =	sld [smem:$0x3FFC];
	_ =	sdelay $0x3  }
0x94: {  	_ =	strace s2  }
0x95: {  	s2 =	sld [smem:$0x3FFD];
	_ =	sdelay $0x3  }
0x96: {  	_ =	strace s2  }
0x97: {  	_ =	strace $0x8FFFFFFF  }
0x98: {  	s20 =	sld [smem:$0x3FDB];
	_ =	sdelay $0x1  }
0x99: {  	s4 =	simm.s32 $_scs_section_size  }
0x9a: {  	s5 =	simm.s32 $_size__tile_overlayer_lowered;
	s6 =	simm.s32 $_tile_overlayer_lowered  }
0x9b: {  	s7 =	simm.s32 $0x1BFF;
	s21 =	sshll.u32 s6, $0x1;
	s4 =	sadd.s32 s4, s20  }
0x9c: {  	s22 =	simm.s32 $0x0;
	s5 =	sshll.u32 s5, $0x1;
	s6 =	sadd.s32 s21, s4  }
0x9d: {  	[timem:s22], [sflag:s7] =	dma.local [hbm:s6], s5  }
0x9e: {  	_ =	swait.ge [sflag:s7], s5  }
0x9f: {  	s5 =	ssub.s32 $0x0, s5;
	[sflag:s7] =	ssyncset.done $0x0  }
0xa0: {  	[sflag:s7] =	ssyncadd.s32 s5;
	_ =	sdelay $0x1  }
0xa1: {  	s23 =	simm.s32 $0x1B8B  }
0xa2: {  	_ =	swait.ge [sflag:s23], $0x1  }
0xa3: {  	[sflag:s23] =	ssyncset.done $0x0  }
0xa4: {  	[sflag:s23] =	ssyncadd.s32 $0xFFFFFFFF  }
0xa5: {  	s5 =	sld [smem:$0x0]  }
0xa6: {  	s6 =	sand.u32 $0xFFFFFFFE, s1  }
0xa7: {  	p0 =	sne.s32 s1, s6  }
0xa8: {  	s6 =	sshll.u32 @p0 s6, $0xE  }
0xa9: {  	s6 =	sadd.s32 @p0 $0x11B8D, s6;
	s7 =	sshll.u32 @p0 s5, $0x11  }
0xaa: {  	s6 =	sor.u32 @p0 s7, s6  }
0xab: {  	[sflag:s6] =	ssyncadd.remote.s32 @p0 $0x1;
	_ =	sdelay $0x1  }
0xac: {  	s6 =	simm.s32 @p0 $0x1B8D  }
0xad: {  	_ =	swait.eq @p0 [sflag:s6], $0x1  }
0xae: {  	[sflag:s6] =	ssyncadd.s32 @p0 $0xFFFFFFFF  }
0xaf: {  	s7 =	sshll.u32 @!p0 s1, $0xE  }
0xb0: {  	s7 =	sor.u32 @!p0 $0x4000, s7;
	s6 =	simm.s32 @!p0 $0x1B8D  }
0xb1: {  	s5 =	sshll.u32 @!p0 s5, $0x11;
	s7 =	sadd.s32 @!p0 $0x11B8D, s7;
	_ =	swait.eq @!p0 [sflag:s6], $0x1  }
0xb2: {  	s5 =	sor.u32 @!p0 s5, s7;
	[sflag:s6] =	ssyncadd.s32 @!p0 $0xFFFFFFFF  }
0xb3: {  	s25 =	simm.s32 $0x1B8E;
	s24 =	sld [smem:$0x3FFE];
	[sflag:s5] =	ssyncadd.remote.s32 @!p0 $0x1  }
0xb4: {  	s26 =	simm.s32 $execute0_lowered;
	[smem:$0x3FD2] =	sst s25  }
0xb5: {  	s6 =	sshll.u32 s26, $0x1;
	_ =	strace $0x8000004C;
	[dreg:$0x1] =	wrdreg $0xFFFFFFFF  }
0xb6: {  	s28 =	simm.s32 $_size_execute0_lowered;
	s4 =	sadd.s32 s4, s6;
	[dreg:$0x0] =	wrdreg $0x0  }
0xb7: {  	s6 =	sshll.u32 s28, $0x1;
	[dreg:$0x2] =	wrdreg s4  }
0xb8: {  	[dreg:$0x3] =	wrdreg s6  }
0xb9: {  	[dreg:$0x4] =	wrdreg $0xC0  }
0xba: {  	_ =	task [dreg:s22], $0x5FFFF  }
0xbb: {  	[dreg:$0x1] =	wrdreg $0xFFFFFFFF  }
0xbc: {  	[dreg:$0x0] =	wrdreg $0x60  }
0xbd: {  	[dreg:$0x2] =	wrdreg s24  }
0xbe: {  	[dreg:$0x3] =	wrdreg s18  }
0xbf: {  	[dreg:$0x4] =	wrdreg $0x52000  }
0xc0: {  	[dreg:$0x5] =	wrdreg $0xA  }
0xc1: {  	_ =	task.clear_ibuf [dreg:s22], $0x6FFFF;
	_ =	strace $0x9000004C  }
0xc2: {  	s29 =	simm.s32 $0xA;
	_ =	strace $0x8000004E  }
0xc3: {  	_ =	swait.ge [sflag:s29], $0x1  }
0xc4: {  	[sflag:s29] =	ssyncadd.s32 $0xFFFFFFFF  }
0xc5: {  	_ =	strace $0x9000004E  }
0xc6: {  	_ =	sfence  }
0xc7: {  	s30 =	sld [smem:$0x0];
	_ =	sdelay $0x2  }
0xc8: {  	s31 =	sshll.u32 s1, $0xD;
	s1 =	sshrl.u32 s1, $0x2  }
0xc9: {  	s4 =	sand.u32 $0x4000, s31;
	s1 =	sadd.s32 s1, s30  }
0xca: {  	s0 =	sor.u32 s4, s0;
	s1 =	sshll.u32 s1, $0x11  }
0xcb: {  	s0 =	sor.u32 s1, s0  }
0xcc: {  	s0 =	sadd.s32 $0x8F2B, s0  }
0xcd: {  	[sflag:s0] =	ssyncadd.remote.s32 $0x1  }
0xce: {  	_ =	sfence.sel $0xFFFF  }
0xcf: {  	[dreg:$0x0] =	wrdreg $0xFFFFFFFF;
	(pc) =	sbr.abs _section_cstart, $3  }
0xd0: {  	[dreg:$0x1] =	wrdreg $0xFFFFFFFF  }
0xd1: {  	_ =	task.clear_ibuf [dreg:s22], $0x2FFFF;
	_ =	strace $0x9FFFFFFF  }
0xd2: {  	(tm) =	ssettm $0x7FFFFFFF  }
0xd3: {  	_ =	shalt  }
tec
execute0_lowered:
.L_overlay_start_1:
0x0: {  	(tag) =	ssettag $0x1  }
0x1: {  	s0 =	rddreg [dreg:$0x0]  }
0x2: {  	s6 =	rddreg [dreg:$0x1]  }
0x3: {  	s1 =	rddreg [dreg:$0x2];
	s2 =	simm.s32 $0x0  }
0x4: {  	s3 =	srdreg.scid;
	s28 =	simm.s32 $0x3;
	s29 =	simm.s32 $0x19200  }
0x5: {  	s30 =	simm.s32 $0x100;
	s31 =	simm.s32 $0x50;
	[smem:$0x7FF] =	sst s2  }
0x6: {  	s4 =	sadd.s32 $0x5C400, s0;
	s9 =	sand.u32 $0x1, s3;
	s5 =	sadd.s32 $0x83600, s0  }
0x7: {  	s3 =	stileid.u32;
	s7 =	sadd.s32 $0x17000, s0;
	s8 =	sadd.s32 $0xD200, s0  }
0x8: {  	_ =	strace $0x8000004D;
	s10 =	smul.u32 $0x28000, s9;
	[dreg:$0x4] =	wrdreg s7  }
0x9: {  	s11 =	ssub.s32 $0x2, s9;
	s12 =	smul.u32 $0x280, s3;
	s7 =	sadd.s32 $0x3400, s0  }
0xa: {  	s14 =	smul.u32 $0x50000, s3;
	s21 =	sshrl.u32 s3, $0x3;
	s22 =	sshll.u32 s3, $0x7  }
0xb: {  	p0 =	sne.s32 s9, $0x0;
	p1 =	seq.s32 s9, $0x0;
	s13 =	sshrl.u32 s11, $0x1  }
0xc: {  	s24 =	sand.u32 $0x380, s22;
	s22 =	smul.u32 $0xA, s3;
	s0 =	sadd.s32 s10, s0  }
0xd: {  	s16 =	ssub.s32 s11, s13;
	s15 =	sshrl.u32 s14, $0x2;
	s18 =	sadd.s32 $0x80, s12  }
0xe: {  	s19 =	sadd.s32 $0x100, s12;
	s13 =	smul.u32 $0x13C00, s21;
	s21 =	sadd.s32 $0x200, s12  }
0xf: {  	s23 =	sadd.s32 s15, s1;
	s17 =	sshll.u32 s18, $0x7;
	s20 =	sshll.u32 s19, $0x7  }
0x10: {  	s25 =	sshll.u32 s21, $0x7;
	s14 =	sadd.s32 s8, s22;
	s0 =	sadd.s32 $0xAA800, s0  }
0x11: {  	s18 =	sshll.u32 s18, $0x4;
	s19 =	sshll.u32 s19, $0x4;
	s10 =	sadd.s32 s17, s1  }
0x12: {  	s11 =	sadd.s32 s20, s1;
	s20 =	sadd.s32 $0x180, s12;
	s17 =	sor.u32 s24, s13  }
0x13: {  	s13 =	sadd.s32 s25, s1;
	s25 =	sshll.u32 s21, $0x4;
	s12 =	sadd.s32 $0x9BA0, s22  }
0x14: {  	s21 =	sadd.s32 s18, s0;
	[dreg:$0x5] =	wrdreg s10;
	s15 =	sshll.u32 s20, $0x7  }
0x15: {  	s17 =	sshrl.u32 s17, $0x3;
	[dreg:$0xa] =	wrdreg s21;
	s26 =	sadd.s32 s15, s1  }
0x16: {  	s24 =	sshll.u32 s20, $0x4;
	s6 =	sadd.s32 s6, s17;
	[dreg:$0x6] =	wrdreg s26  }
0x17: {  	s15 =	sadd.s32 s7, s22;
	s22 =	sadd.s32 s19, s0;
	[dreg:$0x7] =	wrdreg s6  }
0x18: {  	s9 =	smul.u32 $0x2800, s3;
	s24 =	sadd.s32 s24, s0;
	[dreg:$0xb] =	wrdreg s22  }
0x19: {  	s18 =	simm.s32 $0x1B980;
	s26 =	smax.u32 s16, $0x1;
	[dreg:$0xc] =	wrdreg s24  }
0x1a: {  	s17 =	sor.u32 $0x20, s3;
	s6 =	sadd.s32 s9, s0;
	[dreg:$0x8] =	wrdreg s26  }
.Ltmp0:
0x1b: {  	s0 =	sadd.s32 s25, s0;
	[dreg:$0x9] =	wrdreg s6;
	(pc) =	sbr.rel .LBB2_1-.Ltmp0, $4  }
0x1c: {  	s19 =	simm.s32 $0x0;
	s25 =	sadd.s32 s7, s12;
	[dreg:$0xd] =	wrdreg s0  }
0x1d: {  	s24 =	simm.s32 $0x180;
	s16 =	simm.s32 $0x2;
	[dreg:$0xe] =	wrdreg s25  }
0x1e: {  	s26 =	sadd.s32 s8, s12;
	s0 =	simm.s32 $0x80;
	s25 =	simm.s32 $0x2A00  }
0x1f: {  	v0 =	vimm.f32 $0.0e+00;
	v1 =	vlaneseq.u32;
	s6 =	simm.s32 $0x1;
	[dreg:$0xf] =	wrdreg s26;
	s26 =	simm.s32 $0x200  }
.LBB2_19:
0x20: {  	[bflag:$0x0] =	sbarrier.arrive $0xFFFF  }
0x21: {  	[tilespmem:s26], [sflag:$0x3] =	stream.linear.gather [spmem:s11], $0x4000, $0x38;
	[tilespmem:$0x1E100] =	vst v63  }
0x22: {  	_ =	swait.ge [sflag:s28], $0x4000  }
0x23: {  	[sflag:s28] =	ssyncset.done $0x0  }
0x24: {  	s9 =	rddreg [dreg:$0x9];
	[sflag:s28] =	ssyncadd.s32 $0xFFFFC000  }
0x25: {  	[hbm4b:s9+s2] =	stream.linear.scatter [tilespmem:s26], [sflag:$0x3], $0x4000, $0x38;
	[tilespmem:$0x1E100] =	vst v63  }
0x26: {  	_ =	swait.ge [sflag:s28], $0x4000  }
0x27: {  	[sflag:s28] =	ssyncset.done $0x0  }
0x28: {  	s21 =	rddreg [dreg:$0x5];
	[sflag:s28] =	ssyncadd.s32 $0xFFFFC000  }
0x29: {  	[tilespmem:s26], [sflag:$0x3] =	stream.linear.gather [spmem:s21], $0x4000, $0x38;
	[tilespmem:$0x1E100] =	vst v63  }
0x2a: {  	_ =	swait.ge [sflag:s28], $0x4000  }
0x2b: {  	[sflag:s28] =	ssyncset.done $0x0  }
0x2c: {  	s22 =	rddreg [dreg:$0xa];
	[sflag:s28] =	ssyncadd.s32 $0xFFFFC000  }
0x2d: {  	[hbm4b:s22+s2] =	stream.linear.scatter [tilespmem:s26], [sflag:$0x3], $0x4000, $0x38;
	[tilespmem:$0x1E100] =	vst v63  }
0x2e: {  	_ =	swait.ge [sflag:s28], $0x4000  }
0x2f: {  	[sflag:s28] =	ssyncset.done $0x0  }
0x30: {  	[sflag:s28] =	ssyncadd.s32 $0xFFFFC000  }
0x31: {  	[tilespmem:s26], [sflag:$0x3] =	stream.linear.gather [spmem:s12], $0x4000, $0x38;
	[tilespmem:$0x1E100] =	vst v63  }
0x32: {  	_ =	swait.ge [sflag:s28], $0x4000  }
0x33: {  	[sflag:s28] =	ssyncset.done $0x0  }
0x34: {  	s10 =	rddreg [dreg:$0xb];
	[sflag:s28] =	ssyncadd.s32 $0xFFFFC000  }
0x35: {  	[hbm4b:s10+s2] =	stream.linear.scatter [tilespmem:s26], [sflag:$0x3], $0x4000, $0x38;
	[tilespmem:$0x1E100] =	vst v63  }
0x36: {  	_ =	swait.ge [sflag:s28], $0x4000  }
0x37: {  	s23 =	smov.u32 s11;
	[sflag:s28] =	ssyncset.done $0x0  }
0x38: {  	s11 =	smov.u32 s12;
	s12 =	rddreg [dreg:$0x6];
	[sflag:s28] =	ssyncadd.s32 $0xFFFFC000  }
0x39: {  	[tilespmem:s26], [sflag:$0x3] =	stream.linear.gather [spmem:s12], $0x4000, $0x38;
	[tilespmem:$0x1E100] =	vst v63  }
0x3a: {  	_ =	swait.ge [sflag:s28], $0x4000  }
0x3b: {  	[sflag:s28] =	ssyncset.done $0x0  }
0x3c: {  	s20 =	rddreg [dreg:$0xc];
	[sflag:s28] =	ssyncadd.s32 $0xFFFFC000  }
0x3d: {  	[hbm4b:s20+s2] =	stream.linear.scatter [tilespmem:s26], [sflag:$0x3], $0x4000, $0x38;
	[tilespmem:$0x1E100] =	vst v63  }
0x3e: {  	_ =	swait.ge [sflag:s28], $0x4000  }
0x3f: {  	[sflag:s28] =	ssyncset.done $0x0  }
0x40: {  	[sflag:s28] =	ssyncadd.s32 $0xFFFFC000  }
0x41: {  	[tilespmem:s26], [sflag:$0x3] =	stream.linear.gather [spmem:s13], $0x4000, $0x38;
	[tilespmem:$0x1E100] =	vst v63  }
0x42: {  	_ =	swait.ge [sflag:s28], $0x4000  }
0x43: {  	[sflag:s28] =	ssyncset.done $0x0  }
0x44: {  	s21 =	rddreg [dreg:$0xd];
	[sflag:s28] =	ssyncadd.s32 $0xFFFFC000  }
0x45: {  	[hbm4b:s21+s2] =	stream.linear.scatter [tilespmem:s26], [sflag:$0x3], $0x4000, $0x38;
	[tilespmem:$0x1E100] =	vst v63  }
0x46: {  	_ =	swait.ge [sflag:s28], $0x4000  }
0x47: {  	s9 =	simm.s32 @!p1 $0x80;
	s10 =	simm.s32 @!p1 $0x400;
	[sflag:s28] =	ssyncset.done $0x0  }
0x48: {  	s20 =	simm.s32 @!p1 $0x1B980;
	s12 =	rddreg [dreg:$0x7];
	[sflag:s28] =	ssyncadd.s32 $0xFFFFC000  }
0x49: {  	[hbm4b:s12+s9] =	stream.strided.scatter @!p1 [tilespmem:s20], [sflag:$0x3], $0x2780, s10, s9, $0x38;
	[tilespmem:$0x1E100] =	vst v63  }
0x4a: {  	s9 =	simm.s32 @!p1 $0x3  }
0x4b: {  	_ =	swait.ge @!p1 [sflag:s9], $0x2780  }
0x4c: {  	s19 =	sadd.s32 $0x1, s19;
	s22 =	rddreg [dreg:$0x8]  }
0x4d: {  	p2 =	sne.s32 s19, s22  }
.Ltmp1:
0x4e: {  	_ = 	snop;
	(pc) =	sbr.rel @!p2 .LBB2_20-.Ltmp1, $3  }
0x4f: {  	_ =	sdelay $0x1  }
0x50: {  	[sflag:s9] =	ssyncset.done @!p1 $0x0  }
0x51: {  	[sflag:s9] =	ssyncadd.s32 @!p1 $0xFFFFD880  }
.LBB2_1:
0x52: {  	s20 =	simm.s32 $0x0;
	s21 =	simm.s32 $0x200  }
.LBB2_2:
0x53: {  	p2 =	sne.s32 s21, $0xFE00;
	[tilespmem:s20+$0x270] =	vst v0  }
0x54: {  	[tilespmem:s20+$0x200] =	vst v0  }
0x55: {  	[tilespmem:s20+$0x210] =	vst v0  }
.Ltmp2:
0x56: {  	[tilespmem:s20+$0x220] =	vst v0;
	(pc) =	sbr.rel @p2 .LBB2_2-.Ltmp2, $4  }
0x57: {  	[tilespmem:s20+$0x230] =	vst v0  }
0x58: {  	[tilespmem:s20+$0x240] =	vst v0  }
0x59: {  	[tilespmem:s20+$0x250] =	vst v0  }
0x5a: {  	[tilespmem:s20+$0x260] =	vst v0;
	s20 =	sshra.s32 s21, $0x2;
	s21 =	sadd.s32 $0x200, s21  }
0x5b: {  	[tilespmem:s20+$0x270] =	vst v0  }
0x5c: {  	[tilespmem:s20+$0x200] =	vst v0  }
0x5d: {  	[tilespmem:s20+$0x210] =	vst v0  }
0x5e: {  	[tilespmem:s20+$0x220] =	vst v0  }
0x5f: {  	[tilespmem:s20+$0x230] =	vst v0  }
0x60: {  	[tilespmem:s20+$0x240] =	vst v0  }
0x61: {  	[tilespmem:s20+$0x250] =	vst v0  }
0x62: {  	[tilespmem:s20+$0x260] =	vst v0  }
0x63: {  	[spmem:s23] =	stream.linear.scatter [tilespmem:s26], [sflag:$0x3], $0x4000, $0x38;
	[tilespmem:$0x1E100] =	vst v63  }
0x64: {  	_ =	swait.ge [sflag:s28], $0x4000  }
0x65: {  	[sflag:s28] =	ssyncset.done $0x0  }
0x66: {  	s9 =	rddreg [dreg:$0x5];
	[sflag:s28] =	ssyncadd.s32 $0xFFFFC000  }
0x67: {  	[spmem:s9] =	stream.linear.scatter [tilespmem:s26], [sflag:$0x3], $0x4000, $0x38;
	[tilespmem:$0x1E100] =	vst v63  }
0x68: {  	_ =	swait.ge [sflag:s28], $0x4000  }
0x69: {  	[sflag:s28] =	ssyncset.done $0x0  }
0x6a: {  	[sflag:s28] =	ssyncadd.s32 $0xFFFFC000  }
0x6b: {  	[spmem:s11] =	stream.linear.scatter [tilespmem:s26], [sflag:$0x3], $0x4000, $0x38;
	[tilespmem:$0x1E100] =	vst v63  }
0x6c: {  	_ =	swait.ge [sflag:s28], $0x4000  }
0x6d: {  	[sflag:s28] =	ssyncset.done $0x0  }
0x6e: {  	s21 =	rddreg [dreg:$0x6];
	[sflag:s28] =	ssyncadd.s32 $0xFFFFC000  }
0x6f: {  	[spmem:s21] =	stream.linear.scatter [tilespmem:s26], [sflag:$0x3], $0x4000, $0x38;
	[tilespmem:$0x1E100] =	vst v63  }
0x70: {  	_ =	swait.ge [sflag:s28], $0x4000  }
0x71: {  	[sflag:s28] =	ssyncset.done $0x0  }
0x72: {  	[sflag:s28] =	ssyncadd.s32 $0xFFFFC000  }
0x73: {  	[spmem:s13] =	stream.linear.scatter [tilespmem:s26], [sflag:$0x3], $0x4000, $0x38;
	[tilespmem:$0x1E100] =	vst v63  }
0x74: {  	_ =	swait.ge [sflag:s28], $0x4000  }
0x75: {  	[sflag:s28] =	ssyncset.done $0x0  }
0x76: {  	[sflag:s28] =	ssyncadd.s32 $0xFFFFC000  }
0x77: {  	[bflag:$0x0] =	sbarrier.arrive $0xFFFF  }
0x78: {  	s22 =	simm.s32 $0x0;
	s10 =	rddreg [dreg:$0x4]  }
0x79: {  	[tilespmem:s29], [sflag:$0x3] =	stream.linear.gather [hbm4b:s10+s22], $0x2780, $0x38;
	[tilespmem:$0x1E100] =	vst v63  }
0x7a: {  	_ =	swait.ge [sflag:s28], $0x2780  }
0x7b: {  	s12 =	smov.u32 s11;
	[sflag:s28] =	ssyncset.done $0x0  }
0x7c: {  	s20 =	simm.s32 $0x40;
	s9 =	simm.s32 $0x0;
	[sflag:s28] =	ssyncadd.s32 $0xFFFFD880  }
.LBB2_4:
0x7d: {  	p2 =	sne.s32 s20, $0x9C00;
	[tilespmem:s9+$0x1B980] =	vst v0;
	s9 =	smov.u32 s20;
	s20 =	sadd.s32 $0x40, s20  }
.Ltmp3:
0x7e: {  	(pc) =	sbr.rel @p2 .LBB2_4-.Ltmp3, $2  }
0x7f: {  	_ =	sdelay $0x2  }
0x80: {  	s9 =	sshra.s32 s9, $0x2  }
.Ltmp4:
0x81: {  	(pc) =	sbr.rel @p0 .LBB2_9-.Ltmp4, $2  }
0x82: {  	_ =	sdelay $0x2  }
0x83: {  	s11 =	smov.u32 s23;
	[tilespmem:s9+$0x1B980] =	vst v0  }
0x84: {  	[tilespmem:s2], [sflag:$0x3] =	stream.linear.gather [hbm4b:s15+s2], $0x50, $0x38;
	[tilespmem:$0x1E100] =	vst v63  }
0x85: {  	_ =	swait.ge [sflag:s28], $0x50  }
0x86: {  	[sflag:s28] =	ssyncset.done $0x0  }
0x87: {  	[sflag:s28] =	ssyncadd.s32 $0xFFFFFFB0  }
0x88: {  	[tilespmem:s30], [sflag:$0x3] =	stream.linear.gather [hbm4b:s14+s2], $0x50, $0x38;
	[tilespmem:$0x1E100] =	vst v63  }
0x89: {  	_ =	swait.ge [sflag:s28], $0x50  }
0x8a: {  	[sflag:s28] =	ssyncset.done $0x0  }
0x8b: {  	s9 =	sadd.s32 $0xFFFF6500, s15;
	[sflag:s28] =	ssyncadd.s32 $0xFFFFFFB0  }
0x8c: {  	[tilespmem:s26], [sflag:$0x1] =	stream.indirect.gather [hbm4b:s5+s31], $0x80, s2, s31, $0xb8;
	[tilespmem:$0x1E100] =	vst v63  }
0x8d: {  	s20 =	sadd.s32 $0x9BA0, s9  }
0x8e: {  	[tilespmem:s0], [sflag:$0x3] =	stream.linear.gather [hbm4b:s20+s2], $0x50, $0x38;
	[tilespmem:$0x1E100] =	vst v63  }
0x8f: {  	_ =	swait.ge [sflag:s28], $0x50  }
0x90: {  	s22 =	sadd.s32 $0xFFFF6500, s14;
	[sflag:s28] =	ssyncset.done $0x0  }
0x91: {  	s21 =	sadd.s32 $0x9BA0, s22;
	[sflag:s28] =	ssyncadd.s32 $0xFFFFFFB0  }
0x92: {  	[tilespmem:s24], [sflag:$0x3] =	stream.linear.gather [hbm4b:s21+s2], $0x50, $0x38;
	[tilespmem:$0x1E100] =	vst v63  }
0x93: {  	_ =	swait.ge [sflag:s28], $0x50  }
0x94: {  	[sflag:s28] =	ssyncset.done $0x0  }
0x95: {  	[sflag:s28] =	ssyncadd.s32 $0xFFFFFFB0  }
0x96: {  	[tilespmem:s25], [sflag:$0x2] =	stream.indirect.gather [hbm4b:s5+s31], $0x80, s0, s31, $0xb8;
	[tilespmem:$0x1E100] =	vst v63  }
0x97: {  	_ =	swait.ge [sflag:s6], $0x2800  }
0x98: {  	[sflag:s6] =	ssyncset.done $0x0  }
0x99: {  	[sflag:s6] =	ssyncadd.s32 $0xFFFFD800  }
0x9a: {  	[spmem:s1] =	stream.indirect.scatter.add.f32 [tilespmem:s26], [sflag:$0x3], $0x80, s30, s31, $0xb8;
	[tilespmem:$0x1E100] =	vst v63  }
0x9b: {  	_ =	swait.ge [sflag:s28], $0x2800  }
0x9c: {  	[sflag:s28] =	ssyncset.done $0x0  }
0x9d: {  	s9 =	sadd.s32 $0x9C40, s9;
	[sflag:s28] =	ssyncadd.s32 $0xFFFFD800  }
0x9e: {  	[tilespmem:s2], [sflag:$0x3] =	stream.linear.gather [hbm4b:s9+s2], $0x50, $0x38;
	[tilespmem:$0x1E100] =	vst v63  }
0x9f: {  	_ =	swait.ge [sflag:s28], $0x50  }
0xa0: {  	[sflag:s28] =	ssyncset.done $0x0  }
0xa1: {  	s23 =	sadd.s32 $0x9C40, s22;
	[sflag:s28] =	ssyncadd.s32 $0xFFFFFFB0  }
0xa2: {  	[tilespmem:s30], [sflag:$0x3] =	stream.linear.gather [hbm4b:s23+s2], $0x50, $0x38;
	[tilespmem:$0x1E100] =	vst v63  }
0xa3: {  	_ =	swait.ge [sflag:s28], $0x50  }
0xa4: {  	[sflag:s28] =	ssyncset.done $0x0  }
0xa5: {  	[sflag:s28] =	ssyncadd.s32 $0xFFFFFFB0  }
0xa6: {  	[tilespmem:s26], [sflag:$0x1] =	stream.indirect.gather [hbm4b:s5+s31], $0x80, s2, s31, $0xb8;
	[tilespmem:$0x1E100] =	vst v63  }
0xa7: {  	_ =	swait.ge [sflag:s16], $0x2800  }
0xa8: {  	[sflag:s16] =	ssyncset.done $0x0  }
0xa9: {  	[sflag:s16] =	ssyncadd.s32 $0xFFFFD800  }
0xaa: {  	[spmem:s1] =	stream.indirect.scatter.add.f32 [tilespmem:s25], [sflag:$0x3], $0x80, s24, s31, $0xb8;
	[tilespmem:$0x1E100] =	vst v63  }
0xab: {  	s22 =	sadd.s32 $0xFFFF6640, s15;
	_ =	swait.ge [sflag:s28], $0x2800  }
0xac: {  	s20 =	simm.s32 $0xFFFF6640;
	s23 =	simm.s32 $0xFFFF6780;
	[sflag:s28] =	ssyncset.done $0x0  }
.LBB2_7:
0xad: {  	s9 =	sadd.s32 $0x9BA0, s22  }
0xae: {  	[sflag:s28] =	ssyncadd.s32 $0xFFFFD800;
	s10 =	smov.u32 s23;
	s21 =	sadd.s32 $0x140, s23  }
0xaf: {  	[tilespmem:s0], [sflag:$0x3] =	stream.linear.gather [hbm4b:s9+s2], $0x50, $0x38;
	[tilespmem:$0x1E100] =	vst v63  }
0xb0: {  	p2 =	seq.s32 s23, $0xFFFFFEC0;
	_ =	swait.ge [sflag:s28], $0x50  }
0xb1: {  	s9 =	sadd.s32 s20, s14;
	s20 =	smov.u32 s10;
	[sflag:s28] =	ssyncset.done $0x0  }
0xb2: {  	s10 =	sadd.s32 $0x9BA0, s9;
	[sflag:s28] =	ssyncadd.s32 $0xFFFFFFB0  }
0xb3: {  	[tilespmem:s24], [sflag:$0x3] =	stream.linear.gather [hbm4b:s10+s2], $0x50, $0x38;
	[tilespmem:$0x1E100] =	vst v63  }
0xb4: {  	_ =	swait.ge [sflag:s28], $0x50  }
0xb5: {  	[sflag:s28] =	ssyncset.done $0x0  }
0xb6: {  	[sflag:s28] =	ssyncadd.s32 $0xFFFFFFB0  }
0xb7: {  	[tilespmem:s25], [sflag:$0x2] =	stream.indirect.gather [hbm4b:s5+s31], $0x80, s0, s31, $0xb8;
	[tilespmem:$0x1E100] =	vst v63  }
0xb8: {  	_ =	swait.ge [sflag:s6], $0x2800  }
0xb9: {  	[sflag:s6] =	ssyncset.done $0x0  }
0xba: {  	[sflag:s6] =	ssyncadd.s32 $0xFFFFD800  }
0xbb: {  	[spmem:s1] =	stream.indirect.scatter.add.f32 [tilespmem:s26], [sflag:$0x3], $0x80, s30, s31, $0xb8;
	[tilespmem:$0x1E100] =	vst v63  }
0xbc: {  	_ =	swait.ge [sflag:s28], $0x2800  }
0xbd: {  	[sflag:s28] =	ssyncset.done $0x0  }
0xbe: {  	s10 =	sadd.s32 $0x9C40, s22;
	[sflag:s28] =	ssyncadd.s32 $0xFFFFD800  }
0xbf: {  	[tilespmem:s2], [sflag:$0x3] =	stream.linear.gather [hbm4b:s10+s2], $0x50, $0x38;
	[tilespmem:$0x1E100] =	vst v63  }
0xc0: {  	_ =	swait.ge [sflag:s28], $0x50  }
0xc1: {  	[sflag:s28] =	ssyncset.done $0x0  }
0xc2: {  	s9 =	sadd.s32 $0x9C40, s9;
	[sflag:s28] =	ssyncadd.s32 $0xFFFFFFB0  }
0xc3: {  	[tilespmem:s30], [sflag:$0x3] =	stream.linear.gather [hbm4b:s9+s2], $0x50, $0x38;
	[tilespmem:$0x1E100] =	vst v63  }
0xc4: {  	_ =	swait.ge [sflag:s28], $0x50  }
0xc5: {  	[sflag:s28] =	ssyncset.done $0x0  }
0xc6: {  	[sflag:s28] =	ssyncadd.s32 $0xFFFFFFB0  }
0xc7: {  	[tilespmem:s26], [sflag:$0x1] =	stream.indirect.gather [hbm4b:s5+s31], $0x80, s2, s31, $0xb8;
	[tilespmem:$0x1E100] =	vst v63  }
0xc8: {  	_ =	swait.ge [sflag:s16], $0x2800  }
.Ltmp5:
0xc9: {  	[sflag:s16] =	ssyncset.done $0x0;
	(pc) =	sbr.rel @!p2 .LBB2_7-.Ltmp5, $4  }
0xca: {  	[sflag:s16] =	ssyncadd.s32 $0xFFFFD800  }
0xcb: {  	[spmem:s1] =	stream.indirect.scatter.add.f32 [tilespmem:s25], [sflag:$0x3], $0x80, s24, s31, $0xb8;
	[tilespmem:$0x1E100] =	vst v63  }
0xcc: {  	_ =	swait.ge [sflag:s28], $0x2800  }
0xcd: {  	s23 =	smov.u32 s21;
	s22 =	sadd.s32 s20, s15;
	[sflag:s28] =	ssyncset.done $0x0  }
0xce: {  	s9 =	sadd.s32 $0x9BA0, s22;
	[sflag:s28] =	ssyncadd.s32 $0xFFFFD800  }
0xcf: {  	[tilespmem:s0], [sflag:$0x3] =	stream.linear.gather [hbm4b:s9+s2], $0x50, $0x38;
	[tilespmem:$0x1E100] =	vst v63  }
0xd0: {  	_ =	swait.ge [sflag:s28], $0x50  }
0xd1: {  	s20 =	sadd.s32 s20, s14;
	[sflag:s28] =	ssyncset.done $0x0  }
0xd2: {  	s10 =	sadd.s32 $0x9BA0, s20;
	[sflag:s28] =	ssyncadd.s32 $0xFFFFFFB0  }
0xd3: {  	[tilespmem:s24], [sflag:$0x3] =	stream.linear.gather [hbm4b:s10+s2], $0x50, $0x38;
	[tilespmem:$0x1E100] =	vst v63  }
0xd4: {  	_ =	swait.ge [sflag:s28], $0x50  }
0xd5: {  	[sflag:s28] =	ssyncset.done $0x0  }
0xd6: {  	[sflag:s28] =	ssyncadd.s32 $0xFFFFFFB0  }
0xd7: {  	[tilespmem:s25], [sflag:$0x2] =	stream.indirect.gather [hbm4b:s5+s31], $0x80, s0, s31, $0xb8;
	[tilespmem:$0x1E100] =	vst v63  }
0xd8: {  	_ =	swait.ge [sflag:s6], $0x2800  }
0xd9: {  	[sflag:s6] =	ssyncset.done $0x0  }
0xda: {  	[sflag:s6] =	ssyncadd.s32 $0xFFFFD800  }
0xdb: {  	[spmem:s1] =	stream.indirect.scatter.add.f32 [tilespmem:s26], [sflag:$0x3], $0x80, s30, s31, $0xb8;
	[tilespmem:$0x1E100] =	vst v63  }
0xdc: {  	_ =	swait.ge [sflag:s28], $0x2800  }
0xdd: {  	[sflag:s28] =	ssyncset.done $0x0  }
0xde: {  	s21 =	sadd.s32 $0x9C40, s22;
	[sflag:s28] =	ssyncadd.s32 $0xFFFFD800  }
0xdf: {  	[tilespmem:s2], [sflag:$0x3] =	stream.linear.gather [hbm4b:s21+s2], $0x50, $0x38;
	[tilespmem:$0x1E100] =	vst v63  }
0xe0: {  	_ =	swait.ge [sflag:s28], $0x50  }
0xe1: {  	[sflag:s28] =	ssyncset.done $0x0  }
0xe2: {  	s9 =	sadd.s32 $0x9C40, s20;
	[sflag:s28] =	ssyncadd.s32 $0xFFFFFFB0  }
0xe3: {  	[tilespmem:s30], [sflag:$0x3] =	stream.linear.gather [hbm4b:s9+s2], $0x50, $0x38;
	[tilespmem:$0x1E100] =	vst v63  }
0xe4: {  	_ =	swait.ge [sflag:s28], $0x50  }
0xe5: {  	[sflag:s28] =	ssyncset.done $0x0  }
0xe6: {  	[sflag:s28] =	ssyncadd.s32 $0xFFFFFFB0  }
0xe7: {  	[tilespmem:s26], [sflag:$0x1] =	stream.indirect.gather [hbm4b:s5+s31], $0x80, s2, s31, $0xb8;
	[tilespmem:$0x1E100] =	vst v63  }
0xe8: {  	_ =	swait.ge [sflag:s16], $0x2800  }
0xe9: {  	[sflag:s16] =	ssyncset.done $0x0  }
0xea: {  	[sflag:s16] =	ssyncadd.s32 $0xFFFFD800  }
0xeb: {  	[spmem:s1] =	stream.indirect.scatter.add.f32 [tilespmem:s25], [sflag:$0x3], $0x80, s24, s31, $0xb8;
	[tilespmem:$0x1E100] =	vst v63  }
0xec: {  	_ =	swait.ge [sflag:s28], $0x2800  }
0xed: {  	[sflag:s28] =	ssyncset.done $0x0  }
0xee: {  	s22 =	rddreg [dreg:$0xe];
	[sflag:s28] =	ssyncadd.s32 $0xFFFFD800  }
0xef: {  	[tilespmem:s0], [sflag:$0x3] =	stream.linear.gather [hbm4b:s22+s2], $0x50, $0x38;
	[tilespmem:$0x1E100] =	vst v63  }
0xf0: {  	_ =	swait.ge [sflag:s28], $0x50  }
0xf1: {  	[sflag:s28] =	ssyncset.done $0x0  }
0xf2: {  	s23 =	rddreg [dreg:$0xf];
	[sflag:s28] =	ssyncadd.s32 $0xFFFFFFB0  }
0xf3: {  	[tilespmem:s24], [sflag:$0x3] =	stream.linear.gather [hbm4b:s23+s2], $0x50, $0x38;
	[tilespmem:$0x1E100] =	vst v63  }
0xf4: {  	_ =	swait.ge [sflag:s28], $0x50  }
0xf5: {  	[sflag:s28] =	ssyncset.done $0x0  }
0xf6: {  	[sflag:s28] =	ssyncadd.s32 $0xFFFFFFB0  }
0xf7: {  	[tilespmem:s25], [sflag:$0x2] =	stream.indirect.gather [hbm4b:s5+s31], $0x80, s0, s31, $0xb8;
	[tilespmem:$0x1E100] =	vst v63  }
0xf8: {  	_ =	swait.ge [sflag:s6], $0x2800  }
0xf9: {  	[sflag:s6] =	ssyncset.done $0x0  }
0xfa: {  	[sflag:s6] =	ssyncadd.s32 $0xFFFFD800  }
0xfb: {  	[spmem:s1] =	stream.indirect.scatter.add.f32 [tilespmem:s26], [sflag:$0x3], $0x80, s30, s31, $0xb8;
	[tilespmem:$0x1E100] =	vst v63  }
0xfc: {  	_ =	swait.ge [sflag:s28], $0x2800  }
0xfd: {  	[sflag:s28] =	ssyncset.done $0x0  }
0xfe: {  	[sflag:s28] =	ssyncadd.s32 $0xFFFFD800  }
0xff: {  	_ =	swait.ge [sflag:s16], $0x2800  }
0x100: {  	[sflag:s16] =	ssyncset.done $0x0  }
.Ltmp6:
0x101: {  	[sflag:s16] =	ssyncadd.s32 $0xFFFFD800;
	(pc) =	sbr.rel .LBB2_19-.Ltmp6, $4  }
0x102: {  	[spmem:s1] =	stream.indirect.scatter.add.f32 [tilespmem:s25], [sflag:$0x3], $0x80, s24, s31, $0xb8;
	[tilespmem:$0x1E100] =	vst v63  }
0x103: {  	_ =	swait.ge [sflag:s28], $0x2800  }
0x104: {  	[sflag:s28] =	ssyncset.done $0x0  }
0x105: {  	[sflag:s28] =	ssyncadd.s32 $0xFFFFD800  }
.LBB2_9:
0x106: {  	s20 =	simm.s32 $0x0  }
0x107: {  	[tilespmem:s20], [sflag:$0x3] =	stream.linear.gather [hbm4b:s14+s20], $0x50, $0x38;
	[tilespmem:$0x1E100] =	vst v63  }
0x108: {  	_ =	swait.ge [sflag:s28], $0x50  }
0x109: {  	[sflag:s28] =	ssyncset.done $0x0  }
0x10a: {  	[sflag:s28] =	ssyncadd.s32 $0xFFFFFFB0  }
0x10b: {  	[tilespmem:s30], [sflag:$0x3] =	stream.linear.gather [hbm4b:s15+s20], $0x50, $0x38;
	[tilespmem:$0x1E100] =	vst v63  }
0x10c: {  	_ =	swait.ge [sflag:s28], $0x50  }
0x10d: {  	[sflag:s28] =	ssyncset.done $0x0  }
0x10e: {  	s21 =	simm.s32 $0x0;
	[sflag:s28] =	ssyncadd.s32 $0xFFFFFFB0  }
0x10f: {  	[tilespmem:s26], [sflag:$0x1] =	stream.indirect.gather [hbm4b:s4+s31], $0x80, s20, s31, $0xb8;
	[tilespmem:$0x1E100] =	vst v63  }
.LBB2_10:
0x110: {  	s22 =	sshll.u32 s21, $0x5  }
0x111: {  	s9 =	sor.u32 s22, s3  }
0x112: {  	s9 =	smul.u32 $0xA, s9;
	_ =	sdelay $0x1  }
0x113: {  	s9 =	sadd.s32 $0xA0, s9  }
0x114: {  	s10 =	sadd.s32 s8, s9  }
0x115: {  	[tilespmem:s0], [sflag:$0x3] =	stream.linear.gather [hbm4b:s10+s20], $0x50, $0x38;
	[tilespmem:$0x1E100] =	vst v63  }
0x116: {  	_ =	swait.ge [sflag:s28], $0x50  }
0x117: {  	[sflag:s28] =	ssyncset.done $0x0  }
0x118: {  	s9 =	sadd.s32 s7, s9;
	[sflag:s28] =	ssyncadd.s32 $0xFFFFFFB0  }
0x119: {  	[tilespmem:s24], [sflag:$0x3] =	stream.linear.gather [hbm4b:s9+s20], $0x50, $0x38;
	[tilespmem:$0x1E100] =	vst v63  }
0x11a: {  	_ =	swait.ge [sflag:s28], $0x50  }
0x11b: {  	[sflag:s28] =	ssyncset.done $0x0  }
0x11c: {  	[sflag:s28] =	ssyncadd.s32 $0xFFFFFFB0  }
0x11d: {  	[tilespmem:s25], [sflag:$0x2] =	stream.indirect.gather [hbm4b:s4+s31], $0x80, s0, s31, $0xb8;
	[tilespmem:$0x1E100] =	vst v63  }
0x11e: {  	_ =	swait.ge [sflag:s6], $0x2800  }
0x11f: {  	[sflag:s6] =	ssyncset.done $0x0  }
0x120: {  	[sflag:s6] =	ssyncadd.s32 $0xFFFFD800  }
0x121: {  	[spmem:s1] =	stream.indirect.scatter.add.f32 [tilespmem:s26], [sflag:$0x3], $0x80, s30, s31, $0xb8;
	[tilespmem:$0x1E100] =	vst v63  }
0x122: {  	_ =	swait.ge [sflag:s28], $0x2800  }
0x123: {  	[sflag:s28] =	ssyncset.done $0x0  }
0x124: {  	s23 =	simm.s32 $0x0;
	[sflag:s28] =	ssyncadd.s32 $0xFFFFD800  }
.LBB2_11:
0x125: {  	s9 =	sshll.u32 s23, $0x4  }
0x126: {  	v3 =	vld [tilespmem:s9+$0x0];
	_ =	sdelay $0x5  }
0x127: {  	s10 =	simm.s32 $0x0;
	v2 =	vld [tilespmem:s9+$0x100]  }
0x128: {  	v4 =	vmov s10  }
0x129: {  	s9 =	simm.s32 $0x1;
	vm0 =	veq.s32 v4, v1;
	v3 =	vld.idx.msk [tilespmem:v3+s29+$0x0], $0xffff  }
.LBB2_12:
0x12a: {  	p2 =	sne.s32 s9, $0xF  }
.Ltmp7:
0x12b: {  	_ = 	snop;
	(pc) =	sbr.rel @p2 .LBB2_12-.Ltmp7, $3  }
0x12c: {  	_ =	sdelay $0x1  }
0x12d: {  	v4 =	vmov s9;
	s9 =	sadd.s32 $0x1, s9  }
0x12e: {  	[tilespmem:v2+s18+$0x0] =	vst.idx.add.f32.msk vm0, v3;
	vm0 =	veq.s32 v4, v1  }
0x12f: {  	s23 =	sadd.s32 $0x1, s23  }
0x130: {  	p2 =	sne.s32 s23, $0x5  }
.Ltmp8:
0x131: {  	_ = 	snop;
	(pc) =	sbr.rel @p2 .LBB2_11-.Ltmp8, $2  }
0x132: {  	_ =	sdelay $0x2  }
0x133: {  	[tilespmem:v2+s18+$0x0] =	vst.idx.add.f32.msk vm0, v3  }
0x134: {  	p2 =	seq.s32 s21, $0x7C  }
0x135: {  	s9 =	sadd.s32 @!p2 s17, s22  }
0x136: {  	s9 =	smul.u32 @!p2 $0xA, s9;
	_ =	sdelay $0x1  }
0x137: {  	s22 =	simm.s32 @!p2 $0x0;
	s10 =	sadd.s32 @!p2 s8, s9  }
0x138: {  	[tilespmem:s22], [sflag:$0x3] =	stream.linear.gather @!p2 [hbm4b:s10+s22], $0x50, $0x38;
	[tilespmem:$0x1E100] =	vst v63  }
0x139: {  	s10 =	simm.s32 @!p2 $0x3  }
0x13a: {  	_ =	swait.ge @!p2 [sflag:s10], $0x50  }
0x13b: {  	[sflag:s10] =	ssyncset.done @!p2 $0x0  }
0x13c: {  	s23 =	simm.s32 @!p2 $0x100;
	s9 =	sadd.s32 @!p2 s7, s9;
	[sflag:s10] =	ssyncadd.s32 @!p2 $0xFFFFFFB0  }
0x13d: {  	[tilespmem:s23], [sflag:$0x3] =	stream.linear.gather @!p2 [hbm4b:s9+s22], $0x50, $0x38;
	[tilespmem:$0x1E100] =	vst v63  }
0x13e: {  	_ =	swait.ge @!p2 [sflag:s10], $0x50  }
0x13f: {  	[sflag:s10] =	ssyncset.done @!p2 $0x0  }
0x140: {  	s9 =	simm.s32 @!p2 $0x50;
	[sflag:s10] =	ssyncadd.s32 @!p2 $0xFFFFFFB0;
	s10 =	simm.s32 @!p2 $0x200  }
0x141: {  	[tilespmem:s10], [sflag:$0x1] =	stream.indirect.gather @!p2 [hbm4b:s4+s9], $0x80, s22, s9, $0xb8;
	[tilespmem:$0x1E100] =	vst v63  }
0x142: {  	_ =	swait.ge [sflag:s16], $0x2800  }
0x143: {  	[sflag:s16] =	ssyncset.done $0x0  }
0x144: {  	[sflag:s16] =	ssyncadd.s32 $0xFFFFD800  }
0x145: {  	[spmem:s1] =	stream.indirect.scatter.add.f32 [tilespmem:s25], [sflag:$0x3], $0x80, s24, s31, $0xb8;
	[tilespmem:$0x1E100] =	vst v63  }
0x146: {  	_ =	swait.ge [sflag:s28], $0x2800  }
0x147: {  	[sflag:s28] =	ssyncset.done $0x0  }
0x148: {  	s23 =	simm.s32 $0x0;
	s22 =	simm.s32 $0x0;
	[sflag:s28] =	ssyncadd.s32 $0xFFFFD800  }
.LBB2_15:
0x149: {  	s9 =	sshll.u32 s23, $0x4  }
0x14a: {  	v3 =	vld [tilespmem:s9+$0x80];
	_ =	sdelay $0x5  }
0x14b: {  	v2 =	vld [tilespmem:s9+$0x180]  }
0x14c: {  	v4 =	vmov s22  }
0x14d: {  	s9 =	simm.s32 $0x1;
	vm0 =	veq.s32 v4, v1;
	v3 =	vld.idx.msk [tilespmem:v3+s29+$0x0], $0xffff  }
.LBB2_16:
0x14e: {  	p2 =	sne.s32 s9, $0xF  }
.Ltmp9:
0x14f: {  	_ = 	snop;
	(pc) =	sbr.rel @p2 .LBB2_16-.Ltmp9, $3  }
0x150: {  	_ =	sdelay $0x1  }
0x151: {  	v4 =	vmov s9;
	s9 =	sadd.s32 $0x1, s9  }
0x152: {  	[tilespmem:v2+s18+$0x0] =	vst.idx.add.f32.msk vm0, v3;
	vm0 =	veq.s32 v4, v1  }
0x153: {  	s23 =	sadd.s32 $0x1, s23  }
0x154: {  	p2 =	sne.s32 s23, $0x5  }
.Ltmp10:
0x155: {  	_ = 	snop;
	(pc) =	sbr.rel @p2 .LBB2_15-.Ltmp10, $2  }
0x156: {  	_ =	sdelay $0x2  }
0x157: {  	[tilespmem:v2+s18+$0x0] =	vst.idx.add.f32.msk vm0, v3  }
0x158: {  	s21 =	sadd.s32 $0x1, s21  }
0x159: {  	p2 =	seq.s32 s21, $0x7D  }
.Ltmp11:
0x15a: {  	_ = 	snop;
	(pc) =	sbr.rel @!p2 .LBB2_10-.Ltmp11, $4  }
.Ltmp12:
0x15b: {  	_ = 	snop;
	(pc) =	sbr.rel @p2 .LBB2_19-.Ltmp12, $4  }
0x15c: {  	_ = 	snop  }
0x15d: {  	_ = 	snop  }
0x15e: {  	_ = 	snop  }
0x15f: {  	_ = 	snop  }
.LBB2_20:
0x160: {  	_ =	sfence.sel $0x180000  }
0x161: {  	[bflag:$0x0] =	sbarrier.arrive $0xFFFF  }
0x162: {  	_ =	strace $0x9000004D  }
0x163: {  	[bflag:$0x2] =	sbarrier.arrive $0xFFFF  }
0x164: {  	p0 =	sne.s32 s3, $0x0;
	s0 =	rddreg [dreg:$0x3]  }
0x165: {  	s0 =	sadd.s32 @!p0 $0x100000, s0  }
0x166: {  	[sflag:s0] =	ssyncadd.tile.s32 @!p0 $0x1;
	_ =	shalt  }
.Lfunc_end2:
_tile_overlayer_lowered:
.L_overlay_start_2:
0x167: {  	(tag) =	ssettag $0x2  }
0x168: {  	s0 =	rddreg [dreg:$0x0];
	s2 =	stileid.u32  }
0x169: {  	s1 =	rddreg [dreg:$0x1];
	p0 =	sne.s32 s2, $0x0  }
0x16a: {  	s3 =	rddreg [dreg:$0x2];
	[bflag:$0x3] =	sbarrier.arrive $0xFFFF;
	s2 =	simm.s32 @!p0 $0x1C03  }
0x16b: {  	[timem:s3], [sflag:s2] =	dma.local @!p0 [hbm:s0], s1  }
0x16c: {  	s0 =	simm.s32 @!p0 $0x3  }
0x16d: {  	_ =	swait.ge @!p0 [sflag:s0], s1  }
0x16e: {  	s1 =	ssub.s32 @!p0 $0x0, s1;
	[sflag:s0] =	ssyncset.done @!p0 $0x0  }
0x16f: {  	[sflag:s0] =	ssyncadd.s32 @!p0 s1  }
0x170: {  	[bflag:$0x3] =	sbarrier.arrive $0xFFFF  }
0x171: {  	_ =	shalt  }

// kernel: kernel.14.cloned.1.call-start
scs
__scs_entry_jumppad:
0x0: {  	(pc) =	sbr.rel $0x88, $3  }
0x1: {  	(tag) =	ssettag $0x0;
	lr =	simm.s32 $0x1  }
0x2: {  	[smem:$0x3F98] =	sst lr;
	_ =	strace $0xD0000000  }
0x3: {  	_ = 	snop  }
0x4: {  	_ = 	snop  }
0x5: {  	_ = 	snop  }
0x6: {  	_ = 	snop  }
0x7: {  	_ = 	snop  }
__scs_overlays_trampoline_lowered:
0x8: {  	[smem:$0x3FA7] =	sst s0  }
0x9: {  	[smem:$0x3FA8] =	sst s1  }
0xa: {  	[smem:$0x3FA9] =	sst s2  }
0xb: {  	[smem:$0x3FAA] =	sst s3  }
0xc: {  	[smem:$0x3FAB] =	sst s4  }
0xd: {  	[smem:$0x3FAC] =	sst s5  }
0xe: {  	[smem:$0x3FAD] =	sst s6  }
0xf: {  	[smem:$0x3FAE] =	sst s7  }
0x10: {  	[smem:$0x3FAF] =	sst s8  }
0x11: {  	[smem:$0x3FB0] =	sst s9;
	s0 =	simm.s32 @!p0 $0x0  }
0x12: {  	s1 =	sld [smem:$0x3F96];
	s0 =	simm.s32 @p0 $0x1  }
0x13: {  	[smem:$0x3FB1] =	sst s0;
	s0 =	simm.s32 @!p1 $0x0  }
0x14: {  	s2 =	sld [smem:$0x3F95];
	s0 =	simm.s32 @p1 $0x1  }
0x15: {  	[smem:$0x3FB2] =	sst s0;
	s0 =	simm.s32 @!p2 $0x0  }
0x16: {  	s3 =	sld [smem:$0x3FDB];
	s0 =	simm.s32 @p2 $0x1  }
0x17: {  	s4 =	simm.s32 $0x1BF5;
	[smem:$0x3FB4] =	sst s0  }
0x18: {  	s0 =	sld [smem:$0x3F97];
	_ =	swait.ge [sflag:s4], $0x0  }
0x19: {  	s7 =	sld [smem:$0x3F98]  }
0x1a: {  	s8 =	sadd.s32 $0xFFFFE003, lr  }
0x1b: {  	s9 =	sadd.s32 $0xFFFFFEF7, lr;
	s5 =	simm.s32 $0xFFFFFFFF;
	p2 =	slt.u32 s8, $0xFFFFF086  }
0x1c: {  	p1 =	slt.u32 s9, $0xF7A;
	s5 =	simm.s32 @!p2 $0x0  }
0x1d: {  	s5 =	simm.s32 @p1 $0x1;
	p0 =	seq.s32 s7, s2  }
0x1e: {  	s7 =	smul.u32 @!p0 $0xF7A, s2;
	p2 =	seq.s32 @!p0 s5, $0x0  }
0x1f: {  	s9 =	smul.u32 $0xF7A, s1;
	s8 =	simm.s32 @!p0 $0x1BF5;
	p2 =	por !p2, p0  }
0x20: {  	[sflag:s8] =	ssyncset.s32 @!p0 $0xFFFFF086;
	s6 =	sadd.s32 @!p0 s3, s7;
	s7 =	simm.s32 @!p0 $0x108  }
0x21: {  	s3 =	sadd.s32 s3, s9;
	s6 =	sadd.s32 @!p0 $0x88, s6;
	s7 =	simm.s32 @p2 $0x1082  }
0x22: {  	[simem:s7], [sflag:s8] =	dma.local @!p0 [hbm:s6], $0xF7A  }
0x23: {  	s9 =	sor.u32 $0xD0000000, s2;
	s6 =	simm.s32 $0x108;
	_ =	swait.ge @!p0 [sflag:s8], $0x0  }
0x24: {  	s3 =	sadd.s32 $0x88, s3;
	s6 =	simm.s32 @!p1 $0x1082;
	[sflag:s4] =	ssyncset.s32 $0xFFFFF086  }
0x25: {  	[simem:s6], [sflag:s4] =	dma.local [hbm:s3], $0xF7A  }
0x26: {  	[smem:$0x3F98] =	sst s1;
	(tag) =	ssettag s2;
	_ =	strace s9  }
0x27: {  	s1 =	sld [smem:$0x3FA8]  }
0x28: {  	s2 =	sld [smem:$0x3FA9]  }
0x29: {  	s4 =	sld [smem:$0x3FAB]  }
0x2a: {  	p0 =	seq.s32 s5, $0x0;
	s5 =	sld [smem:$0x3FAC]  }
0x2b: {  	s6 =	sld [smem:$0x3FAD]  }
0x2c: {  	s7 =	sld [smem:$0x3FAE]  }
0x2d: {  	s3 =	simm.s32 $0x108;
	s8 =	sld [smem:$0x3FAF]  }
0x2e: {  	s3 =	simm.s32 @!p0 $0x1082;
	s9 =	sld [smem:$0x3FB0]  }
0x2f: {  	lr =	sadd.s32 s0, s3;
	s0 =	sld [smem:$0x3FA7]  }
0x30: {  	s3 =	sld [smem:$0x3FAA]  }
0x31: {  	[smem:$0x3FB3] =	sst s10  }
0x32: {  	s10 =	sld [smem:$0x3FB1];
	_ =	sdelay $0x3  }
0x33: {  	p0 =	seq.s32 s10, $0x1;
	s10 =	sld [smem:$0x3FB3];
	_ =	sdelay $0x3  }
0x34: {  	[smem:$0x3FB3] =	sst s10  }
0x35: {  	s10 =	sld [smem:$0x3FB2];
	_ =	sdelay $0x3  }
0x36: {  	p1 =	seq.s32 s10, $0x1;
	s10 =	sld [smem:$0x3FB3];
	_ =	sdelay $0x3  }
0x37: {  	[smem:$0x3FB3] =	sst s10  }
0x38: {  	s10 =	sld [smem:$0x3FB4]  }
0x39: {  	_ = 	snop;
	(pc) =	sbr.ind lr, $3  }
0x3a: {  	_ = 	snop  }
0x3b: {  	_ = 	snop  }
0x3c: {  	p2 =	seq.s32 s10, $0x1;
	s10 =	sld [smem:$0x3FB3]  }
0x3d: {  	_ =	shalt  }
0x3e: {  	_ =	shalt  }
0x3f: {  	_ =	shalt  }
0x40: {  	_ =	shalt  }
0x41: {  	_ =	shalt  }
0x42: {  	_ =	shalt  }
0x43: {  	_ =	shalt  }
0x44: {  	_ =	shalt  }
0x45: {  	_ =	shalt  }
0x46: {  	_ =	shalt  }
0x47: {  	_ =	shalt  }
0x48: {  	_ =	shalt  }
0x49: {  	_ =	shalt  }
0x4a: {  	_ =	shalt  }
0x4b: {  	_ =	shalt  }
0x4c: {  	_ =	shalt  }
0x4d: {  	_ =	shalt  }
0x4e: {  	_ =	shalt  }
0x4f: {  	_ =	shalt  }
0x50: {  	_ =	shalt  }
0x51: {  	_ =	shalt  }
0x52: {  	_ =	shalt  }
0x53: {  	_ =	shalt  }
0x54: {  	_ =	shalt  }
0x55: {  	_ =	shalt  }
0x56: {  	_ =	shalt  }
0x57: {  	_ =	shalt  }
0x58: {  	_ =	shalt  }
0x59: {  	_ =	shalt  }
0x5a: {  	_ =	shalt  }
0x5b: {  	_ =	shalt  }
0x5c: {  	_ =	shalt  }
0x5d: {  	_ =	shalt  }
0x5e: {  	_ =	shalt  }
0x5f: {  	_ =	shalt  }
0x60: {  	_ =	shalt  }
0x61: {  	_ =	shalt  }
0x62: {  	_ =	shalt  }
0x63: {  	_ =	shalt  }
0x64: {  	_ =	shalt  }
0x65: {  	_ =	shalt  }
0x66: {  	_ =	shalt  }
0x67: {  	_ =	shalt  }
0x68: {  	_ =	shalt  }
0x69: {  	_ =	shalt  }
0x6a: {  	_ =	shalt  }
0x6b: {  	_ =	shalt  }
0x6c: {  	_ =	shalt  }
0x6d: {  	_ =	shalt  }
0x6e: {  	_ =	shalt  }
0x6f: {  	_ =	shalt  }
0x70: {  	_ =	shalt  }
0x71: {  	_ =	shalt  }
0x72: {  	_ =	shalt  }
0x73: {  	_ =	shalt  }
0x74: {  	_ =	shalt  }
0x75: {  	_ =	shalt  }
0x76: {  	_ =	shalt  }
0x77: {  	_ =	shalt  }
0x78: {  	_ =	shalt  }
0x79: {  	_ =	shalt  }
0x7a: {  	_ =	shalt  }
0x7b: {  	_ =	shalt  }
0x7c: {  	_ =	shalt  }
0x7d: {  	_ =	shalt  }
0x7e: {  	_ =	shalt  }
0x7f: {  	_ =	shalt  }
0x80: {  	_ =	shalt  }
0x81: {  	_ =	shalt  }
0x82: {  	_ =	shalt  }
0x83: {  	_ =	shalt  }
0x84: {  	_ =	shalt  }
0x85: {  	_ =	shalt  }
0x86: {  	_ =	shalt  }
0x87: {  	_ =	shalt  }
.Lfunc_end0:
.L_simem_size_0:
called_computation.3_lowered:
.L_overlay_start_0:
0x88: {  	s2 =	sld [smem:$0x3FD9]  }
0x89: {  	s3 =	sld [smem:$0x3FFE];
	_ =	sdelay $0x1  }
0x8a: {  	s1 =	srdreg.scid  }
0x8b: {  	s0 =	sand.u32 $0x1, s1  }
0x8c: {  	s17 =	sshll.u32 s0, $0xA;
	s2 =	sadd.s32 s3, s2  }
0x8d: {  	s2 =	sadd.s32 s2, s17  }
0x8e: {  	[smem:$0x3FBF] =	sst s2  }
0x8f: {  	_ = 	snop  }
0x90: {  	s2 =	sld [smem:$0x3FD0];
	(tm) =	ssettm $0x1  }
0x91: {  	s18 =	sld [smem:$0x3FFB];
	_ =	sdelay $0x3  }
0x92: {  	_ =	strace s18  }
0x93: {  	s3 =	sld [smem:$0x3FFC];
	_ =	sdelay $0x3  }
0x94: {  	_ =	strace s3  }
0x95: {  	s3 =	sld [smem:$0x3FFD];
	_ =	sdelay $0x3  }
0x96: {  	_ =	strace s3  }
0x97: {  	_ =	strace $0x8FFFFFFF  }
0x98: {  	s19 =	sld [smem:$0x3FDB];
	_ =	sdelay $0x1  }
0x99: {  	s4 =	simm.s32 $_scs_section_size  }
0x9a: {  	s5 =	simm.s32 $_size__tile_overlayer_lowered;
	s6 =	simm.s32 $_tile_overlayer_lowered  }
0x9b: {  	s22 =	simm.s32 $0x1BFF;
	s21 =	sshll.u32 s6, $0x1;
	s3 =	sadd.s32 s4, s19  }
0x9c: {  	s7 =	simm.s32 $0x0;
	s20 =	sshll.u32 s5, $0x1;
	s5 =	sadd.s32 s21, s3  }
0x9d: {  	[timem:s7], [sflag:s22] =	dma.local [hbm:s5], s20  }
0x9e: {  	_ =	swait.ge [sflag:s22], s20  }
0x9f: {  	s4 =	ssub.s32 $0x0, s20;
	[sflag:s22] =	ssyncset.done $0x0  }
0xa0: {  	[sflag:s22] =	ssyncadd.s32 s4;
	_ =	sdelay $0x1  }
0xa1: {  	s23 =	simm.s32 $0x1B8B  }
0xa2: {  	_ =	swait.ge [sflag:s23], $0x1  }
0xa3: {  	[sflag:s23] =	ssyncset.done $0x0  }
0xa4: {  	s25 =	simm.s32 $0x1B8E;
	s24 =	sld [smem:$0x3FFE];
	[sflag:s23] =	ssyncadd.s32 $0xFFFFFFFF  }
0xa5: {  	s26 =	simm.s32 $execute0_lowered;
	[smem:$0x3FD2] =	sst s25  }
0xa6: {  	s5 =	sshll.u32 s26, $0x1;
	_ =	strace $0x8000004F;
	[dreg:$0x1] =	wrdreg $0xFFFFFFFF  }
0xa7: {  	s28 =	simm.s32 $_size_execute0_lowered;
	s3 =	sadd.s32 s3, s5;
	[dreg:$0x0] =	wrdreg $0x0  }
0xa8: {  	s5 =	sshll.u32 s28, $0x1;
	[dreg:$0x2] =	wrdreg s3  }
0xa9: {  	[dreg:$0x3] =	wrdreg s5  }
0xaa: {  	[dreg:$0x4] =	wrdreg $0xC0  }
0xab: {  	_ =	task [dreg:s7], $0x5FFFF  }
0xac: {  	[dreg:$0x1] =	wrdreg $0xFFFFFFFF  }
0xad: {  	[dreg:$0x0] =	wrdreg $0x60  }
0xae: {  	[dreg:$0x2] =	wrdreg s24  }
0xaf: {  	[dreg:$0x3] =	wrdreg s2  }
0xb0: {  	[dreg:$0x4] =	wrdreg $0x52000  }
0xb1: {  	[dreg:$0x5] =	wrdreg $0x9  }
0xb2: {  	_ =	task.clear_ibuf [dreg:s7], $0x6FFFF;
	_ =	strace $0x9000004F  }
0xb3: {  	s29 =	simm.s32 $0x9;
	_ =	strace $0x80000051  }
0xb4: {  	_ =	swait.ge [sflag:s29], $0x1  }
0xb5: {  	[sflag:s29] =	ssyncadd.s32 $0xFFFFFFFF  }
0xb6: {  	_ =	strace $0x90000051  }
0xb7: {  	_ =	sfence  }
0xb8: {  	s30 =	sld [smem:$0x0];
	_ =	sdelay $0x2  }
0xb9: {  	s31 =	sshll.u32 s1, $0xD;
	s1 =	sshrl.u32 s1, $0x2  }
0xba: {  	s3 =	sand.u32 $0x4000, s31;
	s1 =	sadd.s32 s1, s30  }
0xbb: {  	s0 =	sor.u32 s3, s0;
	s1 =	sshll.u32 s1, $0x11  }
0xbc: {  	s0 =	sor.u32 s1, s0  }
0xbd: {  	s0 =	sadd.s32 $0x8F2B, s0  }
0xbe: {  	[sflag:s0] =	ssyncadd.remote.s32 $0x1  }
0xbf: {  	_ =	sfence.sel $0xFFFF  }
0xc0: {  	[dreg:$0x0] =	wrdreg $0xFFFFFFFF;
	(pc) =	sbr.abs _section_cstart, $3  }
0xc1: {  	[dreg:$0x1] =	wrdreg $0xFFFFFFFF  }
0xc2: {  	_ =	task.clear_ibuf [dreg:s7], $0x2FFFF;
	_ =	strace $0x9FFFFFFF  }
0xc3: {  	(tm) =	ssettm $0x7FFFFFFF  }
tec
execute0_lowered:
.L_overlay_start_1:
0x0: {  	(tag) =	ssettag $0x1  }
0x1: {  	s0 =	rddreg [dreg:$0x0]  }
0x2: {  	s6 =	rddreg [dreg:$0x1]  }
0x3: {  	s1 =	rddreg [dreg:$0x2];
	s2 =	simm.s32 $0x0  }
0x4: {  	s3 =	srdreg.scid;
	s28 =	simm.s32 $0x3;
	s29 =	simm.s32 $0x19200  }
0x5: {  	s30 =	simm.s32 $0x100;
	s31 =	simm.s32 $0x50;
	[smem:$0x7FF] =	sst s2  }
0x6: {  	s4 =	sadd.s32 $0x5C200, s0;
	s9 =	sand.u32 $0x1, s3;
	s5 =	sadd.s32 $0x83400, s0  }
0x7: {  	s3 =	stileid.u32;
	s7 =	sadd.s32 $0x17000, s0;
	s8 =	sadd.s32 $0xD200, s0  }
0x8: {  	_ =	strace $0x80000050;
	s10 =	smul.u32 $0x28000, s9;
	[dreg:$0x4] =	wrdreg s7  }
0x9: {  	s11 =	ssub.s32 $0x2, s9;
	s12 =	smul.u32 $0x280, s3;
	s7 =	sadd.s32 $0x3400, s0  }
0xa: {  	s14 =	smul.u32 $0x50000, s3;
	s21 =	sshrl.u32 s3, $0x3;
	s22 =	sshll.u32 s3, $0x7  }
0xb: {  	p0 =	sne.s32 s9, $0x0;
	p1 =	seq.s32 s9, $0x0;
	s13 =	sshrl.u32 s11, $0x1  }
0xc: {  	s24 =	sand.u32 $0x380, s22;
	s22 =	smul.u32 $0xA, s3;
	s0 =	sadd.s32 s10, s0  }
0xd: {  	s16 =	ssub.s32 s11, s13;
	s15 =	sshrl.u32 s14, $0x2;
	s18 =	sadd.s32 $0x80, s12  }
0xe: {  	s19 =	sadd.s32 $0x100, s12;
	s13 =	smul.u32 $0x13C00, s21;
	s21 =	sadd.s32 $0x200, s12  }
0xf: {  	s23 =	sadd.s32 s15, s1;
	s17 =	sshll.u32 s18, $0x7;
	s20 =	sshll.u32 s19, $0x7  }
0x10: {  	s25 =	sshll.u32 s21, $0x7;
	s14 =	sadd.s32 s8, s22;
	s0 =	sadd.s32 $0xAA600, s0  }
0x11: {  	s18 =	sshll.u32 s18, $0x4;
	s19 =	sshll.u32 s19, $0x4;
	s10 =	sadd.s32 s17, s1  }
0x12: {  	s11 =	sadd.s32 s20, s1;
	s20 =	sadd.s32 $0x180, s12;
	s17 =	sor.u32 s24, s13  }
0x13: {  	s13 =	sadd.s32 s25, s1;
	s25 =	sshll.u32 s21, $0x4;
	s12 =	sadd.s32 $0x9BA0, s22  }
0x14: {  	s21 =	sadd.s32 s18, s0;
	[dreg:$0x5] =	wrdreg s10;
	s15 =	sshll.u32 s20, $0x7  }
0x15: {  	s17 =	sshrl.u32 s17, $0x3;
	[dreg:$0xa] =	wrdreg s21;
	s26 =	sadd.s32 s15, s1  }
0x16: {  	s24 =	sshll.u32 s20, $0x4;
	s6 =	sadd.s32 s6, s17;
	[dreg:$0x6] =	wrdreg s26  }
0x17: {  	s15 =	sadd.s32 s7, s22;
	s22 =	sadd.s32 s19, s0;
	[dreg:$0x7] =	wrdreg s6  }
0x18: {  	s9 =	smul.u32 $0x2800, s3;
	s24 =	sadd.s32 s24, s0;
	[dreg:$0xb] =	wrdreg s22  }
0x19: {  	s18 =	simm.s32 $0x1B980;
	s26 =	smax.u32 s16, $0x1;
	[dreg:$0xc] =	wrdreg s24  }
0x1a: {  	s17 =	sor.u32 $0x20, s3;
	s6 =	sadd.s32 s9, s0;
	[dreg:$0x8] =	wrdreg s26  }
.Ltmp0:
0x1b: {  	s0 =	sadd.s32 s25, s0;
	[dreg:$0x9] =	wrdreg s6;
	(pc) =	sbr.rel .LBB2_1-.Ltmp0, $4  }
0x1c: {  	s19 =	simm.s32 $0x0;
	s25 =	sadd.s32 s7, s12;
	[dreg:$0xd] =	wrdreg s0  }
0x1d: {  	s24 =	simm.s32 $0x180;
	s16 =	simm.s32 $0x2;
	[dreg:$0xe] =	wrdreg s25  }
0x1e: {  	s26 =	sadd.s32 s8, s12;
	s0 =	simm.s32 $0x80;
	s25 =	simm.s32 $0x2A00  }
0x1f: {  	v0 =	vimm.f32 $0.0e+00;
	v1 =	vlaneseq.u32;
	s6 =	simm.s32 $0x1;
	[dreg:$0xf] =	wrdreg s26;
	s26 =	simm.s32 $0x200  }
.LBB2_19:
0x20: {  	[bflag:$0x0] =	sbarrier.arrive $0xFFFF  }
0x21: {  	[tilespmem:s26], [sflag:$0x3] =	stream.linear.gather [spmem:s11], $0x4000, $0x38;
	[tilespmem:$0x1E100] =	vst v63  }
0x22: {  	_ =	swait.ge [sflag:s28], $0x4000  }
0x23: {  	[sflag:s28] =	ssyncset.done $0x0  }
0x24: {  	s9 =	rddreg [dreg:$0x9];
	[sflag:s28] =	ssyncadd.s32 $0xFFFFC000  }
0x25: {  	[hbm4b:s9+s2] =	stream.linear.scatter [tilespmem:s26], [sflag:$0x3], $0x4000, $0x38;
	[tilespmem:$0x1E100] =	vst v63  }
0x26: {  	_ =	swait.ge [sflag:s28], $0x4000  }
0x27: {  	[sflag:s28] =	ssyncset.done $0x0  }
0x28: {  	s21 =	rddreg [dreg:$0x5];
	[sflag:s28] =	ssyncadd.s32 $0xFFFFC000  }
0x29: {  	[tilespmem:s26], [sflag:$0x3] =	stream.linear.gather [spmem:s21], $0x4000, $0x38;
	[tilespmem:$0x1E100] =	vst v63  }
0x2a: {  	_ =	swait.ge [sflag:s28], $0x4000  }
0x2b: {  	[sflag:s28] =	ssyncset.done $0x0  }
0x2c: {  	s22 =	rddreg [dreg:$0xa];
	[sflag:s28] =	ssyncadd.s32 $0xFFFFC000  }
0x2d: {  	[hbm4b:s22+s2] =	stream.linear.scatter [tilespmem:s26], [sflag:$0x3], $0x4000, $0x38;
	[tilespmem:$0x1E100] =	vst v63  }
0x2e: {  	_ =	swait.ge [sflag:s28], $0x4000  }
0x2f: {  	[sflag:s28] =	ssyncset.done $0x0  }
0x30: {  	[sflag:s28] =	ssyncadd.s32 $0xFFFFC000  }
0x31: {  	[tilespmem:s26], [sflag:$0x3] =	stream.linear.gather [spmem:s12], $0x4000, $0x38;
	[tilespmem:$0x1E100] =	vst v63  }
0x32: {  	_ =	swait.ge [sflag:s28], $0x4000  }
0x33: {  	[sflag:s28] =	ssyncset.done $0x0  }
0x34: {  	s10 =	rddreg [dreg:$0xb];
	[sflag:s28] =	ssyncadd.s32 $0xFFFFC000  }
0x35: {  	[hbm4b:s10+s2] =	stream.linear.scatter [tilespmem:s26], [sflag:$0x3], $0x4000, $0x38;
	[tilespmem:$0x1E100] =	vst v63  }
0x36: {  	_ =	swait.ge [sflag:s28], $0x4000  }
0x37: {  	s23 =	smov.u32 s11;
	[sflag:s28] =	ssyncset.done $0x0  }
0x38: {  	s11 =	smov.u32 s12;
	s12 =	rddreg [dreg:$0x6];
	[sflag:s28] =	ssyncadd.s32 $0xFFFFC000  }
0x39: {  	[tilespmem:s26], [sflag:$0x3] =	stream.linear.gather [spmem:s12], $0x4000, $0x38;
	[tilespmem:$0x1E100] =	vst v63  }
0x3a: {  	_ =	swait.ge [sflag:s28], $0x4000  }
0x3b: {  	[sflag:s28] =	ssyncset.done $0x0  }
0x3c: {  	s20 =	rddreg [dreg:$0xc];
	[sflag:s28] =	ssyncadd.s32 $0xFFFFC000  }
0x3d: {  	[hbm4b:s20+s2] =	stream.linear.scatter [tilespmem:s26], [sflag:$0x3], $0x4000, $0x38;
	[tilespmem:$0x1E100] =	vst v63  }
0x3e: {  	_ =	swait.ge [sflag:s28], $0x4000  }
0x3f: {  	[sflag:s28] =	ssyncset.done $0x0  }
0x40: {  	[sflag:s28] =	ssyncadd.s32 $0xFFFFC000  }
0x41: {  	[tilespmem:s26], [sflag:$0x3] =	stream.linear.gather [spmem:s13], $0x4000, $0x38;
	[tilespmem:$0x1E100] =	vst v63  }
0x42: {  	_ =	swait.ge [sflag:s28], $0x4000  }
0x43: {  	[sflag:s28] =	ssyncset.done $0x0  }
0x44: {  	s21 =	rddreg [dreg:$0xd];
	[sflag:s28] =	ssyncadd.s32 $0xFFFFC000  }
0x45: {  	[hbm4b:s21+s2] =	stream.linear.scatter [tilespmem:s26], [sflag:$0x3], $0x4000, $0x38;
	[tilespmem:$0x1E100] =	vst v63  }
0x46: {  	_ =	swait.ge [sflag:s28], $0x4000  }
0x47: {  	s9 =	simm.s32 @!p1 $0x80;
	s10 =	simm.s32 @!p1 $0x400;
	[sflag:s28] =	ssyncset.done $0x0  }
0x48: {  	s20 =	simm.s32 @!p1 $0x1B980;
	s12 =	rddreg [dreg:$0x7];
	[sflag:s28] =	ssyncadd.s32 $0xFFFFC000  }
0x49: {  	[hbm4b:s12+s9] =	stream.strided.scatter @!p1 [tilespmem:s20], [sflag:$0x3], $0x2780, s10, s9, $0x38;
	[tilespmem:$0x1E100] =	vst v63  }
0x4a: {  	s9 =	simm.s32 @!p1 $0x3  }
0x4b: {  	_ =	swait.ge @!p1 [sflag:s9], $0x2780  }
0x4c: {  	s19 =	sadd.s32 $0x1, s19;
	s22 =	rddreg [dreg:$0x8]  }
0x4d: {  	p2 =	sne.s32 s19, s22  }
.Ltmp1:
0x4e: {  	_ = 	snop;
	(pc) =	sbr.rel @!p2 .LBB2_20-.Ltmp1, $3  }
0x4f: {  	_ =	sdelay $0x1  }
0x50: {  	[sflag:s9] =	ssyncset.done @!p1 $0x0  }
0x51: {  	[sflag:s9] =	ssyncadd.s32 @!p1 $0xFFFFD880  }
.LBB2_1:
0x52: {  	s20 =	simm.s32 $0x0;
	s21 =	simm.s32 $0x200  }
.LBB2_2:
0x53: {  	p2 =	sne.s32 s21, $0xFE00;
	[tilespmem:s20+$0x270] =	vst v0  }
0x54: {  	[tilespmem:s20+$0x200] =	vst v0  }
0x55: {  	[tilespmem:s20+$0x210] =	vst v0  }
.Ltmp2:
0x56: {  	[tilespmem:s20+$0x220] =	vst v0;
	(pc) =	sbr.rel @p2 .LBB2_2-.Ltmp2, $4  }
0x57: {  	[tilespmem:s20+$0x230] =	vst v0  }
0x58: {  	[tilespmem:s20+$0x240] =	vst v0  }
0x59: {  	[tilespmem:s20+$0x250] =	vst v0  }
0x5a: {  	[tilespmem:s20+$0x260] =	vst v0;
	s20 =	sshra.s32 s21, $0x2;
	s21 =	sadd.s32 $0x200, s21  }
0x5b: {  	[tilespmem:s20+$0x270] =	vst v0  }
0x5c: {  	[tilespmem:s20+$0x200] =	vst v0  }
0x5d: {  	[tilespmem:s20+$0x210] =	vst v0  }
0x5e: {  	[tilespmem:s20+$0x220] =	vst v0  }
0x5f: {  	[tilespmem:s20+$0x230] =	vst v0  }
0x60: {  	[tilespmem:s20+$0x240] =	vst v0  }
0x61: {  	[tilespmem:s20+$0x250] =	vst v0  }
0x62: {  	[tilespmem:s20+$0x260] =	vst v0  }
0x63: {  	[spmem:s23] =	stream.linear.scatter [tilespmem:s26], [sflag:$0x3], $0x4000, $0x38;
	[tilespmem:$0x1E100] =	vst v63  }
0x64: {  	_ =	swait.ge [sflag:s28], $0x4000  }
0x65: {  	[sflag:s28] =	ssyncset.done $0x0  }
0x66: {  	s9 =	rddreg [dreg:$0x5];
	[sflag:s28] =	ssyncadd.s32 $0xFFFFC000  }
0x67: {  	[spmem:s9] =	stream.linear.scatter [tilespmem:s26], [sflag:$0x3], $0x4000, $0x38;
	[tilespmem:$0x1E100] =	vst v63  }
0x68: {  	_ =	swait.ge [sflag:s28], $0x4000  }
0x69: {  	[sflag:s28] =	ssyncset.done $0x0  }
0x6a: {  	[sflag:s28] =	ssyncadd.s32 $0xFFFFC000  }
0x6b: {  	[spmem:s11] =	stream.linear.scatter [tilespmem:s26], [sflag:$0x3], $0x4000, $0x38;
	[tilespmem:$0x1E100] =	vst v63  }
0x6c: {  	_ =	swait.ge [sflag:s28], $0x4000  }
0x6d: {  	[sflag:s28] =	ssyncset.done $0x0  }
0x6e: {  	s21 =	rddreg [dreg:$0x6];
	[sflag:s28] =	ssyncadd.s32 $0xFFFFC000  }
0x6f: {  	[spmem:s21] =	stream.linear.scatter [tilespmem:s26], [sflag:$0x3], $0x4000, $0x38;
	[tilespmem:$0x1E100] =	vst v63  }
0x70: {  	_ =	swait.ge [sflag:s28], $0x4000  }
0x71: {  	[sflag:s28] =	ssyncset.done $0x0  }
0x72: {  	[sflag:s28] =	ssyncadd.s32 $0xFFFFC000  }
0x73: {  	[spmem:s13] =	stream.linear.scatter [tilespmem:s26], [sflag:$0x3], $0x4000, $0x38;
	[tilespmem:$0x1E100] =	vst v63  }
0x74: {  	_ =	swait.ge [sflag:s28], $0x4000  }
0x75: {  	[sflag:s28] =	ssyncset.done $0x0  }
0x76: {  	[sflag:s28] =	ssyncadd.s32 $0xFFFFC000  }
0x77: {  	[bflag:$0x0] =	sbarrier.arrive $0xFFFF  }
0x78: {  	s22 =	simm.s32 $0x0;
	s10 =	rddreg [dreg:$0x4]  }
0x79: {  	[tilespmem:s29], [sflag:$0x3] =	stream.linear.gather [hbm4b:s10+s22], $0x2780, $0x38;
	[tilespmem:$0x1E100] =	vst v63  }
0x7a: {  	_ =	swait.ge [sflag:s28], $0x2780  }
0x7b: {  	s12 =	smov.u32 s11;
	[sflag:s28] =	ssyncset.done $0x0  }
0x7c: {  	s20 =	simm.s32 $0x40;
	s9 =	simm.s32 $0x0;
	[sflag:s28] =	ssyncadd.s32 $0xFFFFD880  }
.LBB2_4:
0x7d: {  	p2 =	sne.s32 s20, $0x9C00;
	[tilespmem:s9+$0x1B980] =	vst v0;
	s9 =	smov.u32 s20;
	s20 =	sadd.s32 $0x40, s20  }
.Ltmp3:
0x7e: {  	(pc) =	sbr.rel @p2 .LBB2_4-.Ltmp3, $2  }
0x7f: {  	_ =	sdelay $0x2  }
0x80: {  	s9 =	sshra.s32 s9, $0x2  }
.Ltmp4:
0x81: {  	(pc) =	sbr.rel @p0 .LBB2_9-.Ltmp4, $2  }
0x82: {  	_ =	sdelay $0x2  }
0x83: {  	s11 =	smov.u32 s23;
	[tilespmem:s9+$0x1B980] =	vst v0  }
0x84: {  	[tilespmem:s2], [sflag:$0x3] =	stream.linear.gather [hbm4b:s15+s2], $0x50, $0x38;
	[tilespmem:$0x1E100] =	vst v63  }
0x85: {  	_ =	swait.ge [sflag:s28], $0x50  }
0x86: {  	[sflag:s28] =	ssyncset.done $0x0  }
0x87: {  	[sflag:s28] =	ssyncadd.s32 $0xFFFFFFB0  }
0x88: {  	[tilespmem:s30], [sflag:$0x3] =	stream.linear.gather [hbm4b:s14+s2], $0x50, $0x38;
	[tilespmem:$0x1E100] =	vst v63  }
0x89: {  	_ =	swait.ge [sflag:s28], $0x50  }
0x8a: {  	[sflag:s28] =	ssyncset.done $0x0  }
0x8b: {  	s9 =	sadd.s32 $0xFFFF6500, s15;
	[sflag:s28] =	ssyncadd.s32 $0xFFFFFFB0  }
0x8c: {  	[tilespmem:s26], [sflag:$0x1] =	stream.indirect.gather [hbm4b:s5+s31], $0x80, s2, s31, $0xb8;
	[tilespmem:$0x1E100] =	vst v63  }
0x8d: {  	s20 =	sadd.s32 $0x9BA0, s9  }
0x8e: {  	[tilespmem:s0], [sflag:$0x3] =	stream.linear.gather [hbm4b:s20+s2], $0x50, $0x38;
	[tilespmem:$0x1E100] =	vst v63  }
0x8f: {  	_ =	swait.ge [sflag:s28], $0x50  }
0x90: {  	s22 =	sadd.s32 $0xFFFF6500, s14;
	[sflag:s28] =	ssyncset.done $0x0  }
0x91: {  	s21 =	sadd.s32 $0x9BA0, s22;
	[sflag:s28] =	ssyncadd.s32 $0xFFFFFFB0  }
0x92: {  	[tilespmem:s24], [sflag:$0x3] =	stream.linear.gather [hbm4b:s21+s2], $0x50, $0x38;
	[tilespmem:$0x1E100] =	vst v63  }
0x93: {  	_ =	swait.ge [sflag:s28], $0x50  }
0x94: {  	[sflag:s28] =	ssyncset.done $0x0  }
0x95: {  	[sflag:s28] =	ssyncadd.s32 $0xFFFFFFB0  }
0x96: {  	[tilespmem:s25], [sflag:$0x2] =	stream.indirect.gather [hbm4b:s5+s31], $0x80, s0, s31, $0xb8;
	[tilespmem:$0x1E100] =	vst v63  }
0x97: {  	_ =	swait.ge [sflag:s6], $0x2800  }
0x98: {  	[sflag:s6] =	ssyncset.done $0x0  }
0x99: {  	[sflag:s6] =	ssyncadd.s32 $0xFFFFD800  }
0x9a: {  	[spmem:s1] =	stream.indirect.scatter.add.f32 [tilespmem:s26], [sflag:$0x3], $0x80, s30, s31, $0xb8;
	[tilespmem:$0x1E100] =	vst v63  }
0x9b: {  	_ =	swait.ge [sflag:s28], $0x2800  }
0x9c: {  	[sflag:s28] =	ssyncset.done $0x0  }
0x9d: {  	s9 =	sadd.s32 $0x9C40, s9;
	[sflag:s28] =	ssyncadd.s32 $0xFFFFD800  }
0x9e: {  	[tilespmem:s2], [sflag:$0x3] =	stream.linear.gather [hbm4b:s9+s2], $0x50, $0x38;
	[tilespmem:$0x1E100] =	vst v63  }
0x9f: {  	_ =	swait.ge [sflag:s28], $0x50  }
0xa0: {  	[sflag:s28] =	ssyncset.done $0x0  }
0xa1: {  	s23 =	sadd.s32 $0x9C40, s22;
	[sflag:s28] =	ssyncadd.s32 $0xFFFFFFB0  }
0xa2: {  	[tilespmem:s30], [sflag:$0x3] =	stream.linear.gather [hbm4b:s23+s2], $0x50, $0x38;
	[tilespmem:$0x1E100] =	vst v63  }
0xa3: {  	_ =	swait.ge [sflag:s28], $0x50  }
0xa4: {  	[sflag:s28] =	ssyncset.done $0x0  }
0xa5: {  	[sflag:s28] =	ssyncadd.s32 $0xFFFFFFB0  }
0xa6: {  	[tilespmem:s26], [sflag:$0x1] =	stream.indirect.gather [hbm4b:s5+s31], $0x80, s2, s31, $0xb8;
	[tilespmem:$0x1E100] =	vst v63  }
0xa7: {  	_ =	swait.ge [sflag:s16], $0x2800  }
0xa8: {  	[sflag:s16] =	ssyncset.done $0x0  }
0xa9: {  	[sflag:s16] =	ssyncadd.s32 $0xFFFFD800  }
0xaa: {  	[spmem:s1] =	stream.indirect.scatter.add.f32 [tilespmem:s25], [sflag:$0x3], $0x80, s24, s31, $0xb8;
	[tilespmem:$0x1E100] =	vst v63  }
0xab: {  	s22 =	sadd.s32 $0xFFFF6640, s15;
	_ =	swait.ge [sflag:s28], $0x2800  }
0xac: {  	s20 =	simm.s32 $0xFFFF6640;
	s23 =	simm.s32 $0xFFFF6780;
	[sflag:s28] =	ssyncset.done $0x0  }
.LBB2_7:
0xad: {  	s9 =	sadd.s32 $0x9BA0, s22  }
0xae: {  	[sflag:s28] =	ssyncadd.s32 $0xFFFFD800;
	s10 =	smov.u32 s23;
	s21 =	sadd.s32 $0x140, s23  }
0xaf: {  	[tilespmem:s0], [sflag:$0x3] =	stream.linear.gather [hbm4b:s9+s2], $0x50, $0x38;
	[tilespmem:$0x1E100] =	vst v63  }
0xb0: {  	p2 =	seq.s32 s23, $0xFFFFFEC0;
	_ =	swait.ge [sflag:s28], $0x50  }
0xb1: {  	s9 =	sadd.s32 s20, s14;
	s20 =	smov.u32 s10;
	[sflag:s28] =	ssyncset.done $0x0  }
0xb2: {  	s10 =	sadd.s32 $0x9BA0, s9;
	[sflag:s28] =	ssyncadd.s32 $0xFFFFFFB0  }
0xb3: {  	[tilespmem:s24], [sflag:$0x3] =	stream.linear.gather [hbm4b:s10+s2], $0x50, $0x38;
	[tilespmem:$0x1E100] =	vst v63  }
0xb4: {  	_ =	swait.ge [sflag:s28], $0x50  }
0xb5: {  	[sflag:s28] =	ssyncset.done $0x0  }
0xb6: {  	[sflag:s28] =	ssyncadd.s32 $0xFFFFFFB0  }
0xb7: {  	[tilespmem:s25], [sflag:$0x2] =	stream.indirect.gather [hbm4b:s5+s31], $0x80, s0, s31, $0xb8;
	[tilespmem:$0x1E100] =	vst v63  }
0xb8: {  	_ =	swait.ge [sflag:s6], $0x2800  }
0xb9: {  	[sflag:s6] =	ssyncset.done $0x0  }
0xba: {  	[sflag:s6] =	ssyncadd.s32 $0xFFFFD800  }
0xbb: {  	[spmem:s1] =	stream.indirect.scatter.add.f32 [tilespmem:s26], [sflag:$0x3], $0x80, s30, s31, $0xb8;
	[tilespmem:$0x1E100] =	vst v63  }
0xbc: {  	_ =	swait.ge [sflag:s28], $0x2800  }
0xbd: {  	[sflag:s28] =	ssyncset.done $0x0  }
0xbe: {  	s10 =	sadd.s32 $0x9C40, s22;
	[sflag:s28] =	ssyncadd.s32 $0xFFFFD800  }
0xbf: {  	[tilespmem:s2], [sflag:$0x3] =	stream.linear.gather [hbm4b:s10+s2], $0x50, $0x38;
	[tilespmem:$0x1E100] =	vst v63  }
0xc0: {  	_ =	swait.ge [sflag:s28], $0x50  }
0xc1: {  	[sflag:s28] =	ssyncset.done $0x0  }
0xc2: {  	s9 =	sadd.s32 $0x9C40, s9;
	[sflag:s28] =	ssyncadd.s32 $0xFFFFFFB0  }
0xc3: {  	[tilespmem:s30], [sflag:$0x3] =	stream.linear.gather [hbm4b:s9+s2], $0x50, $0x38;
	[tilespmem:$0x1E100] =	vst v63  }
0xc4: {  	_ =	swait.ge [sflag:s28], $0x50  }
0xc5: {  	[sflag:s28] =	ssyncset.done $0x0  }
0xc6: {  	[sflag:s28] =	ssyncadd.s32 $0xFFFFFFB0  }
0xc7: {  	[tilespmem:s26], [sflag:$0x1] =	stream.indirect.gather [hbm4b:s5+s31], $0x80, s2, s31, $0xb8;
	[tilespmem:$0x1E100] =	vst v63  }
0xc8: {  	_ =	swait.ge [sflag:s16], $0x2800  }
.Ltmp5:
0xc9: {  	[sflag:s16] =	ssyncset.done $0x0;
	(pc) =	sbr.rel @!p2 .LBB2_7-.Ltmp5, $4  }
0xca: {  	[sflag:s16] =	ssyncadd.s32 $0xFFFFD800  }
0xcb: {  	[spmem:s1] =	stream.indirect.scatter.add.f32 [tilespmem:s25], [sflag:$0x3], $0x80, s24, s31, $0xb8;
	[tilespmem:$0x1E100] =	vst v63  }
0xcc: {  	_ =	swait.ge [sflag:s28], $0x2800  }
0xcd: {  	s23 =	smov.u32 s21;
	s22 =	sadd.s32 s20, s15;
	[sflag:s28] =	ssyncset.done $0x0  }
0xce: {  	s9 =	sadd.s32 $0x9BA0, s22;
	[sflag:s28] =	ssyncadd.s32 $0xFFFFD800  }
0xcf: {  	[tilespmem:s0], [sflag:$0x3] =	stream.linear.gather [hbm4b:s9+s2], $0x50, $0x38;
	[tilespmem:$0x1E100] =	vst v63  }
0xd0: {  	_ =	swait.ge [sflag:s28], $0x50  }
0xd1: {  	s20 =	sadd.s32 s20, s14;
	[sflag:s28] =	ssyncset.done $0x0  }
0xd2: {  	s10 =	sadd.s32 $0x9BA0, s20;
	[sflag:s28] =	ssyncadd.s32 $0xFFFFFFB0  }
0xd3: {  	[tilespmem:s24], [sflag:$0x3] =	stream.linear.gather [hbm4b:s10+s2], $0x50, $0x38;
	[tilespmem:$0x1E100] =	vst v63  }
0xd4: {  	_ =	swait.ge [sflag:s28], $0x50  }
0xd5: {  	[sflag:s28] =	ssyncset.done $0x0  }
0xd6: {  	[sflag:s28] =	ssyncadd.s32 $0xFFFFFFB0  }
0xd7: {  	[tilespmem:s25], [sflag:$0x2] =	stream.indirect.gather [hbm4b:s5+s31], $0x80, s0, s31, $0xb8;
	[tilespmem:$0x1E100] =	vst v63  }
0xd8: {  	_ =	swait.ge [sflag:s6], $0x2800  }
0xd9: {  	[sflag:s6] =	ssyncset.done $0x0  }
0xda: {  	[sflag:s6] =	ssyncadd.s32 $0xFFFFD800  }
0xdb: {  	[spmem:s1] =	stream.indirect.scatter.add.f32 [tilespmem:s26], [sflag:$0x3], $0x80, s30, s31, $0xb8;
	[tilespmem:$0x1E100] =	vst v63  }
0xdc: {  	_ =	swait.ge [sflag:s28], $0x2800  }
0xdd: {  	[sflag:s28] =	ssyncset.done $0x0  }
0xde: {  	s21 =	sadd.s32 $0x9C40, s22;
	[sflag:s28] =	ssyncadd.s32 $0xFFFFD800  }
0xdf: {  	[tilespmem:s2], [sflag:$0x3] =	stream.linear.gather [hbm4b:s21+s2], $0x50, $0x38;
	[tilespmem:$0x1E100] =	vst v63  }
0xe0: {  	_ =	swait.ge [sflag:s28], $0x50  }
0xe1: {  	[sflag:s28] =	ssyncset.done $0x0  }
0xe2: {  	s9 =	sadd.s32 $0x9C40, s20;
	[sflag:s28] =	ssyncadd.s32 $0xFFFFFFB0  }
0xe3: {  	[tilespmem:s30], [sflag:$0x3] =	stream.linear.gather [hbm4b:s9+s2], $0x50, $0x38;
	[tilespmem:$0x1E100] =	vst v63  }
0xe4: {  	_ =	swait.ge [sflag:s28], $0x50  }
0xe5: {  	[sflag:s28] =	ssyncset.done $0x0  }
0xe6: {  	[sflag:s28] =	ssyncadd.s32 $0xFFFFFFB0  }
0xe7: {  	[tilespmem:s26], [sflag:$0x1] =	stream.indirect.gather [hbm4b:s5+s31], $0x80, s2, s31, $0xb8;
	[tilespmem:$0x1E100] =	vst v63  }
0xe8: {  	_ =	swait.ge [sflag:s16], $0x2800  }
0xe9: {  	[sflag:s16] =	ssyncset.done $0x0  }
0xea: {  	[sflag:s16] =	ssyncadd.s32 $0xFFFFD800  }
0xeb: {  	[spmem:s1] =	stream.indirect.scatter.add.f32 [tilespmem:s25], [sflag:$0x3], $0x80, s24, s31, $0xb8;
	[tilespmem:$0x1E100] =	vst v63  }
0xec: {  	_ =	swait.ge [sflag:s28], $0x2800  }
0xed: {  	[sflag:s28] =	ssyncset.done $0x0  }
0xee: {  	s22 =	rddreg [dreg:$0xe];
	[sflag:s28] =	ssyncadd.s32 $0xFFFFD800  }
0xef: {  	[tilespmem:s0], [sflag:$0x3] =	stream.linear.gather [hbm4b:s22+s2], $0x50, $0x38;
	[tilespmem:$0x1E100] =	vst v63  }
0xf0: {  	_ =	swait.ge [sflag:s28], $0x50  }
0xf1: {  	[sflag:s28] =	ssyncset.done $0x0  }
0xf2: {  	s23 =	rddreg [dreg:$0xf];
	[sflag:s28] =	ssyncadd.s32 $0xFFFFFFB0  }
0xf3: {  	[tilespmem:s24], [sflag:$0x3] =	stream.linear.gather [hbm4b:s23+s2], $0x50, $0x38;
	[tilespmem:$0x1E100] =	vst v63  }
0xf4: {  	_ =	swait.ge [sflag:s28], $0x50  }
0xf5: {  	[sflag:s28] =	ssyncset.done $0x0  }
0xf6: {  	[sflag:s28] =	ssyncadd.s32 $0xFFFFFFB0  }
0xf7: {  	[tilespmem:s25], [sflag:$0x2] =	stream.indirect.gather [hbm4b:s5+s31], $0x80, s0, s31, $0xb8;
	[tilespmem:$0x1E100] =	vst v63  }
0xf8: {  	_ =	swait.ge [sflag:s6], $0x2800  }
0xf9: {  	[sflag:s6] =	ssyncset.done $0x0  }
0xfa: {  	[sflag:s6] =	ssyncadd.s32 $0xFFFFD800  }
0xfb: {  	[spmem:s1] =	stream.indirect.scatter.add.f32 [tilespmem:s26], [sflag:$0x3], $0x80, s30, s31, $0xb8;
	[tilespmem:$0x1E100] =	vst v63  }
0xfc: {  	_ =	swait.ge [sflag:s28], $0x2800  }
0xfd: {  	[sflag:s28] =	ssyncset.done $0x0  }
0xfe: {  	[sflag:s28] =	ssyncadd.s32 $0xFFFFD800  }
0xff: {  	_ =	swait.ge [sflag:s16], $0x2800  }
0x100: {  	[sflag:s16] =	ssyncset.done $0x0  }
.Ltmp6:
0x101: {  	[sflag:s16] =	ssyncadd.s32 $0xFFFFD800;
	(pc) =	sbr.rel .LBB2_19-.Ltmp6, $4  }
0x102: {  	[spmem:s1] =	stream.indirect.scatter.add.f32 [tilespmem:s25], [sflag:$0x3], $0x80, s24, s31, $0xb8;
	[tilespmem:$0x1E100] =	vst v63  }
0x103: {  	_ =	swait.ge [sflag:s28], $0x2800  }
0x104: {  	[sflag:s28] =	ssyncset.done $0x0  }
0x105: {  	[sflag:s28] =	ssyncadd.s32 $0xFFFFD800  }
.LBB2_9:
0x106: {  	s20 =	simm.s32 $0x0  }
0x107: {  	[tilespmem:s20], [sflag:$0x3] =	stream.linear.gather [hbm4b:s14+s20], $0x50, $0x38;
	[tilespmem:$0x1E100] =	vst v63  }
0x108: {  	_ =	swait.ge [sflag:s28], $0x50  }
0x109: {  	[sflag:s28] =	ssyncset.done $0x0  }
0x10a: {  	[sflag:s28] =	ssyncadd.s32 $0xFFFFFFB0  }
0x10b: {  	[tilespmem:s30], [sflag:$0x3] =	stream.linear.gather [hbm4b:s15+s20], $0x50, $0x38;
	[tilespmem:$0x1E100] =	vst v63  }
0x10c: {  	_ =	swait.ge [sflag:s28], $0x50  }
0x10d: {  	[sflag:s28] =	ssyncset.done $0x0  }
0x10e: {  	s21 =	simm.s32 $0x0;
	[sflag:s28] =	ssyncadd.s32 $0xFFFFFFB0  }
0x10f: {  	[tilespmem:s26], [sflag:$0x1] =	stream.indirect.gather [hbm4b:s4+s31], $0x80, s20, s31, $0xb8;
	[tilespmem:$0x1E100] =	vst v63  }
.LBB2_10:
0x110: {  	s22 =	sshll.u32 s21, $0x5  }
0x111: {  	s9 =	sor.u32 s22, s3  }
0x112: {  	s9 =	smul.u32 $0xA, s9;
	_ =	sdelay $0x1  }
0x113: {  	s9 =	sadd.s32 $0xA0, s9  }
0x114: {  	s10 =	sadd.s32 s8, s9  }
0x115: {  	[tilespmem:s0], [sflag:$0x3] =	stream.linear.gather [hbm4b:s10+s20], $0x50, $0x38;
	[tilespmem:$0x1E100] =	vst v63  }
0x116: {  	_ =	swait.ge [sflag:s28], $0x50  }
0x117: {  	[sflag:s28] =	ssyncset.done $0x0  }
0x118: {  	s9 =	sadd.s32 s7, s9;
	[sflag:s28] =	ssyncadd.s32 $0xFFFFFFB0  }
0x119: {  	[tilespmem:s24], [sflag:$0x3] =	stream.linear.gather [hbm4b:s9+s20], $0x50, $0x38;
	[tilespmem:$0x1E100] =	vst v63  }
0x11a: {  	_ =	swait.ge [sflag:s28], $0x50  }
0x11b: {  	[sflag:s28] =	ssyncset.done $0x0  }
0x11c: {  	[sflag:s28] =	ssyncadd.s32 $0xFFFFFFB0  }
0x11d: {  	[tilespmem:s25], [sflag:$0x2] =	stream.indirect.gather [hbm4b:s4+s31], $0x80, s0, s31, $0xb8;
	[tilespmem:$0x1E100] =	vst v63  }
0x11e: {  	_ =	swait.ge [sflag:s6], $0x2800  }
0x11f: {  	[sflag:s6] =	ssyncset.done $0x0  }
0x120: {  	[sflag:s6] =	ssyncadd.s32 $0xFFFFD800  }
0x121: {  	[spmem:s1] =	stream.indirect.scatter.add.f32 [tilespmem:s26], [sflag:$0x3], $0x80, s30, s31, $0xb8;
	[tilespmem:$0x1E100] =	vst v63  }
0x122: {  	_ =	swait.ge [sflag:s28], $0x2800  }
0x123: {  	[sflag:s28] =	ssyncset.done $0x0  }
0x124: {  	s23 =	simm.s32 $0x0;
	[sflag:s28] =	ssyncadd.s32 $0xFFFFD800  }
.LBB2_11:
0x125: {  	s9 =	sshll.u32 s23, $0x4  }
0x126: {  	v3 =	vld [tilespmem:s9+$0x0];
	_ =	sdelay $0x5  }
0x127: {  	s10 =	simm.s32 $0x0;
	v2 =	vld [tilespmem:s9+$0x100]  }
0x128: {  	v4 =	vmov s10  }
0x129: {  	s9 =	simm.s32 $0x1;
	vm0 =	veq.s32 v4, v1;
	v3 =	vld.idx.msk [tilespmem:v3+s29+$0x0], $0xffff  }
.LBB2_12:
0x12a: {  	p2 =	sne.s32 s9, $0xF  }
.Ltmp7:
0x12b: {  	_ = 	snop;
	(pc) =	sbr.rel @p2 .LBB2_12-.Ltmp7, $3  }
0x12c: {  	_ =	sdelay $0x1  }
0x12d: {  	v4 =	vmov s9;
	s9 =	sadd.s32 $0x1, s9  }
0x12e: {  	[tilespmem:v2+s18+$0x0] =	vst.idx.add.f32.msk vm0, v3;
	vm0 =	veq.s32 v4, v1  }
0x12f: {  	s23 =	sadd.s32 $0x1, s23  }
0x130: {  	p2 =	sne.s32 s23, $0x5  }
.Ltmp8:
0x131: {  	_ = 	snop;
	(pc) =	sbr.rel @p2 .LBB2_11-.Ltmp8, $2  }
0x132: {  	_ =	sdelay $0x2  }
0x133: {  	[tilespmem:v2+s18+$0x0] =	vst.idx.add.f32.msk vm0, v3  }
0x134: {  	p2 =	seq.s32 s21, $0x7C  }
0x135: {  	s9 =	sadd.s32 @!p2 s17, s22  }
0x136: {  	s9 =	smul.u32 @!p2 $0xA, s9;
	_ =	sdelay $0x1  }
0x137: {  	s22 =	simm.s32 @!p2 $0x0;
	s10 =	sadd.s32 @!p2 s8, s9  }
0x138: {  	[tilespmem:s22], [sflag:$0x3] =	stream.linear.gather @!p2 [hbm4b:s10+s22], $0x50, $0x38;
	[tilespmem:$0x1E100] =	vst v63  }
0x139: {  	s10 =	simm.s32 @!p2 $0x3  }
0x13a: {  	_ =	swait.ge @!p2 [sflag:s10], $0x50  }
0x13b: {  	[sflag:s10] =	ssyncset.done @!p2 $0x0  }
0x13c: {  	s23 =	simm.s32 @!p2 $0x100;
	s9 =	sadd.s32 @!p2 s7, s9;
	[sflag:s10] =	ssyncadd.s32 @!p2 $0xFFFFFFB0  }
0x13d: {  	[tilespmem:s23], [sflag:$0x3] =	stream.linear.gather @!p2 [hbm4b:s9+s22], $0x50, $0x38;
	[tilespmem:$0x1E100] =	vst v63  }
0x13e: {  	_ =	swait.ge @!p2 [sflag:s10], $0x50  }
0x13f: {  	[sflag:s10] =	ssyncset.done @!p2 $0x0  }
0x140: {  	s9 =	simm.s32 @!p2 $0x50;
	[sflag:s10] =	ssyncadd.s32 @!p2 $0xFFFFFFB0;
	s10 =	simm.s32 @!p2 $0x200  }
0x141: {  	[tilespmem:s10], [sflag:$0x1] =	stream.indirect.gather @!p2 [hbm4b:s4+s9], $0x80, s22, s9, $0xb8;
	[tilespmem:$0x1E100] =	vst v63  }
0x142: {  	_ =	swait.ge [sflag:s16], $0x2800  }
0x143: {  	[sflag:s16] =	ssyncset.done $0x0  }
0x144: {  	[sflag:s16] =	ssyncadd.s32 $0xFFFFD800  }
0x145: {  	[spmem:s1] =	stream.indirect.scatter.add.f32 [tilespmem:s25], [sflag:$0x3], $0x80, s24, s31, $0xb8;
	[tilespmem:$0x1E100] =	vst v63  }
0x146: {  	_ =	swait.ge [sflag:s28], $0x2800  }
0x147: {  	[sflag:s28] =	ssyncset.done $0x0  }
0x148: {  	s23 =	simm.s32 $0x0;
	s22 =	simm.s32 $0x0;
	[sflag:s28] =	ssyncadd.s32 $0xFFFFD800  }
.LBB2_15:
0x149: {  	s9 =	sshll.u32 s23, $0x4  }
0x14a: {  	v3 =	vld [tilespmem:s9+$0x80];
	_ =	sdelay $0x5  }
0x14b: {  	v2 =	vld [tilespmem:s9+$0x180]  }
0x14c: {  	v4 =	vmov s22  }
0x14d: {  	s9 =	simm.s32 $0x1;
	vm0 =	veq.s32 v4, v1;
	v3 =	vld.idx.msk [tilespmem:v3+s29+$0x0], $0xffff  }
.LBB2_16:
0x14e: {  	p2 =	sne.s32 s9, $0xF  }
.Ltmp9:
0x14f: {  	_ = 	snop;
	(pc) =	sbr.rel @p2 .LBB2_16-.Ltmp9, $3  }
0x150: {  	_ =	sdelay $0x1  }
0x151: {  	v4 =	vmov s9;
	s9 =	sadd.s32 $0x1, s9  }
0x152: {  	[tilespmem:v2+s18+$0x0] =	vst.idx.add.f32.msk vm0, v3;
	vm0 =	veq.s32 v4, v1  }
0x153: {  	s23 =	sadd.s32 $0x1, s23  }
0x154: {  	p2 =	sne.s32 s23, $0x5  }
.Ltmp10:
0x155: {  	_ = 	snop;
	(pc) =	sbr.rel @p2 .LBB2_15-.Ltmp10, $2  }
0x156: {  	_ =	sdelay $0x2  }
0x157: {  	[tilespmem:v2+s18+$0x0] =	vst.idx.add.f32.msk vm0, v3  }
0x158: {  	s21 =	sadd.s32 $0x1, s21  }
0x159: {  	p2 =	seq.s32 s21, $0x7D  }
.Ltmp11:
0x15a: {  	_ = 	snop;
	(pc) =	sbr.rel @!p2 .LBB2_10-.Ltmp11, $4  }
.Ltmp12:
0x15b: {  	_ = 	snop;
	(pc) =	sbr.rel @p2 .LBB2_19-.Ltmp12, $4  }
0x15c: {  	_ = 	snop  }
0x15d: {  	_ = 	snop  }
0x15e: {  	_ = 	snop  }
0x15f: {  	_ = 	snop  }
.LBB2_20:
0x160: {  	_ =	sfence.sel $0x180000  }
0x161: {  	[bflag:$0x0] =	sbarrier.arrive $0xFFFF  }
0x162: {  	_ =	strace $0x90000050  }
0x163: {  	[bflag:$0x2] =	sbarrier.arrive $0xFFFF  }
0x164: {  	p0 =	sne.s32 s3, $0x0;
	s0 =	rddreg [dreg:$0x3]  }
0x165: {  	s0 =	sadd.s32 @!p0 $0x100000, s0  }
0x166: {  	[sflag:s0] =	ssyncadd.tile.s32 @!p0 $0x1;
	_ =	shalt  }
.Lfunc_end2:
_tile_overlayer_lowered:
.L_overlay_start_2:
0x167: {  	(tag) =	ssettag $0x2  }
0x168: {  	s0 =	rddreg [dreg:$0x0];
	s2 =	stileid.u32  }
0x169: {  	s1 =	rddreg [dreg:$0x1];
	p0 =	sne.s32 s2, $0x0  }
0x16a: {  	s3 =	rddreg [dreg:$0x2];
	[bflag:$0x3] =	sbarrier.arrive $0xFFFF;
	s2 =	simm.s32 @!p0 $0x1C03  }
0x16b: {  	[timem:s3], [sflag:s2] =	dma.local @!p0 [hbm:s0], s1  }
0x16c: {  	s0 =	simm.s32 @!p0 $0x3  }
0x16d: {  	_ =	swait.ge @!p0 [sflag:s0], s1  }
0x16e: {  	s1 =	ssub.s32 @!p0 $0x0, s1;
	[sflag:s0] =	ssyncset.done @!p0 $0x0  }
0x16f: {  	[sflag:s0] =	ssyncadd.s32 @!p0 s1  }
0x170: {  	[bflag:$0x3] =	sbarrier.arrive $0xFFFF  }
0x171: {  	_ =	shalt  }

// kernel: scatter_offload_async_start.1
scs
__scs_entry_jumppad:
0x0: {  	(pc) =	sbr.rel $0x88, $3  }
0x1: {  	(tag) =	ssettag $0x0;
	lr =	simm.s32 $0x1  }
0x2: {  	[smem:$0x3F98] =	sst lr;
	_ =	strace $0xD0000000  }
0x3: {  	_ = 	snop  }
0x4: {  	_ = 	snop  }
0x5: {  	_ = 	snop  }
0x6: {  	_ = 	snop  }
0x7: {  	_ = 	snop  }
__scs_overlays_trampoline_lowered:
0x8: {  	[smem:$0x3FA7] =	sst s0  }
0x9: {  	[smem:$0x3FA8] =	sst s1  }
0xa: {  	[smem:$0x3FA9] =	sst s2  }
0xb: {  	[smem:$0x3FAA] =	sst s3  }
0xc: {  	[smem:$0x3FAB] =	sst s4  }
0xd: {  	[smem:$0x3FAC] =	sst s5  }
0xe: {  	[smem:$0x3FAD] =	sst s6  }
0xf: {  	[smem:$0x3FAE] =	sst s7  }
0x10: {  	[smem:$0x3FAF] =	sst s8  }
0x11: {  	[smem:$0x3FB0] =	sst s9;
	s0 =	simm.s32 @!p0 $0x0  }
0x12: {  	s1 =	sld [smem:$0x3F96];
	s0 =	simm.s32 @p0 $0x1  }
0x13: {  	[smem:$0x3FB1] =	sst s0;
	s0 =	simm.s32 @!p1 $0x0  }
0x14: {  	s2 =	sld [smem:$0x3F95];
	s0 =	simm.s32 @p1 $0x1  }
0x15: {  	[smem:$0x3FB2] =	sst s0;
	s0 =	simm.s32 @!p2 $0x0  }
0x16: {  	s3 =	sld [smem:$0x3FDB];
	s0 =	simm.s32 @p2 $0x1  }
0x17: {  	s4 =	simm.s32 $0x1BF5;
	[smem:$0x3FB4] =	sst s0  }
0x18: {  	s0 =	sld [smem:$0x3F97];
	_ =	swait.ge [sflag:s4], $0x0  }
0x19: {  	s7 =	sld [smem:$0x3F98]  }
0x1a: {  	s8 =	sadd.s32 $0xFFFFE003, lr  }
0x1b: {  	s9 =	sadd.s32 $0xFFFFFEF7, lr;
	s5 =	simm.s32 $0xFFFFFFFF;
	p2 =	slt.u32 s8, $0xFFFFF086  }
0x1c: {  	p1 =	slt.u32 s9, $0xF7A;
	s5 =	simm.s32 @!p2 $0x0  }
0x1d: {  	s5 =	simm.s32 @p1 $0x1;
	p0 =	seq.s32 s7, s2  }
0x1e: {  	s7 =	smul.u32 @!p0 $0xF7A, s2;
	p2 =	seq.s32 @!p0 s5, $0x0  }
0x1f: {  	s9 =	smul.u32 $0xF7A, s1;
	s8 =	simm.s32 @!p0 $0x1BF5;
	p2 =	por !p2, p0  }
0x20: {  	[sflag:s8] =	ssyncset.s32 @!p0 $0xFFFFF086;
	s6 =	sadd.s32 @!p0 s3, s7;
	s7 =	simm.s32 @!p0 $0x108  }
0x21: {  	s3 =	sadd.s32 s3, s9;
	s6 =	sadd.s32 @!p0 $0x88, s6;
	s7 =	simm.s32 @p2 $0x1082  }
0x22: {  	[simem:s7], [sflag:s8] =	dma.local @!p0 [hbm:s6], $0xF7A  }
0x23: {  	s9 =	sor.u32 $0xD0000000, s2;
	s6 =	simm.s32 $0x108;
	_ =	swait.ge @!p0 [sflag:s8], $0x0  }
0x24: {  	s3 =	sadd.s32 $0x88, s3;
	s6 =	simm.s32 @!p1 $0x1082;
	[sflag:s4] =	ssyncset.s32 $0xFFFFF086  }
0x25: {  	[simem:s6], [sflag:s4] =	dma.local [hbm:s3], $0xF7A  }
0x26: {  	[smem:$0x3F98] =	sst s1;
	(tag) =	ssettag s2;
	_ =	strace s9  }
0x27: {  	s1 =	sld [smem:$0x3FA8]  }
0x28: {  	s2 =	sld [smem:$0x3FA9]  }
0x29: {  	s4 =	sld [smem:$0x3FAB]  }
0x2a: {  	p0 =	seq.s32 s5, $0x0;
	s5 =	sld [smem:$0x3FAC]  }
0x2b: {  	s6 =	sld [smem:$0x3FAD]  }
0x2c: {  	s7 =	sld [smem:$0x3FAE]  }
0x2d: {  	s3 =	simm.s32 $0x108;
	s8 =	sld [smem:$0x3FAF]  }
0x2e: {  	s3 =	simm.s32 @!p0 $0x1082;
	s9 =	sld [smem:$0x3FB0]  }
0x2f: {  	lr =	sadd.s32 s0, s3;
	s0 =	sld [smem:$0x3FA7]  }
0x30: {  	s3 =	sld [smem:$0x3FAA]  }
0x31: {  	[smem:$0x3FB3] =	sst s10  }
0x32: {  	s10 =	sld [smem:$0x3FB1];
	_ =	sdelay $0x3  }
0x33: {  	p0 =	seq.s32 s10, $0x1;
	s10 =	sld [smem:$0x3FB3];
	_ =	sdelay $0x3  }
0x34: {  	[smem:$0x3FB3] =	sst s10  }
0x35: {  	s10 =	sld [smem:$0x3FB2];
	_ =	sdelay $0x3  }
0x36: {  	p1 =	seq.s32 s10, $0x1;
	s10 =	sld [smem:$0x3FB3];
	_ =	sdelay $0x3  }
0x37: {  	[smem:$0x3FB3] =	sst s10  }
0x38: {  	s10 =	sld [smem:$0x3FB4]  }
0x39: {  	_ = 	snop;
	(pc) =	sbr.ind lr, $3  }
0x3a: {  	_ = 	snop  }
0x3b: {  	_ = 	snop  }
0x3c: {  	p2 =	seq.s32 s10, $0x1;
	s10 =	sld [smem:$0x3FB3]  }
0x3d: {  	_ =	shalt  }
0x3e: {  	_ =	shalt  }
0x3f: {  	_ =	shalt  }
0x40: {  	_ =	shalt  }
0x41: {  	_ =	shalt  }
0x42: {  	_ =	shalt  }
0x43: {  	_ =	shalt  }
0x44: {  	_ =	shalt  }
0x45: {  	_ =	shalt  }
0x46: {  	_ =	shalt  }
0x47: {  	_ =	shalt  }
0x48: {  	_ =	shalt  }
0x49: {  	_ =	shalt  }
0x4a: {  	_ =	shalt  }
0x4b: {  	_ =	shalt  }
0x4c: {  	_ =	shalt  }
0x4d: {  	_ =	shalt  }
0x4e: {  	_ =	shalt  }
0x4f: {  	_ =	shalt  }
0x50: {  	_ =	shalt  }
0x51: {  	_ =	shalt  }
0x52: {  	_ =	shalt  }
0x53: {  	_ =	shalt  }
0x54: {  	_ =	shalt  }
0x55: {  	_ =	shalt  }
0x56: {  	_ =	shalt  }
0x57: {  	_ =	shalt  }
0x58: {  	_ =	shalt  }
0x59: {  	_ =	shalt  }
0x5a: {  	_ =	shalt  }
0x5b: {  	_ =	shalt  }
0x5c: {  	_ =	shalt  }
0x5d: {  	_ =	shalt  }
0x5e: {  	_ =	shalt  }
0x5f: {  	_ =	shalt  }
0x60: {  	_ =	shalt  }
0x61: {  	_ =	shalt  }
0x62: {  	_ =	shalt  }
0x63: {  	_ =	shalt  }
0x64: {  	_ =	shalt  }
0x65: {  	_ =	shalt  }
0x66: {  	_ =	shalt  }
0x67: {  	_ =	shalt  }
0x68: {  	_ =	shalt  }
0x69: {  	_ =	shalt  }
0x6a: {  	_ =	shalt  }
0x6b: {  	_ =	shalt  }
0x6c: {  	_ =	shalt  }
0x6d: {  	_ =	shalt  }
0x6e: {  	_ =	shalt  }
0x6f: {  	_ =	shalt  }
0x70: {  	_ =	shalt  }
0x71: {  	_ =	shalt  }
0x72: {  	_ =	shalt  }
0x73: {  	_ =	shalt  }
0x74: {  	_ =	shalt  }
0x75: {  	_ =	shalt  }
0x76: {  	_ =	shalt  }
0x77: {  	_ =	shalt  }
0x78: {  	_ =	shalt  }
0x79: {  	_ =	shalt  }
0x7a: {  	_ =	shalt  }
0x7b: {  	_ =	shalt  }
0x7c: {  	_ =	shalt  }
0x7d: {  	_ =	shalt  }
0x7e: {  	_ =	shalt  }
0x7f: {  	_ =	shalt  }
0x80: {  	_ =	shalt  }
0x81: {  	_ =	shalt  }
0x82: {  	_ =	shalt  }
0x83: {  	_ =	shalt  }
0x84: {  	_ =	shalt  }
0x85: {  	_ =	shalt  }
0x86: {  	_ =	shalt  }
0x87: {  	_ =	shalt  }
.Lfunc_end0:
.L_simem_size_0:
called_computation.1_lowered:
.L_overlay_start_0:
0x88: {  	s0 =	sld [smem:$0x3FD9]  }
0x89: {  	s1 =	sld [smem:$0x3FFE];
	_ =	sdelay $0x3  }
0x8a: {  	s0 =	sadd.s32 s1, s0  }
0x8b: {  	[smem:$0x3FBF] =	sst s0  }
0x8c: {  	_ = 	snop  }
0x8d: {  	(tm) =	ssettm $0x1  }
0x8e: {  	s15 =	sld [smem:$0x3FFB];
	_ =	sdelay $0x3  }
0x8f: {  	_ =	strace s15  }
0x90: {  	s0 =	sld [smem:$0x3FFC];
	_ =	sdelay $0x3  }
0x91: {  	_ =	strace s0  }
0x92: {  	s0 =	sld [smem:$0x3FFD];
	_ =	sdelay $0x3  }
0x93: {  	_ =	strace s0  }
0x94: {  	_ =	strace $0x8FFFFFFF  }
0x95: {  	s16 =	sld [smem:$0x3FDB];
	_ =	sdelay $0x1  }
0x96: {  	s17 =	simm.s32 $_scs_section_size  }
0x97: {  	s2 =	simm.s32 $_size__tile_overlayer_lowered;
	s3 =	simm.s32 $_tile_overlayer_lowered  }
0x98: {  	s20 =	simm.s32 $0x1BFF;
	s19 =	sshll.u32 s3, $0x1;
	s0 =	sadd.s32 s17, s16  }
0x99: {  	s4 =	simm.s32 $0x0;
	s18 =	sshll.u32 s2, $0x1;
	s2 =	sadd.s32 s19, s0  }
0x9a: {  	[timem:s4], [sflag:s20] =	dma.local [hbm:s2], s18  }
0x9b: {  	_ =	swait.ge [sflag:s20], s18  }
0x9c: {  	s1 =	ssub.s32 $0x0, s18;
	[sflag:s20] =	ssyncset.done $0x0  }
0x9d: {  	[sflag:s20] =	ssyncadd.s32 s1;
	_ =	sdelay $0x1  }
0x9e: {  	s21 =	simm.s32 $0x1B8B  }
0x9f: {  	_ =	swait.ge [sflag:s21], $0x1  }
0xa0: {  	[sflag:s21] =	ssyncset.done $0x0  }
0xa1: {  	s23 =	simm.s32 $0x1B8E;
	s22 =	sld [smem:$0x3FFE];
	[sflag:s21] =	ssyncadd.s32 $0xFFFFFFFF  }
0xa2: {  	s24 =	simm.s32 $execute0_lowered;
	[smem:$0x3FD2] =	sst s23  }
0xa3: {  	s2 =	sshll.u32 s24, $0x1;
	_ =	strace $0x80000049;
	[dreg:$0x1] =	wrdreg $0xFFFFFFFF  }
0xa4: {  	s25 =	simm.s32 $_size_execute0_lowered;
	s0 =	sadd.s32 s0, s2;
	[dreg:$0x0] =	wrdreg $0x0  }
0xa5: {  	s2 =	sshll.u32 s25, $0x1;
	[dreg:$0x2] =	wrdreg s0  }
0xa6: {  	[dreg:$0x3] =	wrdreg s2  }
0xa7: {  	[dreg:$0x4] =	wrdreg $0xC0  }
0xa8: {  	_ =	task [dreg:s4], $0x5FFFF  }
0xa9: {  	[dreg:$0x1] =	wrdreg $0xFFFFFFFF  }
0xaa: {  	[dreg:$0x0] =	wrdreg $0x60  }
0xab: {  	[dreg:$0x2] =	wrdreg s22  }
0xac: {  	[dreg:$0x3] =	wrdreg $0x9  }
0xad: {  	_ =	task.clear_ibuf [dreg:s4], $0x4FFFF;
	_ =	strace $0x90000049  }
0xae: {  	s26 =	simm.s32 $0x9;
	_ =	strace $0x8000004B  }
0xaf: {  	_ =	swait.ge [sflag:s26], $0x1  }
0xb0: {  	[sflag:s26] =	ssyncadd.s32 $0xFFFFFFFF  }
0xb1: {  	_ =	strace $0x9000004B  }
0xb2: {  	_ =	sfence  }
0xb3: {  	s28 =	sld [smem:$0x0];
	_ =	sdelay $0x1  }
0xb4: {  	s29 =	srdreg.scid  }
0xb5: {  	s30 =	sshll.u32 s29, $0xD;
	s31 =	sshrl.u32 s29, $0x2  }
0xb6: {  	s1 =	sand.u32 $0x1, s29;
	s2 =	sand.u32 $0x4000, s30;
	s0 =	sadd.s32 s31, s28  }
0xb7: {  	s1 =	sor.u32 s2, s1;
	s0 =	sshll.u32 s0, $0x11  }
0xb8: {  	s0 =	sor.u32 s0, s1  }
0xb9: {  	s0 =	sadd.s32 $0x8F2B, s0  }
0xba: {  	[sflag:s0] =	ssyncadd.remote.s32 $0x1  }
0xbb: {  	_ =	sfence.sel $0xFFFF  }
0xbc: {  	[dreg:$0x0] =	wrdreg $0xFFFFFFFF;
	(pc) =	sbr.abs _section_cstart, $3  }
0xbd: {  	[dreg:$0x1] =	wrdreg $0xFFFFFFFF  }
0xbe: {  	_ =	task.clear_ibuf [dreg:s4], $0x2FFFF;
	_ =	strace $0x9FFFFFFF  }
0xbf: {  	(tm) =	ssettm $0x7FFFFFFF  }
tec
execute0_lowered:
.L_overlay_start_1:
0x0: {  	(tag) =	ssettag $0x1  }
0x1: {  	s0 =	rddreg [dreg:$0x0];
	_ =	strace $0x8000004A;
	s15 =	stileid.u32  }
0x2: {  	s2 =	simm.s32 $0x1;
	s1 =	smin.u32 s15, $0x8;
	s3 =	sshll.u32 s15, $0x1  }
0x3: {  	v1 =	vimm.s32 $0xFFFFFFFF;
	[sflag:s2] =	ssyncpa.u1 $0x0;
	s1 =	sadd.s32 s1, s3  }
0x4: {  	p0 =	slt.u32 s15, $0x8;
	[tilespmem:$0x10] =	vst v1;
	s4 =	smul.u32 $0x1F40, s1;
	s1 =	simm.s32 $0x5DC0  }
0x5: {  	v0 =	vimm.f32 $0.0e+00;
	[tilespmem:$0x20] =	vst v1;
	s1 =	simm.s32 @!p0 $0x3E80  }
0x6: {  	[tilespmem:$0x30] =	vst v0;
	s1 =	sadd.s32 s1, s4  }
0x7: {  	[tilespmem:$0x40] =	vst v0;
	s5 =	smin.u32 s1, $0x4E200  }
0x8: {  	s7 =	simm.s32 $0x2;
	s8 =	simm.s32 $0x8;
	[tilespmem:$0x50] =	vst v0;
	s9 =	ssub.s32 s5, s4  }
0x9: {  	s31 =	simm.s32 $0x9;
	s16 =	simm.s32 $0x0;
	[tilespmem:$0x60] =	vst v1;
	p0 =	sgt.s32 s9, $0x0  }
0xa: {  	s17 =	simm.s32 $0xF0;
	s18 =	simm.s32 $0xFFFFFFFF;
	[tilespmem:$0x70] =	vst v1;
	s9 =	simm.s32 @!p0 $0x0  }
0xb: {  	s19 =	simm.s32 $0xFFFFC280;
	s20 =	simm.s32 $0xFFFFFFFE;
	[tilespmem:$0x80] =	vst v1;
	s30 =	smulhi.u32 $0x10624DD3, s9  }
0xc: {  	s21 =	simm.s32 $0xF;
	s25 =	simm.s32 $0x0;
	s24 =	simm.s32 $0x0;
	v1 =	vimm.s32 $0x0;
	[tilespmem:$0xB0] =	vst v0  }
0xd: {  	s6 =	sadd.s32 $0x20E00, s0;
	s15 =	sshllo.u32 s15, $0x1;
	[tilespmem:$0x90] =	vst v1;
	s10 =	sshrl.u32 s30, $0x9  }
0xe: {  	[tilespmem:$0xA0] =	vst v1;
	[sflag:s7] =	ssyncpa.u1 $0x0;
	s7 =	simm.s32 $0x7;
	s11 =	smul.u32 $0x1F40, s10  }
.Ltmp0:
0xf: {  	s13 =	sor.u32 $0x80, s3;
	[sflag:s7] =	ssyncpa.u1 $0x0;
	(pc) =	sbr.rel .LBB2_1-.Ltmp0, $4  }
0x10: {  	s14 =	sor.u32 $0x81, s3;
	[sflag:s8] =	ssyncpa.u1 $0x0;
	p0 =	sne.s32 s9, s11  }
0x11: {  	s23 =	smov.u32 s4;
	s1 =	sadd.s32 $0x17600, s0;
	s2 =	simm.s32 @!p0 $0x0  }
0x12: {  	vm0 =	vmmov $0xffff;
	v2 =	vlaneseq.u32;
	[sflag:s31] =	ssyncpa.u1 $0x0;
	s9 =	sadd.s32 $0x2AC00, s0;
	s10 =	sadd.s32 s2, s10  }
0x13: {  	vm1 =	vmxor vm1, vm1;
	vm2 =	vmmov $0x1;
	vm3 =	vcmask $0x3F3C;
	p0 =	por $0x0, $0x0;
	s11 =	sadd.s32 $0x1, s10;
	s12 =	sadd.s32 $0x2, s10  }
.LBB2_9:
0x14: {  	p1 =	slt.u32 s24, $0x3  }
0x15: {  	s0 =	simm.s32 @!p1 $0x2  }
0x16: {  	_ =	swait.ge @!p1 [sflag:s0], $0x1F40  }
0x17: {  	[sflag:s0] =	ssyncset.done @!p1 $0x0  }
0x18: {  	[sflag:s0] =	ssyncadd.s32 @!p1 $0xFFFFE0C0;
	s0 =	simm.s32 @!p1 $0x9  }
0x19: {  	_ =	swait.ge @!p1 [sflag:s0], $0x10  }
0x1a: {  	[sflag:s0] =	ssyncset.done @!p1 $0x0  }
0x1b: {  	[sflag:s0] =	ssyncadd.s32 @!p1 $0xFFFFFFF0;
	p1 =	sne.s32 s24, s12  }
.Ltmp1:
0x1c: {  	s2 =	sadd.s32 $0x1F40, s23;
	(pc) =	sbr.rel @!p1 .LBB2_10-.Ltmp1, $4  }
0x1d: {  	s22 =	smov.u32 s4;
	s31 =	sadd.s32 $0x1, s24;
	s17 =	sadd.s32 $0x1F40, s17  }
0x1e: {  	s18 =	sadd.s32 $0x1, s18;
	s25 =	smov.u32 s23;
	p2 =	slt.s32 s2, s5  }
0x1f: {  	p0 =	por !p0, !p0;
	s19 =	sadd.s32 $0x1F40, s19;
	s22 =	smov.u32 @p2 s2  }
0x20: {  	s20 =	sadd.s32 $0x1, s20;
	s23 =	smov.u32 s22;
	s24 =	smov.u32 s31  }
.LBB2_1:
0x21: {  	p1 =	sge.u32 s24, s10  }
0x22: {  	s0 =	smulhi.u32 @!p1 $0xAAAAAAAB, s24;
	_ =	sdelay $0x1  }
0x23: {  	s0 =	sshrl.u32 @!p1 s0, $0x1  }
0x24: {  	s0 =	smul.u32 @!p1 $0x3, s0;
	_ =	sdelay $0x1  }
0x25: {  	s0 =	ssub.s32 @!p1 s24, s0  }
0x26: {  	s0 =	smul.u32 @!p1 $0x7D00, s0;
	_ =	sdelay $0x1  }
0x27: {  	s2 =	sshrl.u32 @!p1 s23, $0x3;
	s0 =	sshrl.u32 @!p1 s0, $0x2  }
0x28: {  	s22 =	sand.u32 @!p1 $0x7, s23;
	s2 =	sadd.s32 @!p1 s6, s2;
	s0 =	sadd.s32 @!p1 $0x100, s0  }
0x29: {  	[tilespmem:s0], [sflag:$0x7] =	stream.linear.gather @!p1 [hbm4b:s2+s22], $0x1F40, $0x38;
	[tilespmem:$0x11A60] =	vst v63  }
0x2a: {  	s0 =	sadd.s32 $0xFFFFFFFF, s24  }
0x2b: {  	p1 =	sge.u32 s0, s10  }
.Ltmp2:
0x2c: {  	_ = 	snop;
	(pc) =	sbr.rel @p1 .LBB2_5-.Ltmp2, $1  }
0x2d: {  	_ =	sdelay $0x3  }
0x2e: {  	s2 =	smulhi.u32 $0xAAAAAAAB, s0;
	_ =	sdelay $0x1  }
0x2f: {  	s2 =	sshrl.u32 s2, $0x1  }
0x30: {  	s2 =	smul.u32 $0x3, s2;
	_ =	sdelay $0x1  }
0x31: {  	s2 =	ssub.s32 s0, s2  }
0x32: {  	s2 =	smul.u32 $0x7D00, s2  }
0x33: {  	_ =	swait.ge [sflag:s7], $0x1F40  }
0x34: {  	[sflag:s7] =	ssyncset.done $0x0;
	s2 =	sshrl.u32 s2, $0x2  }
0x35: {  	[sflag:s7] =	ssyncadd.s32 $0xFFFFE0C0;
	(ifvalue) =	ssetifvalue $0xFFFFFFFF;
	v3 =	vld.msk [tilespmem:s2+$0x100 ss:$0x1], $0xffff;
	_ =	sdelay $0x2  }
0x36: {  	s30 =	smulhi.u32 $0xAAAAAAAB, s18;
	p1 =	sne.s32 s24, $0x1  }
0x37: {  	v4 =	vimm.s32 @!p1 $0x0  }
0x38: {  	s2 =	sshrl.u32 s30, $0x1;
	v4 =	vperm.xlane @!p1 v3, v4  }
0x39: {  	s22 =	sshll.u32 s24, $0x4;
	s2 =	smul.u32 $0xFFFE8900, s2;
	vm4 =	vlt.u32 v3, $0x2800  }
0x3a: {  	s22 =	sand.u32 $0x10, s22;
	v3 =	vnsel vm4, $0xFFFFFFFE, v3;
	vm4 =	vlt.u32 @!p1 v4, $0x2800  }
0x3b: {  	s2 =	sshra.s32 s2, $0x2;
	[tilespmem:s22+$0x60] =	vst v3;
	v3 =	vnsel @!p1 vm4, $0xFFFFFFFE, v4  }
0x3c: {  	s28 =	sadd.s32 s2, s17;
	[tilespmem:$0x80] =	vst @!p1 v3  }
0x3d: {  	v3 =	vld.msk [tilespmem:s28+$0x0 ss:$0x1], $0xffff;
	_ =	sdelay $0x4  }
0x3e: {  	(xrf1) =	vunique.msk.u32 $0xffff, v3;
	_ =	sdelay $0xd  }
0x3f: {  	v4 =	vimm.s32 $0xFFFFFFFF;
	v5, _, _ =	vpop (xrf1)  }
0x40: {  	vm5 =	vne.s32 v3, v4;
	vm4 =	veq.s32 v5, v2  }
0x41: {  	vm6 =	vlt.u32 v3, $0x2800;
	vm4 =	vmand vm5, vm4  }
0x42: {  	vm4 =	vmand vm6, vm4  }
0x43: {  	v4 =	vnsel vm4, $0xFFFFFFFF, v3  }
0x44: {  	s31 =	sand.u32 $0x1, s0  }
0x45: {  	s0 =	simm.s32 $0x1F40;
	p1 =	seq.s32 s31, $0x1  }
0x46: {  	s0 =	simm.s32 @!p1 $0x0  }
0x47: {  	s26 =	sadd.s32 $0x7DF0, s0;
	(ifvalue) =	ssetifvalue $0xFFFFFFFF  }
0x48: {  	v3 =	vperm.xlane v3, v1;
	[tilespmem:s26], [sflag:$0x8] =	stream.indirect_vreg.gather [hbm4b:s1+s16], $0x1, v4, vm0, $0x4038;
	v4 =	vnsel vm6, $0xFFFFFFFE, v4;
	[tilespmem:$0x11A60] =	vst v63  }
0x49: {  	s2 =	simm.s32 $0x0;
	s22 =	sadd.s32 $0xFFFFFFF0, s28;
	[tilespmem:s28+$0x0] =	vst v4  }
.LBB2_3:
0x4a: {  	v4 =	vld.msk [tilespmem:s22+$0x0 ss:$0x1], $0xffff;
	s2 =	sadd.s32 $0x10, s2;
	v5 =	vmov v3;
	s28 =	smov.u32 s22  }
0x4b: {  	p1 =	slt.u32 s2, $0x1F30;
	_ =	sdelay $0x4  }
0x4c: {  	v3 =	vperm.xlane v4, v1;
	(xrf1) =	vunique.msk.u32 $0xffff, v4;
	_ =	sdelay $0xd  }
0x4d: {  	v6, _, _ =	vpop (xrf1)  }
0x4e: {  	vm5 =	vne.s32 v4, v5;
	vm4 =	veq.s32 v6, v2  }
0x4f: {  	vm6 =	vlt.u32 v4, $0x2800;
	vm4 =	vmand vm5, vm4  }
0x50: {  	vm4 =	vmand vm6, vm4  }
0x51: {  	v4 =	vnsel vm4, $0xFFFFFFFF, v4  }
.Ltmp3:
0x52: {  	v5 =	vnsel vm6, $0xFFFFFFFE, v4;
	(pc) =	sbr.rel @p1 .LBB2_3-.Ltmp3, $3  }
0x53: {  	_ =	sdelay $0x1  }
0x54: {  	s22 =	sadd.s32 $0xFFFFFFF0, s22;
	s26 =	sadd.s32 $0xFFFFFFF0, s26;
	(ifvalue) =	ssetifvalue $0xFFFFFFFF  }
0x55: {  	[tilespmem:s26], [sflag:$0x8] =	stream.indirect_vreg.gather [hbm4b:s1+s16], $0x1, v4, vm0, $0x4038;
	[tilespmem:s28+$0x0] =	vst v5  }
0x56: {  	s2 =	sshrl.u32 s25, $0x3  }
0x57: {  	s0 =	sadd.s32 $0x9D40, s0;
	s2 =	sadd.s32 s9, s2  }
0x58: {  	[tilespmem:s0], [sflag:$0x8] =	stream.linear.gather [hbm:s2], $0x1F40, $0x38;
	[tilespmem:$0x11A60] =	vst v63  }
.LBB2_5:
0x59: {  	p1 =	slt.u32 s24, $0x2  }
0x5a: {  	p2 =	sge.u32 @!p1 s24, s12  }
0x5b: {  	p1 =	por p1, p2  }
.Ltmp4:
0x5c: {  	_ = 	snop;
	(pc) =	sbr.rel @p1 .LBB2_9-.Ltmp4, $1  }
0x5d: {  	_ =	sdelay $0x3  }
0x5e: {  	s0 =	sadd.s32 $0xFFFFFFFE, s24  }
0x5f: {  	s2 =	smulhi.u32 $0xAAAAAAAB, s0;
	_ =	sdelay $0x1  }
0x60: {  	s2 =	sshrl.u32 s2, $0x1  }
0x61: {  	s2 =	smul.u32 $0x3, s2;
	_ =	sdelay $0x1  }
0x62: {  	s0 =	ssub.s32 s0, s2  }
0x63: {  	_ =	swait.ge [sflag:s8], $0x3E80;
	s0 =	smul.u32 $0x1F40, s0  }
0x64: {  	p1 =	sne.s32 s24, s11;
	[sflag:s8] =	ssyncset.done $0x0  }
0x65: {  	[sflag:s8] =	ssyncadd.s32 $0xFFFFC180;
	s2 =	sadd.s32 @!p1 $0x203F, s0  }
0x66: {  	[spmem:s14] =	stream.linear.scatter @!p1 [tilespmem:s2], [sflag:$0x1], $0x1, $0x38;
	[tilespmem:$0x11A60] =	vst v63  }
0x67: {  	s2 =	simm.s32 @!p1 $0x1  }
0x68: {  	_ =	swait.ge @!p1 [sflag:s2], $0x1  }
0x69: {  	s22 =	sshll.u32 s24, $0x4;
	[sflag:s2] =	ssyncset.done @!p1 $0x0  }
0x6a: {  	s25 =	sand.u32 $0x10, s22;
	[sflag:s2] =	ssyncadd.s32 @!p1 $0xFFFFFFFF  }
0x6b: {  	s2 =	sxor.u32 $0x10, s25;
	v4 =	vld [tilespmem:s25+$0x10]  }
0x6c: {  	v5 =	vld [tilespmem:s2+$0x60]  }
0x6d: {  	v3 =	vld [tilespmem:$0x80];
	_ =	sdelay $0x2  }
0x6e: {  	(v2sf) =	vpush v4, $0x0  }
0x6f: {  	(v2sf) =	vpush v5, $0x0  }
0x70: {  	(v2sf) =	vpush v3, $0x0;
	_ =	sdelay $0xc  }
0x71: {  	s22 =	spop (v2sf)  }
0x72: {  	s26 =	spop (v2sf)  }
0x73: {  	s28 =	spop (v2sf)  }
0x74: {  	p2 =	seq.s32 s22, s26;
	p3 =	seq.s32 s28, s22  }
0x75: {  	p3 =	por p2, p3  }
0x76: {  	s26 =	sand.u32 $0x1, s24;
	v4 =	vpsel p3, $0xFFFFFFFF, v4  }
0x77: {  	s29 =	smul.u32 $0x1F40, s26;
	[tilespmem:s25+$0x10] =	vst.msk $0x1, v4  }
0x78: {  	v4 =	vld [tilespmem:$0x30]  }
0x79: {  	v5 =	vld [tilespmem:s29+$0x9D40]  }
0x7a: {  	v6 =	vld [tilespmem:s25+$0x40];
	_ =	sdelay $0x3  }
0x7b: {  	vm4 =	vmmov vm1;
	v5 =	vadd.f32 v5, v4  }
0x7c: {  	vm5 =	vmmov vm2;
	vm4 =	vmmov @p2 vm2;
	s22 =	sshll.u32 s26, $0x4;
	v4 =	vadd.f32 v6, v4  }
0x7d: {  	s26 =	sor.u32 $0x11A40, s22;
	vm5 =	vmmov @p3 vm1;
	[tilespmem:s29+$0x9D40] =	vst.msk vm4, v5  }
0x7e: {  	[tilespmem:s26+$0x0] =	vst.msk vm5, v4  }
0x7f: {  	v4 =	vld [tilespmem:s29+$0x7DF0];
	_ =	sdelay $0x3  }
0x80: {  	v5 =	vimm.f32 $0.0e+00  }
0x81: {  	v4 =	vshift.insert v4, v5, s21  }
0x82: {  	s22 =	sor.u32 $0x40, s2  }
0x83: {  	[tilespmem:s22+$0x0] =	vst.msk $0x1, v4  }
0x84: {  	[tilespmem:s29+$0x7DFF] =	vst.msk $0x1, v5  }
0x85: {  	v4 =	vld [tilespmem:s0+$0x2030];
	_ =	sdelay $0x1  }
0x86: {  	s22 =	smulhi.u32 $0xAAAAAAAB, s20;
	s0 =	simm.s32 $0x1  }
0x87: {  	s0 =	simm.s32 @!p0 $0x0  }
0x88: {  	s22 =	sshrl.u32 s22, $0x1;
	s0 =	smul.u32 $0x7D00, s0  }
0x89: {  	s22 =	smul.u32 $0xFFFE8900, s22;
	v4 =	vshift.insert v4, v1, s21  }
0x8a: {  	s0 =	sshrl.u32 s0, $0x2  }
0x8b: {  	s22 =	sshra.s32 s22, $0x2;
	s30 =	sadd.s32 $0x9D40, s0;
	[tilespmem:s2+$0x10] =	vst.msk $0x1, v4  }
0x8c: {  	s22 =	sadd.s32 s22, s19;
	v6 =	vld [tilespmem:s30+$0x0]  }
0x8d: {  	v7 =	vld [tilespmem:s22+$0x0];
	_ =	sdelay $0x3  }
0x8e: {  	v5 =	vadd.f32 v6, v5  }
0x8f: {  	vm4 =	vne.s32 v7, $0xFFFFFFFF  }
0x90: {  	(xrf2) =	vadd.seg.scan.f32 vm4, v5;
	_ =	sdelay $0x3  }
0x91: {  	s31 =	sadd.s32 $0x5EC0, s0;
	v5 =	vperm.xlane v4, v1  }
0x92: {  	v6 =	vld [tilespmem:s31+$0x0]  }
0x93: {  	vm5 =	veq.s32 v7, v3;
	vm6 =	veq.s32 v7, v5  }
0x94: {  	vm7 =	vgt.u32 v7, $0xFFFFFFFD;
	vm6 =	vmor vm6, vm5  }
0x95: {  	vm6 =	vmor vm6, vm7  }
0x96: {  	v9 =	vld [tilespmem:$0xA0];
	v7 =	vsel vm6, $0xFFFFFFFF, v7  }
0x97: {  	v10 =	vld [tilespmem:$0x90];
	v6 =	vsel vm5, $0x0, v6;
	v8, _, _ =	vpop (xrf2)  }
0x98: {  	v6 =	vadd.f32 v8, v6  }
0x99: {  	s0 =	sadd.s32 $0xDBC0, s0  }
0x9a: {  	vm4 =	vmand vm4, vm3;
	[tilespmem:s0+$0x0] =	vst v6;
	(ifvalue) =	ssetifvalue $0xFFFFFFFF  }
0x9b: {  	vm6 =	veq.s32 v9, $0x1;
	[hbm4b:s1+s16] =	stream.indirect_vreg.scatter [tilespmem:s0], [sflag:$0x2], $0x1, v7, vm0, $0x4038;
	v7 =	vsel vm4, $0x0, v8;
	[tilespmem:$0x11A60] =	vst v63  }
0x9c: {  	s2 =	simm.s32 $0x0;
	s22 =	sadd.s32 $0x10, s22;
	vm4 =	vmor vm6, vm5;
	v6 =	vsel vm5, v8, v10;
	v7 =	vshift.insert v7, v0, s21  }
.LBB2_7:
0x9d: {  	v8 =	vld [tilespmem:s22+$0x0];
	s30 =	sadd.s32 $0x10, s30  }
0x9e: {  	s31 =	sadd.s32 $0x10, s31;
	v9 =	vld [tilespmem:s30+$0x0]  }
0x9f: {  	s2 =	sadd.s32 $0x10, s2;
	v10 =	vld [tilespmem:s31+$0x0]  }
0xa0: {  	p2 =	slt.u32 s2, $0x1F30;
	_ =	sdelay $0x2  }
0xa1: {  	v7 =	vadd.f32 v9, v7  }
0xa2: {  	vm5 =	vne.s32 v8, $0xFFFFFFFF  }
0xa3: {  	vm6 =	vmand vm5, vm3;
	(xrf2) =	vadd.seg.scan.f32 vm5, v7;
	_ =	sdelay $0x5  }
0xa4: {  	vm7 =	veq.s32 v8, v5;
	vm5 =	veq.s32 v8, v3  }
0xa5: {  	vm8 =	vgt.u32 v8, $0xFFFFFFFD;
	vm4 =	vmor vm4, vm5;
	vm7 =	vmor vm7, vm5  }
0xa6: {  	vm7 =	vmor vm7, vm8  }
0xa7: {  	v8 =	vsel vm7, $0xFFFFFFFF, v8  }
.Ltmp5:
0xa8: {  	v7 =	vsel vm5, $0x0, v10;
	v9, _, _ =	vpop (xrf2);
	(pc) =	sbr.rel @p2 .LBB2_7-.Ltmp5, $4  }
0xa9: {  	v6 =	vsel vm5, v9, v6;
	v10 =	vadd.f32 v9, v7;
	v7 =	vsel vm6, $0x0, v9  }
0xaa: {  	s0 =	sadd.s32 $0x10, s0;
	v7 =	vshift.insert v7, v0, s21  }
0xab: {  	s22 =	sadd.s32 $0x10, s22;
	[tilespmem:s0+$0x0] =	vst v10;
	(ifvalue) =	ssetifvalue $0xFFFFFFFF  }
0xac: {  	[hbm4b:s1+s16] =	stream.indirect_vreg.scatter [tilespmem:s0], [sflag:$0x2], $0x1, v8, vm0, $0x4038;
	[tilespmem:$0x11A60] =	vst v63  }
0xad: {  	v3 =	vld [tilespmem:s29+$0xFAF0];
	_ =	sdelay $0x4  }
0xae: {  	v3 =	vshift.insert v3, v0, s21  }
0xaf: {  	s0 =	simm.s32 $0x30  }
0xb0: {  	[tilespmem:s0+$0x0] =	vst.msk $0x1, v3  }
0xb1: {  	v3 =	vsel vm4, $0x1, v1;
	[tilespmem:$0x90] =	vst v6  }
0xb2: {  	s0 =	sadd.s32 @!p1 $0xFAFF, s29;
	[tilespmem:$0xA0] =	vst v3  }
0xb3: {  	[spmem:s15] =	stream.linear.scatter @!p1 [tilespmem:s0], [sflag:$0x1], $0x1, $0x38;
	[tilespmem:$0x11A60] =	vst v63  }
0xb4: {  	s0 =	simm.s32 @!p1 $0x1  }
0xb5: {  	v3 =	vmctz.xlane @!p1 vm4;
	_ =	swait.ge @!p1 [sflag:s0], $0x1  }
0xb6: {  	(v2sf) =	vpush @!p1 v4, $0x0  }
0xb7: {  	(v2sf) =	vpush @!p1 v3, $0x0;
	_ =	sdelay $0xd  }
0xb8: {  	s2 =	spop @!p1 (v2sf)  }
0xb9: {  	s22 =	spop @!p1 (v2sf)  }
0xba: {  	p2 =	sne.s32 @!p1 s28, s2;
	p3 =	slt.s32 @!p1 s22, $0xF  }
0xbb: {  	[sflag:s0] =	ssyncset.done @!p1 $0x0;
	p2 =	por p2, p1;
	p3 =	por !p3, p1  }
0xbc: {  	[sflag:s0] =	ssyncadd.s32 @!p1 $0xFFFFFFFF;
	v3 =	vimm.s32 @!p2 $0xFFFFFFFF;
	s22 =	simm.s32 @p3 $0xF  }
0xbd: {  	[tilespmem:$0x80] =	vst @!p2 v3;
	s2 =	sadd.s32 @!p1 $0x90, s22  }
0xbe: {  	[spmem:s3] =	stream.linear.scatter @!p1 [tilespmem:s2], [sflag:$0x1], $0x1, $0x38;
	[tilespmem:$0x11A60] =	vst v63  }
0xbf: {  	_ =	swait.ge @!p1 [sflag:s0], $0x1  }
0xc0: {  	[sflag:s0] =	ssyncset.done @!p1 $0x0  }
0xc1: {  	s2 =	simm.s32 @!p1 $0x80;
	[sflag:s0] =	ssyncadd.s32 @!p1 $0xFFFFFFFF  }
0xc2: {  	[spmem:s13] =	stream.linear.scatter @!p1 [tilespmem:s2], [sflag:$0x1], $0x1, $0x38;
	[tilespmem:$0x11A60] =	vst v63  }
0xc3: {  	_ =	swait.ge @!p1 [sflag:s0], $0x1  }
0xc4: {  	[sflag:s0] =	ssyncset.done @!p1 $0x0  }
0xc5: {  	[sflag:s0] =	ssyncadd.s32 @!p1 $0xFFFFFFFF;
	(ifvalue) =	ssetifvalue $0xFFFFFFFF;
	v3 =	vld [tilespmem:s25+$0x10];
	_ =	sdelay $0x3  }
.Ltmp6:
0xc6: {  	_ = 	snop;
	(pc) =	sbr.rel .LBB2_9-.Ltmp6, $3  }
0xc7: {  	_ =	sdelay $0x1  }
0xc8: {  	(ifvalue) =	ssetifvalue $0xFFFFFFFF  }
0xc9: {  	[hbm4b:s1+s16] =	stream.indirect_vreg.scatter [tilespmem:s26], [sflag:$0x9], $0x1, v3, vm0, $0x4038;
	[tilespmem:$0x11A60] =	vst v63  }
.LBB2_10:
0xca: {  	_ =	sfence.sel $0x180000  }
0xcb: {  	s0 =	simm.s32 $0x7;
	[bflag:$0x0] =	sbarrier.arrive $0xFFFF  }
0xcc: {  	s26 =	simm.s32 $0x8;
	[sflag:s0] =	ssyncpa.u1 $0x1  }
0xcd: {  	s28 =	simm.s32 $0x9;
	[sflag:s26] =	ssyncpa.u1 $0x1  }
0xce: {  	[sflag:s28] =	ssyncpa.u1 $0x1  }
0xcf: {  	_ =	sfence.stream.spmem  }
0xd0: {  	s29 =	simm.s32 $0x3;
	[bflag:$0x0] =	sbarrier.arrive $0xFFFF  }
0xd1: {  	s30 =	simm.s32 $0x4;
	[sflag:s29] =	ssyncpa.u1 $0x1  }
0xd2: {  	s31 =	simm.s32 $0x3C;
	s2 =	stileid.u32;
	[sflag:s30] =	ssyncpa.u1 $0x1  }
0xd3: {  	p0 =	sne.s32 s2, $0x0;
	[sflag:s31] =	ssyncpa.u1 $0x1  }
0xd4: {  	s0 =	simm.s32 @p0 $0x1;
	_ =	sfence @p0  }
0xd5: {  	[sflag:s0] =	ssyncpa.u1 @p0 $0x1;
	s0 =	simm.s32 @p0 $0x2  }
0xd6: {  	[sflag:s0] =	ssyncpa.u1 @p0 $0x1  }
0xd7: {  	_ =	strace @p0 $0x9000004A  }
0xd8: {  	[bflag:$0x2] =	sbarrier.arrive @p0 $0xFFFF  }
0xd9: {  	_ =	shalt @p0  }
.LBB2_11:
0xda: {  	_ =	sfence.stream.spmem;
	s0 =	simm.s32 $0x5  }
0xdb: {  	s2 =	simm.s32 $0x80;
	s3 =	simm.s32 $0xC0;
	[sflag:s0] =	ssyncpa.u1 $0x0  }
0xdc: {  	[tilespmem:s3], [sflag:$0x5] =	stream.linear.gather [spmem:s2], $0x20, $0x38;
	[tilespmem:$0x11A60] =	vst v63  }
0xdd: {  	s2 =	simm.s32 $0x0;
	s3 =	simm.s32 $0xE0  }
0xde: {  	[tilespmem:s3], [sflag:$0x5] =	stream.linear.gather [spmem:s2], $0x20, $0x38;
	[tilespmem:$0x11A60] =	vst v63  }
.Ltmp7:
0xdf: {  	_ = 	snop;
	(pc) =	sbr.rel .LBB2_12-.Ltmp7, $4  }
0xe0: {  	_ =	swait.ge [sflag:s0], $0x40  }
0xe1: {  	[sflag:s0] =	ssyncset.done $0x0  }
0xe2: {  	s31 =	simm.s32 $0x6;
	[sflag:s0] =	ssyncadd.s32 $0xFFFFFFC0  }
0xe3: {  	s4 =	simm.s32 $0x0;
	[sflag:s31] =	ssyncpa.u1 $0x0  }
.LBB2_17:
0xe4: {  	p0 =	sgt.u32 s5, $0x27FF  }
0xe5: {  	s0 =	sshrl.u32 @!p0 s5, $0x3  }
0xe6: {  	s5 =	sand.u32 @!p0 $0x7, s5;
	s6 =	simm.s32 @!p0 $0xB0;
	s0 =	sadd.s32 @!p0 s1, s0  }
0xe7: {  	[tilespmem:s6], [sflag:$0x6] =	stream.linear.gather @!p0 [hbm4b:s0+s5], $0x1, $0x38;
	[tilespmem:$0x11A60] =	vst v63  }
0xe8: {  	s0 =	simm.s32 @!p0 $0x6  }
0xe9: {  	_ =	swait.ge @!p0 [sflag:s0], $0x1  }
0xea: {  	[sflag:s0] =	ssyncset.done @!p0 $0x0  }
0xeb: {  	[sflag:s0] =	ssyncadd.s32 @!p0 $0xFFFFFFFF  }
0xec: {  	v2 =	vmov @!p0 s4;
	v1 =	vld.msk @!p0 [tilespmem:$0xB0], $0x1;
	_ =	sdelay $0x3  }
0xed: {  	s0 =	simm.s32 @!p0 $0xE0  }
0xee: {  	[tilespmem:v2+s0+$0x0], v1 =	vst.idx.ret.add.f32.msk @!p0 $0x1, v1  }
0xef: {  	[tilespmem:s2+$0xC0] =	vst.msk $0x1, v0  }
0xf0: {  	v0 =	vld.msk [tilespmem:s4+$0xE0], $0x1;
	_ =	sdelay $0x4  }
0xf1: {  	[tilespmem:s2+$0xE0] =	vst.msk $0x1, v0;
	s2 =	sadd.s32 $0x1, s2  }
.LBB2_19:
0xf2: {  	s4 =	sadd.s32 $0x1, s4  }
0xf3: {  	p0 =	sne.s32 s4, $0x20  }
.Ltmp8:
0xf4: {  	_ = 	snop;
	(pc) =	sbr.rel @!p0 .LBB2_20-.Ltmp8, $1  }
0xf5: {  	_ =	sdelay $0x3  }
.LBB2_12:
0xf6: {  	v0 =	vld.msk [tilespmem:s4+$0xC0], $0x1;
	_ =	sdelay $0x4  }
0xf7: {  	(v2sf) =	vpush v0, $0x0;
	_ =	sdelay $0xe  }
0xf8: {  	s5 =	spop (v2sf)  }
0xf9: {  	p0 =	seq.s32 s5, $0xFFFFFFFF  }
.Ltmp9:
0xfa: {  	_ = 	snop;
	(pc) =	sbr.rel @p0 .LBB2_19-.Ltmp9, $1  }
0xfb: {  	_ =	sdelay $0x3  }
0xfc: {  	p0 =	slt.s32 s2, $0x1  }
.Ltmp10:
0xfd: {  	_ = 	snop;
	(pc) =	sbr.rel @p0 .LBB2_17-.Ltmp10, $1  }
0xfe: {  	_ =	sdelay $0x3  }
0xff: {  	s0 =	simm.s32 $0xC0;
	p0 =	por $0x0, $0x0  }
0x100: {  	v1 =	vld.msk @!p0 [tilespmem:s0+$0x0], $0x1;
	_ =	sdelay $0x4  }
0x101: {  	(v2sf) =	vpush @!p0 v1, $0x0;
	_ =	sdelay $0xd  }
0x102: {  	p2 =	sne.s32 s2, $0x1  }
.Ltmp11:
0x103: {  	s6 =	spop @!p0 (v2sf);
	(pc) =	sbr.rel @!p2 .LBB2_16-.Ltmp11, $4  }
0x104: {  	p1 =	seq.s32 @!p0 s5, s6  }
0x105: {  	s6 =	simm.s32 $0x0;
	p1 =	por !p1, p0  }
0x106: {  	s8 =	simm.s32 $0xFFFFFFFF;
	s6 =	simm.s32 @p1 $0xFFFFFFFF  }
0x107: {  	s7 =	simm.s32 $0x1;
	s6 =	smov.u32 @p0 s8  }
.LBB2_15:
0x108: {  	s8 =	smov.u32 s6;
	p0 =	sne.s32 s6, $0xFFFFFFFF  }
0x109: {  	s0 =	sadd.s32 $0x1, s0;
	s6 =	smov.u32 s7;
	s7 =	sadd.s32 $0x1, s7  }
0x10a: {  	p1 =	sne.s32 s2, s7;
	v1 =	vld.msk @!p0 [tilespmem:s0+$0x0], $0x1;
	_ =	sdelay $0x4  }
0x10b: {  	(v2sf) =	vpush @!p0 v1, $0x0;
	_ =	sdelay $0xe  }
.Ltmp12:
0x10c: {  	s9 =	spop @!p0 (v2sf);
	(pc) =	sbr.rel @p1 .LBB2_15-.Ltmp12, $4  }
0x10d: {  	p2 =	seq.s32 @!p0 s5, s9  }
0x10e: {  	p2 =	por !p2, p0  }
0x10f: {  	s6 =	simm.s32 @p2 $0xFFFFFFFF  }
0x110: {  	s6 =	smov.u32 @p0 s8  }
.LBB2_16:
0x111: {  	p0 =	sne.s32 s6, $0xFFFFFFFF  }
.Ltmp13:
0x112: {  	_ = 	snop;
	(pc) =	sbr.rel @!p0 .LBB2_17-.Ltmp13, $1  }
0x113: {  	_ =	sdelay $0x3  }
0x114: {  	v0 =	vld.msk [tilespmem:s4+$0xE0], $0x1;
	v1 =	vmov s6  }
.Ltmp14:
0x115: {  	_ = 	snop;
	(pc) =	sbr.rel .LBB2_19-.Ltmp14, $2  }
0x116: {  	_ =	sdelay $0x2  }
0x117: {  	[tilespmem:v1+s3+$0x0], v0 =	vst.idx.ret.add.f32.msk $0x1, v0  }
.LBB2_20:
0x118: {  	p0 =	slt.s32 s2, $0x1  }
.Ltmp15:
0x119: {  	_ = 	snop;
	(pc) =	sbr.rel @p0 .LBB2_24-.Ltmp15, $3  }
0x11a: {  	_ =	sdelay $0x1  }
0x11b: {  	s0 =	simm.s32 $0x6  }
0x11c: {  	s3 =	simm.s32 $0x0;
	[sflag:s0] =	ssyncpa.u1 $0x1  }
0x11d: {  	s0 =	simm.s32 $0xC0  }
0x11e: {  	v0 =	vld.msk [tilespmem:s0+$0x0], $0x1;
	_ =	sdelay $0x4  }
0x11f: {  	(v2sf) =	vpush v0, $0x0;
	_ =	sdelay $0xe  }
0x120: {  	s2 =	sadd.s32 $0xFFFFFFFF, s2;
	s4 =	spop (v2sf)  }
0x121: {  	p1 =	sne.s32 s2, $0x0;
	p0 =	sgt.u32 s4, $0x27FF  }
.Ltmp16:
0x122: {  	s5 =	sshrl.u32 @!p0 s4, $0x3;
	(pc) =	sbr.rel @!p1 .LBB2_23-.Ltmp16, $4  }
0x123: {  	s0 =	simm.s32 $0xE0;
	s4 =	sand.u32 @!p0 $0x7, s4;
	s5 =	sadd.s32 @!p0 s1, s5  }
0x124: {  	[hbm4b:s5+s4] =	stream.linear.scatter @!p0 [tilespmem:s0], [sflag:$0x5], $0x1, $0x38;
	[tilespmem:$0x11A60] =	vst v63  }
0x125: {  	s5 =	simm.s32 $0x0  }
0x126: {  	s4 =	simm.s32 $0xC1;
	s5 =	simm.s32 @!p0 $0x4  }
.LBB2_22:
0x127: {  	v0 =	vld.msk [tilespmem:s4+$0x0], $0x1;
	s2 =	sadd.s32 $0xFFFFFFFF, s2;
	s3 =	sadd.s32 s3, s5  }
0x128: {  	p0 =	sne.s32 s2, $0x0;
	_ =	sdelay $0x3  }
0x129: {  	(v2sf) =	vpush v0, $0x0;
	_ =	sdelay $0xe  }
.Ltmp17:
0x12a: {  	s6 =	spop (v2sf);
	(pc) =	sbr.rel @p0 .LBB2_22-.Ltmp17, $4  }
0x12b: {  	s5 =	simm.s32 $0x0;
	p1 =	sgt.u32 s6, $0x27FF  }
0x12c: {  	s0 =	sadd.s32 $0x1, s0;
	s5 =	simm.s32 @!p1 $0x4;
	s7 =	sshrl.u32 @!p1 s6, $0x3  }
0x12d: {  	s4 =	sadd.s32 $0x1, s4;
	s6 =	sand.u32 @!p1 $0x7, s6;
	s7 =	sadd.s32 @!p1 s1, s7  }
0x12e: {  	[hbm4b:s7+s6] =	stream.linear.scatter @!p1 [tilespmem:s0], [sflag:$0x5], $0x1, $0x38;
	[tilespmem:$0x11A60] =	vst v63  }
.LBB2_23:
0x12f: {  	s0 =	sadd.s32 s3, s5  }
0x130: {  	s3 =	sshrl.u32 s0, $0x2  }
.LBB2_24:
0x131: {  	s0 =	simm.s32 $0x5  }
0x132: {  	_ =	swait.ge [sflag:s0], s3  }
0x133: {  	s1 =	ssub.s32 $0x0, s3;
	[sflag:s0] =	ssyncset.done $0x0  }
0x134: {  	[sflag:s0] =	ssyncadd.s32 s1  }
0x135: {  	[sflag:s0] =	ssyncpa.u1 $0x1  }
0x136: {  	s29 =	simm.s32 $0x1;
	_ =	sfence  }
0x137: {  	s30 =	simm.s32 $0x2;
	[sflag:s29] =	ssyncpa.u1 $0x1  }
0x138: {  	[sflag:s30] =	ssyncpa.u1 $0x1  }
0x139: {  	_ =	strace $0x9000004A  }
0x13a: {  	[bflag:$0x2] =	sbarrier.arrive $0xFFFF  }
0x13b: {  	s31 =	rddreg [dreg:$0x1]  }
0x13c: {  	s0 =	sadd.s32 $0x100000, s31  }
0x13d: {  	[sflag:s0] =	ssyncadd.tile.s32 $0x1;
	_ =	shalt  }
.Lfunc_end2:
_tile_overlayer_lowered:
.L_overlay_start_2:
0x13e: {  	(tag) =	ssettag $0x2  }
0x13f: {  	s0 =	rddreg [dreg:$0x0];
	s2 =	stileid.u32  }
0x140: {  	s1 =	rddreg [dreg:$0x1];
	p0 =	sne.s32 s2, $0x0  }
0x141: {  	s3 =	rddreg [dreg:$0x2];
	[bflag:$0x3] =	sbarrier.arrive $0xFFFF;
	s2 =	simm.s32 @!p0 $0x1C01  }
0x142: {  	[timem:s3], [sflag:s2] =	dma.local @!p0 [hbm:s0], s1  }
0x143: {  	s0 =	simm.s32 @!p0 $0x1  }
0x144: {  	_ =	swait.ge @!p0 [sflag:s0], s1  }
0x145: {  	s1 =	ssub.s32 @!p0 $0x0, s1;
	[sflag:s0] =	ssyncset.done @!p0 $0x0  }
0x146: {  	[sflag:s0] =	ssyncadd.s32 @!p0 s1  }
0x147: {  	[bflag:$0x3] =	sbarrier.arrive $0xFFFF  }
0x148: {  	_ =	shalt  }

// kernel: scatter_offload_async_start
scs
__scs_entry_jumppad:
0x0: {  	(pc) =	sbr.rel $0x88, $3  }
0x1: {  	(tag) =	ssettag $0x0;
	lr =	simm.s32 $0x1  }
0x2: {  	[smem:$0x3F98] =	sst lr;
	_ =	strace $0xD0000000  }
0x3: {  	_ = 	snop  }
0x4: {  	_ = 	snop  }
0x5: {  	_ = 	snop  }
0x6: {  	_ = 	snop  }
0x7: {  	_ = 	snop  }
__scs_overlays_trampoline_lowered:
0x8: {  	[smem:$0x3FA7] =	sst s0  }
0x9: {  	[smem:$0x3FA8] =	sst s1  }
0xa: {  	[smem:$0x3FA9] =	sst s2  }
0xb: {  	[smem:$0x3FAA] =	sst s3  }
0xc: {  	[smem:$0x3FAB] =	sst s4  }
0xd: {  	[smem:$0x3FAC] =	sst s5  }
0xe: {  	[smem:$0x3FAD] =	sst s6  }
0xf: {  	[smem:$0x3FAE] =	sst s7  }
0x10: {  	[smem:$0x3FAF] =	sst s8  }
0x11: {  	[smem:$0x3FB0] =	sst s9;
	s0 =	simm.s32 @!p0 $0x0  }
0x12: {  	s1 =	sld [smem:$0x3F96];
	s0 =	simm.s32 @p0 $0x1  }
0x13: {  	[smem:$0x3FB1] =	sst s0;
	s0 =	simm.s32 @!p1 $0x0  }
0x14: {  	s2 =	sld [smem:$0x3F95];
	s0 =	simm.s32 @p1 $0x1  }
0x15: {  	[smem:$0x3FB2] =	sst s0;
	s0 =	simm.s32 @!p2 $0x0  }
0x16: {  	s3 =	sld [smem:$0x3FDB];
	s0 =	simm.s32 @p2 $0x1  }
0x17: {  	s4 =	simm.s32 $0x1BF5;
	[smem:$0x3FB4] =	sst s0  }
0x18: {  	s0 =	sld [smem:$0x3F97];
	_ =	swait.ge [sflag:s4], $0x0  }
0x19: {  	s7 =	sld [smem:$0x3F98]  }
0x1a: {  	s8 =	sadd.s32 $0xFFFFE003, lr  }
0x1b: {  	s9 =	sadd.s32 $0xFFFFFEF7, lr;
	s5 =	simm.s32 $0xFFFFFFFF;
	p2 =	slt.u32 s8, $0xFFFFF086  }
0x1c: {  	p1 =	slt.u32 s9, $0xF7A;
	s5 =	simm.s32 @!p2 $0x0  }
0x1d: {  	s5 =	simm.s32 @p1 $0x1;
	p0 =	seq.s32 s7, s2  }
0x1e: {  	s7 =	smul.u32 @!p0 $0xF7A, s2;
	p2 =	seq.s32 @!p0 s5, $0x0  }
0x1f: {  	s9 =	smul.u32 $0xF7A, s1;
	s8 =	simm.s32 @!p0 $0x1BF5;
	p2 =	por !p2, p0  }
0x20: {  	[sflag:s8] =	ssyncset.s32 @!p0 $0xFFFFF086;
	s6 =	sadd.s32 @!p0 s3, s7;
	s7 =	simm.s32 @!p0 $0x108  }
0x21: {  	s3 =	sadd.s32 s3, s9;
	s6 =	sadd.s32 @!p0 $0x88, s6;
	s7 =	simm.s32 @p2 $0x1082  }
0x22: {  	[simem:s7], [sflag:s8] =	dma.local @!p0 [hbm:s6], $0xF7A  }
0x23: {  	s9 =	sor.u32 $0xD0000000, s2;
	s6 =	simm.s32 $0x108;
	_ =	swait.ge @!p0 [sflag:s8], $0x0  }
0x24: {  	s3 =	sadd.s32 $0x88, s3;
	s6 =	simm.s32 @!p1 $0x1082;
	[sflag:s4] =	ssyncset.s32 $0xFFFFF086  }
0x25: {  	[simem:s6], [sflag:s4] =	dma.local [hbm:s3], $0xF7A  }
0x26: {  	[smem:$0x3F98] =	sst s1;
	(tag) =	ssettag s2;
	_ =	strace s9  }
0x27: {  	s1 =	sld [smem:$0x3FA8]  }
0x28: {  	s2 =	sld [smem:$0x3FA9]  }
0x29: {  	s4 =	sld [smem:$0x3FAB]  }
0x2a: {  	p0 =	seq.s32 s5, $0x0;
	s5 =	sld [smem:$0x3FAC]  }
0x2b: {  	s6 =	sld [smem:$0x3FAD]  }
0x2c: {  	s7 =	sld [smem:$0x3FAE]  }
0x2d: {  	s3 =	simm.s32 $0x108;
	s8 =	sld [smem:$0x3FAF]  }
0x2e: {  	s3 =	simm.s32 @!p0 $0x1082;
	s9 =	sld [smem:$0x3FB0]  }
0x2f: {  	lr =	sadd.s32 s0, s3;
	s0 =	sld [smem:$0x3FA7]  }
0x30: {  	s3 =	sld [smem:$0x3FAA]  }
0x31: {  	[smem:$0x3FB3] =	sst s10  }
0x32: {  	s10 =	sld [smem:$0x3FB1];
	_ =	sdelay $0x3  }
0x33: {  	p0 =	seq.s32 s10, $0x1;
	s10 =	sld [smem:$0x3FB3];
	_ =	sdelay $0x3  }
0x34: {  	[smem:$0x3FB3] =	sst s10  }
0x35: {  	s10 =	sld [smem:$0x3FB2];
	_ =	sdelay $0x3  }
0x36: {  	p1 =	seq.s32 s10, $0x1;
	s10 =	sld [smem:$0x3FB3];
	_ =	sdelay $0x3  }
0x37: {  	[smem:$0x3FB3] =	sst s10  }
0x38: {  	s10 =	sld [smem:$0x3FB4]  }
0x39: {  	_ = 	snop;
	(pc) =	sbr.ind lr, $3  }
0x3a: {  	_ = 	snop  }
0x3b: {  	_ = 	snop  }
0x3c: {  	p2 =	seq.s32 s10, $0x1;
	s10 =	sld [smem:$0x3FB3]  }
0x3d: {  	_ =	shalt  }
0x3e: {  	_ =	shalt  }
0x3f: {  	_ =	shalt  }
0x40: {  	_ =	shalt  }
0x41: {  	_ =	shalt  }
0x42: {  	_ =	shalt  }
0x43: {  	_ =	shalt  }
0x44: {  	_ =	shalt  }
0x45: {  	_ =	shalt  }
0x46: {  	_ =	shalt  }
0x47: {  	_ =	shalt  }
0x48: {  	_ =	shalt  }
0x49: {  	_ =	shalt  }
0x4a: {  	_ =	shalt  }
0x4b: {  	_ =	shalt  }
0x4c: {  	_ =	shalt  }
0x4d: {  	_ =	shalt  }
0x4e: {  	_ =	shalt  }
0x4f: {  	_ =	shalt  }
0x50: {  	_ =	shalt  }
0x51: {  	_ =	shalt  }
0x52: {  	_ =	shalt  }
0x53: {  	_ =	shalt  }
0x54: {  	_ =	shalt  }
0x55: {  	_ =	shalt  }
0x56: {  	_ =	shalt  }
0x57: {  	_ =	shalt  }
0x58: {  	_ =	shalt  }
0x59: {  	_ =	shalt  }
0x5a: {  	_ =	shalt  }
0x5b: {  	_ =	shalt  }
0x5c: {  	_ =	shalt  }
0x5d: {  	_ =	shalt  }
0x5e: {  	_ =	shalt  }
0x5f: {  	_ =	shalt  }
0x60: {  	_ =	shalt  }
0x61: {  	_ =	shalt  }
0x62: {  	_ =	shalt  }
0x63: {  	_ =	shalt  }
0x64: {  	_ =	shalt  }
0x65: {  	_ =	shalt  }
0x66: {  	_ =	shalt  }
0x67: {  	_ =	shalt  }
0x68: {  	_ =	shalt  }
0x69: {  	_ =	shalt  }
0x6a: {  	_ =	shalt  }
0x6b: {  	_ =	shalt  }
0x6c: {  	_ =	shalt  }
0x6d: {  	_ =	shalt  }
0x6e: {  	_ =	shalt  }
0x6f: {  	_ =	shalt  }
0x70: {  	_ =	shalt  }
0x71: {  	_ =	shalt  }
0x72: {  	_ =	shalt  }
0x73: {  	_ =	shalt  }
0x74: {  	_ =	shalt  }
0x75: {  	_ =	shalt  }
0x76: {  	_ =	shalt  }
0x77: {  	_ =	shalt  }
0x78: {  	_ =	shalt  }
0x79: {  	_ =	shalt  }
0x7a: {  	_ =	shalt  }
0x7b: {  	_ =	shalt  }
0x7c: {  	_ =	shalt  }
0x7d: {  	_ =	shalt  }
0x7e: {  	_ =	shalt  }
0x7f: {  	_ =	shalt  }
0x80: {  	_ =	shalt  }
0x81: {  	_ =	shalt  }
0x82: {  	_ =	shalt  }
0x83: {  	_ =	shalt  }
0x84: {  	_ =	shalt  }
0x85: {  	_ =	shalt  }
0x86: {  	_ =	shalt  }
0x87: {  	_ =	shalt  }
.Lfunc_end0:
.L_simem_size_0:
called_computation_lowered:
.L_overlay_start_0:
0x88: {  	s0 =	sld [smem:$0x3FD9]  }
0x89: {  	s1 =	sld [smem:$0x3FFE];
	_ =	sdelay $0x3  }
0x8a: {  	s0 =	sadd.s32 s1, s0  }
0x8b: {  	[smem:$0x3FBF] =	sst s0  }
0x8c: {  	_ = 	snop  }
0x8d: {  	s0 =	sld [smem:$0x3FD0];
	(tm) =	ssettm $0x1  }
0x8e: {  	s16 =	sld [smem:$0x3FFB];
	_ =	sdelay $0x3  }
0x8f: {  	_ =	strace s16  }
0x90: {  	s1 =	sld [smem:$0x3FFC];
	_ =	sdelay $0x3  }
0x91: {  	_ =	strace s1  }
0x92: {  	s1 =	sld [smem:$0x3FFD];
	_ =	sdelay $0x3  }
0x93: {  	_ =	strace s1  }
0x94: {  	_ =	strace $0x8FFFFFFF  }
0x95: {  	s17 =	sld [smem:$0x3FDB];
	_ =	sdelay $0x1  }
0x96: {  	s2 =	simm.s32 $_scs_section_size  }
0x97: {  	s3 =	simm.s32 $_size__tile_overlayer_lowered;
	s4 =	simm.s32 $_tile_overlayer_lowered  }
0x98: {  	s20 =	simm.s32 $0x1BFF;
	s19 =	sshll.u32 s4, $0x1;
	s1 =	sadd.s32 s2, s17  }
0x99: {  	s5 =	simm.s32 $0x0;
	s18 =	sshll.u32 s3, $0x1;
	s3 =	sadd.s32 s19, s1  }
0x9a: {  	[timem:s5], [sflag:s20] =	dma.local [hbm:s3], s18  }
0x9b: {  	_ =	swait.ge [sflag:s20], s18  }
0x9c: {  	s2 =	ssub.s32 $0x0, s18;
	[sflag:s20] =	ssyncset.done $0x0  }
0x9d: {  	[sflag:s20] =	ssyncadd.s32 s2;
	_ =	sdelay $0x1  }
0x9e: {  	s21 =	simm.s32 $0x1B8B  }
0x9f: {  	_ =	swait.ge [sflag:s21], $0x1  }
0xa0: {  	[sflag:s21] =	ssyncset.done $0x0  }
0xa1: {  	s23 =	simm.s32 $0x1B8E;
	s22 =	sld [smem:$0x3FFE];
	[sflag:s21] =	ssyncadd.s32 $0xFFFFFFFF  }
0xa2: {  	s24 =	simm.s32 $execute0_lowered;
	[smem:$0x3FD2] =	sst s23  }
0xa3: {  	s3 =	sshll.u32 s24, $0x1;
	_ =	strace $0x80000046;
	[dreg:$0x1] =	wrdreg $0xFFFFFFFF  }
0xa4: {  	s25 =	simm.s32 $_size_execute0_lowered;
	s1 =	sadd.s32 s1, s3;
	[dreg:$0x0] =	wrdreg $0x0  }
0xa5: {  	s3 =	sshll.u32 s25, $0x1;
	[dreg:$0x2] =	wrdreg s1  }
0xa6: {  	[dreg:$0x3] =	wrdreg s3  }
0xa7: {  	[dreg:$0x4] =	wrdreg $0xC0  }
0xa8: {  	_ =	task [dreg:s5], $0x5FFFF  }
0xa9: {  	[dreg:$0x1] =	wrdreg $0xFFFFFFFF  }
0xaa: {  	[dreg:$0x0] =	wrdreg $0x60  }
0xab: {  	[dreg:$0x2] =	wrdreg s22  }
0xac: {  	[dreg:$0x3] =	wrdreg s0  }
0xad: {  	[dreg:$0x4] =	wrdreg $0x9  }
0xae: {  	_ =	task.clear_ibuf [dreg:s5], $0x5FFFF;
	_ =	strace $0x90000046  }
0xaf: {  	s26 =	simm.s32 $0x9;
	_ =	strace $0x80000048  }
0xb0: {  	_ =	swait.ge [sflag:s26], $0x1  }
0xb1: {  	[sflag:s26] =	ssyncadd.s32 $0xFFFFFFFF  }
0xb2: {  	_ =	strace $0x90000048  }
0xb3: {  	_ =	sfence  }
0xb4: {  	s28 =	sld [smem:$0x0];
	_ =	sdelay $0x1  }
0xb5: {  	s29 =	srdreg.scid  }
0xb6: {  	s30 =	sshll.u32 s29, $0xD;
	s31 =	sshrl.u32 s29, $0x2  }
0xb7: {  	s2 =	sand.u32 $0x4000, s30;
	s1 =	sand.u32 $0x1, s29;
	s0 =	sadd.s32 s31, s28  }
0xb8: {  	s1 =	sor.u32 s2, s1;
	s0 =	sshll.u32 s0, $0x11  }
0xb9: {  	s0 =	sor.u32 s0, s1  }
0xba: {  	s0 =	sadd.s32 $0x8F2B, s0  }
0xbb: {  	[sflag:s0] =	ssyncadd.remote.s32 $0x1  }
0xbc: {  	_ =	sfence.sel $0xFFFF  }
0xbd: {  	[dreg:$0x0] =	wrdreg $0xFFFFFFFF;
	(pc) =	sbr.abs _section_cstart, $3  }
0xbe: {  	[dreg:$0x1] =	wrdreg $0xFFFFFFFF  }
0xbf: {  	_ =	task.clear_ibuf [dreg:s5], $0x2FFFF;
	_ =	strace $0x9FFFFFFF  }
0xc0: {  	(tm) =	ssettm $0x7FFFFFFF  }
0xc1: {  	_ =	shalt  }
tec
execute0_lowered:
.L_overlay_start_1:
0x0: {  	(tag) =	ssettag $0x1  }
0x1: {  	s0 =	rddreg [dreg:$0x0]  }
0x2: {  	s3 =	rddreg [dreg:$0x1];
	_ =	strace $0x80000047;
	s15 =	stileid.u32  }
0x3: {  	s2 =	simm.s32 $0x1;
	s1 =	smin.u32 s15, $0x8;
	s4 =	sshll.u32 s15, $0x1  }
0x4: {  	v1 =	vimm.s32 $0xFFFFFFFF;
	[sflag:s2] =	ssyncpa.u1 $0x0;
	s1 =	sadd.s32 s1, s4  }
0x5: {  	p0 =	slt.u32 s15, $0x8;
	[tilespmem:$0x10] =	vst v1;
	s5 =	smul.u32 $0x1F40, s1;
	s1 =	simm.s32 $0x5DC0  }
0x6: {  	v0 =	vimm.f32 $0.0e+00;
	[tilespmem:$0x20] =	vst v1;
	s1 =	simm.s32 @!p0 $0x3E80  }
0x7: {  	[tilespmem:$0x30] =	vst v0;
	s1 =	sadd.s32 s1, s5  }
0x8: {  	[tilespmem:$0x40] =	vst v0;
	s6 =	smin.u32 s1, $0x4E200  }
0x9: {  	s7 =	simm.s32 $0x2;
	[tilespmem:$0x50] =	vst v0;
	s9 =	ssub.s32 s6, s5  }
0xa: {  	s8 =	simm.s32 $0x8;
	s31 =	simm.s32 $0x9;
	[tilespmem:$0x60] =	vst v1;
	p0 =	sgt.s32 s9, $0x0  }
0xb: {  	s16 =	simm.s32 $0x0;
	s17 =	simm.s32 $0xF0;
	[tilespmem:$0x70] =	vst v1;
	s9 =	simm.s32 @!p0 $0x0  }
0xc: {  	s18 =	simm.s32 $0xFFFFFFFF;
	s19 =	simm.s32 $0xFFFFC280;
	[tilespmem:$0x80] =	vst v1;
	s30 =	smulhi.u32 $0x10624DD3, s9  }
0xd: {  	s20 =	simm.s32 $0xFFFFFFFE;
	s21 =	simm.s32 $0xF;
	s25 =	simm.s32 $0x0;
	v1 =	vimm.s32 $0x0;
	[tilespmem:$0xB0] =	vst v0  }
0xe: {  	s24 =	simm.s32 $0x0;
	s15 =	sshllo.u32 s15, $0x1;
	[tilespmem:$0x90] =	vst v1;
	s10 =	sshrl.u32 s30, $0x9  }
0xf: {  	[tilespmem:$0xA0] =	vst v1;
	[sflag:s7] =	ssyncpa.u1 $0x0;
	s7 =	simm.s32 $0x7;
	s11 =	smul.u32 $0x1F40, s10  }
.Ltmp0:
0x10: {  	s13 =	sor.u32 $0x80, s4;
	[sflag:s7] =	ssyncpa.u1 $0x0;
	(pc) =	sbr.rel .LBB2_1-.Ltmp0, $4  }
0x11: {  	s14 =	sor.u32 $0x81, s4;
	[sflag:s8] =	ssyncpa.u1 $0x0;
	p0 =	sne.s32 s9, s11  }
0x12: {  	s23 =	smov.u32 s5;
	s1 =	sadd.s32 $0x34A00, s0;
	s2 =	simm.s32 @!p0 $0x0  }
0x13: {  	vm0 =	vmmov $0xffff;
	v2 =	vlaneseq.u32;
	[sflag:s31] =	ssyncpa.u1 $0x0;
	s9 =	sadd.s32 $0x17000, s0;
	s10 =	sadd.s32 s2, s10  }
0x14: {  	vm1 =	vmxor vm1, vm1;
	vm2 =	vmmov $0x1;
	vm3 =	vcmask $0x3F3C;
	p0 =	por $0x0, $0x0;
	s11 =	sadd.s32 $0x1, s10;
	s12 =	sadd.s32 $0x2, s10  }
.LBB2_9:
0x15: {  	p1 =	slt.u32 s24, $0x3  }
0x16: {  	s0 =	simm.s32 @!p1 $0x2  }
0x17: {  	_ =	swait.ge @!p1 [sflag:s0], $0x1F40  }
0x18: {  	[sflag:s0] =	ssyncset.done @!p1 $0x0  }
0x19: {  	[sflag:s0] =	ssyncadd.s32 @!p1 $0xFFFFE0C0;
	s0 =	simm.s32 @!p1 $0x9  }
0x1a: {  	_ =	swait.ge @!p1 [sflag:s0], $0x10  }
0x1b: {  	[sflag:s0] =	ssyncset.done @!p1 $0x0  }
0x1c: {  	[sflag:s0] =	ssyncadd.s32 @!p1 $0xFFFFFFF0;
	p1 =	sne.s32 s24, s12  }
.Ltmp1:
0x1d: {  	s2 =	sadd.s32 $0x1F40, s23;
	(pc) =	sbr.rel @!p1 .LBB2_10-.Ltmp1, $4  }
0x1e: {  	s22 =	smov.u32 s5;
	s31 =	sadd.s32 $0x1, s24;
	s17 =	sadd.s32 $0x1F40, s17  }
0x1f: {  	s18 =	sadd.s32 $0x1, s18;
	s25 =	smov.u32 s23;
	p2 =	slt.s32 s2, s6  }
0x20: {  	p0 =	por !p0, !p0;
	s19 =	sadd.s32 $0x1F40, s19;
	s22 =	smov.u32 @p2 s2  }
0x21: {  	s20 =	sadd.s32 $0x1, s20;
	s23 =	smov.u32 s22;
	s24 =	smov.u32 s31  }
.LBB2_1:
0x22: {  	p1 =	sge.u32 s24, s10  }
0x23: {  	s0 =	smulhi.u32 @!p1 $0xAAAAAAAB, s24;
	_ =	sdelay $0x1  }
0x24: {  	s0 =	sshrl.u32 @!p1 s0, $0x1  }
0x25: {  	s0 =	smul.u32 @!p1 $0x3, s0;
	_ =	sdelay $0x1  }
0x26: {  	s0 =	ssub.s32 @!p1 s24, s0  }
0x27: {  	s0 =	smul.u32 @!p1 $0x7D00, s0;
	_ =	sdelay $0x1  }
0x28: {  	s2 =	sshrl.u32 @!p1 s23, $0x3;
	s0 =	sshrl.u32 @!p1 s0, $0x2  }
0x29: {  	s22 =	sand.u32 @!p1 $0x7, s23;
	s2 =	sadd.s32 @!p1 s3, s2;
	s0 =	sadd.s32 @!p1 $0x100, s0  }
0x2a: {  	[tilespmem:s0], [sflag:$0x7] =	stream.linear.gather @!p1 [hbm4b:s2+s22], $0x1F40, $0x38;
	[tilespmem:$0x11A60] =	vst v63  }
0x2b: {  	s0 =	sadd.s32 $0xFFFFFFFF, s24  }
0x2c: {  	p1 =	sge.u32 s0, s10  }
.Ltmp2:
0x2d: {  	_ = 	snop;
	(pc) =	sbr.rel @p1 .LBB2_5-.Ltmp2, $1  }
0x2e: {  	_ =	sdelay $0x3  }
0x2f: {  	s2 =	smulhi.u32 $0xAAAAAAAB, s0;
	_ =	sdelay $0x1  }
0x30: {  	s2 =	sshrl.u32 s2, $0x1  }
0x31: {  	s2 =	smul.u32 $0x3, s2;
	_ =	sdelay $0x1  }
0x32: {  	s2 =	ssub.s32 s0, s2  }
0x33: {  	s2 =	smul.u32 $0x7D00, s2  }
0x34: {  	_ =	swait.ge [sflag:s7], $0x1F40  }
0x35: {  	[sflag:s7] =	ssyncset.done $0x0;
	s2 =	sshrl.u32 s2, $0x2  }
0x36: {  	[sflag:s7] =	ssyncadd.s32 $0xFFFFE0C0;
	(ifvalue) =	ssetifvalue $0xFFFFFFFF;
	v3 =	vld.msk [tilespmem:s2+$0x100 ss:$0x1], $0xffff;
	_ =	sdelay $0x2  }
0x37: {  	s30 =	smulhi.u32 $0xAAAAAAAB, s18;
	p1 =	sne.s32 s24, $0x1  }
0x38: {  	v4 =	vimm.s32 @!p1 $0x0  }
0x39: {  	s2 =	sshrl.u32 s30, $0x1;
	v4 =	vperm.xlane @!p1 v3, v4  }
0x3a: {  	s22 =	sshll.u32 s24, $0x4;
	s2 =	smul.u32 $0xFFFE8900, s2;
	vm4 =	vlt.u32 v3, $0x2800  }
0x3b: {  	s22 =	sand.u32 $0x10, s22;
	v3 =	vnsel vm4, $0xFFFFFFFE, v3;
	vm4 =	vlt.u32 @!p1 v4, $0x2800  }
0x3c: {  	s2 =	sshra.s32 s2, $0x2;
	[tilespmem:s22+$0x60] =	vst v3;
	v3 =	vnsel @!p1 vm4, $0xFFFFFFFE, v4  }
0x3d: {  	s28 =	sadd.s32 s2, s17;
	[tilespmem:$0x80] =	vst @!p1 v3  }
0x3e: {  	v3 =	vld.msk [tilespmem:s28+$0x0 ss:$0x1], $0xffff;
	_ =	sdelay $0x4  }
0x3f: {  	(xrf1) =	vunique.msk.u32 $0xffff, v3;
	_ =	sdelay $0xd  }
0x40: {  	v4 =	vimm.s32 $0xFFFFFFFF;
	v5, _, _ =	vpop (xrf1)  }
0x41: {  	vm5 =	vne.s32 v3, v4;
	vm4 =	veq.s32 v5, v2  }
0x42: {  	vm6 =	vlt.u32 v3, $0x2800;
	vm4 =	vmand vm5, vm4  }
0x43: {  	vm4 =	vmand vm6, vm4  }
0x44: {  	v4 =	vnsel vm4, $0xFFFFFFFF, v3  }
0x45: {  	s31 =	sand.u32 $0x1, s0  }
0x46: {  	s0 =	simm.s32 $0x1F40;
	p1 =	seq.s32 s31, $0x1  }
0x47: {  	s0 =	simm.s32 @!p1 $0x0  }
0x48: {  	s26 =	sadd.s32 $0x7DF0, s0;
	(ifvalue) =	ssetifvalue $0xFFFFFFFF  }
0x49: {  	v3 =	vperm.xlane v3, v1;
	[tilespmem:s26], [sflag:$0x8] =	stream.indirect_vreg.gather [hbm4b:s1+s16], $0x1, v4, vm0, $0x4038;
	v4 =	vnsel vm6, $0xFFFFFFFE, v4;
	[tilespmem:$0x11A60] =	vst v63  }
0x4a: {  	s2 =	simm.s32 $0x0;
	s22 =	sadd.s32 $0xFFFFFFF0, s28;
	[tilespmem:s28+$0x0] =	vst v4  }
.LBB2_3:
0x4b: {  	v4 =	vld.msk [tilespmem:s22+$0x0 ss:$0x1], $0xffff;
	s2 =	sadd.s32 $0x10, s2;
	v5 =	vmov v3;
	s28 =	smov.u32 s22  }
0x4c: {  	p1 =	slt.u32 s2, $0x1F30;
	_ =	sdelay $0x4  }
0x4d: {  	v3 =	vperm.xlane v4, v1;
	(xrf1) =	vunique.msk.u32 $0xffff, v4;
	_ =	sdelay $0xd  }
0x4e: {  	v6, _, _ =	vpop (xrf1)  }
0x4f: {  	vm5 =	vne.s32 v4, v5;
	vm4 =	veq.s32 v6, v2  }
0x50: {  	vm6 =	vlt.u32 v4, $0x2800;
	vm4 =	vmand vm5, vm4  }
0x51: {  	vm4 =	vmand vm6, vm4  }
0x52: {  	v4 =	vnsel vm4, $0xFFFFFFFF, v4  }
.Ltmp3:
0x53: {  	v5 =	vnsel vm6, $0xFFFFFFFE, v4;
	(pc) =	sbr.rel @p1 .LBB2_3-.Ltmp3, $3  }
0x54: {  	_ =	sdelay $0x1  }
0x55: {  	s22 =	sadd.s32 $0xFFFFFFF0, s22;
	s26 =	sadd.s32 $0xFFFFFFF0, s26;
	(ifvalue) =	ssetifvalue $0xFFFFFFFF  }
0x56: {  	[tilespmem:s26], [sflag:$0x8] =	stream.indirect_vreg.gather [hbm4b:s1+s16], $0x1, v4, vm0, $0x4038;
	[tilespmem:s28+$0x0] =	vst v5  }
0x57: {  	s2 =	sshrl.u32 s25, $0x3  }
0x58: {  	s0 =	sadd.s32 $0x9D40, s0;
	s2 =	sadd.s32 s9, s2  }
0x59: {  	[tilespmem:s0], [sflag:$0x8] =	stream.linear.gather [hbm:s2], $0x1F40, $0x38;
	[tilespmem:$0x11A60] =	vst v63  }
.LBB2_5:
0x5a: {  	p1 =	slt.u32 s24, $0x2  }
0x5b: {  	p2 =	sge.u32 @!p1 s24, s12  }
0x5c: {  	p1 =	por p1, p2  }
.Ltmp4:
0x5d: {  	_ = 	snop;
	(pc) =	sbr.rel @p1 .LBB2_9-.Ltmp4, $1  }
0x5e: {  	_ =	sdelay $0x3  }
0x5f: {  	s0 =	sadd.s32 $0xFFFFFFFE, s24  }
0x60: {  	s2 =	smulhi.u32 $0xAAAAAAAB, s0;
	_ =	sdelay $0x1  }
0x61: {  	s2 =	sshrl.u32 s2, $0x1  }
0x62: {  	s2 =	smul.u32 $0x3, s2;
	_ =	sdelay $0x1  }
0x63: {  	s0 =	ssub.s32 s0, s2  }
0x64: {  	_ =	swait.ge [sflag:s8], $0x3E80;
	s0 =	smul.u32 $0x1F40, s0  }
0x65: {  	p1 =	sne.s32 s24, s11;
	[sflag:s8] =	ssyncset.done $0x0  }
0x66: {  	[sflag:s8] =	ssyncadd.s32 $0xFFFFC180;
	s2 =	sadd.s32 @!p1 $0x203F, s0  }
0x67: {  	[spmem:s14] =	stream.linear.scatter @!p1 [tilespmem:s2], [sflag:$0x1], $0x1, $0x38;
	[tilespmem:$0x11A60] =	vst v63  }
0x68: {  	s2 =	simm.s32 @!p1 $0x1  }
0x69: {  	_ =	swait.ge @!p1 [sflag:s2], $0x1  }
0x6a: {  	s22 =	sshll.u32 s24, $0x4;
	[sflag:s2] =	ssyncset.done @!p1 $0x0  }
0x6b: {  	s25 =	sand.u32 $0x10, s22;
	[sflag:s2] =	ssyncadd.s32 @!p1 $0xFFFFFFFF  }
0x6c: {  	s2 =	sxor.u32 $0x10, s25;
	v4 =	vld [tilespmem:s25+$0x10]  }
0x6d: {  	v5 =	vld [tilespmem:s2+$0x60]  }
0x6e: {  	v3 =	vld [tilespmem:$0x80];
	_ =	sdelay $0x2  }
0x6f: {  	(v2sf) =	vpush v4, $0x0  }
0x70: {  	(v2sf) =	vpush v5, $0x0  }
0x71: {  	(v2sf) =	vpush v3, $0x0;
	_ =	sdelay $0xc  }
0x72: {  	s22 =	spop (v2sf)  }
0x73: {  	s26 =	spop (v2sf)  }
0x74: {  	s28 =	spop (v2sf)  }
0x75: {  	p2 =	seq.s32 s22, s26;
	p3 =	seq.s32 s28, s22  }
0x76: {  	p3 =	por p2, p3  }
0x77: {  	s26 =	sand.u32 $0x1, s24;
	v4 =	vpsel p3, $0xFFFFFFFF, v4  }
0x78: {  	s29 =	smul.u32 $0x1F40, s26;
	[tilespmem:s25+$0x10] =	vst.msk $0x1, v4  }
0x79: {  	v4 =	vld [tilespmem:$0x30]  }
0x7a: {  	v5 =	vld [tilespmem:s29+$0x9D40]  }
0x7b: {  	v6 =	vld [tilespmem:s25+$0x40];
	_ =	sdelay $0x3  }
0x7c: {  	vm4 =	vmmov vm1;
	v5 =	vadd.f32 v5, v4  }
0x7d: {  	vm5 =	vmmov vm2;
	vm4 =	vmmov @p2 vm2;
	s22 =	sshll.u32 s26, $0x4;
	v4 =	vadd.f32 v6, v4  }
0x7e: {  	s26 =	sor.u32 $0x11A40, s22;
	vm5 =	vmmov @p3 vm1;
	[tilespmem:s29+$0x9D40] =	vst.msk vm4, v5  }
0x7f: {  	[tilespmem:s26+$0x0] =	vst.msk vm5, v4  }
0x80: {  	v4 =	vld [tilespmem:s29+$0x7DF0];
	_ =	sdelay $0x3  }
0x81: {  	v5 =	vimm.f32 $0.0e+00  }
0x82: {  	v4 =	vshift.insert v4, v5, s21  }
0x83: {  	s22 =	sor.u32 $0x40, s2  }
0x84: {  	[tilespmem:s22+$0x0] =	vst.msk $0x1, v4  }
0x85: {  	[tilespmem:s29+$0x7DFF] =	vst.msk $0x1, v5  }
0x86: {  	v4 =	vld [tilespmem:s0+$0x2030];
	_ =	sdelay $0x1  }
0x87: {  	s22 =	smulhi.u32 $0xAAAAAAAB, s20;
	s0 =	simm.s32 $0x1  }
0x88: {  	s0 =	simm.s32 @!p0 $0x0  }
0x89: {  	s22 =	sshrl.u32 s22, $0x1;
	s0 =	smul.u32 $0x7D00, s0  }
0x8a: {  	s22 =	smul.u32 $0xFFFE8900, s22;
	v4 =	vshift.insert v4, v1, s21  }
0x8b: {  	s0 =	sshrl.u32 s0, $0x2  }
0x8c: {  	s22 =	sshra.s32 s22, $0x2;
	s30 =	sadd.s32 $0x9D40, s0;
	[tilespmem:s2+$0x10] =	vst.msk $0x1, v4  }
0x8d: {  	s22 =	sadd.s32 s22, s19;
	v6 =	vld [tilespmem:s30+$0x0]  }
0x8e: {  	v7 =	vld [tilespmem:s22+$0x0];
	_ =	sdelay $0x3  }
0x8f: {  	v5 =	vadd.f32 v6, v5  }
0x90: {  	vm4 =	vne.s32 v7, $0xFFFFFFFF  }
0x91: {  	(xrf2) =	vadd.seg.scan.f32 vm4, v5;
	_ =	sdelay $0x3  }
0x92: {  	s31 =	sadd.s32 $0x5EC0, s0;
	v5 =	vperm.xlane v4, v1  }
0x93: {  	v6 =	vld [tilespmem:s31+$0x0]  }
0x94: {  	vm5 =	veq.s32 v7, v3;
	vm6 =	veq.s32 v7, v5  }
0x95: {  	vm7 =	vgt.u32 v7, $0xFFFFFFFD;
	vm6 =	vmor vm6, vm5  }
0x96: {  	vm6 =	vmor vm6, vm7  }
0x97: {  	v9 =	vld [tilespmem:$0xA0];
	v7 =	vsel vm6, $0xFFFFFFFF, v7  }
0x98: {  	v10 =	vld [tilespmem:$0x90];
	v6 =	vsel vm5, $0x0, v6;
	v8, _, _ =	vpop (xrf2)  }
0x99: {  	v6 =	vadd.f32 v8, v6  }
0x9a: {  	s0 =	sadd.s32 $0xDBC0, s0  }
0x9b: {  	vm4 =	vmand vm4, vm3;
	[tilespmem:s0+$0x0] =	vst v6;
	(ifvalue) =	ssetifvalue $0xFFFFFFFF  }
0x9c: {  	vm6 =	veq.s32 v9, $0x1;
	[hbm4b:s1+s16] =	stream.indirect_vreg.scatter [tilespmem:s0], [sflag:$0x2], $0x1, v7, vm0, $0x4038;
	v7 =	vsel vm4, $0x0, v8;
	[tilespmem:$0x11A60] =	vst v63  }
0x9d: {  	s2 =	simm.s32 $0x0;
	s22 =	sadd.s32 $0x10, s22;
	vm4 =	vmor vm6, vm5;
	v6 =	vsel vm5, v8, v10;
	v7 =	vshift.insert v7, v0, s21  }
.LBB2_7:
0x9e: {  	v8 =	vld [tilespmem:s22+$0x0];
	s30 =	sadd.s32 $0x10, s30  }
0x9f: {  	s31 =	sadd.s32 $0x10, s31;
	v9 =	vld [tilespmem:s30+$0x0]  }
0xa0: {  	s2 =	sadd.s32 $0x10, s2;
	v10 =	vld [tilespmem:s31+$0x0]  }
0xa1: {  	p2 =	slt.u32 s2, $0x1F30;
	_ =	sdelay $0x2  }
0xa2: {  	v7 =	vadd.f32 v9, v7  }
0xa3: {  	vm5 =	vne.s32 v8, $0xFFFFFFFF  }
0xa4: {  	vm6 =	vmand vm5, vm3;
	(xrf2) =	vadd.seg.scan.f32 vm5, v7;
	_ =	sdelay $0x5  }
0xa5: {  	vm7 =	veq.s32 v8, v5;
	vm5 =	veq.s32 v8, v3  }
0xa6: {  	vm8 =	vgt.u32 v8, $0xFFFFFFFD;
	vm4 =	vmor vm4, vm5;
	vm7 =	vmor vm7, vm5  }
0xa7: {  	vm7 =	vmor vm7, vm8  }
0xa8: {  	v8 =	vsel vm7, $0xFFFFFFFF, v8  }
.Ltmp5:
0xa9: {  	v7 =	vsel vm5, $0x0, v10;
	v9, _, _ =	vpop (xrf2);
	(pc) =	sbr.rel @p2 .LBB2_7-.Ltmp5, $4  }
0xaa: {  	v6 =	vsel vm5, v9, v6;
	v10 =	vadd.f32 v9, v7;
	v7 =	vsel vm6, $0x0, v9  }
0xab: {  	s0 =	sadd.s32 $0x10, s0;
	v7 =	vshift.insert v7, v0, s21  }
0xac: {  	s22 =	sadd.s32 $0x10, s22;
	[tilespmem:s0+$0x0] =	vst v10;
	(ifvalue) =	ssetifvalue $0xFFFFFFFF  }
0xad: {  	[hbm4b:s1+s16] =	stream.indirect_vreg.scatter [tilespmem:s0], [sflag:$0x2], $0x1, v8, vm0, $0x4038;
	[tilespmem:$0x11A60] =	vst v63  }
0xae: {  	v3 =	vld [tilespmem:s29+$0xFAF0];
	_ =	sdelay $0x4  }
0xaf: {  	v3 =	vshift.insert v3, v0, s21  }
0xb0: {  	s0 =	simm.s32 $0x30  }
0xb1: {  	[tilespmem:s0+$0x0] =	vst.msk $0x1, v3  }
0xb2: {  	v3 =	vsel vm4, $0x1, v1;
	[tilespmem:$0x90] =	vst v6  }
0xb3: {  	s0 =	sadd.s32 @!p1 $0xFAFF, s29;
	[tilespmem:$0xA0] =	vst v3  }
0xb4: {  	[spmem:s15] =	stream.linear.scatter @!p1 [tilespmem:s0], [sflag:$0x1], $0x1, $0x38;
	[tilespmem:$0x11A60] =	vst v63  }
0xb5: {  	s0 =	simm.s32 @!p1 $0x1  }
0xb6: {  	v3 =	vmctz.xlane @!p1 vm4;
	_ =	swait.ge @!p1 [sflag:s0], $0x1  }
0xb7: {  	(v2sf) =	vpush @!p1 v4, $0x0  }
0xb8: {  	(v2sf) =	vpush @!p1 v3, $0x0;
	_ =	sdelay $0xd  }
0xb9: {  	s2 =	spop @!p1 (v2sf)  }
0xba: {  	s22 =	spop @!p1 (v2sf)  }
0xbb: {  	p2 =	sne.s32 @!p1 s28, s2;
	p3 =	slt.s32 @!p1 s22, $0xF  }
0xbc: {  	[sflag:s0] =	ssyncset.done @!p1 $0x0;
	p2 =	por p2, p1;
	p3 =	por !p3, p1  }
0xbd: {  	[sflag:s0] =	ssyncadd.s32 @!p1 $0xFFFFFFFF;
	v3 =	vimm.s32 @!p2 $0xFFFFFFFF;
	s22 =	simm.s32 @p3 $0xF  }
0xbe: {  	[tilespmem:$0x80] =	vst @!p2 v3;
	s2 =	sadd.s32 @!p1 $0x90, s22  }
0xbf: {  	[spmem:s4] =	stream.linear.scatter @!p1 [tilespmem:s2], [sflag:$0x1], $0x1, $0x38;
	[tilespmem:$0x11A60] =	vst v63  }
0xc0: {  	_ =	swait.ge @!p1 [sflag:s0], $0x1  }
0xc1: {  	[sflag:s0] =	ssyncset.done @!p1 $0x0  }
0xc2: {  	s2 =	simm.s32 @!p1 $0x80;
	[sflag:s0] =	ssyncadd.s32 @!p1 $0xFFFFFFFF  }
0xc3: {  	[spmem:s13] =	stream.linear.scatter @!p1 [tilespmem:s2], [sflag:$0x1], $0x1, $0x38;
	[tilespmem:$0x11A60] =	vst v63  }
0xc4: {  	_ =	swait.ge @!p1 [sflag:s0], $0x1  }
0xc5: {  	[sflag:s0] =	ssyncset.done @!p1 $0x0  }
0xc6: {  	[sflag:s0] =	ssyncadd.s32 @!p1 $0xFFFFFFFF;
	(ifvalue) =	ssetifvalue $0xFFFFFFFF;
	v3 =	vld [tilespmem:s25+$0x10];
	_ =	sdelay $0x3  }
.Ltmp6:
0xc7: {  	_ = 	snop;
	(pc) =	sbr.rel .LBB2_9-.Ltmp6, $3  }
0xc8: {  	_ =	sdelay $0x1  }
0xc9: {  	(ifvalue) =	ssetifvalue $0xFFFFFFFF  }
0xca: {  	[hbm4b:s1+s16] =	stream.indirect_vreg.scatter [tilespmem:s26], [sflag:$0x9], $0x1, v3, vm0, $0x4038;
	[tilespmem:$0x11A60] =	vst v63  }
.LBB2_10:
0xcb: {  	_ =	sfence.sel $0x180000  }
0xcc: {  	s0 =	simm.s32 $0x7;
	[bflag:$0x0] =	sbarrier.arrive $0xFFFF  }
0xcd: {  	s26 =	simm.s32 $0x8;
	[sflag:s0] =	ssyncpa.u1 $0x1  }
0xce: {  	s28 =	simm.s32 $0x9;
	[sflag:s26] =	ssyncpa.u1 $0x1  }
0xcf: {  	[sflag:s28] =	ssyncpa.u1 $0x1  }
0xd0: {  	_ =	sfence.stream.spmem  }
0xd1: {  	s29 =	simm.s32 $0x3;
	[bflag:$0x0] =	sbarrier.arrive $0xFFFF  }
0xd2: {  	s30 =	simm.s32 $0x4;
	[sflag:s29] =	ssyncpa.u1 $0x1  }
0xd3: {  	s31 =	simm.s32 $0x3C;
	s2 =	stileid.u32;
	[sflag:s30] =	ssyncpa.u1 $0x1  }
0xd4: {  	p0 =	sne.s32 s2, $0x0;
	[sflag:s31] =	ssyncpa.u1 $0x1  }
0xd5: {  	s0 =	simm.s32 @p0 $0x1;
	_ =	sfence @p0  }
0xd6: {  	[sflag:s0] =	ssyncpa.u1 @p0 $0x1;
	s0 =	simm.s32 @p0 $0x2  }
0xd7: {  	[sflag:s0] =	ssyncpa.u1 @p0 $0x1  }
0xd8: {  	_ =	strace @p0 $0x90000047  }
0xd9: {  	[bflag:$0x2] =	sbarrier.arrive @p0 $0xFFFF  }
0xda: {  	_ =	shalt @p0  }
.LBB2_11:
0xdb: {  	_ =	sfence.stream.spmem;
	s0 =	simm.s32 $0x5  }
0xdc: {  	s2 =	simm.s32 $0x80;
	s3 =	simm.s32 $0xC0;
	[sflag:s0] =	ssyncpa.u1 $0x0  }
0xdd: {  	[tilespmem:s3], [sflag:$0x5] =	stream.linear.gather [spmem:s2], $0x20, $0x38;
	[tilespmem:$0x11A60] =	vst v63  }
0xde: {  	s2 =	simm.s32 $0x0;
	s3 =	simm.s32 $0xE0  }
0xdf: {  	[tilespmem:s3], [sflag:$0x5] =	stream.linear.gather [spmem:s2], $0x20, $0x38;
	[tilespmem:$0x11A60] =	vst v63  }
.Ltmp7:
0xe0: {  	_ = 	snop;
	(pc) =	sbr.rel .LBB2_12-.Ltmp7, $4  }
0xe1: {  	_ =	swait.ge [sflag:s0], $0x40  }
0xe2: {  	[sflag:s0] =	ssyncset.done $0x0  }
0xe3: {  	s31 =	simm.s32 $0x6;
	[sflag:s0] =	ssyncadd.s32 $0xFFFFFFC0  }
0xe4: {  	s4 =	simm.s32 $0x0;
	[sflag:s31] =	ssyncpa.u1 $0x0  }
.LBB2_17:
0xe5: {  	p0 =	sgt.u32 s5, $0x27FF  }
0xe6: {  	s0 =	sshrl.u32 @!p0 s5, $0x3  }
0xe7: {  	s5 =	sand.u32 @!p0 $0x7, s5;
	s6 =	simm.s32 @!p0 $0xB0;
	s0 =	sadd.s32 @!p0 s1, s0  }
0xe8: {  	[tilespmem:s6], [sflag:$0x6] =	stream.linear.gather @!p0 [hbm4b:s0+s5], $0x1, $0x38;
	[tilespmem:$0x11A60] =	vst v63  }
0xe9: {  	s0 =	simm.s32 @!p0 $0x6  }
0xea: {  	_ =	swait.ge @!p0 [sflag:s0], $0x1  }
0xeb: {  	[sflag:s0] =	ssyncset.done @!p0 $0x0  }
0xec: {  	[sflag:s0] =	ssyncadd.s32 @!p0 $0xFFFFFFFF  }
0xed: {  	v2 =	vmov @!p0 s4;
	v1 =	vld.msk @!p0 [tilespmem:$0xB0], $0x1;
	_ =	sdelay $0x3  }
0xee: {  	s0 =	simm.s32 @!p0 $0xE0  }
0xef: {  	[tilespmem:v2+s0+$0x0], v1 =	vst.idx.ret.add.f32.msk @!p0 $0x1, v1  }
0xf0: {  	[tilespmem:s2+$0xC0] =	vst.msk $0x1, v0  }
0xf1: {  	v0 =	vld.msk [tilespmem:s4+$0xE0], $0x1;
	_ =	sdelay $0x4  }
0xf2: {  	[tilespmem:s2+$0xE0] =	vst.msk $0x1, v0;
	s2 =	sadd.s32 $0x1, s2  }
.LBB2_19:
0xf3: {  	s4 =	sadd.s32 $0x1, s4  }
0xf4: {  	p0 =	sne.s32 s4, $0x20  }
.Ltmp8:
0xf5: {  	_ = 	snop;
	(pc) =	sbr.rel @!p0 .LBB2_20-.Ltmp8, $1  }
0xf6: {  	_ =	sdelay $0x3  }
.LBB2_12:
0xf7: {  	v0 =	vld.msk [tilespmem:s4+$0xC0], $0x1;
	_ =	sdelay $0x4  }
0xf8: {  	(v2sf) =	vpush v0, $0x0;
	_ =	sdelay $0xe  }
0xf9: {  	s5 =	spop (v2sf)  }
0xfa: {  	p0 =	seq.s32 s5, $0xFFFFFFFF  }
.Ltmp9:
0xfb: {  	_ = 	snop;
	(pc) =	sbr.rel @p0 .LBB2_19-.Ltmp9, $1  }
0xfc: {  	_ =	sdelay $0x3  }
0xfd: {  	p0 =	slt.s32 s2, $0x1  }
.Ltmp10:
0xfe: {  	_ = 	snop;
	(pc) =	sbr.rel @p0 .LBB2_17-.Ltmp10, $1  }
0xff: {  	_ =	sdelay $0x3  }
0x100: {  	s0 =	simm.s32 $0xC0;
	p0 =	por $0x0, $0x0  }
0x101: {  	v1 =	vld.msk @!p0 [tilespmem:s0+$0x0], $0x1;
	_ =	sdelay $0x4  }
0x102: {  	(v2sf) =	vpush @!p0 v1, $0x0;
	_ =	sdelay $0xd  }
0x103: {  	p2 =	sne.s32 s2, $0x1  }
.Ltmp11:
0x104: {  	s6 =	spop @!p0 (v2sf);
	(pc) =	sbr.rel @!p2 .LBB2_16-.Ltmp11, $4  }
0x105: {  	p1 =	seq.s32 @!p0 s5, s6  }
0x106: {  	s6 =	simm.s32 $0x0;
	p1 =	por !p1, p0  }
0x107: {  	s8 =	simm.s32 $0xFFFFFFFF;
	s6 =	simm.s32 @p1 $0xFFFFFFFF  }
0x108: {  	s7 =	simm.s32 $0x1;
	s6 =	smov.u32 @p0 s8  }
.LBB2_15:
0x109: {  	s8 =	smov.u32 s6;
	p0 =	sne.s32 s6, $0xFFFFFFFF  }
0x10a: {  	s0 =	sadd.s32 $0x1, s0;
	s6 =	smov.u32 s7;
	s7 =	sadd.s32 $0x1, s7  }
0x10b: {  	p1 =	sne.s32 s2, s7;
	v1 =	vld.msk @!p0 [tilespmem:s0+$0x0], $0x1;
	_ =	sdelay $0x4  }
0x10c: {  	(v2sf) =	vpush @!p0 v1, $0x0;
	_ =	sdelay $0xe  }
.Ltmp12:
0x10d: {  	s9 =	spop @!p0 (v2sf);
	(pc) =	sbr.rel @p1 .LBB2_15-.Ltmp12, $4  }
0x10e: {  	p2 =	seq.s32 @!p0 s5, s9  }
0x10f: {  	p2 =	por !p2, p0  }
0x110: {  	s6 =	simm.s32 @p2 $0xFFFFFFFF  }
0x111: {  	s6 =	smov.u32 @p0 s8  }
.LBB2_16:
0x112: {  	p0 =	sne.s32 s6, $0xFFFFFFFF  }
.Ltmp13:
0x113: {  	_ = 	snop;
	(pc) =	sbr.rel @!p0 .LBB2_17-.Ltmp13, $1  }
0x114: {  	_ =	sdelay $0x3  }
0x115: {  	v0 =	vld.msk [tilespmem:s4+$0xE0], $0x1;
	v1 =	vmov s6  }
.Ltmp14:
0x116: {  	_ = 	snop;
	(pc) =	sbr.rel .LBB2_19-.Ltmp14, $2  }
0x117: {  	_ =	sdelay $0x2  }
0x118: {  	[tilespmem:v1+s3+$0x0], v0 =	vst.idx.ret.add.f32.msk $0x1, v0  }
.LBB2_20:
0x119: {  	p0 =	slt.s32 s2, $0x1  }
.Ltmp15:
0x11a: {  	_ = 	snop;
	(pc) =	sbr.rel @p0 .LBB2_24-.Ltmp15, $3  }
0x11b: {  	_ =	sdelay $0x1  }
0x11c: {  	s0 =	simm.s32 $0x6  }
0x11d: {  	s3 =	simm.s32 $0x0;
	[sflag:s0] =	ssyncpa.u1 $0x1  }
0x11e: {  	s0 =	simm.s32 $0xC0  }
0x11f: {  	v0 =	vld.msk [tilespmem:s0+$0x0], $0x1;
	_ =	sdelay $0x4  }
0x120: {  	(v2sf) =	vpush v0, $0x0;
	_ =	sdelay $0xe  }
0x121: {  	s2 =	sadd.s32 $0xFFFFFFFF, s2;
	s4 =	spop (v2sf)  }
0x122: {  	p1 =	sne.s32 s2, $0x0;
	p0 =	sgt.u32 s4, $0x27FF  }
.Ltmp16:
0x123: {  	s5 =	sshrl.u32 @!p0 s4, $0x3;
	(pc) =	sbr.rel @!p1 .LBB2_23-.Ltmp16, $4  }
0x124: {  	s0 =	simm.s32 $0xE0;
	s4 =	sand.u32 @!p0 $0x7, s4;
	s5 =	sadd.s32 @!p0 s1, s5  }
0x125: {  	[hbm4b:s5+s4] =	stream.linear.scatter @!p0 [tilespmem:s0], [sflag:$0x5], $0x1, $0x38;
	[tilespmem:$0x11A60] =	vst v63  }
0x126: {  	s5 =	simm.s32 $0x0  }
0x127: {  	s4 =	simm.s32 $0xC1;
	s5 =	simm.s32 @!p0 $0x4  }
.LBB2_22:
0x128: {  	v0 =	vld.msk [tilespmem:s4+$0x0], $0x1;
	s2 =	sadd.s32 $0xFFFFFFFF, s2;
	s3 =	sadd.s32 s3, s5  }
0x129: {  	p0 =	sne.s32 s2, $0x0;
	_ =	sdelay $0x3  }
0x12a: {  	(v2sf) =	vpush v0, $0x0;
	_ =	sdelay $0xe  }
.Ltmp17:
0x12b: {  	s6 =	spop (v2sf);
	(pc) =	sbr.rel @p0 .LBB2_22-.Ltmp17, $4  }
0x12c: {  	s5 =	simm.s32 $0x0;
	p1 =	sgt.u32 s6, $0x27FF  }
0x12d: {  	s0 =	sadd.s32 $0x1, s0;
	s5 =	simm.s32 @!p1 $0x4;
	s7 =	sshrl.u32 @!p1 s6, $0x3  }
0x12e: {  	s4 =	sadd.s32 $0x1, s4;
	s6 =	sand.u32 @!p1 $0x7, s6;
	s7 =	sadd.s32 @!p1 s1, s7  }
0x12f: {  	[hbm4b:s7+s6] =	stream.linear.scatter @!p1 [tilespmem:s0], [sflag:$0x5], $0x1, $0x38;
	[tilespmem:$0x11A60] =	vst v63  }
.LBB2_23:
0x130: {  	s0 =	sadd.s32 s3, s5  }
0x131: {  	s3 =	sshrl.u32 s0, $0x2  }
.LBB2_24:
0x132: {  	s0 =	simm.s32 $0x5  }
0x133: {  	_ =	swait.ge [sflag:s0], s3  }
0x134: {  	s1 =	ssub.s32 $0x0, s3;
	[sflag:s0] =	ssyncset.done $0x0  }
0x135: {  	[sflag:s0] =	ssyncadd.s32 s1  }
0x136: {  	[sflag:s0] =	ssyncpa.u1 $0x1  }
0x137: {  	s29 =	simm.s32 $0x1;
	_ =	sfence  }
0x138: {  	s30 =	simm.s32 $0x2;
	[sflag:s29] =	ssyncpa.u1 $0x1  }
0x139: {  	[sflag:s30] =	ssyncpa.u1 $0x1  }
0x13a: {  	_ =	strace $0x90000047  }
0x13b: {  	[bflag:$0x2] =	sbarrier.arrive $0xFFFF  }
0x13c: {  	s31 =	rddreg [dreg:$0x2]  }
0x13d: {  	s0 =	sadd.s32 $0x100000, s31  }
0x13e: {  	[sflag:s0] =	ssyncadd.tile.s32 $0x1;
	_ =	shalt  }
.Lfunc_end2:
_tile_overlayer_lowered:
.L_overlay_start_2:
0x13f: {  	(tag) =	ssettag $0x2  }
0x140: {  	s0 =	rddreg [dreg:$0x0];
	s2 =	stileid.u32  }
0x141: {  	s1 =	rddreg [dreg:$0x1];
	p0 =	sne.s32 s2, $0x0  }
0x142: {  	s3 =	rddreg [dreg:$0x2];
	[bflag:$0x3] =	sbarrier.arrive $0xFFFF;
	s2 =	simm.s32 @!p0 $0x1C01  }
0x143: {  	[timem:s3], [sflag:s2] =	dma.local @!p0 [hbm:s0], s1  }
0x144: {  	s0 =	simm.s32 @!p0 $0x1  }
0x145: {  	_ =	swait.ge @!p0 [sflag:s0], s1  }
0x146: {  	s1 =	ssub.s32 @!p0 $0x0, s1;
	[sflag:s0] =	ssyncset.done @!p0 $0x0  }
0x147: {  	[sflag:s0] =	ssyncadd.s32 @!p0 s1  }
0x148: {  	[bflag:$0x3] =	sbarrier.arrive $0xFFFF  }
0x149: {  	_ =	shalt  }

</sc_bundles>
